<compile_context>
chip_gen: v7x
topology: tpu7x:2x2x1
jax: 0.10.2.dev20260603
libtpu: 0.0.44.dev20260713+nightly
codegen_flags: <defaults>
</compile_context>

<pallas_src>
import functools

import jax
import jax.numpy as jnp
from jax import lax
from jax.experimental import pallas as pl
from jax.experimental.pallas import tpu as pltpu
from jax.experimental.pallas import tpu_sc as plsc

B, F, V, D = 16384, 26, 1000000, 16
NC, NS = 2, 16
NW = NC * NS
BPW = B // NW
SPC = 4
ROWS = SPC * F
NCHUNK = BPW // SPC
GC = 4
NGRP = NCHUNK // GC
NB = 2
PD = 128

TBLK = 512
TGRID = (V + TBLK - 1) // TBLK

_mesh = plsc.VectorSubcoreMesh(core_axis_name="c", subcore_axis_name="s")

_GDN = lax.GatherDimensionNumbers(
    offset_dims=(), collapsed_slice_dims=(0,), start_index_map=(0,))


def _shuffle(v, idx):
    return lax.gather(v, idx[:, None], _GDN, slice_sizes=(1,),
                      mode=lax.GatherScatterMode.PROMISE_IN_BOUNDS)


def _transpose_body(fmt_ref, out_ref):
    out_ref[:, 0:D] = fmt_ref[...].T


def _transpose_tc(fm_t):
    return pl.pallas_call(
        _transpose_body,
        grid=(TGRID,),
        in_specs=[pl.BlockSpec((D, TBLK), lambda i: (0, i))],
        out_specs=pl.BlockSpec((TBLK, PD), lambda i: (i, 0)),
        out_shape=jax.ShapeDtypeStruct((V, PD), jnp.float32),
    )(fm_t)


@functools.partial(
    pl.kernel,
    out_type=jax.ShapeDtypeStruct((B,), jnp.float32),
    mesh=_mesh,
    scratch_types=[
        pltpu.VMEM((NCHUNK, ROWS), jnp.int32),
        pltpu.VMEM((NB, ROWS, PD), jnp.float32),
        pltpu.VMEM((NB, ROWS + 16), jnp.float32),
        pltpu.VMEM((BPW,), jnp.float32),
        pltpu.SemaphoreType.DMA((NB,)),
        pltpu.SemaphoreType.DMA((NB,)),
    ],
    compiler_params=pltpu.CompilerParams(use_tc_tiling_on_sc=False),
)
def _fm_kernel(data2, lin_hbm, fm_hbm, out_hbm, idx_v, rows_v, lin_v, out_v,
               fsem, lsem):
    wid = lax.axis_index("s") * NC + lax.axis_index("c")
    pltpu.sync_copy(data2.at[pl.ds(wid * NCHUNK, NCHUNK)], idx_v)
    lane = lax.iota(jnp.int32, 16)
    mask10 = lane < 10

    def fire(c, b):
        pltpu.async_copy(fm_hbm.at[idx_v.at[c]], rows_v.at[b], fsem.at[b])
        pltpu.async_copy(lin_hbm.at[idx_v.at[c]],
                         lin_v.at[b, pl.ds(0, ROWS)], lsem.at[b])

    def drain(c, b):
        pltpu.make_async_copy(fm_hbm.at[idx_v.at[c]], rows_v.at[b],
                              fsem.at[b]).wait()
        pltpu.make_async_copy(lin_hbm.at[idx_v.at[c]],
                              lin_v.at[b, pl.ds(0, ROWS)], lsem.at[b]).wait()

    fire(0, 0)

    def group_body(g, carry):
        res = jnp.zeros((16,), jnp.float32)
        for j in range(GC):
            c = g * GC + j
            b = j % NB
            nb = (j + 1) % NB

            @pl.when(c + 1 < NCHUNK)
            def _():
                fire(c + 1, nb)

            drain(c, b)
            for s in range(SPC):
                r0 = rows_v[b, s * F, 0:16]
                acc = r0
                acc2 = r0 * r0
                for f in range(1, F):
                    r = rows_v[b, s * F + f, 0:16]
                    acc = acc + r
                    acc2 = acc2 + r * r
                lv1 = lin_v[b, pl.ds(s * F, 16)]
                lv2 = jnp.where(mask10, lin_v[b, pl.ds(s * F + 16, 16)], 0.0)
                comb = 0.5 * (acc * acc - acc2) + lv1 + lv2
                for sh in (8, 4, 2, 1):
                    comb = comb + _shuffle(comb, lane ^ sh)
                res = jnp.where(lane == (j * SPC + s), comb, res)
        out_v[pl.ds(g * 16, 16)] = res
        return carry

    lax.fori_loop(0, NGRP, group_body, 0)
    pltpu.sync_copy(out_v, out_hbm.at[pl.ds(wid * BPW, BPW)])


def kernel(data, linear_weight, fm_weight, bias):
    data2 = data.reshape(NW * NCHUNK, ROWS)
    table = _transpose_tc(fm_weight.T)
    out = _fm_kernel(data2, linear_weight.T.reshape(V), table)
    return out.reshape(B, 1) + bias

# --- scband reference (transcript-rebuilt; emitter-appended) ---
"""Pipeline reference for scband-factorization-machine-model-13761075216854 (READ-ONLY COPY).

The authoritative reference and input builder live on the scoring server;
editing this copy changes nothing except your own understanding.
"""

import jax, jax.numpy as jnp
import numpy as np

B, F, V, D = 16384, 26, 1000000, 16

def setup_inputs(seed: int = 0) -> dict:
    key = jax.random.key(seed)
    k1, k2, k3 = jax.random.split(key, 3)
    data = jax.random.randint(k1, (B, F), 0, V, dtype=jnp.int64 if jax.config.read('jax_enable_x64') else jnp.int32).astype(jnp.int32)
    linear_weight = jax.random.normal(k2, (V, 1), dtype=jnp.float32) * 0.01
    fm_weight = jax.random.normal(k3, (V, D), dtype=jnp.float32) * 0.01
    bias = jnp.zeros((1,), dtype=jnp.float32)
    return {"data": data, "linear_weight": linear_weight, "fm_weight": fm_weight, "bias": bias}

def reference(data, linear_weight, fm_weight, bias):
    # SparseFeatureLinear: per-feature scalar weights gathered and summed + bias -> [B, 1]
    lin = jnp.take(linear_weight, data, axis=0)          # [B, F, 1]
    part1 = jnp.sum(lin, axis=1) + bias                  # [B, 1]
    # FactorizationMachineLayer: 0.5 * sum_d ((sum_i v_i)^2 - sum_i v_i^2)
    emb = jnp.take(fm_weight, data, axis=0)              # [B, F, D]
    sum_emb = jnp.sum(emb, axis=1)                       # [B, D]
    square_of_sum = sum_emb * sum_emb                    # [B, D]
    sum_of_square = jnp.sum(emb * emb, axis=1)           # [B, D]
    part2 = 0.5 * jnp.sum(square_of_sum - sum_of_square, axis=1, keepdims=True)  # [B, 1]
    return part1 + part2

if __name__ == "__main__":
    import jax
    _d = setup_inputs()
    print(jax.jit(kernel)(*tuple(_d.values())))

</pallas_src>

<mosaic_0001>
#map = affine_map<(d0, d1) -> (0, 0)>
#map1 = affine_map<(d0, d1) -> (0)>
module attributes {stable_mosaic.version = 14 : i64} {
  func.func @_fm_kernel(%arg0: i32, %arg1: i32, %arg2: memref<4096x104xi32, #tpu.memory_space<hbm>>, %arg3: memref<1000000xf32, #tpu.memory_space<hbm>>, %arg4: memref<1000000x128xf32, #tpu.memory_space<hbm>>, %arg5: memref<16384xf32, #tpu.memory_space<hbm>>, %arg6: memref<128x104xi32, #tpu.memory_space<vmem>>, %arg7: memref<2x104x128xf32, #tpu.memory_space<vmem>>, %arg8: memref<2x120xf32, #tpu.memory_space<vmem>>, %arg9: memref<512xf32, #tpu.memory_space<vmem>>, %arg10: memref<2x!tpu.dma_semaphore, #tpu.memory_space<semaphore_mem>>, %arg11: memref<2x!tpu.dma_semaphore, #tpu.memory_space<semaphore_mem>>) attributes {dimension_semantics = [#tpu.dimension_semantics<core_parallel>, #tpu.dimension_semantics<subcore_parallel>], iteration_bounds = array<i64: 2, 16>, scalar_prefetch = 0 : i64, scratch_operands = 6 : i64, tpu.core_type = #tpu.core_type<sc_vector_subcore>, window_params = [{transform_indices = #map}, {transform_indices = #map1}, {transform_indices = #map}, {transform_indices = #map1}]} {
    %mul3A = arith.constant 2 : i32
    %mul3A_0 = arith.muli %arg1, %mul3A : i32
    %add3A = arith.addi %mul3A_0, %arg0 : i32
    %mul3A_1 = arith.constant 128 : i32
    %mul3A_2 = arith.muli %add3A, %mul3A_1 : i32
    "tpu.region"() ({
      %run_scoped3A = tpu.sem_alloc : memref<!tpu.dma_semaphore, #tpu.memory_space<semaphore_mem>>
      %dma_start3A_39 = arith.constant 0 : i32
      %dma_start3A_40 = tpu.memref_slice %arg2[%mul3A_2, %dma_start3A_39] : memref<4096x104xi32, #tpu.memory_space<hbm>> -> memref<128x104xi32, #tpu.memory_space<hbm>>
      %dma_start3A_41 = arith.constant 0 : i32
      %dma_start3A_42 = tpu.memref_slice %arg2[%mul3A_2, %dma_start3A_41] : memref<4096x104xi32, #tpu.memory_space<hbm>> -> memref<128x104xi32, #tpu.memory_space<hbm>>
      tpu.enqueue_dma source(%dma_start3A_42 : memref<128x104xi32, #tpu.memory_space<hbm>>) target(%arg6 : memref<128x104xi32, #tpu.memory_space<vmem>>) target_semaphore(%run_scoped3A : memref<!tpu.dma_semaphore, #tpu.memory_space<semaphore_mem>>)
      %dma_wait3A = arith.constant 0 : i32
      %dma_wait3A_43 = tpu.memref_slice %arg2[%mul3A_2, %dma_wait3A] : memref<4096x104xi32, #tpu.memory_space<hbm>> -> memref<128x104xi32, #tpu.memory_space<hbm>>
      %dma_wait3A_44 = arith.constant 0 : i32
      %dma_wait3A_45 = tpu.memref_slice %arg2[%mul3A_2, %dma_wait3A_44] : memref<4096x104xi32, #tpu.memory_space<hbm>> -> memref<128x104xi32, #tpu.memory_space<hbm>>
      tpu.wait_dma2 semaphore(%run_scoped3A : memref<!tpu.dma_semaphore, #tpu.memory_space<semaphore_mem>>) src(%dma_wait3A_45 : memref<128x104xi32, #tpu.memory_space<hbm>>) dst(%arg6 : memref<128x104xi32, #tpu.memory_space<vmem>>)
      tpu.yield
    }) : () -> ()
    %iota3A = tpu.iota {dimensions = array<i32: 0>} : vector<16xi32>
    %lt3A = arith.constant 10 : i32
    %lt3A_3 = vector.broadcast %lt3A : i32 to vector<16xi32>
    %lt3A_4 = arith.cmpi slt, %iota3A, %lt3A_3 : vector<16xi32>
    %dma_start3A = arith.constant 0 : i32
    %dma_start3A_5 = arith.constant 0 : i32
    %dma_start3A_6 = arith.constant 0 : i32
    %dma_start3A_7 = arith.constant 0 : i32
    %dma_start3A_8 = arith.constant 0 : i32
    %dma_start3A_9 = tpu.memref_slice %arg7[%dma_start3A_5, %dma_start3A_7, %dma_start3A_8] : memref<2x104x128xf32, #tpu.memory_space<vmem>> -> memref<1x104x128xf32, #tpu.memory_space<vmem>>
    %dma_start3A_10 = tpu.memref_squeeze %dma_start3A_9 : memref<1x104x128xf32, #tpu.memory_space<vmem>> -> memref<104x128xf32, #tpu.memory_space<vmem>>
    %dma_start3A_11 = arith.constant 0 : i32
    %dma_start3A_12 = tpu.memref_slice %arg6[%dma_start3A, %dma_start3A_11] : memref<128x104xi32, #tpu.memory_space<vmem>> -> memref<1x104xi32, #tpu.memory_space<vmem>>
    %dma_start3A_13 = tpu.memref_squeeze %dma_start3A_12 : memref<1x104xi32, #tpu.memory_space<vmem>> -> memref<104xi32, #tpu.memory_space<vmem>>
    %dma_start3A_14 = arith.constant 0 : i32
    %dma_start3A_15 = arith.constant 0 : i32
    %dma_start3A_16 = tpu.memref_slice %arg4[%dma_start3A_14, %dma_start3A_15] : memref<1000000x128xf32, #tpu.memory_space<hbm>> -> memref<1000000x128xf32, #tpu.memory_space<hbm>>
    %dma_start3A_17 = tpu.memref_slice %arg10[%dma_start3A_6] : memref<2x!tpu.dma_semaphore, #tpu.memory_space<semaphore_mem>> -> memref<1x!tpu.dma_semaphore, #tpu.memory_space<semaphore_mem>>
    %dma_start3A_18 = tpu.memref_squeeze %dma_start3A_17 : memref<1x!tpu.dma_semaphore, #tpu.memory_space<semaphore_mem>> -> memref<!tpu.dma_semaphore, #tpu.memory_space<semaphore_mem>>
    tpu.enqueue_indirect_dma source(%dma_start3A_16 : memref<1000000x128xf32, #tpu.memory_space<hbm>>) target(%dma_start3A_10 : memref<104x128xf32, #tpu.memory_space<vmem>>) offsets(%dma_start3A_13 : memref<104xi32, #tpu.memory_space<vmem>>) semaphore(%dma_start3A_18 : memref<!tpu.dma_semaphore, #tpu.memory_space<semaphore_mem>>)
    %dma_start3A_19 = arith.constant 0 : i32
    %dma_start3A_20 = arith.constant 0 : i32
    %dma_start3A_21 = arith.constant 0 : i32
    %dma_start3A_22 = arith.constant 0 : i32
    %dma_start3A_23 = tpu.memref_slice %arg8[%dma_start3A_20, %dma_start3A_22] : memref<2x120xf32, #tpu.memory_space<vmem>> -> memref<1x104xf32, #tpu.memory_space<vmem>>
    %dma_start3A_24 = tpu.memref_squeeze %dma_start3A_23 : memref<1x104xf32, #tpu.memory_space<vmem>> -> memref<104xf32, #tpu.memory_space<vmem>>
    %dma_start3A_25 = arith.constant 0 : i32
    %dma_start3A_26 = tpu.memref_slice %arg6[%dma_start3A_19, %dma_start3A_25] : memref<128x104xi32, #tpu.memory_space<vmem>> -> memref<1x104xi32, #tpu.memory_space<vmem>>
    %dma_start3A_27 = tpu.memref_squeeze %dma_start3A_26 : memref<1x104xi32, #tpu.memory_space<vmem>> -> memref<104xi32, #tpu.memory_space<vmem>>
    %dma_start3A_28 = arith.constant 0 : i32
    %dma_start3A_29 = tpu.memref_slice %arg3[%dma_start3A_28] : memref<1000000xf32, #tpu.memory_space<hbm>> -> memref<1000000xf32, #tpu.memory_space<hbm>>
    %dma_start3A_30 = tpu.memref_slice %arg11[%dma_start3A_21] : memref<2x!tpu.dma_semaphore, #tpu.memory_space<semaphore_mem>> -> memref<1x!tpu.dma_semaphore, #tpu.memory_space<semaphore_mem>>
    %dma_start3A_31 = tpu.memref_squeeze %dma_start3A_30 : memref<1x!tpu.dma_semaphore, #tpu.memory_space<semaphore_mem>> -> memref<!tpu.dma_semaphore, #tpu.memory_space<semaphore_mem>>
    tpu.enqueue_indirect_dma source(%dma_start3A_29 : memref<1000000xf32, #tpu.memory_space<hbm>>) target(%dma_start3A_24 : memref<104xf32, #tpu.memory_space<vmem>>) offsets(%dma_start3A_27 : memref<104xi32, #tpu.memory_space<vmem>>) semaphore(%dma_start3A_31 : memref<!tpu.dma_semaphore, #tpu.memory_space<semaphore_mem>>)
    %scan3A = arith.constant 0 : i32
    %scan3A_32 = arith.constant 0 : i32
    %scan3A_33 = arith.constant 32 : i32
    %scan3A_34 = arith.addi %scan3A_32, %scan3A_33 : i32
    %scan3A_35 = arith.constant 1 : i32
    scf.for %scan3A_39 = %scan3A_32 to %scan3A_34 step %scan3A_35  : i32 {
      %broadcast_in_dim3A = arith.constant 0.000000e+00 : f32
      %broadcast_in_dim3A_40 = vector.broadcast %broadcast_in_dim3A : f32 to vector<16xf32>
      %mul3A_41 = arith.constant 4 : i32
      %mul3A_42 = arith.muli %scan3A_39, %mul3A_41 : i32
      %add3A_43 = arith.constant 0 : i32
      %add3A_44 = arith.addi %mul3A_42, %add3A_43 : i32
      %add3A_45 = arith.constant 1 : i32
      %add3A_46 = arith.addi %add3A_44, %add3A_45 : i32
      %lt3A_47 = arith.constant 128 : i32
      %lt3A_48 = arith.cmpi slt, %add3A_46, %lt3A_47 : i32
      %convert_element_type3A = arith.extui %lt3A_48 : i1 to i32
      %cond3A = arith.constant 0 : i32
      %cond3A_49 = arith.cmpi ne, %convert_element_type3A, %cond3A : i32
      scf.if %cond3A_49 {
        %add3A_5144 = arith.constant 1 : i32
        %add3A_5145 = arith.addi %add3A_44, %add3A_5144 : i32
        %dma_start3A_5146 = arith.constant 1 : i32
        %dma_start3A_5147 = arith.constant 1 : i32
        %dma_start3A_5148 = arith.constant 0 : i32
        %dma_start3A_5149 = arith.constant 0 : i32
        %dma_start3A_5150 = tpu.memref_slice %arg7[%dma_start3A_5146, %dma_start3A_5148, %dma_start3A_5149] : memref<2x104x128xf32, #tpu.memory_space<vmem>> -> memref<1x104x128xf32, #tpu.memory_space<vmem>>
        %dma_start3A_5151 = tpu.memref_squeeze %dma_start3A_5150 : memref<1x104x128xf32, #tpu.memory_space<vmem>> -> memref<104x128xf32, #tpu.memory_space<vmem>>
        %dma_start3A_5152 = arith.constant 0 : i32
        %dma_start3A_5153 = tpu.memref_slice %arg6[%add3A_5145, %dma_start3A_5152] : memref<128x104xi32, #tpu.memory_space<vmem>> -> memref<1x104xi32, #tpu.memory_space<vmem>>
        %dma_start3A_5154 = tpu.memref_squeeze %dma_start3A_5153 : memref<1x104xi32, #tpu.memory_space<vmem>> -> memref<104xi32, #tpu.memory_space<vmem>>
        %dma_start3A_5155 = arith.constant 0 : i32
        %dma_start3A_5156 = arith.constant 0 : i32
        %dma_start3A_5157 = tpu.memref_slice %arg4[%dma_start3A_5155, %dma_start3A_5156] : memref<1000000x128xf32, #tpu.memory_space<hbm>> -> memref<1000000x128xf32, #tpu.memory_space<hbm>>
        %dma_start3A_5158 = tpu.memref_slice %arg10[%dma_start3A_5147] : memref<2x!tpu.dma_semaphore, #tpu.memory_space<semaphore_mem>> -> memref<1x!tpu.dma_semaphore, #tpu.memory_space<semaphore_mem>>
        %dma_start3A_5159 = tpu.memref_squeeze %dma_start3A_5158 : memref<1x!tpu.dma_semaphore, #tpu.memory_space<semaphore_mem>> -> memref<!tpu.dma_semaphore, #tpu.memory_space<semaphore_mem>>
        tpu.enqueue_indirect_dma source(%dma_start3A_5157 : memref<1000000x128xf32, #tpu.memory_space<hbm>>) target(%dma_start3A_5151 : memref<104x128xf32, #tpu.memory_space<vmem>>) offsets(%dma_start3A_5154 : memref<104xi32, #tpu.memory_space<vmem>>) semaphore(%dma_start3A_5159 : memref<!tpu.dma_semaphore, #tpu.memory_space<semaphore_mem>>)
        %dma_start3A_5160 = arith.constant 1 : i32
        %dma_start3A_5161 = arith.constant 1 : i32
        %dma_start3A_5162 = arith.constant 0 : i32
        %dma_start3A_5163 = tpu.memref_slice %arg8[%dma_start3A_5160, %dma_start3A_5162] : memref<2x120xf32, #tpu.memory_space<vmem>> -> memref<1x104xf32, #tpu.memory_space<vmem>>
        %dma_start3A_5164 = tpu.memref_squeeze %dma_start3A_5163 : memref<1x104xf32, #tpu.memory_space<vmem>> -> memref<104xf32, #tpu.memory_space<vmem>>
        %dma_start3A_5165 = arith.constant 0 : i32
        %dma_start3A_5166 = tpu.memref_slice %arg6[%add3A_5145, %dma_start3A_5165] : memref<128x104xi32, #tpu.memory_space<vmem>> -> memref<1x104xi32, #tpu.memory_space<vmem>>
        %dma_start3A_5167 = tpu.memref_squeeze %dma_start3A_5166 : memref<1x104xi32, #tpu.memory_space<vmem>> -> memref<104xi32, #tpu.memory_space<vmem>>
        %dma_start3A_5168 = arith.constant 0 : i32
        %dma_start3A_5169 = tpu.memref_slice %arg3[%dma_start3A_5168] : memref<1000000xf32, #tpu.memory_space<hbm>> -> memref<1000000xf32, #tpu.memory_space<hbm>>
        %dma_start3A_5170 = tpu.memref_slice %arg11[%dma_start3A_5161] : memref<2x!tpu.dma_semaphore, #tpu.memory_space<semaphore_mem>> -> memref<1x!tpu.dma_semaphore, #tpu.memory_space<semaphore_mem>>
        %dma_start3A_5171 = tpu.memref_squeeze %dma_start3A_5170 : memref<1x!tpu.dma_semaphore, #tpu.memory_space<semaphore_mem>> -> memref<!tpu.dma_semaphore, #tpu.memory_space<semaphore_mem>>
        tpu.enqueue_indirect_dma source(%dma_start3A_5169 : memref<1000000xf32, #tpu.memory_space<hbm>>) target(%dma_start3A_5164 : memref<104xf32, #tpu.memory_space<vmem>>) offsets(%dma_start3A_5167 : memref<104xi32, #tpu.memory_space<vmem>>) semaphore(%dma_start3A_5171 : memref<!tpu.dma_semaphore, #tpu.memory_space<semaphore_mem>>)
      } else {
      }
      %dma_wait3A = arith.constant 0 : i32
      %dma_wait3A_50 = arith.constant 0 : i32
      %dma_wait3A_51 = arith.constant 0 : i32
      %dma_wait3A_52 = arith.constant 0 : i32
      %dma_wait3A_53 = tpu.memref_slice %arg7[%dma_wait3A, %dma_wait3A_51, %dma_wait3A_52] : memref<2x104x128xf32, #tpu.memory_space<vmem>> -> memref<1x104x128xf32, #tpu.memory_space<vmem>>
      %dma_wait3A_54 = tpu.memref_squeeze %dma_wait3A_53 : memref<1x104x128xf32, #tpu.memory_space<vmem>> -> memref<104x128xf32, #tpu.memory_space<vmem>>
      %dma_wait3A_55 = arith.constant 0 : i32
      %dma_wait3A_56 = tpu.memref_slice %arg6[%add3A_44, %dma_wait3A_55] : memref<128x104xi32, #tpu.memory_space<vmem>> -> memref<1x104xi32, #tpu.memory_space<vmem>>
      %dma_wait3A_57 = tpu.memref_squeeze %dma_wait3A_56 : memref<1x104xi32, #tpu.memory_space<vmem>> -> memref<104xi32, #tpu.memory_space<vmem>>
      %dma_wait3A_58 = arith.constant 0 : i32
      %dma_wait3A_59 = arith.constant 0 : i32
      %dma_wait3A_60 = tpu.memref_slice %arg4[%dma_wait3A_58, %dma_wait3A_59] : memref<1000000x128xf32, #tpu.memory_space<hbm>> -> memref<1000000x128xf32, #tpu.memory_space<hbm>>
      %dma_wait3A_61 = tpu.memref_slice %arg10[%dma_wait3A_50] : memref<2x!tpu.dma_semaphore, #tpu.memory_space<semaphore_mem>> -> memref<1x!tpu.dma_semaphore, #tpu.memory_space<semaphore_mem>>
      %dma_wait3A_62 = tpu.memref_squeeze %dma_wait3A_61 : memref<1x!tpu.dma_semaphore, #tpu.memory_space<semaphore_mem>> -> memref<!tpu.dma_semaphore, #tpu.memory_space<semaphore_mem>>
      tpu.wait_indirect_dma semaphore(%dma_wait3A_62 : memref<!tpu.dma_semaphore, #tpu.memory_space<semaphore_mem>>) src(%dma_wait3A_60 : memref<1000000x128xf32, #tpu.memory_space<hbm>>) dst(%dma_wait3A_54 : memref<104x128xf32, #tpu.memory_space<vmem>>)
      %dma_wait3A_63 = arith.constant 0 : i32
      %dma_wait3A_64 = arith.constant 0 : i32
      %dma_wait3A_65 = arith.constant 0 : i32
      %dma_wait3A_66 = tpu.memref_slice %arg8[%dma_wait3A_63, %dma_wait3A_65] : memref<2x120xf32, #tpu.memory_space<vmem>> -> memref<1x104xf32, #tpu.memory_space<vmem>>
      %dma_wait3A_67 = tpu.memref_squeeze %dma_wait3A_66 : memref<1x104xf32, #tpu.memory_space<vmem>> -> memref<104xf32, #tpu.memory_space<vmem>>
      %dma_wait3A_68 = arith.constant 0 : i32
      %dma_wait3A_69 = tpu.memref_slice %arg6[%add3A_44, %dma_wait3A_68] : memref<128x104xi32, #tpu.memory_space<vmem>> -> memref<1x104xi32, #tpu.memory_space<vmem>>
      %dma_wait3A_70 = tpu.memref_squeeze %dma_wait3A_69 : memref<1x104xi32, #tpu.memory_space<vmem>> -> memref<104xi32, #tpu.memory_space<vmem>>
      %dma_wait3A_71 = arith.constant 0 : i32
      %dma_wait3A_72 = tpu.memref_slice %arg3[%dma_wait3A_71] : memref<1000000xf32, #tpu.memory_space<hbm>> -> memref<1000000xf32, #tpu.memory_space<hbm>>
      %dma_wait3A_73 = tpu.memref_slice %arg11[%dma_wait3A_64] : memref<2x!tpu.dma_semaphore, #tpu.memory_space<semaphore_mem>> -> memref<1x!tpu.dma_semaphore, #tpu.memory_space<semaphore_mem>>
      %dma_wait3A_74 = tpu.memref_squeeze %dma_wait3A_73 : memref<1x!tpu.dma_semaphore, #tpu.memory_space<semaphore_mem>> -> memref<!tpu.dma_semaphore, #tpu.memory_space<semaphore_mem>>
      tpu.wait_indirect_dma semaphore(%dma_wait3A_74 : memref<!tpu.dma_semaphore, #tpu.memory_space<semaphore_mem>>) src(%dma_wait3A_72 : memref<1000000xf32, #tpu.memory_space<hbm>>) dst(%dma_wait3A_67 : memref<104xf32, #tpu.memory_space<vmem>>)
      %get3A = arith.constant 0 : i32
      %get3A_75 = arith.constant 0 : i32
      %get3A_76 = arith.index_cast %get3A : i32 to index
      %get3A_77 = arith.index_cast %get3A_75 : i32 to index
      %get3A_78 = arith.constant 0 : index
      %get3A_79 = tpu.vector_load %arg7[%get3A_76, %get3A_77, %get3A_78] {strides = array<i32>} : memref<2x104x128xf32, #tpu.memory_space<vmem>>, vector<1x1x16xf32>,
      %get3A_80 = vector.shape_cast %get3A_79 : vector<1x1x16xf32> to vector<16xf32>
      %mul3A_81 = arith.mulf %get3A_80, %get3A_80 : vector<16xf32>
      %get3A_82 = arith.constant 0 : i32
      %get3A_83 = arith.constant 1 : i32
      %get3A_84 = arith.index_cast %get3A_82 : i32 to index
      %get3A_85 = arith.index_cast %get3A_83 : i32 to index
      %get3A_86 = arith.constant 0 : index
      %get3A_87 = tpu.vector_load %arg7[%get3A_84, %get3A_85, %get3A_86] {strides = array<i32>} : memref<2x104x128xf32, #tpu.memory_space<vmem>>, vector<1x1x16xf32>,
      %get3A_88 = vector.shape_cast %get3A_87 : vector<1x1x16xf32> to vector<16xf32>
      %add3A_89 = arith.addf %get3A_80, %get3A_88 : vector<16xf32>
      %mul3A_90 = arith.mulf %get3A_88, %get3A_88 : vector<16xf32>
      %add3A_91 = arith.addf %mul3A_81, %mul3A_90 : vector<16xf32>
      %get3A_92 = arith.constant 0 : i32
      %get3A_93 = arith.constant 2 : i32
      %get3A_94 = arith.index_cast %get3A_92 : i32 to index
      %get3A_95 = arith.index_cast %get3A_93 : i32 to index
      %get3A_96 = arith.constant 0 : index
      %get3A_97 = tpu.vector_load %arg7[%get3A_94, %get3A_95, %get3A_96] {strides = array<i32>} : memref<2x104x128xf32, #tpu.memory_space<vmem>>, vector<1x1x16xf32>,
      %get3A_98 = vector.shape_cast %get3A_97 : vector<1x1x16xf32> to vector<16xf32>
      %add3A_99 = arith.addf %add3A_89, %get3A_98 : vector<16xf32>
      %mul3A_100 = arith.mulf %get3A_98, %get3A_98 : vector<16xf32>
      %add3A_101 = arith.addf %add3A_91, %mul3A_100 : vector<16xf32>
      %get3A_102 = arith.constant 0 : i32
      %get3A_103 = arith.constant 3 : i32
      %get3A_104 = arith.index_cast %get3A_102 : i32 to index
      %get3A_105 = arith.index_cast %get3A_103 : i32 to index
      %get3A_106 = arith.constant 0 : index
      %get3A_107 = tpu.vector_load %arg7[%get3A_104, %get3A_105, %get3A_106] {strides = array<i32>} : memref<2x104x128xf32, #tpu.memory_space<vmem>>, vector<1x1x16xf32>,
      %get3A_108 = vector.shape_cast %get3A_107 : vector<1x1x16xf32> to vector<16xf32>
      %add3A_109 = arith.addf %add3A_99, %get3A_108 : vector<16xf32>
      %mul3A_110 = arith.mulf %get3A_108, %get3A_108 : vector<16xf32>
      %add3A_111 = arith.addf %add3A_101, %mul3A_110 : vector<16xf32>
      %get3A_112 = arith.constant 0 : i32
      %get3A_113 = arith.constant 4 : i32
      %get3A_114 = arith.index_cast %get3A_112 : i32 to index
      %get3A_115 = arith.index_cast %get3A_113 : i32 to index
      %get3A_116 = arith.constant 0 : index
      %get3A_117 = tpu.vector_load %arg7[%get3A_114, %get3A_115, %get3A_116] {strides = array<i32>} : memref<2x104x128xf32, #tpu.memory_space<vmem>>, vector<1x1x16xf32>,
      %get3A_118 = vector.shape_cast %get3A_117 : vector<1x1x16xf32> to vector<16xf32>
      %add3A_119 = arith.addf %add3A_109, %get3A_118 : vector<16xf32>
      %mul3A_120 = arith.mulf %get3A_118, %get3A_118 : vector<16xf32>
      %add3A_121 = arith.addf %add3A_111, %mul3A_120 : vector<16xf32>
      %get3A_122 = arith.constant 0 : i32
      %get3A_123 = arith.constant 5 : i32
      %get3A_124 = arith.index_cast %get3A_122 : i32 to index
      %get3A_125 = arith.index_cast %get3A_123 : i32 to index
      %get3A_126 = arith.constant 0 : index
      %get3A_127 = tpu.vector_load %arg7[%get3A_124, %get3A_125, %get3A_126] {strides = array<i32>} : memref<2x104x128xf32, #tpu.memory_space<vmem>>, vector<1x1x16xf32>,
      %get3A_128 = vector.shape_cast %get3A_127 : vector<1x1x16xf32> to vector<16xf32>
      %add3A_129 = arith.addf %add3A_119, %get3A_128 : vector<16xf32>
      %mul3A_130 = arith.mulf %get3A_128, %get3A_128 : vector<16xf32>
      %add3A_131 = arith.addf %add3A_121, %mul3A_130 : vector<16xf32>
      %get3A_132 = arith.constant 0 : i32
      %get3A_133 = arith.constant 6 : i32
      %get3A_134 = arith.index_cast %get3A_132 : i32 to index
      %get3A_135 = arith.index_cast %get3A_133 : i32 to index
      %get3A_136 = arith.constant 0 : index
      %get3A_137 = tpu.vector_load %arg7[%get3A_134, %get3A_135, %get3A_136] {strides = array<i32>} : memref<2x104x128xf32, #tpu.memory_space<vmem>>, vector<1x1x16xf32>,
      %get3A_138 = vector.shape_cast %get3A_137 : vector<1x1x16xf32> to vector<16xf32>
      %add3A_139 = arith.addf %add3A_129, %get3A_138 : vector<16xf32>
      %mul3A_140 = arith.mulf %get3A_138, %get3A_138 : vector<16xf32>
      %add3A_141 = arith.addf %add3A_131, %mul3A_140 : vector<16xf32>
      %get3A_142 = arith.constant 0 : i32
      %get3A_143 = arith.constant 7 : i32
      %get3A_144 = arith.index_cast %get3A_142 : i32 to index
      %get3A_145 = arith.index_cast %get3A_143 : i32 to index
      %get3A_146 = arith.constant 0 : index
      %get3A_147 = tpu.vector_load %arg7[%get3A_144, %get3A_145, %get3A_146] {strides = array<i32>} : memref<2x104x128xf32, #tpu.memory_space<vmem>>, vector<1x1x16xf32>,
      %get3A_148 = vector.shape_cast %get3A_147 : vector<1x1x16xf32> to vector<16xf32>
      %add3A_149 = arith.addf %add3A_139, %get3A_148 : vector<16xf32>
      %mul3A_150 = arith.mulf %get3A_148, %get3A_148 : vector<16xf32>
      %add3A_151 = arith.addf %add3A_141, %mul3A_150 : vector<16xf32>
      %get3A_152 = arith.constant 0 : i32
      %get3A_153 = arith.constant 8 : i32
      %get3A_154 = arith.index_cast %get3A_152 : i32 to index
      %get3A_155 = arith.index_cast %get3A_153 : i32 to index
      %get3A_156 = arith.constant 0 : index
      %get3A_157 = tpu.vector_load %arg7[%get3A_154, %get3A_155, %get3A_156] {strides = array<i32>} : memref<2x104x128xf32, #tpu.memory_space<vmem>>, vector<1x1x16xf32>,
      %get3A_158 = vector.shape_cast %get3A_157 : vector<1x1x16xf32> to vector<16xf32>
      %add3A_159 = arith.addf %add3A_149, %get3A_158 : vector<16xf32>
      %mul3A_160 = arith.mulf %get3A_158, %get3A_158 : vector<16xf32>
      %add3A_161 = arith.addf %add3A_151, %mul3A_160 : vector<16xf32>
      %get3A_162 = arith.constant 0 : i32
      %get3A_163 = arith.constant 9 : i32
      %get3A_164 = arith.index_cast %get3A_162 : i32 to index
      %get3A_165 = arith.index_cast %get3A_163 : i32 to index
      %get3A_166 = arith.constant 0 : index
      %get3A_167 = tpu.vector_load %arg7[%get3A_164, %get3A_165, %get3A_166] {strides = array<i32>} : memref<2x104x128xf32, #tpu.memory_space<vmem>>, vector<1x1x16xf32>,
      %get3A_168 = vector.shape_cast %get3A_167 : vector<1x1x16xf32> to vector<16xf32>
      %add3A_169 = arith.addf %add3A_159, %get3A_168 : vector<16xf32>
      %mul3A_170 = arith.mulf %get3A_168, %get3A_168 : vector<16xf32>
      %add3A_171 = arith.addf %add3A_161, %mul3A_170 : vector<16xf32>
      %get3A_172 = arith.constant 0 : i32
      %get3A_173 = arith.constant 10 : i32
      %get3A_174 = arith.index_cast %get3A_172 : i32 to index
      %get3A_175 = arith.index_cast %get3A_173 : i32 to index
      %get3A_176 = arith.constant 0 : index
      %get3A_177 = tpu.vector_load %arg7[%get3A_174, %get3A_175, %get3A_176] {strides = array<i32>} : memref<2x104x128xf32, #tpu.memory_space<vmem>>, vector<1x1x16xf32>,
      %get3A_178 = vector.shape_cast %get3A_177 : vector<1x1x16xf32> to vector<16xf32>
      %add3A_179 = arith.addf %add3A_169, %get3A_178 : vector<16xf32>
      %mul3A_180 = arith.mulf %get3A_178, %get3A_178 : vector<16xf32>
      %add3A_181 = arith.addf %add3A_171, %mul3A_180 : vector<16xf32>
      %get3A_182 = arith.constant 0 : i32
      %get3A_183 = arith.constant 11 : i32
      %get3A_184 = arith.index_cast %get3A_182 : i32 to index
      %get3A_185 = arith.index_cast %get3A_183 : i32 to index
      %get3A_186 = arith.constant 0 : index
      %get3A_187 = tpu.vector_load %arg7[%get3A_184, %get3A_185, %get3A_186] {strides = array<i32>} : memref<2x104x128xf32, #tpu.memory_space<vmem>>, vector<1x1x16xf32>,
      %get3A_188 = vector.shape_cast %get3A_187 : vector<1x1x16xf32> to vector<16xf32>
      %add3A_189 = arith.addf %add3A_179, %get3A_188 : vector<16xf32>
      %mul3A_190 = arith.mulf %get3A_188, %get3A_188 : vector<16xf32>
      %add3A_191 = arith.addf %add3A_181, %mul3A_190 : vector<16xf32>
      %get3A_192 = arith.constant 0 : i32
      %get3A_193 = arith.constant 12 : i32
      %get3A_194 = arith.index_cast %get3A_192 : i32 to index
      %get3A_195 = arith.index_cast %get3A_193 : i32 to index
      %get3A_196 = arith.constant 0 : index
      %get3A_197 = tpu.vector_load %arg7[%get3A_194, %get3A_195, %get3A_196] {strides = array<i32>} : memref<2x104x128xf32, #tpu.memory_space<vmem>>, vector<1x1x16xf32>,
      %get3A_198 = vector.shape_cast %get3A_197 : vector<1x1x16xf32> to vector<16xf32>
      %add3A_199 = arith.addf %add3A_189, %get3A_198 : vector<16xf32>
      %mul3A_200 = arith.mulf %get3A_198, %get3A_198 : vector<16xf32>
      %add3A_201 = arith.addf %add3A_191, %mul3A_200 : vector<16xf32>
      %get3A_202 = arith.constant 0 : i32
      %get3A_203 = arith.constant 13 : i32
      %get3A_204 = arith.index_cast %get3A_202 : i32 to index
      %get3A_205 = arith.index_cast %get3A_203 : i32 to index
      %get3A_206 = arith.constant 0 : index
      %get3A_207 = tpu.vector_load %arg7[%get3A_204, %get3A_205, %get3A_206] {strides = array<i32>} : memref<2x104x128xf32, #tpu.memory_space<vmem>>, vector<1x1x16xf32>,
      %get3A_208 = vector.shape_cast %get3A_207 : vector<1x1x16xf32> to vector<16xf32>
      %add3A_209 = arith.addf %add3A_199, %get3A_208 : vector<16xf32>
      %mul3A_210 = arith.mulf %get3A_208, %get3A_208 : vector<16xf32>
      %add3A_211 = arith.addf %add3A_201, %mul3A_210 : vector<16xf32>
      %get3A_212 = arith.constant 0 : i32
      %get3A_213 = arith.constant 14 : i32
      %get3A_214 = arith.index_cast %get3A_212 : i32 to index
      %get3A_215 = arith.index_cast %get3A_213 : i32 to index
      %get3A_216 = arith.constant 0 : index
      %get3A_217 = tpu.vector_load %arg7[%get3A_214, %get3A_215, %get3A_216] {strides = array<i32>} : memref<2x104x128xf32, #tpu.memory_space<vmem>>, vector<1x1x16xf32>,
      %get3A_218 = vector.shape_cast %get3A_217 : vector<1x1x16xf32> to vector<16xf32>
      %add3A_219 = arith.addf %add3A_209, %get3A_218 : vector<16xf32>
      %mul3A_220 = arith.mulf %get3A_218, %get3A_218 : vector<16xf32>
      %add3A_221 = arith.addf %add3A_211, %mul3A_220 : vector<16xf32>
      %get3A_222 = arith.constant 0 : i32
      %get3A_223 = arith.constant 15 : i32
      %get3A_224 = arith.index_cast %get3A_222 : i32 to index
      %get3A_225 = arith.index_cast %get3A_223 : i32 to index
      %get3A_226 = arith.constant 0 : index
      %get3A_227 = tpu.vector_load %arg7[%get3A_224, %get3A_225, %get3A_226] {strides = array<i32>} : memref<2x104x128xf32, #tpu.memory_space<vmem>>, vector<1x1x16xf32>,
      %get3A_228 = vector.shape_cast %get3A_227 : vector<1x1x16xf32> to vector<16xf32>
      %add3A_229 = arith.addf %add3A_219, %get3A_228 : vector<16xf32>
      %mul3A_230 = arith.mulf %get3A_228, %get3A_228 : vector<16xf32>
      %add3A_231 = arith.addf %add3A_221, %mul3A_230 : vector<16xf32>
      %get3A_232 = arith.constant 0 : i32
      %get3A_233 = arith.constant 16 : i32
      %get3A_234 = arith.index_cast %get3A_232 : i32 to index
      %get3A_235 = arith.index_cast %get3A_233 : i32 to index
      %get3A_236 = arith.constant 0 : index
      %get3A_237 = tpu.vector_load %arg7[%get3A_234, %get3A_235, %get3A_236] {strides = array<i32>} : memref<2x104x128xf32, #tpu.memory_space<vmem>>, vector<1x1x16xf32>,
      %get3A_238 = vector.shape_cast %get3A_237 : vector<1x1x16xf32> to vector<16xf32>
      %add3A_239 = arith.addf %add3A_229, %get3A_238 : vector<16xf32>
      %mul3A_240 = arith.mulf %get3A_238, %get3A_238 : vector<16xf32>
      %add3A_241 = arith.addf %add3A_231, %mul3A_240 : vector<16xf32>
      %get3A_242 = arith.constant 0 : i32
      %get3A_243 = arith.constant 17 : i32
      %get3A_244 = arith.index_cast %get3A_242 : i32 to index
      %get3A_245 = arith.index_cast %get3A_243 : i32 to index
      %get3A_246 = arith.constant 0 : index
      %get3A_247 = tpu.vector_load %arg7[%get3A_244, %get3A_245, %get3A_246] {strides = array<i32>} : memref<2x104x128xf32, #tpu.memory_space<vmem>>, vector<1x1x16xf32>,
      %get3A_248 = vector.shape_cast %get3A_247 : vector<1x1x16xf32> to vector<16xf32>
      %add3A_249 = arith.addf %add3A_239, %get3A_248 : vector<16xf32>
      %mul3A_250 = arith.mulf %get3A_248, %get3A_248 : vector<16xf32>
      %add3A_251 = arith.addf %add3A_241, %mul3A_250 : vector<16xf32>
      %get3A_252 = arith.constant 0 : i32
      %get3A_253 = arith.constant 18 : i32
      %get3A_254 = arith.index_cast %get3A_252 : i32 to index
      %get3A_255 = arith.index_cast %get3A_253 : i32 to index
      %get3A_256 = arith.constant 0 : index
      %get3A_257 = tpu.vector_load %arg7[%get3A_254, %get3A_255, %get3A_256] {strides = array<i32>} : memref<2x104x128xf32, #tpu.memory_space<vmem>>, vector<1x1x16xf32>,
      %get3A_258 = vector.shape_cast %get3A_257 : vector<1x1x16xf32> to vector<16xf32>
      %add3A_259 = arith.addf %add3A_249, %get3A_258 : vector<16xf32>
      %mul3A_260 = arith.mulf %get3A_258, %get3A_258 : vector<16xf32>
      %add3A_261 = arith.addf %add3A_251, %mul3A_260 : vector<16xf32>
      %get3A_262 = arith.constant 0 : i32
      %get3A_263 = arith.constant 19 : i32
      %get3A_264 = arith.index_cast %get3A_262 : i32 to index
      %get3A_265 = arith.index_cast %get3A_263 : i32 to index
      %get3A_266 = arith.constant 0 : index
      %get3A_267 = tpu.vector_load %arg7[%get3A_264, %get3A_265, %get3A_266] {strides = array<i32>} : memref<2x104x128xf32, #tpu.memory_space<vmem>>, vector<1x1x16xf32>,
      %get3A_268 = vector.shape_cast %get3A_267 : vector<1x1x16xf32> to vector<16xf32>
      %add3A_269 = arith.addf %add3A_259, %get3A_268 : vector<16xf32>
      %mul3A_270 = arith.mulf %get3A_268, %get3A_268 : vector<16xf32>
      %add3A_271 = arith.addf %add3A_261, %mul3A_270 : vector<16xf32>
      %get3A_272 = arith.constant 0 : i32
      %get3A_273 = arith.constant 20 : i32
      %get3A_274 = arith.index_cast %get3A_272 : i32 to index
      %get3A_275 = arith.index_cast %get3A_273 : i32 to index
      %get3A_276 = arith.constant 0 : index
      %get3A_277 = tpu.vector_load %arg7[%get3A_274, %get3A_275, %get3A_276] {strides = array<i32>} : memref<2x104x128xf32, #tpu.memory_space<vmem>>, vector<1x1x16xf32>,
      %get3A_278 = vector.shape_cast %get3A_277 : vector<1x1x16xf32> to vector<16xf32>
      %add3A_279 = arith.addf %add3A_269, %get3A_278 : vector<16xf32>
      %mul3A_280 = arith.mulf %get3A_278, %get3A_278 : vector<16xf32>
      %add3A_281 = arith.addf %add3A_271, %mul3A_280 : vector<16xf32>
      %get3A_282 = arith.constant 0 : i32
      %get3A_283 = arith.constant 21 : i32
      %get3A_284 = arith.index_cast %get3A_282 : i32 to index
      %get3A_285 = arith.index_cast %get3A_283 : i32 to index
      %get3A_286 = arith.constant 0 : index
      %get3A_287 = tpu.vector_load %arg7[%get3A_284, %get3A_285, %get3A_286] {strides = array<i32>} : memref<2x104x128xf32, #tpu.memory_space<vmem>>, vector<1x1x16xf32>,
      %get3A_288 = vector.shape_cast %get3A_287 : vector<1x1x16xf32> to vector<16xf32>
      %add3A_289 = arith.addf %add3A_279, %get3A_288 : vector<16xf32>
      %mul3A_290 = arith.mulf %get3A_288, %get3A_288 : vector<16xf32>
      %add3A_291 = arith.addf %add3A_281, %mul3A_290 : vector<16xf32>
      %get3A_292 = arith.constant 0 : i32
      %get3A_293 = arith.constant 22 : i32
      %get3A_294 = arith.index_cast %get3A_292 : i32 to index
      %get3A_295 = arith.index_cast %get3A_293 : i32 to index
      %get3A_296 = arith.constant 0 : index
      %get3A_297 = tpu.vector_load %arg7[%get3A_294, %get3A_295, %get3A_296] {strides = array<i32>} : memref<2x104x128xf32, #tpu.memory_space<vmem>>, vector<1x1x16xf32>,
      %get3A_298 = vector.shape_cast %get3A_297 : vector<1x1x16xf32> to vector<16xf32>
      %add3A_299 = arith.addf %add3A_289, %get3A_298 : vector<16xf32>
      %mul3A_300 = arith.mulf %get3A_298, %get3A_298 : vector<16xf32>
      %add3A_301 = arith.addf %add3A_291, %mul3A_300 : vector<16xf32>
      %get3A_302 = arith.constant 0 : i32
      %get3A_303 = arith.constant 23 : i32
      %get3A_304 = arith.index_cast %get3A_302 : i32 to index
      %get3A_305 = arith.index_cast %get3A_303 : i32 to index
      %get3A_306 = arith.constant 0 : index
      %get3A_307 = tpu.vector_load %arg7[%get3A_304, %get3A_305, %get3A_306] {strides = array<i32>} : memref<2x104x128xf32, #tpu.memory_space<vmem>>, vector<1x1x16xf32>,
      %get3A_308 = vector.shape_cast %get3A_307 : vector<1x1x16xf32> to vector<16xf32>
      %add3A_309 = arith.addf %add3A_299, %get3A_308 : vector<16xf32>
      %mul3A_310 = arith.mulf %get3A_308, %get3A_308 : vector<16xf32>
      %add3A_311 = arith.addf %add3A_301, %mul3A_310 : vector<16xf32>
      %get3A_312 = arith.constant 0 : i32
      %get3A_313 = arith.constant 24 : i32
      %get3A_314 = arith.index_cast %get3A_312 : i32 to index
      %get3A_315 = arith.index_cast %get3A_313 : i32 to index
      %get3A_316 = arith.constant 0 : index
      %get3A_317 = tpu.vector_load %arg7[%get3A_314, %get3A_315, %get3A_316] {strides = array<i32>} : memref<2x104x128xf32, #tpu.memory_space<vmem>>, vector<1x1x16xf32>,
      %get3A_318 = vector.shape_cast %get3A_317 : vector<1x1x16xf32> to vector<16xf32>
      %add3A_319 = arith.addf %add3A_309, %get3A_318 : vector<16xf32>
      %mul3A_320 = arith.mulf %get3A_318, %get3A_318 : vector<16xf32>
      %add3A_321 = arith.addf %add3A_311, %mul3A_320 : vector<16xf32>
      %get3A_322 = arith.constant 0 : i32
      %get3A_323 = arith.constant 25 : i32
      %get3A_324 = arith.index_cast %get3A_322 : i32 to index
      %get3A_325 = arith.index_cast %get3A_323 : i32 to index
      %get3A_326 = arith.constant 0 : index
      %get3A_327 = tpu.vector_load %arg7[%get3A_324, %get3A_325, %get3A_326] {strides = array<i32>} : memref<2x104x128xf32, #tpu.memory_space<vmem>>, vector<1x1x16xf32>,
      %get3A_328 = vector.shape_cast %get3A_327 : vector<1x1x16xf32> to vector<16xf32>
      %add3A_329 = arith.addf %add3A_319, %get3A_328 : vector<16xf32>
      %mul3A_330 = arith.mulf %get3A_328, %get3A_328 : vector<16xf32>
      %add3A_331 = arith.addf %add3A_321, %mul3A_330 : vector<16xf32>
      %get3A_332 = arith.constant 0 : i32
      %get3A_333 = arith.index_cast %get3A_332 : i32 to index
      %get3A_334 = arith.constant 0 : index
      %get3A_335 = tpu.vector_load %arg8[%get3A_333, %get3A_334] {strides = array<i32>} : memref<2x120xf32, #tpu.memory_space<vmem>>, vector<1x16xf32>,
      %get3A_336 = vector.shape_cast %get3A_335 : vector<1x16xf32> to vector<16xf32>
      %get3A_337 = arith.constant 0 : i32
      %get3A_338 = arith.index_cast %get3A_337 : i32 to index
      %get3A_339 = arith.constant 16 : index
      %get3A_340 = tpu.vector_load %arg8[%get3A_338, %get3A_339] {strides = array<i32>} : memref<2x120xf32, #tpu.memory_space<vmem>>, vector<1x16xf32>,
      %get3A_341 = vector.shape_cast %get3A_340 : vector<1x16xf32> to vector<16xf32>
      %jit3A = arith.constant 0.000000e+00 : f32
      %broadcast_in_dim3A_342 = vector.broadcast %jit3A : f32 to vector<16xf32>
      %select_n3A = arith.select %lt3A_4, %get3A_341, %broadcast_in_dim3A_342 : vector<16xi1>, vector<16xf32>
      %mul3A_343 = arith.mulf %add3A_329, %add3A_329 : vector<16xf32>
      %sub3A = arith.subf %mul3A_343, %add3A_331 : vector<16xf32>
      %mul3A_344 = arith.constant 5.000000e-01 : f32
      %mul3A_345 = vector.broadcast %mul3A_344 : f32 to vector<16xf32>
      %mul3A_346 = arith.mulf %mul3A_345, %sub3A : vector<16xf32>
      %add3A_347 = arith.addf %mul3A_346, %get3A_336 : vector<16xf32>
      %add3A_348 = arith.addf %add3A_347, %select_n3A : vector<16xf32>
      %xor3A = arith.constant 8 : i32
      %xor3A_349 = vector.broadcast %xor3A : i32 to vector<16xi32>
      %xor3A_350 = arith.xori %iota3A, %xor3A_349 : vector<16xi32>
      %broadcast_in_dim3A_351 = vector.shape_cast %xor3A_350 : vector<16xi32> to vector<16x1xi32>
      %gather3A = vector.shape_cast %broadcast_in_dim3A_351 : vector<16x1xi32> to vector<16xi32>
      %gather3A_352 = tpu.dynamic_gather %add3A_348[%gather3A] in [0] : vector<16xf32>, vector<16xi32> -> vector<16xf32>
      %add3A_353 = arith.addf %add3A_348, %gather3A_352 : vector<16xf32>
      %xor3A_354 = arith.constant 4 : i32
      %xor3A_355 = vector.broadcast %xor3A_354 : i32 to vector<16xi32>
      %xor3A_356 = arith.xori %iota3A, %xor3A_355 : vector<16xi32>
      %broadcast_in_dim3A_357 = vector.shape_cast %xor3A_356 : vector<16xi32> to vector<16x1xi32>
      %gather3A_358 = vector.shape_cast %broadcast_in_dim3A_357 : vector<16x1xi32> to vector<16xi32>
      %gather3A_359 = tpu.dynamic_gather %add3A_353[%gather3A_358] in [0] : vector<16xf32>, vector<16xi32> -> vector<16xf32>
      %add3A_360 = arith.addf %add3A_353, %gather3A_359 : vector<16xf32>
      %xor3A_361 = arith.constant 2 : i32
      %xor3A_362 = vector.broadcast %xor3A_361 : i32 to vector<16xi32>
      %xor3A_363 = arith.xori %iota3A, %xor3A_362 : vector<16xi32>
      %broadcast_in_dim3A_364 = vector.shape_cast %xor3A_363 : vector<16xi32> to vector<16x1xi32>
      %gather3A_365 = vector.shape_cast %broadcast_in_dim3A_364 : vector<16x1xi32> to vector<16xi32>
      %gather3A_366 = tpu.dynamic_gather %add3A_360[%gather3A_365] in [0] : vector<16xf32>, vector<16xi32> -> vector<16xf32>
      %add3A_367 = arith.addf %add3A_360, %gather3A_366 : vector<16xf32>
      %xor3A_368 = arith.constant 1 : i32
      %xor3A_369 = vector.broadcast %xor3A_368 : i32 to vector<16xi32>
      %xor3A_370 = arith.xori %iota3A, %xor3A_369 : vector<16xi32>
      %broadcast_in_dim3A_371 = vector.shape_cast %xor3A_370 : vector<16xi32> to vector<16x1xi32>
      %gather3A_372 = vector.shape_cast %broadcast_in_dim3A_371 : vector<16x1xi32> to vector<16xi32>
      %gather3A_373 = tpu.dynamic_gather %add3A_367[%gather3A_372] in [0] : vector<16xf32>, vector<16xi32> -> vector<16xf32>
      %add3A_374 = arith.addf %add3A_367, %gather3A_373 : vector<16xf32>
      %eq3A = arith.constant 0 : i32
      %eq3A_375 = vector.broadcast %eq3A : i32 to vector<16xi32>
      %eq3A_376 = arith.cmpi eq, %iota3A, %eq3A_375 : vector<16xi32>
      %select_n3A_377 = arith.select %eq3A_376, %add3A_374, %broadcast_in_dim3A_40 : vector<16xi1>, vector<16xf32>
      %get3A_378 = arith.constant 0 : i32
      %get3A_379 = arith.constant 26 : i32
      %get3A_380 = arith.index_cast %get3A_378 : i32 to index
      %get3A_381 = arith.index_cast %get3A_379 : i32 to index
      %get3A_382 = arith.constant 0 : index
      %get3A_383 = tpu.vector_load %arg7[%get3A_380, %get3A_381, %get3A_382] {strides = array<i32>} : memref<2x104x128xf32, #tpu.memory_space<vmem>>, vector<1x1x16xf32>,
      %get3A_384 = vector.shape_cast %get3A_383 : vector<1x1x16xf32> to vector<16xf32>
      %mul3A_385 = arith.mulf %get3A_384, %get3A_384 : vector<16xf32>
      %get3A_386 = arith.constant 0 : i32
      %get3A_387 = arith.constant 27 : i32
      %get3A_388 = arith.index_cast %get3A_386 : i32 to index
      %get3A_389 = arith.index_cast %get3A_387 : i32 to index
      %get3A_390 = arith.constant 0 : index
      %get3A_391 = tpu.vector_load %arg7[%get3A_388, %get3A_389, %get3A_390] {strides = array<i32>} : memref<2x104x128xf32, #tpu.memory_space<vmem>>, vector<1x1x16xf32>,
      %get3A_392 = vector.shape_cast %get3A_391 : vector<1x1x16xf32> to vector<16xf32>
      %add3A_393 = arith.addf %get3A_384, %get3A_392 : vector<16xf32>
      %mul3A_394 = arith.mulf %get3A_392, %get3A_392 : vector<16xf32>
      %add3A_395 = arith.addf %mul3A_385, %mul3A_394 : vector<16xf32>
      %get3A_396 = arith.constant 0 : i32
      %get3A_397 = arith.constant 28 : i32
      %get3A_398 = arith.index_cast %get3A_396 : i32 to index
      %get3A_399 = arith.index_cast %get3A_397 : i32 to index
      %get3A_400 = arith.constant 0 : index
      %get3A_401 = tpu.vector_load %arg7[%get3A_398, %get3A_399, %get3A_400] {strides = array<i32>} : memref<2x104x128xf32, #tpu.memory_space<vmem>>, vector<1x1x16xf32>,
      %get3A_402 = vector.shape_cast %get3A_401 : vector<1x1x16xf32> to vector<16xf32>
      %add3A_403 = arith.addf %add3A_393, %get3A_402 : vector<16xf32>
      %mul3A_404 = arith.mulf %get3A_402, %get3A_402 : vector<16xf32>
      %add3A_405 = arith.addf %add3A_395, %mul3A_404 : vector<16xf32>
      %get3A_406 = arith.constant 0 : i32
      %get3A_407 = arith.constant 29 : i32
      %get3A_408 = arith.index_cast %get3A_406 : i32 to index
      %get3A_409 = arith.index_cast %get3A_407 : i32 to index
      %get3A_410 = arith.constant 0 : index
      %get3A_411 = tpu.vector_load %arg7[%get3A_408, %get3A_409, %get3A_410] {strides = array<i32>} : memref<2x104x128xf32, #tpu.memory_space<vmem>>, vector<1x1x16xf32>,
      %get3A_412 = vector.shape_cast %get3A_411 : vector<1x1x16xf32> to vector<16xf32>
      %add3A_413 = arith.addf %add3A_403, %get3A_412 : vector<16xf32>
      %mul3A_414 = arith.mulf %get3A_412, %get3A_412 : vector<16xf32>
      %add3A_415 = arith.addf %add3A_405, %mul3A_414 : vector<16xf32>
      %get3A_416 = arith.constant 0 : i32
      %get3A_417 = arith.constant 30 : i32
      %get3A_418 = arith.index_cast %get3A_416 : i32 to index
      %get3A_419 = arith.index_cast %get3A_417 : i32 to index
      %get3A_420 = arith.constant 0 : index
      %get3A_421 = tpu.vector_load %arg7[%get3A_418, %get3A_419, %get3A_420] {strides = array<i32>} : memref<2x104x128xf32, #tpu.memory_space<vmem>>, vector<1x1x16xf32>,
      %get3A_422 = vector.shape_cast %get3A_421 : vector<1x1x16xf32> to vector<16xf32>
      %add3A_423 = arith.addf %add3A_413, %get3A_422 : vector<16xf32>
      %mul3A_424 = arith.mulf %get3A_422, %get3A_422 : vector<16xf32>
      %add3A_425 = arith.addf %add3A_415, %mul3A_424 : vector<16xf32>
      %get3A_426 = arith.constant 0 : i32
      %get3A_427 = arith.constant 31 : i32
      %get3A_428 = arith.index_cast %get3A_426 : i32 to index
      %get3A_429 = arith.index_cast %get3A_427 : i32 to index
      %get3A_430 = arith.constant 0 : index
      %get3A_431 = tpu.vector_load %arg7[%get3A_428, %get3A_429, %get3A_430] {strides = array<i32>} : memref<2x104x128xf32, #tpu.memory_space<vmem>>, vector<1x1x16xf32>,
      %get3A_432 = vector.shape_cast %get3A_431 : vector<1x1x16xf32> to vector<16xf32>
      %add3A_433 = arith.addf %add3A_423, %get3A_432 : vector<16xf32>
      %mul3A_434 = arith.mulf %get3A_432, %get3A_432 : vector<16xf32>
      %add3A_435 = arith.addf %add3A_425, %mul3A_434 : vector<16xf32>
      %get3A_436 = arith.constant 0 : i32
      %get3A_437 = arith.constant 32 : i32
      %get3A_438 = arith.index_cast %get3A_436 : i32 to index
      %get3A_439 = arith.index_cast %get3A_437 : i32 to index
      %get3A_440 = arith.constant 0 : index
      %get3A_441 = tpu.vector_load %arg7[%get3A_438, %get3A_439, %get3A_440] {strides = array<i32>} : memref<2x104x128xf32, #tpu.memory_space<vmem>>, vector<1x1x16xf32>,
      %get3A_442 = vector.shape_cast %get3A_441 : vector<1x1x16xf32> to vector<16xf32>
      %add3A_443 = arith.addf %add3A_433, %get3A_442 : vector<16xf32>
      %mul3A_444 = arith.mulf %get3A_442, %get3A_442 : vector<16xf32>
      %add3A_445 = arith.addf %add3A_435, %mul3A_444 : vector<16xf32>
      %get3A_446 = arith.constant 0 : i32
      %get3A_447 = arith.constant 33 : i32
      %get3A_448 = arith.index_cast %get3A_446 : i32 to index
      %get3A_449 = arith.index_cast %get3A_447 : i32 to index
      %get3A_450 = arith.constant 0 : index
      %get3A_451 = tpu.vector_load %arg7[%get3A_448, %get3A_449, %get3A_450] {strides = array<i32>} : memref<2x104x128xf32, #tpu.memory_space<vmem>>, vector<1x1x16xf32>,
      %get3A_452 = vector.shape_cast %get3A_451 : vector<1x1x16xf32> to vector<16xf32>
      %add3A_453 = arith.addf %add3A_443, %get3A_452 : vector<16xf32>
      %mul3A_454 = arith.mulf %get3A_452, %get3A_452 : vector<16xf32>
      %add3A_455 = arith.addf %add3A_445, %mul3A_454 : vector<16xf32>
      %get3A_456 = arith.constant 0 : i32
      %get3A_457 = arith.constant 34 : i32
      %get3A_458 = arith.index_cast %get3A_456 : i32 to index
      %get3A_459 = arith.index_cast %get3A_457 : i32 to index
      %get3A_460 = arith.constant 0 : index
      %get3A_461 = tpu.vector_load %arg7[%get3A_458, %get3A_459, %get3A_460] {strides = array<i32>} : memref<2x104x128xf32, #tpu.memory_space<vmem>>, vector<1x1x16xf32>,
      %get3A_462 = vector.shape_cast %get3A_461 : vector<1x1x16xf32> to vector<16xf32>
      %add3A_463 = arith.addf %add3A_453, %get3A_462 : vector<16xf32>
      %mul3A_464 = arith.mulf %get3A_462, %get3A_462 : vector<16xf32>
      %add3A_465 = arith.addf %add3A_455, %mul3A_464 : vector<16xf32>
      %get3A_466 = arith.constant 0 : i32
      %get3A_467 = arith.constant 35 : i32
      %get3A_468 = arith.index_cast %get3A_466 : i32 to index
      %get3A_469 = arith.index_cast %get3A_467 : i32 to index
      %get3A_470 = arith.constant 0 : index
      %get3A_471 = tpu.vector_load %arg7[%get3A_468, %get3A_469, %get3A_470] {strides = array<i32>} : memref<2x104x128xf32, #tpu.memory_space<vmem>>, vector<1x1x16xf32>,
      %get3A_472 = vector.shape_cast %get3A_471 : vector<1x1x16xf32> to vector<16xf32>
      %add3A_473 = arith.addf %add3A_463, %get3A_472 : vector<16xf32>
      %mul3A_474 = arith.mulf %get3A_472, %get3A_472 : vector<16xf32>
      %add3A_475 = arith.addf %add3A_465, %mul3A_474 : vector<16xf32>
      %get3A_476 = arith.constant 0 : i32
      %get3A_477 = arith.constant 36 : i32
      %get3A_478 = arith.index_cast %get3A_476 : i32 to index
      %get3A_479 = arith.index_cast %get3A_477 : i32 to index
      %get3A_480 = arith.constant 0 : index
      %get3A_481 = tpu.vector_load %arg7[%get3A_478, %get3A_479, %get3A_480] {strides = array<i32>} : memref<2x104x128xf32, #tpu.memory_space<vmem>>, vector<1x1x16xf32>,
      %get3A_482 = vector.shape_cast %get3A_481 : vector<1x1x16xf32> to vector<16xf32>
      %add3A_483 = arith.addf %add3A_473, %get3A_482 : vector<16xf32>
      %mul3A_484 = arith.mulf %get3A_482, %get3A_482 : vector<16xf32>
      %add3A_485 = arith.addf %add3A_475, %mul3A_484 : vector<16xf32>
      %get3A_486 = arith.constant 0 : i32
      %get3A_487 = arith.constant 37 : i32
      %get3A_488 = arith.index_cast %get3A_486 : i32 to index
      %get3A_489 = arith.index_cast %get3A_487 : i32 to index
      %get3A_490 = arith.constant 0 : index
      %get3A_491 = tpu.vector_load %arg7[%get3A_488, %get3A_489, %get3A_490] {strides = array<i32>} : memref<2x104x128xf32, #tpu.memory_space<vmem>>, vector<1x1x16xf32>,
      %get3A_492 = vector.shape_cast %get3A_491 : vector<1x1x16xf32> to vector<16xf32>
      %add3A_493 = arith.addf %add3A_483, %get3A_492 : vector<16xf32>
      %mul3A_494 = arith.mulf %get3A_492, %get3A_492 : vector<16xf32>
      %add3A_495 = arith.addf %add3A_485, %mul3A_494 : vector<16xf32>
      %get3A_496 = arith.constant 0 : i32
      %get3A_497 = arith.constant 38 : i32
      %get3A_498 = arith.index_cast %get3A_496 : i32 to index
      %get3A_499 = arith.index_cast %get3A_497 : i32 to index
      %get3A_500 = arith.constant 0 : index
      %get3A_501 = tpu.vector_load %arg7[%get3A_498, %get3A_499, %get3A_500] {strides = array<i32>} : memref<2x104x128xf32, #tpu.memory_space<vmem>>, vector<1x1x16xf32>,
      %get3A_502 = vector.shape_cast %get3A_501 : vector<1x1x16xf32> to vector<16xf32>
      %add3A_503 = arith.addf %add3A_493, %get3A_502 : vector<16xf32>
      %mul3A_504 = arith.mulf %get3A_502, %get3A_502 : vector<16xf32>
      %add3A_505 = arith.addf %add3A_495, %mul3A_504 : vector<16xf32>
      %get3A_506 = arith.constant 0 : i32
      %get3A_507 = arith.constant 39 : i32
      %get3A_508 = arith.index_cast %get3A_506 : i32 to index
      %get3A_509 = arith.index_cast %get3A_507 : i32 to index
      %get3A_510 = arith.constant 0 : index
      %get3A_511 = tpu.vector_load %arg7[%get3A_508, %get3A_509, %get3A_510] {strides = array<i32>} : memref<2x104x128xf32, #tpu.memory_space<vmem>>, vector<1x1x16xf32>,
      %get3A_512 = vector.shape_cast %get3A_511 : vector<1x1x16xf32> to vector<16xf32>
      %add3A_513 = arith.addf %add3A_503, %get3A_512 : vector<16xf32>
      %mul3A_514 = arith.mulf %get3A_512, %get3A_512 : vector<16xf32>
      %add3A_515 = arith.addf %add3A_505, %mul3A_514 : vector<16xf32>
      %get3A_516 = arith.constant 0 : i32
      %get3A_517 = arith.constant 40 : i32
      %get3A_518 = arith.index_cast %get3A_516 : i32 to index
      %get3A_519 = arith.index_cast %get3A_517 : i32 to index
      %get3A_520 = arith.constant 0 : index
      %get3A_521 = tpu.vector_load %arg7[%get3A_518, %get3A_519, %get3A_520] {strides = array<i32>} : memref<2x104x128xf32, #tpu.memory_space<vmem>>, vector<1x1x16xf32>,
      %get3A_522 = vector.shape_cast %get3A_521 : vector<1x1x16xf32> to vector<16xf32>
      %add3A_523 = arith.addf %add3A_513, %get3A_522 : vector<16xf32>
      %mul3A_524 = arith.mulf %get3A_522, %get3A_522 : vector<16xf32>
      %add3A_525 = arith.addf %add3A_515, %mul3A_524 : vector<16xf32>
      %get3A_526 = arith.constant 0 : i32
      %get3A_527 = arith.constant 41 : i32
      %get3A_528 = arith.index_cast %get3A_526 : i32 to index
      %get3A_529 = arith.index_cast %get3A_527 : i32 to index
      %get3A_530 = arith.constant 0 : index
      %get3A_531 = tpu.vector_load %arg7[%get3A_528, %get3A_529, %get3A_530] {strides = array<i32>} : memref<2x104x128xf32, #tpu.memory_space<vmem>>, vector<1x1x16xf32>,
      %get3A_532 = vector.shape_cast %get3A_531 : vector<1x1x16xf32> to vector<16xf32>
      %add3A_533 = arith.addf %add3A_523, %get3A_532 : vector<16xf32>
      %mul3A_534 = arith.mulf %get3A_532, %get3A_532 : vector<16xf32>
      %add3A_535 = arith.addf %add3A_525, %mul3A_534 : vector<16xf32>
      %get3A_536 = arith.constant 0 : i32
      %get3A_537 = arith.constant 42 : i32
      %get3A_538 = arith.index_cast %get3A_536 : i32 to index
      %get3A_539 = arith.index_cast %get3A_537 : i32 to index
      %get3A_540 = arith.constant 0 : index
      %get3A_541 = tpu.vector_load %arg7[%get3A_538, %get3A_539, %get3A_540] {strides = array<i32>} : memref<2x104x128xf32, #tpu.memory_space<vmem>>, vector<1x1x16xf32>,
      %get3A_542 = vector.shape_cast %get3A_541 : vector<1x1x16xf32> to vector<16xf32>
      %add3A_543 = arith.addf %add3A_533, %get3A_542 : vector<16xf32>
      %mul3A_544 = arith.mulf %get3A_542, %get3A_542 : vector<16xf32>
      %add3A_545 = arith.addf %add3A_535, %mul3A_544 : vector<16xf32>
      %get3A_546 = arith.constant 0 : i32
      %get3A_547 = arith.constant 43 : i32
      %get3A_548 = arith.index_cast %get3A_546 : i32 to index
      %get3A_549 = arith.index_cast %get3A_547 : i32 to index
      %get3A_550 = arith.constant 0 : index
      %get3A_551 = tpu.vector_load %arg7[%get3A_548, %get3A_549, %get3A_550] {strides = array<i32>} : memref<2x104x128xf32, #tpu.memory_space<vmem>>, vector<1x1x16xf32>,
      %get3A_552 = vector.shape_cast %get3A_551 : vector<1x1x16xf32> to vector<16xf32>
      %add3A_553 = arith.addf %add3A_543, %get3A_552 : vector<16xf32>
      %mul3A_554 = arith.mulf %get3A_552, %get3A_552 : vector<16xf32>
      %add3A_555 = arith.addf %add3A_545, %mul3A_554 : vector<16xf32>
      %get3A_556 = arith.constant 0 : i32
      %get3A_557 = arith.constant 44 : i32
      %get3A_558 = arith.index_cast %get3A_556 : i32 to index
      %get3A_559 = arith.index_cast %get3A_557 : i32 to index
      %get3A_560 = arith.constant 0 : index
      %get3A_561 = tpu.vector_load %arg7[%get3A_558, %get3A_559, %get3A_560] {strides = array<i32>} : memref<2x104x128xf32, #tpu.memory_space<vmem>>, vector<1x1x16xf32>,
      %get3A_562 = vector.shape_cast %get3A_561 : vector<1x1x16xf32> to vector<16xf32>
      %add3A_563 = arith.addf %add3A_553, %get3A_562 : vector<16xf32>
      %mul3A_564 = arith.mulf %get3A_562, %get3A_562 : vector<16xf32>
      %add3A_565 = arith.addf %add3A_555, %mul3A_564 : vector<16xf32>
      %get3A_566 = arith.constant 0 : i32
      %get3A_567 = arith.constant 45 : i32
      %get3A_568 = arith.index_cast %get3A_566 : i32 to index
      %get3A_569 = arith.index_cast %get3A_567 : i32 to index
      %get3A_570 = arith.constant 0 : index
      %get3A_571 = tpu.vector_load %arg7[%get3A_568, %get3A_569, %get3A_570] {strides = array<i32>} : memref<2x104x128xf32, #tpu.memory_space<vmem>>, vector<1x1x16xf32>,
      %get3A_572 = vector.shape_cast %get3A_571 : vector<1x1x16xf32> to vector<16xf32>
      %add3A_573 = arith.addf %add3A_563, %get3A_572 : vector<16xf32>
      %mul3A_574 = arith.mulf %get3A_572, %get3A_572 : vector<16xf32>
      %add3A_575 = arith.addf %add3A_565, %mul3A_574 : vector<16xf32>
      %get3A_576 = arith.constant 0 : i32
      %get3A_577 = arith.constant 46 : i32
      %get3A_578 = arith.index_cast %get3A_576 : i32 to index
      %get3A_579 = arith.index_cast %get3A_577 : i32 to index
      %get3A_580 = arith.constant 0 : index
      %get3A_581 = tpu.vector_load %arg7[%get3A_578, %get3A_579, %get3A_580] {strides = array<i32>} : memref<2x104x128xf32, #tpu.memory_space<vmem>>, vector<1x1x16xf32>,
      %get3A_582 = vector.shape_cast %get3A_581 : vector<1x1x16xf32> to vector<16xf32>
      %add3A_583 = arith.addf %add3A_573, %get3A_582 : vector<16xf32>
      %mul3A_584 = arith.mulf %get3A_582, %get3A_582 : vector<16xf32>
      %add3A_585 = arith.addf %add3A_575, %mul3A_584 : vector<16xf32>
      %get3A_586 = arith.constant 0 : i32
      %get3A_587 = arith.constant 47 : i32
      %get3A_588 = arith.index_cast %get3A_586 : i32 to index
      %get3A_589 = arith.index_cast %get3A_587 : i32 to index
      %get3A_590 = arith.constant 0 : index
      %get3A_591 = tpu.vector_load %arg7[%get3A_588, %get3A_589, %get3A_590] {strides = array<i32>} : memref<2x104x128xf32, #tpu.memory_space<vmem>>, vector<1x1x16xf32>,
      %get3A_592 = vector.shape_cast %get3A_591 : vector<1x1x16xf32> to vector<16xf32>
      %add3A_593 = arith.addf %add3A_583, %get3A_592 : vector<16xf32>
      %mul3A_594 = arith.mulf %get3A_592, %get3A_592 : vector<16xf32>
      %add3A_595 = arith.addf %add3A_585, %mul3A_594 : vector<16xf32>
      %get3A_596 = arith.constant 0 : i32
      %get3A_597 = arith.constant 48 : i32
      %get3A_598 = arith.index_cast %get3A_596 : i32 to index
      %get3A_599 = arith.index_cast %get3A_597 : i32 to index
      %get3A_600 = arith.constant 0 : index
      %get3A_601 = tpu.vector_load %arg7[%get3A_598, %get3A_599, %get3A_600] {strides = array<i32>} : memref<2x104x128xf32, #tpu.memory_space<vmem>>, vector<1x1x16xf32>,
      %get3A_602 = vector.shape_cast %get3A_601 : vector<1x1x16xf32> to vector<16xf32>
      %add3A_603 = arith.addf %add3A_593, %get3A_602 : vector<16xf32>
      %mul3A_604 = arith.mulf %get3A_602, %get3A_602 : vector<16xf32>
      %add3A_605 = arith.addf %add3A_595, %mul3A_604 : vector<16xf32>
      %get3A_606 = arith.constant 0 : i32
      %get3A_607 = arith.constant 49 : i32
      %get3A_608 = arith.index_cast %get3A_606 : i32 to index
      %get3A_609 = arith.index_cast %get3A_607 : i32 to index
      %get3A_610 = arith.constant 0 : index
      %get3A_611 = tpu.vector_load %arg7[%get3A_608, %get3A_609, %get3A_610] {strides = array<i32>} : memref<2x104x128xf32, #tpu.memory_space<vmem>>, vector<1x1x16xf32>,
      %get3A_612 = vector.shape_cast %get3A_611 : vector<1x1x16xf32> to vector<16xf32>
      %add3A_613 = arith.addf %add3A_603, %get3A_612 : vector<16xf32>
      %mul3A_614 = arith.mulf %get3A_612, %get3A_612 : vector<16xf32>
      %add3A_615 = arith.addf %add3A_605, %mul3A_614 : vector<16xf32>
      %get3A_616 = arith.constant 0 : i32
      %get3A_617 = arith.constant 50 : i32
      %get3A_618 = arith.index_cast %get3A_616 : i32 to index
      %get3A_619 = arith.index_cast %get3A_617 : i32 to index
      %get3A_620 = arith.constant 0 : index
      %get3A_621 = tpu.vector_load %arg7[%get3A_618, %get3A_619, %get3A_620] {strides = array<i32>} : memref<2x104x128xf32, #tpu.memory_space<vmem>>, vector<1x1x16xf32>,
      %get3A_622 = vector.shape_cast %get3A_621 : vector<1x1x16xf32> to vector<16xf32>
      %add3A_623 = arith.addf %add3A_613, %get3A_622 : vector<16xf32>
      %mul3A_624 = arith.mulf %get3A_622, %get3A_622 : vector<16xf32>
      %add3A_625 = arith.addf %add3A_615, %mul3A_624 : vector<16xf32>
      %get3A_626 = arith.constant 0 : i32
      %get3A_627 = arith.constant 51 : i32
      %get3A_628 = arith.index_cast %get3A_626 : i32 to index
      %get3A_629 = arith.index_cast %get3A_627 : i32 to index
      %get3A_630 = arith.constant 0 : index
      %get3A_631 = tpu.vector_load %arg7[%get3A_628, %get3A_629, %get3A_630] {strides = array<i32>} : memref<2x104x128xf32, #tpu.memory_space<vmem>>, vector<1x1x16xf32>,
      %get3A_632 = vector.shape_cast %get3A_631 : vector<1x1x16xf32> to vector<16xf32>
      %add3A_633 = arith.addf %add3A_623, %get3A_632 : vector<16xf32>
      %mul3A_634 = arith.mulf %get3A_632, %get3A_632 : vector<16xf32>
      %add3A_635 = arith.addf %add3A_625, %mul3A_634 : vector<16xf32>
      %get3A_636 = arith.constant 0 : i32
      %get3A_637 = arith.index_cast %get3A_636 : i32 to index
      %get3A_638 = arith.constant 26 : index
      %get3A_639 = tpu.vector_load %arg8[%get3A_637, %get3A_638] {strides = array<i32>} : memref<2x120xf32, #tpu.memory_space<vmem>>, vector<1x16xf32>,
      %get3A_640 = vector.shape_cast %get3A_639 : vector<1x16xf32> to vector<16xf32>
      %get3A_641 = arith.constant 0 : i32
      %get3A_642 = arith.index_cast %get3A_641 : i32 to index
      %get3A_643 = arith.constant 42 : index
      %get3A_644 = tpu.vector_load %arg8[%get3A_642, %get3A_643] {strides = array<i32>} : memref<2x120xf32, #tpu.memory_space<vmem>>, vector<1x16xf32>,
      %get3A_645 = vector.shape_cast %get3A_644 : vector<1x16xf32> to vector<16xf32>
      %jit3A_646 = arith.constant 0.000000e+00 : f32
      %broadcast_in_dim3A_647 = vector.broadcast %jit3A_646 : f32 to vector<16xf32>
      %select_n3A_648 = arith.select %lt3A_4, %get3A_645, %broadcast_in_dim3A_647 : vector<16xi1>, vector<16xf32>
      %mul3A_649 = arith.mulf %add3A_633, %add3A_633 : vector<16xf32>
      %sub3A_650 = arith.subf %mul3A_649, %add3A_635 : vector<16xf32>
      %mul3A_651 = arith.constant 5.000000e-01 : f32
      %mul3A_652 = vector.broadcast %mul3A_651 : f32 to vector<16xf32>
      %mul3A_653 = arith.mulf %mul3A_652, %sub3A_650 : vector<16xf32>
      %add3A_654 = arith.addf %mul3A_653, %get3A_640 : vector<16xf32>
      %add3A_655 = arith.addf %add3A_654, %select_n3A_648 : vector<16xf32>
      %xor3A_656 = arith.constant 8 : i32
      %xor3A_657 = vector.broadcast %xor3A_656 : i32 to vector<16xi32>
      %xor3A_658 = arith.xori %iota3A, %xor3A_657 : vector<16xi32>
      %broadcast_in_dim3A_659 = vector.shape_cast %xor3A_658 : vector<16xi32> to vector<16x1xi32>
      %gather3A_660 = vector.shape_cast %broadcast_in_dim3A_659 : vector<16x1xi32> to vector<16xi32>
      %gather3A_661 = tpu.dynamic_gather %add3A_655[%gather3A_660] in [0] : vector<16xf32>, vector<16xi32> -> vector<16xf32>
      %add3A_662 = arith.addf %add3A_655, %gather3A_661 : vector<16xf32>
      %xor3A_663 = arith.constant 4 : i32
      %xor3A_664 = vector.broadcast %xor3A_663 : i32 to vector<16xi32>
      %xor3A_665 = arith.xori %iota3A, %xor3A_664 : vector<16xi32>
      %broadcast_in_dim3A_666 = vector.shape_cast %xor3A_665 : vector<16xi32> to vector<16x1xi32>
      %gather3A_667 = vector.shape_cast %broadcast_in_dim3A_666 : vector<16x1xi32> to vector<16xi32>
      %gather3A_668 = tpu.dynamic_gather %add3A_662[%gather3A_667] in [0] : vector<16xf32>, vector<16xi32> -> vector<16xf32>
      %add3A_669 = arith.addf %add3A_662, %gather3A_668 : vector<16xf32>
      %xor3A_670 = arith.constant 2 : i32
      %xor3A_671 = vector.broadcast %xor3A_670 : i32 to vector<16xi32>
      %xor3A_672 = arith.xori %iota3A, %xor3A_671 : vector<16xi32>
      %broadcast_in_dim3A_673 = vector.shape_cast %xor3A_672 : vector<16xi32> to vector<16x1xi32>
      %gather3A_674 = vector.shape_cast %broadcast_in_dim3A_673 : vector<16x1xi32> to vector<16xi32>
      %gather3A_675 = tpu.dynamic_gather %add3A_669[%gather3A_674] in [0] : vector<16xf32>, vector<16xi32> -> vector<16xf32>
      %add3A_676 = arith.addf %add3A_669, %gather3A_675 : vector<16xf32>
      %xor3A_677 = arith.constant 1 : i32
      %xor3A_678 = vector.broadcast %xor3A_677 : i32 to vector<16xi32>
      %xor3A_679 = arith.xori %iota3A, %xor3A_678 : vector<16xi32>
      %broadcast_in_dim3A_680 = vector.shape_cast %xor3A_679 : vector<16xi32> to vector<16x1xi32>
      %gather3A_681 = vector.shape_cast %broadcast_in_dim3A_680 : vector<16x1xi32> to vector<16xi32>
      %gather3A_682 = tpu.dynamic_gather %add3A_676[%gather3A_681] in [0] : vector<16xf32>, vector<16xi32> -> vector<16xf32>
      %add3A_683 = arith.addf %add3A_676, %gather3A_682 : vector<16xf32>
      %eq3A_684 = arith.constant 1 : i32
      %eq3A_685 = vector.broadcast %eq3A_684 : i32 to vector<16xi32>
      %eq3A_686 = arith.cmpi eq, %iota3A, %eq3A_685 : vector<16xi32>
      %select_n3A_687 = arith.select %eq3A_686, %add3A_683, %select_n3A_377 : vector<16xi1>, vector<16xf32>
      %get3A_688 = arith.constant 0 : i32
      %get3A_689 = arith.constant 52 : i32
      %get3A_690 = arith.index_cast %get3A_688 : i32 to index
      %get3A_691 = arith.index_cast %get3A_689 : i32 to index
      %get3A_692 = arith.constant 0 : index
      %get3A_693 = tpu.vector_load %arg7[%get3A_690, %get3A_691, %get3A_692] {strides = array<i32>} : memref<2x104x128xf32, #tpu.memory_space<vmem>>, vector<1x1x16xf32>,
      %get3A_694 = vector.shape_cast %get3A_693 : vector<1x1x16xf32> to vector<16xf32>
      %mul3A_695 = arith.mulf %get3A_694, %get3A_694 : vector<16xf32>
      %get3A_696 = arith.constant 0 : i32
      %get3A_697 = arith.constant 53 : i32
      %get3A_698 = arith.index_cast %get3A_696 : i32 to index
      %get3A_699 = arith.index_cast %get3A_697 : i32 to index
      %get3A_700 = arith.constant 0 : index
      %get3A_701 = tpu.vector_load %arg7[%get3A_698, %get3A_699, %get3A_700] {strides = array<i32>} : memref<2x104x128xf32, #tpu.memory_space<vmem>>, vector<1x1x16xf32>,
      %get3A_702 = vector.shape_cast %get3A_701 : vector<1x1x16xf32> to vector<16xf32>
      %add3A_703 = arith.addf %get3A_694, %get3A_702 : vector<16xf32>
      %mul3A_704 = arith.mulf %get3A_702, %get3A_702 : vector<16xf32>
      %add3A_705 = arith.addf %mul3A_695, %mul3A_704 : vector<16xf32>
      %get3A_706 = arith.constant 0 : i32
      %get3A_707 = arith.constant 54 : i32
      %get3A_708 = arith.index_cast %get3A_706 : i32 to index
      %get3A_709 = arith.index_cast %get3A_707 : i32 to index
      %get3A_710 = arith.constant 0 : index
      %get3A_711 = tpu.vector_load %arg7[%get3A_708, %get3A_709, %get3A_710] {strides = array<i32>} : memref<2x104x128xf32, #tpu.memory_space<vmem>>, vector<1x1x16xf32>,
      %get3A_712 = vector.shape_cast %get3A_711 : vector<1x1x16xf32> to vector<16xf32>
      %add3A_713 = arith.addf %add3A_703, %get3A_712 : vector<16xf32>
      %mul3A_714 = arith.mulf %get3A_712, %get3A_712 : vector<16xf32>
      %add3A_715 = arith.addf %add3A_705, %mul3A_714 : vector<16xf32>
      %get3A_716 = arith.constant 0 : i32
      %get3A_717 = arith.constant 55 : i32
      %get3A_718 = arith.index_cast %get3A_716 : i32 to index
      %get3A_719 = arith.index_cast %get3A_717 : i32 to index
      %get3A_720 = arith.constant 0 : index
      %get3A_721 = tpu.vector_load %arg7[%get3A_718, %get3A_719, %get3A_720] {strides = array<i32>} : memref<2x104x128xf32, #tpu.memory_space<vmem>>, vector<1x1x16xf32>,
      %get3A_722 = vector.shape_cast %get3A_721 : vector<1x1x16xf32> to vector<16xf32>
      %add3A_723 = arith.addf %add3A_713, %get3A_722 : vector<16xf32>
      %mul3A_724 = arith.mulf %get3A_722, %get3A_722 : vector<16xf32>
      %add3A_725 = arith.addf %add3A_715, %mul3A_724 : vector<16xf32>
      %get3A_726 = arith.constant 0 : i32
      %get3A_727 = arith.constant 56 : i32
      %get3A_728 = arith.index_cast %get3A_726 : i32 to index
      %get3A_729 = arith.index_cast %get3A_727 : i32 to index
      %get3A_730 = arith.constant 0 : index
      %get3A_731 = tpu.vector_load %arg7[%get3A_728, %get3A_729, %get3A_730] {strides = array<i32>} : memref<2x104x128xf32, #tpu.memory_space<vmem>>, vector<1x1x16xf32>,
      %get3A_732 = vector.shape_cast %get3A_731 : vector<1x1x16xf32> to vector<16xf32>
      %add3A_733 = arith.addf %add3A_723, %get3A_732 : vector<16xf32>
      %mul3A_734 = arith.mulf %get3A_732, %get3A_732 : vector<16xf32>
      %add3A_735 = arith.addf %add3A_725, %mul3A_734 : vector<16xf32>
      %get3A_736 = arith.constant 0 : i32
      %get3A_737 = arith.constant 57 : i32
      %get3A_738 = arith.index_cast %get3A_736 : i32 to index
      %get3A_739 = arith.index_cast %get3A_737 : i32 to index
      %get3A_740 = arith.constant 0 : index
      %get3A_741 = tpu.vector_load %arg7[%get3A_738, %get3A_739, %get3A_740] {strides = array<i32>} : memref<2x104x128xf32, #tpu.memory_space<vmem>>, vector<1x1x16xf32>,
      %get3A_742 = vector.shape_cast %get3A_741 : vector<1x1x16xf32> to vector<16xf32>
      %add3A_743 = arith.addf %add3A_733, %get3A_742 : vector<16xf32>
      %mul3A_744 = arith.mulf %get3A_742, %get3A_742 : vector<16xf32>
      %add3A_745 = arith.addf %add3A_735, %mul3A_744 : vector<16xf32>
      %get3A_746 = arith.constant 0 : i32
      %get3A_747 = arith.constant 58 : i32
      %get3A_748 = arith.index_cast %get3A_746 : i32 to index
      %get3A_749 = arith.index_cast %get3A_747 : i32 to index
      %get3A_750 = arith.constant 0 : index
      %get3A_751 = tpu.vector_load %arg7[%get3A_748, %get3A_749, %get3A_750] {strides = array<i32>} : memref<2x104x128xf32, #tpu.memory_space<vmem>>, vector<1x1x16xf32>,
      %get3A_752 = vector.shape_cast %get3A_751 : vector<1x1x16xf32> to vector<16xf32>
      %add3A_753 = arith.addf %add3A_743, %get3A_752 : vector<16xf32>
      %mul3A_754 = arith.mulf %get3A_752, %get3A_752 : vector<16xf32>
      %add3A_755 = arith.addf %add3A_745, %mul3A_754 : vector<16xf32>
      %get3A_756 = arith.constant 0 : i32
      %get3A_757 = arith.constant 59 : i32
      %get3A_758 = arith.index_cast %get3A_756 : i32 to index
      %get3A_759 = arith.index_cast %get3A_757 : i32 to index
      %get3A_760 = arith.constant 0 : index
      %get3A_761 = tpu.vector_load %arg7[%get3A_758, %get3A_759, %get3A_760] {strides = array<i32>} : memref<2x104x128xf32, #tpu.memory_space<vmem>>, vector<1x1x16xf32>,
      %get3A_762 = vector.shape_cast %get3A_761 : vector<1x1x16xf32> to vector<16xf32>
      %add3A_763 = arith.addf %add3A_753, %get3A_762 : vector<16xf32>
      %mul3A_764 = arith.mulf %get3A_762, %get3A_762 : vector<16xf32>
      %add3A_765 = arith.addf %add3A_755, %mul3A_764 : vector<16xf32>
      %get3A_766 = arith.constant 0 : i32
      %get3A_767 = arith.constant 60 : i32
      %get3A_768 = arith.index_cast %get3A_766 : i32 to index
      %get3A_769 = arith.index_cast %get3A_767 : i32 to index
      %get3A_770 = arith.constant 0 : index
      %get3A_771 = tpu.vector_load %arg7[%get3A_768, %get3A_769, %get3A_770] {strides = array<i32>} : memref<2x104x128xf32, #tpu.memory_space<vmem>>, vector<1x1x16xf32>,
      %get3A_772 = vector.shape_cast %get3A_771 : vector<1x1x16xf32> to vector<16xf32>
      %add3A_773 = arith.addf %add3A_763, %get3A_772 : vector<16xf32>
      %mul3A_774 = arith.mulf %get3A_772, %get3A_772 : vector<16xf32>
      %add3A_775 = arith.addf %add3A_765, %mul3A_774 : vector<16xf32>
      %get3A_776 = arith.constant 0 : i32
      %get3A_777 = arith.constant 61 : i32
      %get3A_778 = arith.index_cast %get3A_776 : i32 to index
      %get3A_779 = arith.index_cast %get3A_777 : i32 to index
      %get3A_780 = arith.constant 0 : index
      %get3A_781 = tpu.vector_load %arg7[%get3A_778, %get3A_779, %get3A_780] {strides = array<i32>} : memref<2x104x128xf32, #tpu.memory_space<vmem>>, vector<1x1x16xf32>,
      %get3A_782 = vector.shape_cast %get3A_781 : vector<1x1x16xf32> to vector<16xf32>
      %add3A_783 = arith.addf %add3A_773, %get3A_782 : vector<16xf32>
      %mul3A_784 = arith.mulf %get3A_782, %get3A_782 : vector<16xf32>
      %add3A_785 = arith.addf %add3A_775, %mul3A_784 : vector<16xf32>
      %get3A_786 = arith.constant 0 : i32
      %get3A_787 = arith.constant 62 : i32
      %get3A_788 = arith.index_cast %get3A_786 : i32 to index
      %get3A_789 = arith.index_cast %get3A_787 : i32 to index
      %get3A_790 = arith.constant 0 : index
      %get3A_791 = tpu.vector_load %arg7[%get3A_788, %get3A_789, %get3A_790] {strides = array<i32>} : memref<2x104x128xf32, #tpu.memory_space<vmem>>, vector<1x1x16xf32>,
      %get3A_792 = vector.shape_cast %get3A_791 : vector<1x1x16xf32> to vector<16xf32>
      %add3A_793 = arith.addf %add3A_783, %get3A_792 : vector<16xf32>
      %mul3A_794 = arith.mulf %get3A_792, %get3A_792 : vector<16xf32>
      %add3A_795 = arith.addf %add3A_785, %mul3A_794 : vector<16xf32>
      %get3A_796 = arith.constant 0 : i32
      %get3A_797 = arith.constant 63 : i32
      %get3A_798 = arith.index_cast %get3A_796 : i32 to index
      %get3A_799 = arith.index_cast %get3A_797 : i32 to index
      %get3A_800 = arith.constant 0 : index
      %get3A_801 = tpu.vector_load %arg7[%get3A_798, %get3A_799, %get3A_800] {strides = array<i32>} : memref<2x104x128xf32, #tpu.memory_space<vmem>>, vector<1x1x16xf32>,
      %get3A_802 = vector.shape_cast %get3A_801 : vector<1x1x16xf32> to vector<16xf32>
      %add3A_803 = arith.addf %add3A_793, %get3A_802 : vector<16xf32>
      %mul3A_804 = arith.mulf %get3A_802, %get3A_802 : vector<16xf32>
      %add3A_805 = arith.addf %add3A_795, %mul3A_804 : vector<16xf32>
      %get3A_806 = arith.constant 0 : i32
      %get3A_807 = arith.constant 64 : i32
      %get3A_808 = arith.index_cast %get3A_806 : i32 to index
      %get3A_809 = arith.index_cast %get3A_807 : i32 to index
      %get3A_810 = arith.constant 0 : index
      %get3A_811 = tpu.vector_load %arg7[%get3A_808, %get3A_809, %get3A_810] {strides = array<i32>} : memref<2x104x128xf32, #tpu.memory_space<vmem>>, vector<1x1x16xf32>,
      %get3A_812 = vector.shape_cast %get3A_811 : vector<1x1x16xf32> to vector<16xf32>
      %add3A_813 = arith.addf %add3A_803, %get3A_812 : vector<16xf32>
      %mul3A_814 = arith.mulf %get3A_812, %get3A_812 : vector<16xf32>
      %add3A_815 = arith.addf %add3A_805, %mul3A_814 : vector<16xf32>
      %get3A_816 = arith.constant 0 : i32
      %get3A_817 = arith.constant 65 : i32
      %get3A_818 = arith.index_cast %get3A_816 : i32 to index
      %get3A_819 = arith.index_cast %get3A_817 : i32 to index
      %get3A_820 = arith.constant 0 : index
      %get3A_821 = tpu.vector_load %arg7[%get3A_818, %get3A_819, %get3A_820] {strides = array<i32>} : memref<2x104x128xf32, #tpu.memory_space<vmem>>, vector<1x1x16xf32>,
      %get3A_822 = vector.shape_cast %get3A_821 : vector<1x1x16xf32> to vector<16xf32>
      %add3A_823 = arith.addf %add3A_813, %get3A_822 : vector<16xf32>
      %mul3A_824 = arith.mulf %get3A_822, %get3A_822 : vector<16xf32>
      %add3A_825 = arith.addf %add3A_815, %mul3A_824 : vector<16xf32>
      %get3A_826 = arith.constant 0 : i32
      %get3A_827 = arith.constant 66 : i32
      %get3A_828 = arith.index_cast %get3A_826 : i32 to index
      %get3A_829 = arith.index_cast %get3A_827 : i32 to index
      %get3A_830 = arith.constant 0 : index
      %get3A_831 = tpu.vector_load %arg7[%get3A_828, %get3A_829, %get3A_830] {strides = array<i32>} : memref<2x104x128xf32, #tpu.memory_space<vmem>>, vector<1x1x16xf32>,
      %get3A_832 = vector.shape_cast %get3A_831 : vector<1x1x16xf32> to vector<16xf32>
      %add3A_833 = arith.addf %add3A_823, %get3A_832 : vector<16xf32>
      %mul3A_834 = arith.mulf %get3A_832, %get3A_832 : vector<16xf32>
      %add3A_835 = arith.addf %add3A_825, %mul3A_834 : vector<16xf32>
      %get3A_836 = arith.constant 0 : i32
      %get3A_837 = arith.constant 67 : i32
      %get3A_838 = arith.index_cast %get3A_836 : i32 to index
      %get3A_839 = arith.index_cast %get3A_837 : i32 to index
      %get3A_840 = arith.constant 0 : index
      %get3A_841 = tpu.vector_load %arg7[%get3A_838, %get3A_839, %get3A_840] {strides = array<i32>} : memref<2x104x128xf32, #tpu.memory_space<vmem>>, vector<1x1x16xf32>,
      %get3A_842 = vector.shape_cast %get3A_841 : vector<1x1x16xf32> to vector<16xf32>
      %add3A_843 = arith.addf %add3A_833, %get3A_842 : vector<16xf32>
      %mul3A_844 = arith.mulf %get3A_842, %get3A_842 : vector<16xf32>
      %add3A_845 = arith.addf %add3A_835, %mul3A_844 : vector<16xf32>
      %get3A_846 = arith.constant 0 : i32
      %get3A_847 = arith.constant 68 : i32
      %get3A_848 = arith.index_cast %get3A_846 : i32 to index
      %get3A_849 = arith.index_cast %get3A_847 : i32 to index
      %get3A_850 = arith.constant 0 : index
      %get3A_851 = tpu.vector_load %arg7[%get3A_848, %get3A_849, %get3A_850] {strides = array<i32>} : memref<2x104x128xf32, #tpu.memory_space<vmem>>, vector<1x1x16xf32>,
      %get3A_852 = vector.shape_cast %get3A_851 : vector<1x1x16xf32> to vector<16xf32>
      %add3A_853 = arith.addf %add3A_843, %get3A_852 : vector<16xf32>
      %mul3A_854 = arith.mulf %get3A_852, %get3A_852 : vector<16xf32>
      %add3A_855 = arith.addf %add3A_845, %mul3A_854 : vector<16xf32>
      %get3A_856 = arith.constant 0 : i32
      %get3A_857 = arith.constant 69 : i32
      %get3A_858 = arith.index_cast %get3A_856 : i32 to index
      %get3A_859 = arith.index_cast %get3A_857 : i32 to index
      %get3A_860 = arith.constant 0 : index
      %get3A_861 = tpu.vector_load %arg7[%get3A_858, %get3A_859, %get3A_860] {strides = array<i32>} : memref<2x104x128xf32, #tpu.memory_space<vmem>>, vector<1x1x16xf32>,
      %get3A_862 = vector.shape_cast %get3A_861 : vector<1x1x16xf32> to vector<16xf32>
      %add3A_863 = arith.addf %add3A_853, %get3A_862 : vector<16xf32>
      %mul3A_864 = arith.mulf %get3A_862, %get3A_862 : vector<16xf32>
      %add3A_865 = arith.addf %add3A_855, %mul3A_864 : vector<16xf32>
      %get3A_866 = arith.constant 0 : i32
      %get3A_867 = arith.constant 70 : i32
      %get3A_868 = arith.index_cast %get3A_866 : i32 to index
      %get3A_869 = arith.index_cast %get3A_867 : i32 to index
      %get3A_870 = arith.constant 0 : index
      %get3A_871 = tpu.vector_load %arg7[%get3A_868, %get3A_869, %get3A_870] {strides = array<i32>} : memref<2x104x128xf32, #tpu.memory_space<vmem>>, vector<1x1x16xf32>,
      %get3A_872 = vector.shape_cast %get3A_871 : vector<1x1x16xf32> to vector<16xf32>
      %add3A_873 = arith.addf %add3A_863, %get3A_872 : vector<16xf32>
      %mul3A_874 = arith.mulf %get3A_872, %get3A_872 : vector<16xf32>
      %add3A_875 = arith.addf %add3A_865, %mul3A_874 : vector<16xf32>
      %get3A_876 = arith.constant 0 : i32
      %get3A_877 = arith.constant 71 : i32
      %get3A_878 = arith.index_cast %get3A_876 : i32 to index
      %get3A_879 = arith.index_cast %get3A_877 : i32 to index
      %get3A_880 = arith.constant 0 : index
      %get3A_881 = tpu.vector_load %arg7[%get3A_878, %get3A_879, %get3A_880] {strides = array<i32>} : memref<2x104x128xf32, #tpu.memory_space<vmem>>, vector<1x1x16xf32>,
      %get3A_882 = vector.shape_cast %get3A_881 : vector<1x1x16xf32> to vector<16xf32>
      %add3A_883 = arith.addf %add3A_873, %get3A_882 : vector<16xf32>
      %mul3A_884 = arith.mulf %get3A_882, %get3A_882 : vector<16xf32>
      %add3A_885 = arith.addf %add3A_875, %mul3A_884 : vector<16xf32>
      %get3A_886 = arith.constant 0 : i32
      %get3A_887 = arith.constant 72 : i32
      %get3A_888 = arith.index_cast %get3A_886 : i32 to index
      %get3A_889 = arith.index_cast %get3A_887 : i32 to index
      %get3A_890 = arith.constant 0 : index
      %get3A_891 = tpu.vector_load %arg7[%get3A_888, %get3A_889, %get3A_890] {strides = array<i32>} : memref<2x104x128xf32, #tpu.memory_space<vmem>>, vector<1x1x16xf32>,
      %get3A_892 = vector.shape_cast %get3A_891 : vector<1x1x16xf32> to vector<16xf32>
      %add3A_893 = arith.addf %add3A_883, %get3A_892 : vector<16xf32>
      %mul3A_894 = arith.mulf %get3A_892, %get3A_892 : vector<16xf32>
      %add3A_895 = arith.addf %add3A_885, %mul3A_894 : vector<16xf32>
      %get3A_896 = arith.constant 0 : i32
      %get3A_897 = arith.constant 73 : i32
      %get3A_898 = arith.index_cast %get3A_896 : i32 to index
      %get3A_899 = arith.index_cast %get3A_897 : i32 to index
      %get3A_900 = arith.constant 0 : index
      %get3A_901 = tpu.vector_load %arg7[%get3A_898, %get3A_899, %get3A_900] {strides = array<i32>} : memref<2x104x128xf32, #tpu.memory_space<vmem>>, vector<1x1x16xf32>,
      %get3A_902 = vector.shape_cast %get3A_901 : vector<1x1x16xf32> to vector<16xf32>
      %add3A_903 = arith.addf %add3A_893, %get3A_902 : vector<16xf32>
      %mul3A_904 = arith.mulf %get3A_902, %get3A_902 : vector<16xf32>
      %add3A_905 = arith.addf %add3A_895, %mul3A_904 : vector<16xf32>
      %get3A_906 = arith.constant 0 : i32
      %get3A_907 = arith.constant 74 : i32
      %get3A_908 = arith.index_cast %get3A_906 : i32 to index
      %get3A_909 = arith.index_cast %get3A_907 : i32 to index
      %get3A_910 = arith.constant 0 : index
      %get3A_911 = tpu.vector_load %arg7[%get3A_908, %get3A_909, %get3A_910] {strides = array<i32>} : memref<2x104x128xf32, #tpu.memory_space<vmem>>, vector<1x1x16xf32>,
      %get3A_912 = vector.shape_cast %get3A_911 : vector<1x1x16xf32> to vector<16xf32>
      %add3A_913 = arith.addf %add3A_903, %get3A_912 : vector<16xf32>
      %mul3A_914 = arith.mulf %get3A_912, %get3A_912 : vector<16xf32>
      %add3A_915 = arith.addf %add3A_905, %mul3A_914 : vector<16xf32>
      %get3A_916 = arith.constant 0 : i32
      %get3A_917 = arith.constant 75 : i32
      %get3A_918 = arith.index_cast %get3A_916 : i32 to index
      %get3A_919 = arith.index_cast %get3A_917 : i32 to index
      %get3A_920 = arith.constant 0 : index
      %get3A_921 = tpu.vector_load %arg7[%get3A_918, %get3A_919, %get3A_920] {strides = array<i32>} : memref<2x104x128xf32, #tpu.memory_space<vmem>>, vector<1x1x16xf32>,
      %get3A_922 = vector.shape_cast %get3A_921 : vector<1x1x16xf32> to vector<16xf32>
      %add3A_923 = arith.addf %add3A_913, %get3A_922 : vector<16xf32>
      %mul3A_924 = arith.mulf %get3A_922, %get3A_922 : vector<16xf32>
      %add3A_925 = arith.addf %add3A_915, %mul3A_924 : vector<16xf32>
      %get3A_926 = arith.constant 0 : i32
      %get3A_927 = arith.constant 76 : i32
      %get3A_928 = arith.index_cast %get3A_926 : i32 to index
      %get3A_929 = arith.index_cast %get3A_927 : i32 to index
      %get3A_930 = arith.constant 0 : index
      %get3A_931 = tpu.vector_load %arg7[%get3A_928, %get3A_929, %get3A_930] {strides = array<i32>} : memref<2x104x128xf32, #tpu.memory_space<vmem>>, vector<1x1x16xf32>,
      %get3A_932 = vector.shape_cast %get3A_931 : vector<1x1x16xf32> to vector<16xf32>
      %add3A_933 = arith.addf %add3A_923, %get3A_932 : vector<16xf32>
      %mul3A_934 = arith.mulf %get3A_932, %get3A_932 : vector<16xf32>
      %add3A_935 = arith.addf %add3A_925, %mul3A_934 : vector<16xf32>
      %get3A_936 = arith.constant 0 : i32
      %get3A_937 = arith.constant 77 : i32
      %get3A_938 = arith.index_cast %get3A_936 : i32 to index
      %get3A_939 = arith.index_cast %get3A_937 : i32 to index
      %get3A_940 = arith.constant 0 : index
      %get3A_941 = tpu.vector_load %arg7[%get3A_938, %get3A_939, %get3A_940] {strides = array<i32>} : memref<2x104x128xf32, #tpu.memory_space<vmem>>, vector<1x1x16xf32>,
      %get3A_942 = vector.shape_cast %get3A_941 : vector<1x1x16xf32> to vector<16xf32>
      %add3A_943 = arith.addf %add3A_933, %get3A_942 : vector<16xf32>
      %mul3A_944 = arith.mulf %get3A_942, %get3A_942 : vector<16xf32>
      %add3A_945 = arith.addf %add3A_935, %mul3A_944 : vector<16xf32>
      %get3A_946 = arith.constant 0 : i32
      %get3A_947 = arith.index_cast %get3A_946 : i32 to index
      %get3A_948 = arith.constant 52 : index
      %get3A_949 = tpu.vector_load %arg8[%get3A_947, %get3A_948] {strides = array<i32>} : memref<2x120xf32, #tpu.memory_space<vmem>>, vector<1x16xf32>,
      %get3A_950 = vector.shape_cast %get3A_949 : vector<1x16xf32> to vector<16xf32>
      %get3A_951 = arith.constant 0 : i32
      %get3A_952 = arith.index_cast %get3A_951 : i32 to index
      %get3A_953 = arith.constant 68 : index
      %get3A_954 = tpu.vector_load %arg8[%get3A_952, %get3A_953] {strides = array<i32>} : memref<2x120xf32, #tpu.memory_space<vmem>>, vector<1x16xf32>,
      %get3A_955 = vector.shape_cast %get3A_954 : vector<1x16xf32> to vector<16xf32>
      %jit3A_956 = arith.constant 0.000000e+00 : f32
      %broadcast_in_dim3A_957 = vector.broadcast %jit3A_956 : f32 to vector<16xf32>
      %select_n3A_958 = arith.select %lt3A_4, %get3A_955, %broadcast_in_dim3A_957 : vector<16xi1>, vector<16xf32>
      %mul3A_959 = arith.mulf %add3A_943, %add3A_943 : vector<16xf32>
      %sub3A_960 = arith.subf %mul3A_959, %add3A_945 : vector<16xf32>
      %mul3A_961 = arith.constant 5.000000e-01 : f32
      %mul3A_962 = vector.broadcast %mul3A_961 : f32 to vector<16xf32>
      %mul3A_963 = arith.mulf %mul3A_962, %sub3A_960 : vector<16xf32>
      %add3A_964 = arith.addf %mul3A_963, %get3A_950 : vector<16xf32>
      %add3A_965 = arith.addf %add3A_964, %select_n3A_958 : vector<16xf32>
      %xor3A_966 = arith.constant 8 : i32
      %xor3A_967 = vector.broadcast %xor3A_966 : i32 to vector<16xi32>
      %xor3A_968 = arith.xori %iota3A, %xor3A_967 : vector<16xi32>
      %broadcast_in_dim3A_969 = vector.shape_cast %xor3A_968 : vector<16xi32> to vector<16x1xi32>
      %gather3A_970 = vector.shape_cast %broadcast_in_dim3A_969 : vector<16x1xi32> to vector<16xi32>
      %gather3A_971 = tpu.dynamic_gather %add3A_965[%gather3A_970] in [0] : vector<16xf32>, vector<16xi32> -> vector<16xf32>
      %add3A_972 = arith.addf %add3A_965, %gather3A_971 : vector<16xf32>
      %xor3A_973 = arith.constant 4 : i32
      %xor3A_974 = vector.broadcast %xor3A_973 : i32 to vector<16xi32>
      %xor3A_975 = arith.xori %iota3A, %xor3A_974 : vector<16xi32>
      %broadcast_in_dim3A_976 = vector.shape_cast %xor3A_975 : vector<16xi32> to vector<16x1xi32>
      %gather3A_977 = vector.shape_cast %broadcast_in_dim3A_976 : vector<16x1xi32> to vector<16xi32>
      %gather3A_978 = tpu.dynamic_gather %add3A_972[%gather3A_977] in [0] : vector<16xf32>, vector<16xi32> -> vector<16xf32>
      %add3A_979 = arith.addf %add3A_972, %gather3A_978 : vector<16xf32>
      %xor3A_980 = arith.constant 2 : i32
      %xor3A_981 = vector.broadcast %xor3A_980 : i32 to vector<16xi32>
      %xor3A_982 = arith.xori %iota3A, %xor3A_981 : vector<16xi32>
      %broadcast_in_dim3A_983 = vector.shape_cast %xor3A_982 : vector<16xi32> to vector<16x1xi32>
      %gather3A_984 = vector.shape_cast %broadcast_in_dim3A_983 : vector<16x1xi32> to vector<16xi32>
      %gather3A_985 = tpu.dynamic_gather %add3A_979[%gather3A_984] in [0] : vector<16xf32>, vector<16xi32> -> vector<16xf32>
      %add3A_986 = arith.addf %add3A_979, %gather3A_985 : vector<16xf32>
      %xor3A_987 = arith.constant 1 : i32
      %xor3A_988 = vector.broadcast %xor3A_987 : i32 to vector<16xi32>
      %xor3A_989 = arith.xori %iota3A, %xor3A_988 : vector<16xi32>
      %broadcast_in_dim3A_990 = vector.shape_cast %xor3A_989 : vector<16xi32> to vector<16x1xi32>
      %gather3A_991 = vector.shape_cast %broadcast_in_dim3A_990 : vector<16x1xi32> to vector<16xi32>
      %gather3A_992 = tpu.dynamic_gather %add3A_986[%gather3A_991] in [0] : vector<16xf32>, vector<16xi32> -> vector<16xf32>
      %add3A_993 = arith.addf %add3A_986, %gather3A_992 : vector<16xf32>
      %eq3A_994 = arith.constant 2 : i32
      %eq3A_995 = vector.broadcast %eq3A_994 : i32 to vector<16xi32>
      %eq3A_996 = arith.cmpi eq, %iota3A, %eq3A_995 : vector<16xi32>
      %select_n3A_997 = arith.select %eq3A_996, %add3A_993, %select_n3A_687 : vector<16xi1>, vector<16xf32>
      %get3A_998 = arith.constant 0 : i32
      %get3A_999 = arith.constant 78 : i32
      %get3A_1000 = arith.index_cast %get3A_998 : i32 to index
      %get3A_1001 = arith.index_cast %get3A_999 : i32 to index
      %get3A_1002 = arith.constant 0 : index
      %get3A_1003 = tpu.vector_load %arg7[%get3A_1000, %get3A_1001, %get3A_1002] {strides = array<i32>} : memref<2x104x128xf32, #tpu.memory_space<vmem>>, vector<1x1x16xf32>,
      %get3A_1004 = vector.shape_cast %get3A_1003 : vector<1x1x16xf32> to vector<16xf32>
      %mul3A_1005 = arith.mulf %get3A_1004, %get3A_1004 : vector<16xf32>
      %get3A_1006 = arith.constant 0 : i32
      %get3A_1007 = arith.constant 79 : i32
      %get3A_1008 = arith.index_cast %get3A_1006 : i32 to index
      %get3A_1009 = arith.index_cast %get3A_1007 : i32 to index
      %get3A_1010 = arith.constant 0 : index
      %get3A_1011 = tpu.vector_load %arg7[%get3A_1008, %get3A_1009, %get3A_1010] {strides = array<i32>} : memref<2x104x128xf32, #tpu.memory_space<vmem>>, vector<1x1x16xf32>,
      %get3A_1012 = vector.shape_cast %get3A_1011 : vector<1x1x16xf32> to vector<16xf32>
      %add3A_1013 = arith.addf %get3A_1004, %get3A_1012 : vector<16xf32>
      %mul3A_1014 = arith.mulf %get3A_1012, %get3A_1012 : vector<16xf32>
      %add3A_1015 = arith.addf %mul3A_1005, %mul3A_1014 : vector<16xf32>
      %get3A_1016 = arith.constant 0 : i32
      %get3A_1017 = arith.constant 80 : i32
      %get3A_1018 = arith.index_cast %get3A_1016 : i32 to index
      %get3A_1019 = arith.index_cast %get3A_1017 : i32 to index
      %get3A_1020 = arith.constant 0 : index
      %get3A_1021 = tpu.vector_load %arg7[%get3A_1018, %get3A_1019, %get3A_1020] {strides = array<i32>} : memref<2x104x128xf32, #tpu.memory_space<vmem>>, vector<1x1x16xf32>,
      %get3A_1022 = vector.shape_cast %get3A_1021 : vector<1x1x16xf32> to vector<16xf32>
      %add3A_1023 = arith.addf %add3A_1013, %get3A_1022 : vector<16xf32>
      %mul3A_1024 = arith.mulf %get3A_1022, %get3A_1022 : vector<16xf32>
      %add3A_1025 = arith.addf %add3A_1015, %mul3A_1024 : vector<16xf32>
      %get3A_1026 = arith.constant 0 : i32
      %get3A_1027 = arith.constant 81 : i32
      %get3A_1028 = arith.index_cast %get3A_1026 : i32 to index
      %get3A_1029 = arith.index_cast %get3A_1027 : i32 to index
      %get3A_1030 = arith.constant 0 : index
      %get3A_1031 = tpu.vector_load %arg7[%get3A_1028, %get3A_1029, %get3A_1030] {strides = array<i32>} : memref<2x104x128xf32, #tpu.memory_space<vmem>>, vector<1x1x16xf32>,
      %get3A_1032 = vector.shape_cast %get3A_1031 : vector<1x1x16xf32> to vector<16xf32>
      %add3A_1033 = arith.addf %add3A_1023, %get3A_1032 : vector<16xf32>
      %mul3A_1034 = arith.mulf %get3A_1032, %get3A_1032 : vector<16xf32>
      %add3A_1035 = arith.addf %add3A_1025, %mul3A_1034 : vector<16xf32>
      %get3A_1036 = arith.constant 0 : i32
      %get3A_1037 = arith.constant 82 : i32
      %get3A_1038 = arith.index_cast %get3A_1036 : i32 to index
      %get3A_1039 = arith.index_cast %get3A_1037 : i32 to index
      %get3A_1040 = arith.constant 0 : index
      %get3A_1041 = tpu.vector_load %arg7[%get3A_1038, %get3A_1039, %get3A_1040] {strides = array<i32>} : memref<2x104x128xf32, #tpu.memory_space<vmem>>, vector<1x1x16xf32>,
      %get3A_1042 = vector.shape_cast %get3A_1041 : vector<1x1x16xf32> to vector<16xf32>
      %add3A_1043 = arith.addf %add3A_1033, %get3A_1042 : vector<16xf32>
      %mul3A_1044 = arith.mulf %get3A_1042, %get3A_1042 : vector<16xf32>
      %add3A_1045 = arith.addf %add3A_1035, %mul3A_1044 : vector<16xf32>
      %get3A_1046 = arith.constant 0 : i32
      %get3A_1047 = arith.constant 83 : i32
      %get3A_1048 = arith.index_cast %get3A_1046 : i32 to index
      %get3A_1049 = arith.index_cast %get3A_1047 : i32 to index
      %get3A_1050 = arith.constant 0 : index
      %get3A_1051 = tpu.vector_load %arg7[%get3A_1048, %get3A_1049, %get3A_1050] {strides = array<i32>} : memref<2x104x128xf32, #tpu.memory_space<vmem>>, vector<1x1x16xf32>,
      %get3A_1052 = vector.shape_cast %get3A_1051 : vector<1x1x16xf32> to vector<16xf32>
      %add3A_1053 = arith.addf %add3A_1043, %get3A_1052 : vector<16xf32>
      %mul3A_1054 = arith.mulf %get3A_1052, %get3A_1052 : vector<16xf32>
      %add3A_1055 = arith.addf %add3A_1045, %mul3A_1054 : vector<16xf32>
      %get3A_1056 = arith.constant 0 : i32
      %get3A_1057 = arith.constant 84 : i32
      %get3A_1058 = arith.index_cast %get3A_1056 : i32 to index
      %get3A_1059 = arith.index_cast %get3A_1057 : i32 to index
      %get3A_1060 = arith.constant 0 : index
      %get3A_1061 = tpu.vector_load %arg7[%get3A_1058, %get3A_1059, %get3A_1060] {strides = array<i32>} : memref<2x104x128xf32, #tpu.memory_space<vmem>>, vector<1x1x16xf32>,
      %get3A_1062 = vector.shape_cast %get3A_1061 : vector<1x1x16xf32> to vector<16xf32>
      %add3A_1063 = arith.addf %add3A_1053, %get3A_1062 : vector<16xf32>
      %mul3A_1064 = arith.mulf %get3A_1062, %get3A_1062 : vector<16xf32>
      %add3A_1065 = arith.addf %add3A_1055, %mul3A_1064 : vector<16xf32>
      %get3A_1066 = arith.constant 0 : i32
      %get3A_1067 = arith.constant 85 : i32
      %get3A_1068 = arith.index_cast %get3A_1066 : i32 to index
      %get3A_1069 = arith.index_cast %get3A_1067 : i32 to index
      %get3A_1070 = arith.constant 0 : index
      %get3A_1071 = tpu.vector_load %arg7[%get3A_1068, %get3A_1069, %get3A_1070] {strides = array<i32>} : memref<2x104x128xf32, #tpu.memory_space<vmem>>, vector<1x1x16xf32>,
      %get3A_1072 = vector.shape_cast %get3A_1071 : vector<1x1x16xf32> to vector<16xf32>
      %add3A_1073 = arith.addf %add3A_1063, %get3A_1072 : vector<16xf32>
      %mul3A_1074 = arith.mulf %get3A_1072, %get3A_1072 : vector<16xf32>
      %add3A_1075 = arith.addf %add3A_1065, %mul3A_1074 : vector<16xf32>
      %get3A_1076 = arith.constant 0 : i32
      %get3A_1077 = arith.constant 86 : i32
      %get3A_1078 = arith.index_cast %get3A_1076 : i32 to index
      %get3A_1079 = arith.index_cast %get3A_1077 : i32 to index
      %get3A_1080 = arith.constant 0 : index
      %get3A_1081 = tpu.vector_load %arg7[%get3A_1078, %get3A_1079, %get3A_1080] {strides = array<i32>} : memref<2x104x128xf32, #tpu.memory_space<vmem>>, vector<1x1x16xf32>,
      %get3A_1082 = vector.shape_cast %get3A_1081 : vector<1x1x16xf32> to vector<16xf32>
      %add3A_1083 = arith.addf %add3A_1073, %get3A_1082 : vector<16xf32>
      %mul3A_1084 = arith.mulf %get3A_1082, %get3A_1082 : vector<16xf32>
      %add3A_1085 = arith.addf %add3A_1075, %mul3A_1084 : vector<16xf32>
      %get3A_1086 = arith.constant 0 : i32
      %get3A_1087 = arith.constant 87 : i32
      %get3A_1088 = arith.index_cast %get3A_1086 : i32 to index
      %get3A_1089 = arith.index_cast %get3A_1087 : i32 to index
      %get3A_1090 = arith.constant 0 : index
      %get3A_1091 = tpu.vector_load %arg7[%get3A_1088, %get3A_1089, %get3A_1090] {strides = array<i32>} : memref<2x104x128xf32, #tpu.memory_space<vmem>>, vector<1x1x16xf32>,
      %get3A_1092 = vector.shape_cast %get3A_1091 : vector<1x1x16xf32> to vector<16xf32>
      %add3A_1093 = arith.addf %add3A_1083, %get3A_1092 : vector<16xf32>
      %mul3A_1094 = arith.mulf %get3A_1092, %get3A_1092 : vector<16xf32>
      %add3A_1095 = arith.addf %add3A_1085, %mul3A_1094 : vector<16xf32>
      %get3A_1096 = arith.constant 0 : i32
      %get3A_1097 = arith.constant 88 : i32
      %get3A_1098 = arith.index_cast %get3A_1096 : i32 to index
      %get3A_1099 = arith.index_cast %get3A_1097 : i32 to index
      %get3A_1100 = arith.constant 0 : index
      %get3A_1101 = tpu.vector_load %arg7[%get3A_1098, %get3A_1099, %get3A_1100] {strides = array<i32>} : memref<2x104x128xf32, #tpu.memory_space<vmem>>, vector<1x1x16xf32>,
      %get3A_1102 = vector.shape_cast %get3A_1101 : vector<1x1x16xf32> to vector<16xf32>
      %add3A_1103 = arith.addf %add3A_1093, %get3A_1102 : vector<16xf32>
      %mul3A_1104 = arith.mulf %get3A_1102, %get3A_1102 : vector<16xf32>
      %add3A_1105 = arith.addf %add3A_1095, %mul3A_1104 : vector<16xf32>
      %get3A_1106 = arith.constant 0 : i32
      %get3A_1107 = arith.constant 89 : i32
      %get3A_1108 = arith.index_cast %get3A_1106 : i32 to index
      %get3A_1109 = arith.index_cast %get3A_1107 : i32 to index
      %get3A_1110 = arith.constant 0 : index
      %get3A_1111 = tpu.vector_load %arg7[%get3A_1108, %get3A_1109, %get3A_1110] {strides = array<i32>} : memref<2x104x128xf32, #tpu.memory_space<vmem>>, vector<1x1x16xf32>,
      %get3A_1112 = vector.shape_cast %get3A_1111 : vector<1x1x16xf32> to vector<16xf32>
      %add3A_1113 = arith.addf %add3A_1103, %get3A_1112 : vector<16xf32>
      %mul3A_1114 = arith.mulf %get3A_1112, %get3A_1112 : vector<16xf32>
      %add3A_1115 = arith.addf %add3A_1105, %mul3A_1114 : vector<16xf32>
      %get3A_1116 = arith.constant 0 : i32
      %get3A_1117 = arith.constant 90 : i32
      %get3A_1118 = arith.index_cast %get3A_1116 : i32 to index
      %get3A_1119 = arith.index_cast %get3A_1117 : i32 to index
      %get3A_1120 = arith.constant 0 : index
      %get3A_1121 = tpu.vector_load %arg7[%get3A_1118, %get3A_1119, %get3A_1120] {strides = array<i32>} : memref<2x104x128xf32, #tpu.memory_space<vmem>>, vector<1x1x16xf32>,
      %get3A_1122 = vector.shape_cast %get3A_1121 : vector<1x1x16xf32> to vector<16xf32>
      %add3A_1123 = arith.addf %add3A_1113, %get3A_1122 : vector<16xf32>
      %mul3A_1124 = arith.mulf %get3A_1122, %get3A_1122 : vector<16xf32>
      %add3A_1125 = arith.addf %add3A_1115, %mul3A_1124 : vector<16xf32>
      %get3A_1126 = arith.constant 0 : i32
      %get3A_1127 = arith.constant 91 : i32
      %get3A_1128 = arith.index_cast %get3A_1126 : i32 to index
      %get3A_1129 = arith.index_cast %get3A_1127 : i32 to index
      %get3A_1130 = arith.constant 0 : index
      %get3A_1131 = tpu.vector_load %arg7[%get3A_1128, %get3A_1129, %get3A_1130] {strides = array<i32>} : memref<2x104x128xf32, #tpu.memory_space<vmem>>, vector<1x1x16xf32>,
      %get3A_1132 = vector.shape_cast %get3A_1131 : vector<1x1x16xf32> to vector<16xf32>
      %add3A_1133 = arith.addf %add3A_1123, %get3A_1132 : vector<16xf32>
      %mul3A_1134 = arith.mulf %get3A_1132, %get3A_1132 : vector<16xf32>
      %add3A_1135 = arith.addf %add3A_1125, %mul3A_1134 : vector<16xf32>
      %get3A_1136 = arith.constant 0 : i32
      %get3A_1137 = arith.constant 92 : i32
      %get3A_1138 = arith.index_cast %get3A_1136 : i32 to index
      %get3A_1139 = arith.index_cast %get3A_1137 : i32 to index
      %get3A_1140 = arith.constant 0 : index
      %get3A_1141 = tpu.vector_load %arg7[%get3A_1138, %get3A_1139, %get3A_1140] {strides = array<i32>} : memref<2x104x128xf32, #tpu.memory_space<vmem>>, vector<1x1x16xf32>,
      %get3A_1142 = vector.shape_cast %get3A_1141 : vector<1x1x16xf32> to vector<16xf32>
      %add3A_1143 = arith.addf %add3A_1133, %get3A_1142 : vector<16xf32>
      %mul3A_1144 = arith.mulf %get3A_1142, %get3A_1142 : vector<16xf32>
      %add3A_1145 = arith.addf %add3A_1135, %mul3A_1144 : vector<16xf32>
      %get3A_1146 = arith.constant 0 : i32
      %get3A_1147 = arith.constant 93 : i32
      %get3A_1148 = arith.index_cast %get3A_1146 : i32 to index
      %get3A_1149 = arith.index_cast %get3A_1147 : i32 to index
      %get3A_1150 = arith.constant 0 : index
      %get3A_1151 = tpu.vector_load %arg7[%get3A_1148, %get3A_1149, %get3A_1150] {strides = array<i32>} : memref<2x104x128xf32, #tpu.memory_space<vmem>>, vector<1x1x16xf32>,
      %get3A_1152 = vector.shape_cast %get3A_1151 : vector<1x1x16xf32> to vector<16xf32>
      %add3A_1153 = arith.addf %add3A_1143, %get3A_1152 : vector<16xf32>
      %mul3A_1154 = arith.mulf %get3A_1152, %get3A_1152 : vector<16xf32>
      %add3A_1155 = arith.addf %add3A_1145, %mul3A_1154 : vector<16xf32>
      %get3A_1156 = arith.constant 0 : i32
      %get3A_1157 = arith.constant 94 : i32
      %get3A_1158 = arith.index_cast %get3A_1156 : i32 to index
      %get3A_1159 = arith.index_cast %get3A_1157 : i32 to index
      %get3A_1160 = arith.constant 0 : index
      %get3A_1161 = tpu.vector_load %arg7[%get3A_1158, %get3A_1159, %get3A_1160] {strides = array<i32>} : memref<2x104x128xf32, #tpu.memory_space<vmem>>, vector<1x1x16xf32>,
      %get3A_1162 = vector.shape_cast %get3A_1161 : vector<1x1x16xf32> to vector<16xf32>
      %add3A_1163 = arith.addf %add3A_1153, %get3A_1162 : vector<16xf32>
      %mul3A_1164 = arith.mulf %get3A_1162, %get3A_1162 : vector<16xf32>
      %add3A_1165 = arith.addf %add3A_1155, %mul3A_1164 : vector<16xf32>
      %get3A_1166 = arith.constant 0 : i32
      %get3A_1167 = arith.constant 95 : i32
      %get3A_1168 = arith.index_cast %get3A_1166 : i32 to index
      %get3A_1169 = arith.index_cast %get3A_1167 : i32 to index
      %get3A_1170 = arith.constant 0 : index
      %get3A_1171 = tpu.vector_load %arg7[%get3A_1168, %get3A_1169, %get3A_1170] {strides = array<i32>} : memref<2x104x128xf32, #tpu.memory_space<vmem>>, vector<1x1x16xf32>,
      %get3A_1172 = vector.shape_cast %get3A_1171 : vector<1x1x16xf32> to vector<16xf32>
      %add3A_1173 = arith.addf %add3A_1163, %get3A_1172 : vector<16xf32>
      %mul3A_1174 = arith.mulf %get3A_1172, %get3A_1172 : vector<16xf32>
      %add3A_1175 = arith.addf %add3A_1165, %mul3A_1174 : vector<16xf32>
      %get3A_1176 = arith.constant 0 : i32
      %get3A_1177 = arith.constant 96 : i32
      %get3A_1178 = arith.index_cast %get3A_1176 : i32 to index
      %get3A_1179 = arith.index_cast %get3A_1177 : i32 to index
      %get3A_1180 = arith.constant 0 : index
      %get3A_1181 = tpu.vector_load %arg7[%get3A_1178, %get3A_1179, %get3A_1180] {strides = array<i32>} : memref<2x104x128xf32, #tpu.memory_space<vmem>>, vector<1x1x16xf32>,
      %get3A_1182 = vector.shape_cast %get3A_1181 : vector<1x1x16xf32> to vector<16xf32>
      %add3A_1183 = arith.addf %add3A_1173, %get3A_1182 : vector<16xf32>
      %mul3A_1184 = arith.mulf %get3A_1182, %get3A_1182 : vector<16xf32>
      %add3A_1185 = arith.addf %add3A_1175, %mul3A_1184 : vector<16xf32>
      %get3A_1186 = arith.constant 0 : i32
      %get3A_1187 = arith.constant 97 : i32
      %get3A_1188 = arith.index_cast %get3A_1186 : i32 to index
      %get3A_1189 = arith.index_cast %get3A_1187 : i32 to index
      %get3A_1190 = arith.constant 0 : index
      %get3A_1191 = tpu.vector_load %arg7[%get3A_1188, %get3A_1189, %get3A_1190] {strides = array<i32>} : memref<2x104x128xf32, #tpu.memory_space<vmem>>, vector<1x1x16xf32>,
      %get3A_1192 = vector.shape_cast %get3A_1191 : vector<1x1x16xf32> to vector<16xf32>
      %add3A_1193 = arith.addf %add3A_1183, %get3A_1192 : vector<16xf32>
      %mul3A_1194 = arith.mulf %get3A_1192, %get3A_1192 : vector<16xf32>
      %add3A_1195 = arith.addf %add3A_1185, %mul3A_1194 : vector<16xf32>
      %get3A_1196 = arith.constant 0 : i32
      %get3A_1197 = arith.constant 98 : i32
      %get3A_1198 = arith.index_cast %get3A_1196 : i32 to index
      %get3A_1199 = arith.index_cast %get3A_1197 : i32 to index
      %get3A_1200 = arith.constant 0 : index
      %get3A_1201 = tpu.vector_load %arg7[%get3A_1198, %get3A_1199, %get3A_1200] {strides = array<i32>} : memref<2x104x128xf32, #tpu.memory_space<vmem>>, vector<1x1x16xf32>,
      %get3A_1202 = vector.shape_cast %get3A_1201 : vector<1x1x16xf32> to vector<16xf32>
      %add3A_1203 = arith.addf %add3A_1193, %get3A_1202 : vector<16xf32>
      %mul3A_1204 = arith.mulf %get3A_1202, %get3A_1202 : vector<16xf32>
      %add3A_1205 = arith.addf %add3A_1195, %mul3A_1204 : vector<16xf32>
      %get3A_1206 = arith.constant 0 : i32
      %get3A_1207 = arith.constant 99 : i32
      %get3A_1208 = arith.index_cast %get3A_1206 : i32 to index
      %get3A_1209 = arith.index_cast %get3A_1207 : i32 to index
      %get3A_1210 = arith.constant 0 : index
      %get3A_1211 = tpu.vector_load %arg7[%get3A_1208, %get3A_1209, %get3A_1210] {strides = array<i32>} : memref<2x104x128xf32, #tpu.memory_space<vmem>>, vector<1x1x16xf32>,
      %get3A_1212 = vector.shape_cast %get3A_1211 : vector<1x1x16xf32> to vector<16xf32>
      %add3A_1213 = arith.addf %add3A_1203, %get3A_1212 : vector<16xf32>
      %mul3A_1214 = arith.mulf %get3A_1212, %get3A_1212 : vector<16xf32>
      %add3A_1215 = arith.addf %add3A_1205, %mul3A_1214 : vector<16xf32>
      %get3A_1216 = arith.constant 0 : i32
      %get3A_1217 = arith.constant 100 : i32
      %get3A_1218 = arith.index_cast %get3A_1216 : i32 to index
      %get3A_1219 = arith.index_cast %get3A_1217 : i32 to index
      %get3A_1220 = arith.constant 0 : index
      %get3A_1221 = tpu.vector_load %arg7[%get3A_1218, %get3A_1219, %get3A_1220] {strides = array<i32>} : memref<2x104x128xf32, #tpu.memory_space<vmem>>, vector<1x1x16xf32>,
      %get3A_1222 = vector.shape_cast %get3A_1221 : vector<1x1x16xf32> to vector<16xf32>
      %add3A_1223 = arith.addf %add3A_1213, %get3A_1222 : vector<16xf32>
      %mul3A_1224 = arith.mulf %get3A_1222, %get3A_1222 : vector<16xf32>
      %add3A_1225 = arith.addf %add3A_1215, %mul3A_1224 : vector<16xf32>
      %get3A_1226 = arith.constant 0 : i32
      %get3A_1227 = arith.constant 101 : i32
      %get3A_1228 = arith.index_cast %get3A_1226 : i32 to index
      %get3A_1229 = arith.index_cast %get3A_1227 : i32 to index
      %get3A_1230 = arith.constant 0 : index
      %get3A_1231 = tpu.vector_load %arg7[%get3A_1228, %get3A_1229, %get3A_1230] {strides = array<i32>} : memref<2x104x128xf32, #tpu.memory_space<vmem>>, vector<1x1x16xf32>,
      %get3A_1232 = vector.shape_cast %get3A_1231 : vector<1x1x16xf32> to vector<16xf32>
      %add3A_1233 = arith.addf %add3A_1223, %get3A_1232 : vector<16xf32>
      %mul3A_1234 = arith.mulf %get3A_1232, %get3A_1232 : vector<16xf32>
      %add3A_1235 = arith.addf %add3A_1225, %mul3A_1234 : vector<16xf32>
      %get3A_1236 = arith.constant 0 : i32
      %get3A_1237 = arith.constant 102 : i32
      %get3A_1238 = arith.index_cast %get3A_1236 : i32 to index
      %get3A_1239 = arith.index_cast %get3A_1237 : i32 to index
      %get3A_1240 = arith.constant 0 : index
      %get3A_1241 = tpu.vector_load %arg7[%get3A_1238, %get3A_1239, %get3A_1240] {strides = array<i32>} : memref<2x104x128xf32, #tpu.memory_space<vmem>>, vector<1x1x16xf32>,
      %get3A_1242 = vector.shape_cast %get3A_1241 : vector<1x1x16xf32> to vector<16xf32>
      %add3A_1243 = arith.addf %add3A_1233, %get3A_1242 : vector<16xf32>
      %mul3A_1244 = arith.mulf %get3A_1242, %get3A_1242 : vector<16xf32>
      %add3A_1245 = arith.addf %add3A_1235, %mul3A_1244 : vector<16xf32>
      %get3A_1246 = arith.constant 0 : i32
      %get3A_1247 = arith.constant 103 : i32
      %get3A_1248 = arith.index_cast %get3A_1246 : i32 to index
      %get3A_1249 = arith.index_cast %get3A_1247 : i32 to index
      %get3A_1250 = arith.constant 0 : index
      %get3A_1251 = tpu.vector_load %arg7[%get3A_1248, %get3A_1249, %get3A_1250] {strides = array<i32>} : memref<2x104x128xf32, #tpu.memory_space<vmem>>, vector<1x1x16xf32>,
      %get3A_1252 = vector.shape_cast %get3A_1251 : vector<1x1x16xf32> to vector<16xf32>
      %add3A_1253 = arith.addf %add3A_1243, %get3A_1252 : vector<16xf32>
      %mul3A_1254 = arith.mulf %get3A_1252, %get3A_1252 : vector<16xf32>
      %add3A_1255 = arith.addf %add3A_1245, %mul3A_1254 : vector<16xf32>
      %get3A_1256 = arith.constant 0 : i32
      %get3A_1257 = arith.index_cast %get3A_1256 : i32 to index
      %get3A_1258 = arith.constant 78 : index
      %get3A_1259 = tpu.vector_load %arg8[%get3A_1257, %get3A_1258] {strides = array<i32>} : memref<2x120xf32, #tpu.memory_space<vmem>>, vector<1x16xf32>,
      %get3A_1260 = vector.shape_cast %get3A_1259 : vector<1x16xf32> to vector<16xf32>
      %get3A_1261 = arith.constant 0 : i32
      %get3A_1262 = arith.index_cast %get3A_1261 : i32 to index
      %get3A_1263 = arith.constant 94 : index
      %get3A_1264 = tpu.vector_load %arg8[%get3A_1262, %get3A_1263] {strides = array<i32>} : memref<2x120xf32, #tpu.memory_space<vmem>>, vector<1x16xf32>,
      %get3A_1265 = vector.shape_cast %get3A_1264 : vector<1x16xf32> to vector<16xf32>
      %jit3A_1266 = arith.constant 0.000000e+00 : f32
      %broadcast_in_dim3A_1267 = vector.broadcast %jit3A_1266 : f32 to vector<16xf32>
      %select_n3A_1268 = arith.select %lt3A_4, %get3A_1265, %broadcast_in_dim3A_1267 : vector<16xi1>, vector<16xf32>
      %mul3A_1269 = arith.mulf %add3A_1253, %add3A_1253 : vector<16xf32>
      %sub3A_1270 = arith.subf %mul3A_1269, %add3A_1255 : vector<16xf32>
      %mul3A_1271 = arith.constant 5.000000e-01 : f32
      %mul3A_1272 = vector.broadcast %mul3A_1271 : f32 to vector<16xf32>
      %mul3A_1273 = arith.mulf %mul3A_1272, %sub3A_1270 : vector<16xf32>
      %add3A_1274 = arith.addf %mul3A_1273, %get3A_1260 : vector<16xf32>
      %add3A_1275 = arith.addf %add3A_1274, %select_n3A_1268 : vector<16xf32>
      %xor3A_1276 = arith.constant 8 : i32
      %xor3A_1277 = vector.broadcast %xor3A_1276 : i32 to vector<16xi32>
      %xor3A_1278 = arith.xori %iota3A, %xor3A_1277 : vector<16xi32>
      %broadcast_in_dim3A_1279 = vector.shape_cast %xor3A_1278 : vector<16xi32> to vector<16x1xi32>
      %gather3A_1280 = vector.shape_cast %broadcast_in_dim3A_1279 : vector<16x1xi32> to vector<16xi32>
      %gather3A_1281 = tpu.dynamic_gather %add3A_1275[%gather3A_1280] in [0] : vector<16xf32>, vector<16xi32> -> vector<16xf32>
      %add3A_1282 = arith.addf %add3A_1275, %gather3A_1281 : vector<16xf32>
      %xor3A_1283 = arith.constant 4 : i32
      %xor3A_1284 = vector.broadcast %xor3A_1283 : i32 to vector<16xi32>
      %xor3A_1285 = arith.xori %iota3A, %xor3A_1284 : vector<16xi32>
      %broadcast_in_dim3A_1286 = vector.shape_cast %xor3A_1285 : vector<16xi32> to vector<16x1xi32>
      %gather3A_1287 = vector.shape_cast %broadcast_in_dim3A_1286 : vector<16x1xi32> to vector<16xi32>
      %gather3A_1288 = tpu.dynamic_gather %add3A_1282[%gather3A_1287] in [0] : vector<16xf32>, vector<16xi32> -> vector<16xf32>
      %add3A_1289 = arith.addf %add3A_1282, %gather3A_1288 : vector<16xf32>
      %xor3A_1290 = arith.constant 2 : i32
      %xor3A_1291 = vector.broadcast %xor3A_1290 : i32 to vector<16xi32>
      %xor3A_1292 = arith.xori %iota3A, %xor3A_1291 : vector<16xi32>
      %broadcast_in_dim3A_1293 = vector.shape_cast %xor3A_1292 : vector<16xi32> to vector<16x1xi32>
      %gather3A_1294 = vector.shape_cast %broadcast_in_dim3A_1293 : vector<16x1xi32> to vector<16xi32>
      %gather3A_1295 = tpu.dynamic_gather %add3A_1289[%gather3A_1294] in [0] : vector<16xf32>, vector<16xi32> -> vector<16xf32>
      %add3A_1296 = arith.addf %add3A_1289, %gather3A_1295 : vector<16xf32>
      %xor3A_1297 = arith.constant 1 : i32
      %xor3A_1298 = vector.broadcast %xor3A_1297 : i32 to vector<16xi32>
      %xor3A_1299 = arith.xori %iota3A, %xor3A_1298 : vector<16xi32>
      %broadcast_in_dim3A_1300 = vector.shape_cast %xor3A_1299 : vector<16xi32> to vector<16x1xi32>
      %gather3A_1301 = vector.shape_cast %broadcast_in_dim3A_1300 : vector<16x1xi32> to vector<16xi32>
      %gather3A_1302 = tpu.dynamic_gather %add3A_1296[%gather3A_1301] in [0] : vector<16xf32>, vector<16xi32> -> vector<16xf32>
      %add3A_1303 = arith.addf %add3A_1296, %gather3A_1302 : vector<16xf32>
      %eq3A_1304 = arith.constant 3 : i32
      %eq3A_1305 = vector.broadcast %eq3A_1304 : i32 to vector<16xi32>
      %eq3A_1306 = arith.cmpi eq, %iota3A, %eq3A_1305 : vector<16xi32>
      %select_n3A_1307 = arith.select %eq3A_1306, %add3A_1303, %select_n3A_997 : vector<16xi1>, vector<16xf32>
      %mul3A_1308 = arith.constant 4 : i32
      %mul3A_1309 = arith.muli %scan3A_39, %mul3A_1308 : i32
      %add3A_1310 = arith.constant 1 : i32
      %add3A_1311 = arith.addi %mul3A_1309, %add3A_1310 : i32
      %add3A_1312 = arith.constant 1 : i32
      %add3A_1313 = arith.addi %add3A_1311, %add3A_1312 : i32
      %lt3A_1314 = arith.constant 128 : i32
      %lt3A_1315 = arith.cmpi slt, %add3A_1313, %lt3A_1314 : i32
      %convert_element_type3A_1316 = arith.extui %lt3A_1315 : i1 to i32
      %cond3A_1317 = arith.constant 0 : i32
      %cond3A_1318 = arith.cmpi ne, %convert_element_type3A_1316, %cond3A_1317 : i32
      scf.if %cond3A_1318 {
        %add3A_5144 = arith.constant 1 : i32
        %add3A_5145 = arith.addi %add3A_1311, %add3A_5144 : i32
        %dma_start3A_5146 = arith.constant 0 : i32
        %dma_start3A_5147 = arith.constant 0 : i32
        %dma_start3A_5148 = arith.constant 0 : i32
        %dma_start3A_5149 = arith.constant 0 : i32
        %dma_start3A_5150 = tpu.memref_slice %arg7[%dma_start3A_5146, %dma_start3A_5148, %dma_start3A_5149] : memref<2x104x128xf32, #tpu.memory_space<vmem>> -> memref<1x104x128xf32, #tpu.memory_space<vmem>>
        %dma_start3A_5151 = tpu.memref_squeeze %dma_start3A_5150 : memref<1x104x128xf32, #tpu.memory_space<vmem>> -> memref<104x128xf32, #tpu.memory_space<vmem>>
        %dma_start3A_5152 = arith.constant 0 : i32
        %dma_start3A_5153 = tpu.memref_slice %arg6[%add3A_5145, %dma_start3A_5152] : memref<128x104xi32, #tpu.memory_space<vmem>> -> memref<1x104xi32, #tpu.memory_space<vmem>>
        %dma_start3A_5154 = tpu.memref_squeeze %dma_start3A_5153 : memref<1x104xi32, #tpu.memory_space<vmem>> -> memref<104xi32, #tpu.memory_space<vmem>>
        %dma_start3A_5155 = arith.constant 0 : i32
        %dma_start3A_5156 = arith.constant 0 : i32
        %dma_start3A_5157 = tpu.memref_slice %arg4[%dma_start3A_5155, %dma_start3A_5156] : memref<1000000x128xf32, #tpu.memory_space<hbm>> -> memref<1000000x128xf32, #tpu.memory_space<hbm>>
        %dma_start3A_5158 = tpu.memref_slice %arg10[%dma_start3A_5147] : memref<2x!tpu.dma_semaphore, #tpu.memory_space<semaphore_mem>> -> memref<1x!tpu.dma_semaphore, #tpu.memory_space<semaphore_mem>>
        %dma_start3A_5159 = tpu.memref_squeeze %dma_start3A_5158 : memref<1x!tpu.dma_semaphore, #tpu.memory_space<semaphore_mem>> -> memref<!tpu.dma_semaphore, #tpu.memory_space<semaphore_mem>>
        tpu.enqueue_indirect_dma source(%dma_start3A_5157 : memref<1000000x128xf32, #tpu.memory_space<hbm>>) target(%dma_start3A_5151 : memref<104x128xf32, #tpu.memory_space<vmem>>) offsets(%dma_start3A_5154 : memref<104xi32, #tpu.memory_space<vmem>>) semaphore(%dma_start3A_5159 : memref<!tpu.dma_semaphore, #tpu.memory_space<semaphore_mem>>)
        %dma_start3A_5160 = arith.constant 0 : i32
        %dma_start3A_5161 = arith.constant 0 : i32
        %dma_start3A_5162 = arith.constant 0 : i32
        %dma_start3A_5163 = tpu.memref_slice %arg8[%dma_start3A_5160, %dma_start3A_5162] : memref<2x120xf32, #tpu.memory_space<vmem>> -> memref<1x104xf32, #tpu.memory_space<vmem>>
        %dma_start3A_5164 = tpu.memref_squeeze %dma_start3A_5163 : memref<1x104xf32, #tpu.memory_space<vmem>> -> memref<104xf32, #tpu.memory_space<vmem>>
        %dma_start3A_5165 = arith.constant 0 : i32
        %dma_start3A_5166 = tpu.memref_slice %arg6[%add3A_5145, %dma_start3A_5165] : memref<128x104xi32, #tpu.memory_space<vmem>> -> memref<1x104xi32, #tpu.memory_space<vmem>>
        %dma_start3A_5167 = tpu.memref_squeeze %dma_start3A_5166 : memref<1x104xi32, #tpu.memory_space<vmem>> -> memref<104xi32, #tpu.memory_space<vmem>>
        %dma_start3A_5168 = arith.constant 0 : i32
        %dma_start3A_5169 = tpu.memref_slice %arg3[%dma_start3A_5168] : memref<1000000xf32, #tpu.memory_space<hbm>> -> memref<1000000xf32, #tpu.memory_space<hbm>>
        %dma_start3A_5170 = tpu.memref_slice %arg11[%dma_start3A_5161] : memref<2x!tpu.dma_semaphore, #tpu.memory_space<semaphore_mem>> -> memref<1x!tpu.dma_semaphore, #tpu.memory_space<semaphore_mem>>
        %dma_start3A_5171 = tpu.memref_squeeze %dma_start3A_5170 : memref<1x!tpu.dma_semaphore, #tpu.memory_space<semaphore_mem>> -> memref<!tpu.dma_semaphore, #tpu.memory_space<semaphore_mem>>
        tpu.enqueue_indirect_dma source(%dma_start3A_5169 : memref<1000000xf32, #tpu.memory_space<hbm>>) target(%dma_start3A_5164 : memref<104xf32, #tpu.memory_space<vmem>>) offsets(%dma_start3A_5167 : memref<104xi32, #tpu.memory_space<vmem>>) semaphore(%dma_start3A_5171 : memref<!tpu.dma_semaphore, #tpu.memory_space<semaphore_mem>>)
      } else {
      }
      %dma_wait3A_1319 = arith.constant 1 : i32
      %dma_wait3A_1320 = arith.constant 1 : i32
      %dma_wait3A_1321 = arith.constant 0 : i32
      %dma_wait3A_1322 = arith.constant 0 : i32
      %dma_wait3A_1323 = tpu.memref_slice %arg7[%dma_wait3A_1319, %dma_wait3A_1321, %dma_wait3A_1322] : memref<2x104x128xf32, #tpu.memory_space<vmem>> -> memref<1x104x128xf32, #tpu.memory_space<vmem>>
      %dma_wait3A_1324 = tpu.memref_squeeze %dma_wait3A_1323 : memref<1x104x128xf32, #tpu.memory_space<vmem>> -> memref<104x128xf32, #tpu.memory_space<vmem>>
      %dma_wait3A_1325 = arith.constant 0 : i32
      %dma_wait3A_1326 = tpu.memref_slice %arg6[%add3A_1311, %dma_wait3A_1325] : memref<128x104xi32, #tpu.memory_space<vmem>> -> memref<1x104xi32, #tpu.memory_space<vmem>>
      %dma_wait3A_1327 = tpu.memref_squeeze %dma_wait3A_1326 : memref<1x104xi32, #tpu.memory_space<vmem>> -> memref<104xi32, #tpu.memory_space<vmem>>
      %dma_wait3A_1328 = arith.constant 0 : i32
      %dma_wait3A_1329 = arith.constant 0 : i32
      %dma_wait3A_1330 = tpu.memref_slice %arg4[%dma_wait3A_1328, %dma_wait3A_1329] : memref<1000000x128xf32, #tpu.memory_space<hbm>> -> memref<1000000x128xf32, #tpu.memory_space<hbm>>
      %dma_wait3A_1331 = tpu.memref_slice %arg10[%dma_wait3A_1320] : memref<2x!tpu.dma_semaphore, #tpu.memory_space<semaphore_mem>> -> memref<1x!tpu.dma_semaphore, #tpu.memory_space<semaphore_mem>>
      %dma_wait3A_1332 = tpu.memref_squeeze %dma_wait3A_1331 : memref<1x!tpu.dma_semaphore, #tpu.memory_space<semaphore_mem>> -> memref<!tpu.dma_semaphore, #tpu.memory_space<semaphore_mem>>
      tpu.wait_indirect_dma semaphore(%dma_wait3A_1332 : memref<!tpu.dma_semaphore, #tpu.memory_space<semaphore_mem>>) src(%dma_wait3A_1330 : memref<1000000x128xf32, #tpu.memory_space<hbm>>) dst(%dma_wait3A_1324 : memref<104x128xf32, #tpu.memory_space<vmem>>)
      %dma_wait3A_1333 = arith.constant 1 : i32
      %dma_wait3A_1334 = arith.constant 1 : i32
      %dma_wait3A_1335 = arith.constant 0 : i32
      %dma_wait3A_1336 = tpu.memref_slice %arg8[%dma_wait3A_1333, %dma_wait3A_1335] : memref<2x120xf32, #tpu.memory_space<vmem>> -> memref<1x104xf32, #tpu.memory_space<vmem>>
      %dma_wait3A_1337 = tpu.memref_squeeze %dma_wait3A_1336 : memref<1x104xf32, #tpu.memory_space<vmem>> -> memref<104xf32, #tpu.memory_space<vmem>>
      %dma_wait3A_1338 = arith.constant 0 : i32
      %dma_wait3A_1339 = tpu.memref_slice %arg6[%add3A_1311, %dma_wait3A_1338] : memref<128x104xi32, #tpu.memory_space<vmem>> -> memref<1x104xi32, #tpu.memory_space<vmem>>
      %dma_wait3A_1340 = tpu.memref_squeeze %dma_wait3A_1339 : memref<1x104xi32, #tpu.memory_space<vmem>> -> memref<104xi32, #tpu.memory_space<vmem>>
      %dma_wait3A_1341 = arith.constant 0 : i32
      %dma_wait3A_1342 = tpu.memref_slice %arg3[%dma_wait3A_1341] : memref<1000000xf32, #tpu.memory_space<hbm>> -> memref<1000000xf32, #tpu.memory_space<hbm>>
      %dma_wait3A_1343 = tpu.memref_slice %arg11[%dma_wait3A_1334] : memref<2x!tpu.dma_semaphore, #tpu.memory_space<semaphore_mem>> -> memref<1x!tpu.dma_semaphore, #tpu.memory_space<semaphore_mem>>
      %dma_wait3A_1344 = tpu.memref_squeeze %dma_wait3A_1343 : memref<1x!tpu.dma_semaphore, #tpu.memory_space<semaphore_mem>> -> memref<!tpu.dma_semaphore, #tpu.memory_space<semaphore_mem>>
      tpu.wait_indirect_dma semaphore(%dma_wait3A_1344 : memref<!tpu.dma_semaphore, #tpu.memory_space<semaphore_mem>>) src(%dma_wait3A_1342 : memref<1000000xf32, #tpu.memory_space<hbm>>) dst(%dma_wait3A_1337 : memref<104xf32, #tpu.memory_space<vmem>>)
      %get3A_1345 = arith.constant 1 : i32
      %get3A_1346 = arith.constant 0 : i32
      %get3A_1347 = arith.index_cast %get3A_1345 : i32 to index
      %get3A_1348 = arith.index_cast %get3A_1346 : i32 to index
      %get3A_1349 = arith.constant 0 : index
      %get3A_1350 = tpu.vector_load %arg7[%get3A_1347, %get3A_1348, %get3A_1349] {strides = array<i32>} : memref<2x104x128xf32, #tpu.memory_space<vmem>>, vector<1x1x16xf32>,
      %get3A_1351 = vector.shape_cast %get3A_1350 : vector<1x1x16xf32> to vector<16xf32>
      %mul3A_1352 = arith.mulf %get3A_1351, %get3A_1351 : vector<16xf32>
      %get3A_1353 = arith.constant 1 : i32
      %get3A_1354 = arith.constant 1 : i32
      %get3A_1355 = arith.index_cast %get3A_1353 : i32 to index
      %get3A_1356 = arith.index_cast %get3A_1354 : i32 to index
      %get3A_1357 = arith.constant 0 : index
      %get3A_1358 = tpu.vector_load %arg7[%get3A_1355, %get3A_1356, %get3A_1357] {strides = array<i32>} : memref<2x104x128xf32, #tpu.memory_space<vmem>>, vector<1x1x16xf32>,
      %get3A_1359 = vector.shape_cast %get3A_1358 : vector<1x1x16xf32> to vector<16xf32>
      %add3A_1360 = arith.addf %get3A_1351, %get3A_1359 : vector<16xf32>
      %mul3A_1361 = arith.mulf %get3A_1359, %get3A_1359 : vector<16xf32>
      %add3A_1362 = arith.addf %mul3A_1352, %mul3A_1361 : vector<16xf32>
      %get3A_1363 = arith.constant 1 : i32
      %get3A_1364 = arith.constant 2 : i32
      %get3A_1365 = arith.index_cast %get3A_1363 : i32 to index
      %get3A_1366 = arith.index_cast %get3A_1364 : i32 to index
      %get3A_1367 = arith.constant 0 : index
      %get3A_1368 = tpu.vector_load %arg7[%get3A_1365, %get3A_1366, %get3A_1367] {strides = array<i32>} : memref<2x104x128xf32, #tpu.memory_space<vmem>>, vector<1x1x16xf32>,
      %get3A_1369 = vector.shape_cast %get3A_1368 : vector<1x1x16xf32> to vector<16xf32>
      %add3A_1370 = arith.addf %add3A_1360, %get3A_1369 : vector<16xf32>
      %mul3A_1371 = arith.mulf %get3A_1369, %get3A_1369 : vector<16xf32>
      %add3A_1372 = arith.addf %add3A_1362, %mul3A_1371 : vector<16xf32>
      %get3A_1373 = arith.constant 1 : i32
      %get3A_1374 = arith.constant 3 : i32
      %get3A_1375 = arith.index_cast %get3A_1373 : i32 to index
      %get3A_1376 = arith.index_cast %get3A_1374 : i32 to index
      %get3A_1377 = arith.constant 0 : index
      %get3A_1378 = tpu.vector_load %arg7[%get3A_1375, %get3A_1376, %get3A_1377] {strides = array<i32>} : memref<2x104x128xf32, #tpu.memory_space<vmem>>, vector<1x1x16xf32>,
      %get3A_1379 = vector.shape_cast %get3A_1378 : vector<1x1x16xf32> to vector<16xf32>
      %add3A_1380 = arith.addf %add3A_1370, %get3A_1379 : vector<16xf32>
      %mul3A_1381 = arith.mulf %get3A_1379, %get3A_1379 : vector<16xf32>
      %add3A_1382 = arith.addf %add3A_1372, %mul3A_1381 : vector<16xf32>
      %get3A_1383 = arith.constant 1 : i32
      %get3A_1384 = arith.constant 4 : i32
      %get3A_1385 = arith.index_cast %get3A_1383 : i32 to index
      %get3A_1386 = arith.index_cast %get3A_1384 : i32 to index
      %get3A_1387 = arith.constant 0 : index
      %get3A_1388 = tpu.vector_load %arg7[%get3A_1385, %get3A_1386, %get3A_1387] {strides = array<i32>} : memref<2x104x128xf32, #tpu.memory_space<vmem>>, vector<1x1x16xf32>,
      %get3A_1389 = vector.shape_cast %get3A_1388 : vector<1x1x16xf32> to vector<16xf32>
      %add3A_1390 = arith.addf %add3A_1380, %get3A_1389 : vector<16xf32>
      %mul3A_1391 = arith.mulf %get3A_1389, %get3A_1389 : vector<16xf32>
      %add3A_1392 = arith.addf %add3A_1382, %mul3A_1391 : vector<16xf32>
      %get3A_1393 = arith.constant 1 : i32
      %get3A_1394 = arith.constant 5 : i32
      %get3A_1395 = arith.index_cast %get3A_1393 : i32 to index
      %get3A_1396 = arith.index_cast %get3A_1394 : i32 to index
      %get3A_1397 = arith.constant 0 : index
      %get3A_1398 = tpu.vector_load %arg7[%get3A_1395, %get3A_1396, %get3A_1397] {strides = array<i32>} : memref<2x104x128xf32, #tpu.memory_space<vmem>>, vector<1x1x16xf32>,
      %get3A_1399 = vector.shape_cast %get3A_1398 : vector<1x1x16xf32> to vector<16xf32>
      %add3A_1400 = arith.addf %add3A_1390, %get3A_1399 : vector<16xf32>
      %mul3A_1401 = arith.mulf %get3A_1399, %get3A_1399 : vector<16xf32>
      %add3A_1402 = arith.addf %add3A_1392, %mul3A_1401 : vector<16xf32>
      %get3A_1403 = arith.constant 1 : i32
      %get3A_1404 = arith.constant 6 : i32
      %get3A_1405 = arith.index_cast %get3A_1403 : i32 to index
      %get3A_1406 = arith.index_cast %get3A_1404 : i32 to index
      %get3A_1407 = arith.constant 0 : index
      %get3A_1408 = tpu.vector_load %arg7[%get3A_1405, %get3A_1406, %get3A_1407] {strides = array<i32>} : memref<2x104x128xf32, #tpu.memory_space<vmem>>, vector<1x1x16xf32>,
      %get3A_1409 = vector.shape_cast %get3A_1408 : vector<1x1x16xf32> to vector<16xf32>
      %add3A_1410 = arith.addf %add3A_1400, %get3A_1409 : vector<16xf32>
      %mul3A_1411 = arith.mulf %get3A_1409, %get3A_1409 : vector<16xf32>
      %add3A_1412 = arith.addf %add3A_1402, %mul3A_1411 : vector<16xf32>
      %get3A_1413 = arith.constant 1 : i32
      %get3A_1414 = arith.constant 7 : i32
      %get3A_1415 = arith.index_cast %get3A_1413 : i32 to index
      %get3A_1416 = arith.index_cast %get3A_1414 : i32 to index
      %get3A_1417 = arith.constant 0 : index
      %get3A_1418 = tpu.vector_load %arg7[%get3A_1415, %get3A_1416, %get3A_1417] {strides = array<i32>} : memref<2x104x128xf32, #tpu.memory_space<vmem>>, vector<1x1x16xf32>,
      %get3A_1419 = vector.shape_cast %get3A_1418 : vector<1x1x16xf32> to vector<16xf32>
      %add3A_1420 = arith.addf %add3A_1410, %get3A_1419 : vector<16xf32>
      %mul3A_1421 = arith.mulf %get3A_1419, %get3A_1419 : vector<16xf32>
      %add3A_1422 = arith.addf %add3A_1412, %mul3A_1421 : vector<16xf32>
      %get3A_1423 = arith.constant 1 : i32
      %get3A_1424 = arith.constant 8 : i32
      %get3A_1425 = arith.index_cast %get3A_1423 : i32 to index
      %get3A_1426 = arith.index_cast %get3A_1424 : i32 to index
      %get3A_1427 = arith.constant 0 : index
      %get3A_1428 = tpu.vector_load %arg7[%get3A_1425, %get3A_1426, %get3A_1427] {strides = array<i32>} : memref<2x104x128xf32, #tpu.memory_space<vmem>>, vector<1x1x16xf32>,
      %get3A_1429 = vector.shape_cast %get3A_1428 : vector<1x1x16xf32> to vector<16xf32>
      %add3A_1430 = arith.addf %add3A_1420, %get3A_1429 : vector<16xf32>
      %mul3A_1431 = arith.mulf %get3A_1429, %get3A_1429 : vector<16xf32>
      %add3A_1432 = arith.addf %add3A_1422, %mul3A_1431 : vector<16xf32>
      %get3A_1433 = arith.constant 1 : i32
      %get3A_1434 = arith.constant 9 : i32
      %get3A_1435 = arith.index_cast %get3A_1433 : i32 to index
      %get3A_1436 = arith.index_cast %get3A_1434 : i32 to index
      %get3A_1437 = arith.constant 0 : index
      %get3A_1438 = tpu.vector_load %arg7[%get3A_1435, %get3A_1436, %get3A_1437] {strides = array<i32>} : memref<2x104x128xf32, #tpu.memory_space<vmem>>, vector<1x1x16xf32>,
      %get3A_1439 = vector.shape_cast %get3A_1438 : vector<1x1x16xf32> to vector<16xf32>
      %add3A_1440 = arith.addf %add3A_1430, %get3A_1439 : vector<16xf32>
      %mul3A_1441 = arith.mulf %get3A_1439, %get3A_1439 : vector<16xf32>
      %add3A_1442 = arith.addf %add3A_1432, %mul3A_1441 : vector<16xf32>
      %get3A_1443 = arith.constant 1 : i32
      %get3A_1444 = arith.constant 10 : i32
      %get3A_1445 = arith.index_cast %get3A_1443 : i32 to index
      %get3A_1446 = arith.index_cast %get3A_1444 : i32 to index
      %get3A_1447 = arith.constant 0 : index
      %get3A_1448 = tpu.vector_load %arg7[%get3A_1445, %get3A_1446, %get3A_1447] {strides = array<i32>} : memref<2x104x128xf32, #tpu.memory_space<vmem>>, vector<1x1x16xf32>,
      %get3A_1449 = vector.shape_cast %get3A_1448 : vector<1x1x16xf32> to vector<16xf32>
      %add3A_1450 = arith.addf %add3A_1440, %get3A_1449 : vector<16xf32>
      %mul3A_1451 = arith.mulf %get3A_1449, %get3A_1449 : vector<16xf32>
      %add3A_1452 = arith.addf %add3A_1442, %mul3A_1451 : vector<16xf32>
      %get3A_1453 = arith.constant 1 : i32
      %get3A_1454 = arith.constant 11 : i32
      %get3A_1455 = arith.index_cast %get3A_1453 : i32 to index
      %get3A_1456 = arith.index_cast %get3A_1454 : i32 to index
      %get3A_1457 = arith.constant 0 : index
      %get3A_1458 = tpu.vector_load %arg7[%get3A_1455, %get3A_1456, %get3A_1457] {strides = array<i32>} : memref<2x104x128xf32, #tpu.memory_space<vmem>>, vector<1x1x16xf32>,
      %get3A_1459 = vector.shape_cast %get3A_1458 : vector<1x1x16xf32> to vector<16xf32>
      %add3A_1460 = arith.addf %add3A_1450, %get3A_1459 : vector<16xf32>
      %mul3A_1461 = arith.mulf %get3A_1459, %get3A_1459 : vector<16xf32>
      %add3A_1462 = arith.addf %add3A_1452, %mul3A_1461 : vector<16xf32>
      %get3A_1463 = arith.constant 1 : i32
      %get3A_1464 = arith.constant 12 : i32
      %get3A_1465 = arith.index_cast %get3A_1463 : i32 to index
      %get3A_1466 = arith.index_cast %get3A_1464 : i32 to index
      %get3A_1467 = arith.constant 0 : index
      %get3A_1468 = tpu.vector_load %arg7[%get3A_1465, %get3A_1466, %get3A_1467] {strides = array<i32>} : memref<2x104x128xf32, #tpu.memory_space<vmem>>, vector<1x1x16xf32>,
      %get3A_1469 = vector.shape_cast %get3A_1468 : vector<1x1x16xf32> to vector<16xf32>
      %add3A_1470 = arith.addf %add3A_1460, %get3A_1469 : vector<16xf32>
      %mul3A_1471 = arith.mulf %get3A_1469, %get3A_1469 : vector<16xf32>
      %add3A_1472 = arith.addf %add3A_1462, %mul3A_1471 : vector<16xf32>
      %get3A_1473 = arith.constant 1 : i32
      %get3A_1474 = arith.constant 13 : i32
      %get3A_1475 = arith.index_cast %get3A_1473 : i32 to index
      %get3A_1476 = arith.index_cast %get3A_1474 : i32 to index
      %get3A_1477 = arith.constant 0 : index
      %get3A_1478 = tpu.vector_load %arg7[%get3A_1475, %get3A_1476, %get3A_1477] {strides = array<i32>} : memref<2x104x128xf32, #tpu.memory_space<vmem>>, vector<1x1x16xf32>,
      %get3A_1479 = vector.shape_cast %get3A_1478 : vector<1x1x16xf32> to vector<16xf32>
      %add3A_1480 = arith.addf %add3A_1470, %get3A_1479 : vector<16xf32>
      %mul3A_1481 = arith.mulf %get3A_1479, %get3A_1479 : vector<16xf32>
      %add3A_1482 = arith.addf %add3A_1472, %mul3A_1481 : vector<16xf32>
      %get3A_1483 = arith.constant 1 : i32
      %get3A_1484 = arith.constant 14 : i32
      %get3A_1485 = arith.index_cast %get3A_1483 : i32 to index
      %get3A_1486 = arith.index_cast %get3A_1484 : i32 to index
      %get3A_1487 = arith.constant 0 : index
      %get3A_1488 = tpu.vector_load %arg7[%get3A_1485, %get3A_1486, %get3A_1487] {strides = array<i32>} : memref<2x104x128xf32, #tpu.memory_space<vmem>>, vector<1x1x16xf32>,
      %get3A_1489 = vector.shape_cast %get3A_1488 : vector<1x1x16xf32> to vector<16xf32>
      %add3A_1490 = arith.addf %add3A_1480, %get3A_1489 : vector<16xf32>
      %mul3A_1491 = arith.mulf %get3A_1489, %get3A_1489 : vector<16xf32>
      %add3A_1492 = arith.addf %add3A_1482, %mul3A_1491 : vector<16xf32>
      %get3A_1493 = arith.constant 1 : i32
      %get3A_1494 = arith.constant 15 : i32
      %get3A_1495 = arith.index_cast %get3A_1493 : i32 to index
      %get3A_1496 = arith.index_cast %get3A_1494 : i32 to index
      %get3A_1497 = arith.constant 0 : index
      %get3A_1498 = tpu.vector_load %arg7[%get3A_1495, %get3A_1496, %get3A_1497] {strides = array<i32>} : memref<2x104x128xf32, #tpu.memory_space<vmem>>, vector<1x1x16xf32>,
      %get3A_1499 = vector.shape_cast %get3A_1498 : vector<1x1x16xf32> to vector<16xf32>
      %add3A_1500 = arith.addf %add3A_1490, %get3A_1499 : vector<16xf32>
      %mul3A_1501 = arith.mulf %get3A_1499, %get3A_1499 : vector<16xf32>
      %add3A_1502 = arith.addf %add3A_1492, %mul3A_1501 : vector<16xf32>
      %get3A_1503 = arith.constant 1 : i32
      %get3A_1504 = arith.constant 16 : i32
      %get3A_1505 = arith.index_cast %get3A_1503 : i32 to index
      %get3A_1506 = arith.index_cast %get3A_1504 : i32 to index
      %get3A_1507 = arith.constant 0 : index
      %get3A_1508 = tpu.vector_load %arg7[%get3A_1505, %get3A_1506, %get3A_1507] {strides = array<i32>} : memref<2x104x128xf32, #tpu.memory_space<vmem>>, vector<1x1x16xf32>,
      %get3A_1509 = vector.shape_cast %get3A_1508 : vector<1x1x16xf32> to vector<16xf32>
      %add3A_1510 = arith.addf %add3A_1500, %get3A_1509 : vector<16xf32>
      %mul3A_1511 = arith.mulf %get3A_1509, %get3A_1509 : vector<16xf32>
      %add3A_1512 = arith.addf %add3A_1502, %mul3A_1511 : vector<16xf32>
      %get3A_1513 = arith.constant 1 : i32
      %get3A_1514 = arith.constant 17 : i32
      %get3A_1515 = arith.index_cast %get3A_1513 : i32 to index
      %get3A_1516 = arith.index_cast %get3A_1514 : i32 to index
      %get3A_1517 = arith.constant 0 : index
      %get3A_1518 = tpu.vector_load %arg7[%get3A_1515, %get3A_1516, %get3A_1517] {strides = array<i32>} : memref<2x104x128xf32, #tpu.memory_space<vmem>>, vector<1x1x16xf32>,
      %get3A_1519 = vector.shape_cast %get3A_1518 : vector<1x1x16xf32> to vector<16xf32>
      %add3A_1520 = arith.addf %add3A_1510, %get3A_1519 : vector<16xf32>
      %mul3A_1521 = arith.mulf %get3A_1519, %get3A_1519 : vector<16xf32>
      %add3A_1522 = arith.addf %add3A_1512, %mul3A_1521 : vector<16xf32>
      %get3A_1523 = arith.constant 1 : i32
      %get3A_1524 = arith.constant 18 : i32
      %get3A_1525 = arith.index_cast %get3A_1523 : i32 to index
      %get3A_1526 = arith.index_cast %get3A_1524 : i32 to index
      %get3A_1527 = arith.constant 0 : index
      %get3A_1528 = tpu.vector_load %arg7[%get3A_1525, %get3A_1526, %get3A_1527] {strides = array<i32>} : memref<2x104x128xf32, #tpu.memory_space<vmem>>, vector<1x1x16xf32>,
      %get3A_1529 = vector.shape_cast %get3A_1528 : vector<1x1x16xf32> to vector<16xf32>
      %add3A_1530 = arith.addf %add3A_1520, %get3A_1529 : vector<16xf32>
      %mul3A_1531 = arith.mulf %get3A_1529, %get3A_1529 : vector<16xf32>
      %add3A_1532 = arith.addf %add3A_1522, %mul3A_1531 : vector<16xf32>
      %get3A_1533 = arith.constant 1 : i32
      %get3A_1534 = arith.constant 19 : i32
      %get3A_1535 = arith.index_cast %get3A_1533 : i32 to index
      %get3A_1536 = arith.index_cast %get3A_1534 : i32 to index
      %get3A_1537 = arith.constant 0 : index
      %get3A_1538 = tpu.vector_load %arg7[%get3A_1535, %get3A_1536, %get3A_1537] {strides = array<i32>} : memref<2x104x128xf32, #tpu.memory_space<vmem>>, vector<1x1x16xf32>,
      %get3A_1539 = vector.shape_cast %get3A_1538 : vector<1x1x16xf32> to vector<16xf32>
      %add3A_1540 = arith.addf %add3A_1530, %get3A_1539 : vector<16xf32>
      %mul3A_1541 = arith.mulf %get3A_1539, %get3A_1539 : vector<16xf32>
      %add3A_1542 = arith.addf %add3A_1532, %mul3A_1541 : vector<16xf32>
      %get3A_1543 = arith.constant 1 : i32
      %get3A_1544 = arith.constant 20 : i32
      %get3A_1545 = arith.index_cast %get3A_1543 : i32 to index
      %get3A_1546 = arith.index_cast %get3A_1544 : i32 to index
      %get3A_1547 = arith.constant 0 : index
      %get3A_1548 = tpu.vector_load %arg7[%get3A_1545, %get3A_1546, %get3A_1547] {strides = array<i32>} : memref<2x104x128xf32, #tpu.memory_space<vmem>>, vector<1x1x16xf32>,
      %get3A_1549 = vector.shape_cast %get3A_1548 : vector<1x1x16xf32> to vector<16xf32>
      %add3A_1550 = arith.addf %add3A_1540, %get3A_1549 : vector<16xf32>
      %mul3A_1551 = arith.mulf %get3A_1549, %get3A_1549 : vector<16xf32>
      %add3A_1552 = arith.addf %add3A_1542, %mul3A_1551 : vector<16xf32>
      %get3A_1553 = arith.constant 1 : i32
      %get3A_1554 = arith.constant 21 : i32
      %get3A_1555 = arith.index_cast %get3A_1553 : i32 to index
      %get3A_1556 = arith.index_cast %get3A_1554 : i32 to index
      %get3A_1557 = arith.constant 0 : index
      %get3A_1558 = tpu.vector_load %arg7[%get3A_1555, %get3A_1556, %get3A_1557] {strides = array<i32>} : memref<2x104x128xf32, #tpu.memory_space<vmem>>, vector<1x1x16xf32>,
      %get3A_1559 = vector.shape_cast %get3A_1558 : vector<1x1x16xf32> to vector<16xf32>
      %add3A_1560 = arith.addf %add3A_1550, %get3A_1559 : vector<16xf32>
      %mul3A_1561 = arith.mulf %get3A_1559, %get3A_1559 : vector<16xf32>
      %add3A_1562 = arith.addf %add3A_1552, %mul3A_1561 : vector<16xf32>
      %get3A_1563 = arith.constant 1 : i32
      %get3A_1564 = arith.constant 22 : i32
      %get3A_1565 = arith.index_cast %get3A_1563 : i32 to index
      %get3A_1566 = arith.index_cast %get3A_1564 : i32 to index
      %get3A_1567 = arith.constant 0 : index
      %get3A_1568 = tpu.vector_load %arg7[%get3A_1565, %get3A_1566, %get3A_1567] {strides = array<i32>} : memref<2x104x128xf32, #tpu.memory_space<vmem>>, vector<1x1x16xf32>,
      %get3A_1569 = vector.shape_cast %get3A_1568 : vector<1x1x16xf32> to vector<16xf32>
      %add3A_1570 = arith.addf %add3A_1560, %get3A_1569 : vector<16xf32>
      %mul3A_1571 = arith.mulf %get3A_1569, %get3A_1569 : vector<16xf32>
      %add3A_1572 = arith.addf %add3A_1562, %mul3A_1571 : vector<16xf32>
      %get3A_1573 = arith.constant 1 : i32
      %get3A_1574 = arith.constant 23 : i32
      %get3A_1575 = arith.index_cast %get3A_1573 : i32 to index
      %get3A_1576 = arith.index_cast %get3A_1574 : i32 to index
      %get3A_1577 = arith.constant 0 : index
      %get3A_1578 = tpu.vector_load %arg7[%get3A_1575, %get3A_1576, %get3A_1577] {strides = array<i32>} : memref<2x104x128xf32, #tpu.memory_space<vmem>>, vector<1x1x16xf32>,
      %get3A_1579 = vector.shape_cast %get3A_1578 : vector<1x1x16xf32> to vector<16xf32>
      %add3A_1580 = arith.addf %add3A_1570, %get3A_1579 : vector<16xf32>
      %mul3A_1581 = arith.mulf %get3A_1579, %get3A_1579 : vector<16xf32>
      %add3A_1582 = arith.addf %add3A_1572, %mul3A_1581 : vector<16xf32>
      %get3A_1583 = arith.constant 1 : i32
      %get3A_1584 = arith.constant 24 : i32
      %get3A_1585 = arith.index_cast %get3A_1583 : i32 to index
      %get3A_1586 = arith.index_cast %get3A_1584 : i32 to index
      %get3A_1587 = arith.constant 0 : index
      %get3A_1588 = tpu.vector_load %arg7[%get3A_1585, %get3A_1586, %get3A_1587] {strides = array<i32>} : memref<2x104x128xf32, #tpu.memory_space<vmem>>, vector<1x1x16xf32>,
      %get3A_1589 = vector.shape_cast %get3A_1588 : vector<1x1x16xf32> to vector<16xf32>
      %add3A_1590 = arith.addf %add3A_1580, %get3A_1589 : vector<16xf32>
      %mul3A_1591 = arith.mulf %get3A_1589, %get3A_1589 : vector<16xf32>
      %add3A_1592 = arith.addf %add3A_1582, %mul3A_1591 : vector<16xf32>
      %get3A_1593 = arith.constant 1 : i32
      %get3A_1594 = arith.constant 25 : i32
      %get3A_1595 = arith.index_cast %get3A_1593 : i32 to index
      %get3A_1596 = arith.index_cast %get3A_1594 : i32 to index
      %get3A_1597 = arith.constant 0 : index
      %get3A_1598 = tpu.vector_load %arg7[%get3A_1595, %get3A_1596, %get3A_1597] {strides = array<i32>} : memref<2x104x128xf32, #tpu.memory_space<vmem>>, vector<1x1x16xf32>,
      %get3A_1599 = vector.shape_cast %get3A_1598 : vector<1x1x16xf32> to vector<16xf32>
      %add3A_1600 = arith.addf %add3A_1590, %get3A_1599 : vector<16xf32>
      %mul3A_1601 = arith.mulf %get3A_1599, %get3A_1599 : vector<16xf32>
      %add3A_1602 = arith.addf %add3A_1592, %mul3A_1601 : vector<16xf32>
      %get3A_1603 = arith.constant 1 : i32
      %get3A_1604 = arith.index_cast %get3A_1603 : i32 to index
      %get3A_1605 = arith.constant 0 : index
      %get3A_1606 = tpu.vector_load %arg8[%get3A_1604, %get3A_1605] {strides = array<i32>} : memref<2x120xf32, #tpu.memory_space<vmem>>, vector<1x16xf32>,
      %get3A_1607 = vector.shape_cast %get3A_1606 : vector<1x16xf32> to vector<16xf32>
      %get3A_1608 = arith.constant 1 : i32
      %get3A_1609 = arith.index_cast %get3A_1608 : i32 to index
      %get3A_1610 = arith.constant 16 : index
      %get3A_1611 = tpu.vector_load %arg8[%get3A_1609, %get3A_1610] {strides = array<i32>} : memref<2x120xf32, #tpu.memory_space<vmem>>, vector<1x16xf32>,
      %get3A_1612 = vector.shape_cast %get3A_1611 : vector<1x16xf32> to vector<16xf32>
      %jit3A_1613 = arith.constant 0.000000e+00 : f32
      %broadcast_in_dim3A_1614 = vector.broadcast %jit3A_1613 : f32 to vector<16xf32>
      %select_n3A_1615 = arith.select %lt3A_4, %get3A_1612, %broadcast_in_dim3A_1614 : vector<16xi1>, vector<16xf32>
      %mul3A_1616 = arith.mulf %add3A_1600, %add3A_1600 : vector<16xf32>
      %sub3A_1617 = arith.subf %mul3A_1616, %add3A_1602 : vector<16xf32>
      %mul3A_1618 = arith.constant 5.000000e-01 : f32
      %mul3A_1619 = vector.broadcast %mul3A_1618 : f32 to vector<16xf32>
      %mul3A_1620 = arith.mulf %mul3A_1619, %sub3A_1617 : vector<16xf32>
      %add3A_1621 = arith.addf %mul3A_1620, %get3A_1607 : vector<16xf32>
      %add3A_1622 = arith.addf %add3A_1621, %select_n3A_1615 : vector<16xf32>
      %xor3A_1623 = arith.constant 8 : i32
      %xor3A_1624 = vector.broadcast %xor3A_1623 : i32 to vector<16xi32>
      %xor3A_1625 = arith.xori %iota3A, %xor3A_1624 : vector<16xi32>
      %broadcast_in_dim3A_1626 = vector.shape_cast %xor3A_1625 : vector<16xi32> to vector<16x1xi32>
      %gather3A_1627 = vector.shape_cast %broadcast_in_dim3A_1626 : vector<16x1xi32> to vector<16xi32>
      %gather3A_1628 = tpu.dynamic_gather %add3A_1622[%gather3A_1627] in [0] : vector<16xf32>, vector<16xi32> -> vector<16xf32>
      %add3A_1629 = arith.addf %add3A_1622, %gather3A_1628 : vector<16xf32>
      %xor3A_1630 = arith.constant 4 : i32
      %xor3A_1631 = vector.broadcast %xor3A_1630 : i32 to vector<16xi32>
      %xor3A_1632 = arith.xori %iota3A, %xor3A_1631 : vector<16xi32>
      %broadcast_in_dim3A_1633 = vector.shape_cast %xor3A_1632 : vector<16xi32> to vector<16x1xi32>
      %gather3A_1634 = vector.shape_cast %broadcast_in_dim3A_1633 : vector<16x1xi32> to vector<16xi32>
      %gather3A_1635 = tpu.dynamic_gather %add3A_1629[%gather3A_1634] in [0] : vector<16xf32>, vector<16xi32> -> vector<16xf32>
      %add3A_1636 = arith.addf %add3A_1629, %gather3A_1635 : vector<16xf32>
      %xor3A_1637 = arith.constant 2 : i32
      %xor3A_1638 = vector.broadcast %xor3A_1637 : i32 to vector<16xi32>
      %xor3A_1639 = arith.xori %iota3A, %xor3A_1638 : vector<16xi32>
      %broadcast_in_dim3A_1640 = vector.shape_cast %xor3A_1639 : vector<16xi32> to vector<16x1xi32>
      %gather3A_1641 = vector.shape_cast %broadcast_in_dim3A_1640 : vector<16x1xi32> to vector<16xi32>
      %gather3A_1642 = tpu.dynamic_gather %add3A_1636[%gather3A_1641] in [0] : vector<16xf32>, vector<16xi32> -> vector<16xf32>
      %add3A_1643 = arith.addf %add3A_1636, %gather3A_1642 : vector<16xf32>
      %xor3A_1644 = arith.constant 1 : i32
      %xor3A_1645 = vector.broadcast %xor3A_1644 : i32 to vector<16xi32>
      %xor3A_1646 = arith.xori %iota3A, %xor3A_1645 : vector<16xi32>
      %broadcast_in_dim3A_1647 = vector.shape_cast %xor3A_1646 : vector<16xi32> to vector<16x1xi32>
      %gather3A_1648 = vector.shape_cast %broadcast_in_dim3A_1647 : vector<16x1xi32> to vector<16xi32>
      %gather3A_1649 = tpu.dynamic_gather %add3A_1643[%gather3A_1648] in [0] : vector<16xf32>, vector<16xi32> -> vector<16xf32>
      %add3A_1650 = arith.addf %add3A_1643, %gather3A_1649 : vector<16xf32>
      %eq3A_1651 = arith.constant 4 : i32
      %eq3A_1652 = vector.broadcast %eq3A_1651 : i32 to vector<16xi32>
      %eq3A_1653 = arith.cmpi eq, %iota3A, %eq3A_1652 : vector<16xi32>
      %select_n3A_1654 = arith.select %eq3A_1653, %add3A_1650, %select_n3A_1307 : vector<16xi1>, vector<16xf32>
      %get3A_1655 = arith.constant 1 : i32
      %get3A_1656 = arith.constant 26 : i32
      %get3A_1657 = arith.index_cast %get3A_1655 : i32 to index
      %get3A_1658 = arith.index_cast %get3A_1656 : i32 to index
      %get3A_1659 = arith.constant 0 : index
      %get3A_1660 = tpu.vector_load %arg7[%get3A_1657, %get3A_1658, %get3A_1659] {strides = array<i32>} : memref<2x104x128xf32, #tpu.memory_space<vmem>>, vector<1x1x16xf32>,
      %get3A_1661 = vector.shape_cast %get3A_1660 : vector<1x1x16xf32> to vector<16xf32>
      %mul3A_1662 = arith.mulf %get3A_1661, %get3A_1661 : vector<16xf32>
      %get3A_1663 = arith.constant 1 : i32
      %get3A_1664 = arith.constant 27 : i32
      %get3A_1665 = arith.index_cast %get3A_1663 : i32 to index
      %get3A_1666 = arith.index_cast %get3A_1664 : i32 to index
      %get3A_1667 = arith.constant 0 : index
      %get3A_1668 = tpu.vector_load %arg7[%get3A_1665, %get3A_1666, %get3A_1667] {strides = array<i32>} : memref<2x104x128xf32, #tpu.memory_space<vmem>>, vector<1x1x16xf32>,
      %get3A_1669 = vector.shape_cast %get3A_1668 : vector<1x1x16xf32> to vector<16xf32>
      %add3A_1670 = arith.addf %get3A_1661, %get3A_1669 : vector<16xf32>
      %mul3A_1671 = arith.mulf %get3A_1669, %get3A_1669 : vector<16xf32>
      %add3A_1672 = arith.addf %mul3A_1662, %mul3A_1671 : vector<16xf32>
      %get3A_1673 = arith.constant 1 : i32
      %get3A_1674 = arith.constant 28 : i32
      %get3A_1675 = arith.index_cast %get3A_1673 : i32 to index
      %get3A_1676 = arith.index_cast %get3A_1674 : i32 to index
      %get3A_1677 = arith.constant 0 : index
      %get3A_1678 = tpu.vector_load %arg7[%get3A_1675, %get3A_1676, %get3A_1677] {strides = array<i32>} : memref<2x104x128xf32, #tpu.memory_space<vmem>>, vector<1x1x16xf32>,
      %get3A_1679 = vector.shape_cast %get3A_1678 : vector<1x1x16xf32> to vector<16xf32>
      %add3A_1680 = arith.addf %add3A_1670, %get3A_1679 : vector<16xf32>
      %mul3A_1681 = arith.mulf %get3A_1679, %get3A_1679 : vector<16xf32>
      %add3A_1682 = arith.addf %add3A_1672, %mul3A_1681 : vector<16xf32>
      %get3A_1683 = arith.constant 1 : i32
      %get3A_1684 = arith.constant 29 : i32
      %get3A_1685 = arith.index_cast %get3A_1683 : i32 to index
      %get3A_1686 = arith.index_cast %get3A_1684 : i32 to index
      %get3A_1687 = arith.constant 0 : index
      %get3A_1688 = tpu.vector_load %arg7[%get3A_1685, %get3A_1686, %get3A_1687] {strides = array<i32>} : memref<2x104x128xf32, #tpu.memory_space<vmem>>, vector<1x1x16xf32>,
      %get3A_1689 = vector.shape_cast %get3A_1688 : vector<1x1x16xf32> to vector<16xf32>
      %add3A_1690 = arith.addf %add3A_1680, %get3A_1689 : vector<16xf32>
      %mul3A_1691 = arith.mulf %get3A_1689, %get3A_1689 : vector<16xf32>
      %add3A_1692 = arith.addf %add3A_1682, %mul3A_1691 : vector<16xf32>
      %get3A_1693 = arith.constant 1 : i32
      %get3A_1694 = arith.constant 30 : i32
      %get3A_1695 = arith.index_cast %get3A_1693 : i32 to index
      %get3A_1696 = arith.index_cast %get3A_1694 : i32 to index
      %get3A_1697 = arith.constant 0 : index
      %get3A_1698 = tpu.vector_load %arg7[%get3A_1695, %get3A_1696, %get3A_1697] {strides = array<i32>} : memref<2x104x128xf32, #tpu.memory_space<vmem>>, vector<1x1x16xf32>,
      %get3A_1699 = vector.shape_cast %get3A_1698 : vector<1x1x16xf32> to vector<16xf32>
      %add3A_1700 = arith.addf %add3A_1690, %get3A_1699 : vector<16xf32>
      %mul3A_1701 = arith.mulf %get3A_1699, %get3A_1699 : vector<16xf32>
      %add3A_1702 = arith.addf %add3A_1692, %mul3A_1701 : vector<16xf32>
      %get3A_1703 = arith.constant 1 : i32
      %get3A_1704 = arith.constant 31 : i32
      %get3A_1705 = arith.index_cast %get3A_1703 : i32 to index
      %get3A_1706 = arith.index_cast %get3A_1704 : i32 to index
      %get3A_1707 = arith.constant 0 : index
      %get3A_1708 = tpu.vector_load %arg7[%get3A_1705, %get3A_1706, %get3A_1707] {strides = array<i32>} : memref<2x104x128xf32, #tpu.memory_space<vmem>>, vector<1x1x16xf32>,
      %get3A_1709 = vector.shape_cast %get3A_1708 : vector<1x1x16xf32> to vector<16xf32>
      %add3A_1710 = arith.addf %add3A_1700, %get3A_1709 : vector<16xf32>
      %mul3A_1711 = arith.mulf %get3A_1709, %get3A_1709 : vector<16xf32>
      %add3A_1712 = arith.addf %add3A_1702, %mul3A_1711 : vector<16xf32>
      %get3A_1713 = arith.constant 1 : i32
      %get3A_1714 = arith.constant 32 : i32
      %get3A_1715 = arith.index_cast %get3A_1713 : i32 to index
      %get3A_1716 = arith.index_cast %get3A_1714 : i32 to index
      %get3A_1717 = arith.constant 0 : index
      %get3A_1718 = tpu.vector_load %arg7[%get3A_1715, %get3A_1716, %get3A_1717] {strides = array<i32>} : memref<2x104x128xf32, #tpu.memory_space<vmem>>, vector<1x1x16xf32>,
      %get3A_1719 = vector.shape_cast %get3A_1718 : vector<1x1x16xf32> to vector<16xf32>
      %add3A_1720 = arith.addf %add3A_1710, %get3A_1719 : vector<16xf32>
      %mul3A_1721 = arith.mulf %get3A_1719, %get3A_1719 : vector<16xf32>
      %add3A_1722 = arith.addf %add3A_1712, %mul3A_1721 : vector<16xf32>
      %get3A_1723 = arith.constant 1 : i32
      %get3A_1724 = arith.constant 33 : i32
      %get3A_1725 = arith.index_cast %get3A_1723 : i32 to index
      %get3A_1726 = arith.index_cast %get3A_1724 : i32 to index
      %get3A_1727 = arith.constant 0 : index
      %get3A_1728 = tpu.vector_load %arg7[%get3A_1725, %get3A_1726, %get3A_1727] {strides = array<i32>} : memref<2x104x128xf32, #tpu.memory_space<vmem>>, vector<1x1x16xf32>,
      %get3A_1729 = vector.shape_cast %get3A_1728 : vector<1x1x16xf32> to vector<16xf32>
      %add3A_1730 = arith.addf %add3A_1720, %get3A_1729 : vector<16xf32>
      %mul3A_1731 = arith.mulf %get3A_1729, %get3A_1729 : vector<16xf32>
      %add3A_1732 = arith.addf %add3A_1722, %mul3A_1731 : vector<16xf32>
      %get3A_1733 = arith.constant 1 : i32
      %get3A_1734 = arith.constant 34 : i32
      %get3A_1735 = arith.index_cast %get3A_1733 : i32 to index
      %get3A_1736 = arith.index_cast %get3A_1734 : i32 to index
      %get3A_1737 = arith.constant 0 : index
      %get3A_1738 = tpu.vector_load %arg7[%get3A_1735, %get3A_1736, %get3A_1737] {strides = array<i32>} : memref<2x104x128xf32, #tpu.memory_space<vmem>>, vector<1x1x16xf32>,
      %get3A_1739 = vector.shape_cast %get3A_1738 : vector<1x1x16xf32> to vector<16xf32>
      %add3A_1740 = arith.addf %add3A_1730, %get3A_1739 : vector<16xf32>
      %mul3A_1741 = arith.mulf %get3A_1739, %get3A_1739 : vector<16xf32>
      %add3A_1742 = arith.addf %add3A_1732, %mul3A_1741 : vector<16xf32>
      %get3A_1743 = arith.constant 1 : i32
      %get3A_1744 = arith.constant 35 : i32
      %get3A_1745 = arith.index_cast %get3A_1743 : i32 to index
      %get3A_1746 = arith.index_cast %get3A_1744 : i32 to index
      %get3A_1747 = arith.constant 0 : index
      %get3A_1748 = tpu.vector_load %arg7[%get3A_1745, %get3A_1746, %get3A_1747] {strides = array<i32>} : memref<2x104x128xf32, #tpu.memory_space<vmem>>, vector<1x1x16xf32>,
      %get3A_1749 = vector.shape_cast %get3A_1748 : vector<1x1x16xf32> to vector<16xf32>
      %add3A_1750 = arith.addf %add3A_1740, %get3A_1749 : vector<16xf32>
      %mul3A_1751 = arith.mulf %get3A_1749, %get3A_1749 : vector<16xf32>
      %add3A_1752 = arith.addf %add3A_1742, %mul3A_1751 : vector<16xf32>
      %get3A_1753 = arith.constant 1 : i32
      %get3A_1754 = arith.constant 36 : i32
      %get3A_1755 = arith.index_cast %get3A_1753 : i32 to index
      %get3A_1756 = arith.index_cast %get3A_1754 : i32 to index
      %get3A_1757 = arith.constant 0 : index
      %get3A_1758 = tpu.vector_load %arg7[%get3A_1755, %get3A_1756, %get3A_1757] {strides = array<i32>} : memref<2x104x128xf32, #tpu.memory_space<vmem>>, vector<1x1x16xf32>,
      %get3A_1759 = vector.shape_cast %get3A_1758 : vector<1x1x16xf32> to vector<16xf32>
      %add3A_1760 = arith.addf %add3A_1750, %get3A_1759 : vector<16xf32>
      %mul3A_1761 = arith.mulf %get3A_1759, %get3A_1759 : vector<16xf32>
      %add3A_1762 = arith.addf %add3A_1752, %mul3A_1761 : vector<16xf32>
      %get3A_1763 = arith.constant 1 : i32
      %get3A_1764 = arith.constant 37 : i32
      %get3A_1765 = arith.index_cast %get3A_1763 : i32 to index
      %get3A_1766 = arith.index_cast %get3A_1764 : i32 to index
      %get3A_1767 = arith.constant 0 : index
      %get3A_1768 = tpu.vector_load %arg7[%get3A_1765, %get3A_1766, %get3A_1767] {strides = array<i32>} : memref<2x104x128xf32, #tpu.memory_space<vmem>>, vector<1x1x16xf32>,
      %get3A_1769 = vector.shape_cast %get3A_1768 : vector<1x1x16xf32> to vector<16xf32>
      %add3A_1770 = arith.addf %add3A_1760, %get3A_1769 : vector<16xf32>
      %mul3A_1771 = arith.mulf %get3A_1769, %get3A_1769 : vector<16xf32>
      %add3A_1772 = arith.addf %add3A_1762, %mul3A_1771 : vector<16xf32>
      %get3A_1773 = arith.constant 1 : i32
      %get3A_1774 = arith.constant 38 : i32
      %get3A_1775 = arith.index_cast %get3A_1773 : i32 to index
      %get3A_1776 = arith.index_cast %get3A_1774 : i32 to index
      %get3A_1777 = arith.constant 0 : index
      %get3A_1778 = tpu.vector_load %arg7[%get3A_1775, %get3A_1776, %get3A_1777] {strides = array<i32>} : memref<2x104x128xf32, #tpu.memory_space<vmem>>, vector<1x1x16xf32>,
      %get3A_1779 = vector.shape_cast %get3A_1778 : vector<1x1x16xf32> to vector<16xf32>
      %add3A_1780 = arith.addf %add3A_1770, %get3A_1779 : vector<16xf32>
      %mul3A_1781 = arith.mulf %get3A_1779, %get3A_1779 : vector<16xf32>
      %add3A_1782 = arith.addf %add3A_1772, %mul3A_1781 : vector<16xf32>
      %get3A_1783 = arith.constant 1 : i32
      %get3A_1784 = arith.constant 39 : i32
      %get3A_1785 = arith.index_cast %get3A_1783 : i32 to index
      %get3A_1786 = arith.index_cast %get3A_1784 : i32 to index
      %get3A_1787 = arith.constant 0 : index
      %get3A_1788 = tpu.vector_load %arg7[%get3A_1785, %get3A_1786, %get3A_1787] {strides = array<i32>} : memref<2x104x128xf32, #tpu.memory_space<vmem>>, vector<1x1x16xf32>,
      %get3A_1789 = vector.shape_cast %get3A_1788 : vector<1x1x16xf32> to vector<16xf32>
      %add3A_1790 = arith.addf %add3A_1780, %get3A_1789 : vector<16xf32>
      %mul3A_1791 = arith.mulf %get3A_1789, %get3A_1789 : vector<16xf32>
      %add3A_1792 = arith.addf %add3A_1782, %mul3A_1791 : vector<16xf32>
      %get3A_1793 = arith.constant 1 : i32
      %get3A_1794 = arith.constant 40 : i32
      %get3A_1795 = arith.index_cast %get3A_1793 : i32 to index
      %get3A_1796 = arith.index_cast %get3A_1794 : i32 to index
      %get3A_1797 = arith.constant 0 : index
      %get3A_1798 = tpu.vector_load %arg7[%get3A_1795, %get3A_1796, %get3A_1797] {strides = array<i32>} : memref<2x104x128xf32, #tpu.memory_space<vmem>>, vector<1x1x16xf32>,
      %get3A_1799 = vector.shape_cast %get3A_1798 : vector<1x1x16xf32> to vector<16xf32>
      %add3A_1800 = arith.addf %add3A_1790, %get3A_1799 : vector<16xf32>
      %mul3A_1801 = arith.mulf %get3A_1799, %get3A_1799 : vector<16xf32>
      %add3A_1802 = arith.addf %add3A_1792, %mul3A_1801 : vector<16xf32>
      %get3A_1803 = arith.constant 1 : i32
      %get3A_1804 = arith.constant 41 : i32
      %get3A_1805 = arith.index_cast %get3A_1803 : i32 to index
      %get3A_1806 = arith.index_cast %get3A_1804 : i32 to index
      %get3A_1807 = arith.constant 0 : index
      %get3A_1808 = tpu.vector_load %arg7[%get3A_1805, %get3A_1806, %get3A_1807] {strides = array<i32>} : memref<2x104x128xf32, #tpu.memory_space<vmem>>, vector<1x1x16xf32>,
      %get3A_1809 = vector.shape_cast %get3A_1808 : vector<1x1x16xf32> to vector<16xf32>
      %add3A_1810 = arith.addf %add3A_1800, %get3A_1809 : vector<16xf32>
      %mul3A_1811 = arith.mulf %get3A_1809, %get3A_1809 : vector<16xf32>
      %add3A_1812 = arith.addf %add3A_1802, %mul3A_1811 : vector<16xf32>
      %get3A_1813 = arith.constant 1 : i32
      %get3A_1814 = arith.constant 42 : i32
      %get3A_1815 = arith.index_cast %get3A_1813 : i32 to index
      %get3A_1816 = arith.index_cast %get3A_1814 : i32 to index
      %get3A_1817 = arith.constant 0 : index
      %get3A_1818 = tpu.vector_load %arg7[%get3A_1815, %get3A_1816, %get3A_1817] {strides = array<i32>} : memref<2x104x128xf32, #tpu.memory_space<vmem>>, vector<1x1x16xf32>,
      %get3A_1819 = vector.shape_cast %get3A_1818 : vector<1x1x16xf32> to vector<16xf32>
      %add3A_1820 = arith.addf %add3A_1810, %get3A_1819 : vector<16xf32>
      %mul3A_1821 = arith.mulf %get3A_1819, %get3A_1819 : vector<16xf32>
      %add3A_1822 = arith.addf %add3A_1812, %mul3A_1821 : vector<16xf32>
      %get3A_1823 = arith.constant 1 : i32
      %get3A_1824 = arith.constant 43 : i32
      %get3A_1825 = arith.index_cast %get3A_1823 : i32 to index
      %get3A_1826 = arith.index_cast %get3A_1824 : i32 to index
      %get3A_1827 = arith.constant 0 : index
      %get3A_1828 = tpu.vector_load %arg7[%get3A_1825, %get3A_1826, %get3A_1827] {strides = array<i32>} : memref<2x104x128xf32, #tpu.memory_space<vmem>>, vector<1x1x16xf32>,
      %get3A_1829 = vector.shape_cast %get3A_1828 : vector<1x1x16xf32> to vector<16xf32>
      %add3A_1830 = arith.addf %add3A_1820, %get3A_1829 : vector<16xf32>
      %mul3A_1831 = arith.mulf %get3A_1829, %get3A_1829 : vector<16xf32>
      %add3A_1832 = arith.addf %add3A_1822, %mul3A_1831 : vector<16xf32>
      %get3A_1833 = arith.constant 1 : i32
      %get3A_1834 = arith.constant 44 : i32
      %get3A_1835 = arith.index_cast %get3A_1833 : i32 to index
      %get3A_1836 = arith.index_cast %get3A_1834 : i32 to index
      %get3A_1837 = arith.constant 0 : index
      %get3A_1838 = tpu.vector_load %arg7[%get3A_1835, %get3A_1836, %get3A_1837] {strides = array<i32>} : memref<2x104x128xf32, #tpu.memory_space<vmem>>, vector<1x1x16xf32>,
      %get3A_1839 = vector.shape_cast %get3A_1838 : vector<1x1x16xf32> to vector<16xf32>
      %add3A_1840 = arith.addf %add3A_1830, %get3A_1839 : vector<16xf32>
      %mul3A_1841 = arith.mulf %get3A_1839, %get3A_1839 : vector<16xf32>
      %add3A_1842 = arith.addf %add3A_1832, %mul3A_1841 : vector<16xf32>
      %get3A_1843 = arith.constant 1 : i32
      %get3A_1844 = arith.constant 45 : i32
      %get3A_1845 = arith.index_cast %get3A_1843 : i32 to index
      %get3A_1846 = arith.index_cast %get3A_1844 : i32 to index
      %get3A_1847 = arith.constant 0 : index
      %get3A_1848 = tpu.vector_load %arg7[%get3A_1845, %get3A_1846, %get3A_1847] {strides = array<i32>} : memref<2x104x128xf32, #tpu.memory_space<vmem>>, vector<1x1x16xf32>,
      %get3A_1849 = vector.shape_cast %get3A_1848 : vector<1x1x16xf32> to vector<16xf32>
      %add3A_1850 = arith.addf %add3A_1840, %get3A_1849 : vector<16xf32>
      %mul3A_1851 = arith.mulf %get3A_1849, %get3A_1849 : vector<16xf32>
      %add3A_1852 = arith.addf %add3A_1842, %mul3A_1851 : vector<16xf32>
      %get3A_1853 = arith.constant 1 : i32
      %get3A_1854 = arith.constant 46 : i32
      %get3A_1855 = arith.index_cast %get3A_1853 : i32 to index
      %get3A_1856 = arith.index_cast %get3A_1854 : i32 to index
      %get3A_1857 = arith.constant 0 : index
      %get3A_1858 = tpu.vector_load %arg7[%get3A_1855, %get3A_1856, %get3A_1857] {strides = array<i32>} : memref<2x104x128xf32, #tpu.memory_space<vmem>>, vector<1x1x16xf32>,
      %get3A_1859 = vector.shape_cast %get3A_1858 : vector<1x1x16xf32> to vector<16xf32>
      %add3A_1860 = arith.addf %add3A_1850, %get3A_1859 : vector<16xf32>
      %mul3A_1861 = arith.mulf %get3A_1859, %get3A_1859 : vector<16xf32>
      %add3A_1862 = arith.addf %add3A_1852, %mul3A_1861 : vector<16xf32>
      %get3A_1863 = arith.constant 1 : i32
      %get3A_1864 = arith.constant 47 : i32
      %get3A_1865 = arith.index_cast %get3A_1863 : i32 to index
      %get3A_1866 = arith.index_cast %get3A_1864 : i32 to index
      %get3A_1867 = arith.constant 0 : index
      %get3A_1868 = tpu.vector_load %arg7[%get3A_1865, %get3A_1866, %get3A_1867] {strides = array<i32>} : memref<2x104x128xf32, #tpu.memory_space<vmem>>, vector<1x1x16xf32>,
      %get3A_1869 = vector.shape_cast %get3A_1868 : vector<1x1x16xf32> to vector<16xf32>
      %add3A_1870 = arith.addf %add3A_1860, %get3A_1869 : vector<16xf32>
      %mul3A_1871 = arith.mulf %get3A_1869, %get3A_1869 : vector<16xf32>
      %add3A_1872 = arith.addf %add3A_1862, %mul3A_1871 : vector<16xf32>
      %get3A_1873 = arith.constant 1 : i32
      %get3A_1874 = arith.constant 48 : i32
      %get3A_1875 = arith.index_cast %get3A_1873 : i32 to index
      %get3A_1876 = arith.index_cast %get3A_1874 : i32 to index
      %get3A_1877 = arith.constant 0 : index
      %get3A_1878 = tpu.vector_load %arg7[%get3A_1875, %get3A_1876, %get3A_1877] {strides = array<i32>} : memref<2x104x128xf32, #tpu.memory_space<vmem>>, vector<1x1x16xf32>,
      %get3A_1879 = vector.shape_cast %get3A_1878 : vector<1x1x16xf32> to vector<16xf32>
      %add3A_1880 = arith.addf %add3A_1870, %get3A_1879 : vector<16xf32>
      %mul3A_1881 = arith.mulf %get3A_1879, %get3A_1879 : vector<16xf32>
      %add3A_1882 = arith.addf %add3A_1872, %mul3A_1881 : vector<16xf32>
      %get3A_1883 = arith.constant 1 : i32
      %get3A_1884 = arith.constant 49 : i32
      %get3A_1885 = arith.index_cast %get3A_1883 : i32 to index
      %get3A_1886 = arith.index_cast %get3A_1884 : i32 to index
      %get3A_1887 = arith.constant 0 : index
      %get3A_1888 = tpu.vector_load %arg7[%get3A_1885, %get3A_1886, %get3A_1887] {strides = array<i32>} : memref<2x104x128xf32, #tpu.memory_space<vmem>>, vector<1x1x16xf32>,
      %get3A_1889 = vector.shape_cast %get3A_1888 : vector<1x1x16xf32> to vector<16xf32>
      %add3A_1890 = arith.addf %add3A_1880, %get3A_1889 : vector<16xf32>
      %mul3A_1891 = arith.mulf %get3A_1889, %get3A_1889 : vector<16xf32>
      %add3A_1892 = arith.addf %add3A_1882, %mul3A_1891 : vector<16xf32>
      %get3A_1893 = arith.constant 1 : i32
      %get3A_1894 = arith.constant 50 : i32
      %get3A_1895 = arith.index_cast %get3A_1893 : i32 to index
      %get3A_1896 = arith.index_cast %get3A_1894 : i32 to index
      %get3A_1897 = arith.constant 0 : index
      %get3A_1898 = tpu.vector_load %arg7[%get3A_1895, %get3A_1896, %get3A_1897] {strides = array<i32>} : memref<2x104x128xf32, #tpu.memory_space<vmem>>, vector<1x1x16xf32>,
      %get3A_1899 = vector.shape_cast %get3A_1898 : vector<1x1x16xf32> to vector<16xf32>
      %add3A_1900 = arith.addf %add3A_1890, %get3A_1899 : vector<16xf32>
      %mul3A_1901 = arith.mulf %get3A_1899, %get3A_1899 : vector<16xf32>
      %add3A_1902 = arith.addf %add3A_1892, %mul3A_1901 : vector<16xf32>
      %get3A_1903 = arith.constant 1 : i32
      %get3A_1904 = arith.constant 51 : i32
      %get3A_1905 = arith.index_cast %get3A_1903 : i32 to index
      %get3A_1906 = arith.index_cast %get3A_1904 : i32 to index
      %get3A_1907 = arith.constant 0 : index
      %get3A_1908 = tpu.vector_load %arg7[%get3A_1905, %get3A_1906, %get3A_1907] {strides = array<i32>} : memref<2x104x128xf32, #tpu.memory_space<vmem>>, vector<1x1x16xf32>,
      %get3A_1909 = vector.shape_cast %get3A_1908 : vector<1x1x16xf32> to vector<16xf32>
      %add3A_1910 = arith.addf %add3A_1900, %get3A_1909 : vector<16xf32>
      %mul3A_1911 = arith.mulf %get3A_1909, %get3A_1909 : vector<16xf32>
      %add3A_1912 = arith.addf %add3A_1902, %mul3A_1911 : vector<16xf32>
      %get3A_1913 = arith.constant 1 : i32
      %get3A_1914 = arith.index_cast %get3A_1913 : i32 to index
      %get3A_1915 = arith.constant 26 : index
      %get3A_1916 = tpu.vector_load %arg8[%get3A_1914, %get3A_1915] {strides = array<i32>} : memref<2x120xf32, #tpu.memory_space<vmem>>, vector<1x16xf32>,
      %get3A_1917 = vector.shape_cast %get3A_1916 : vector<1x16xf32> to vector<16xf32>
      %get3A_1918 = arith.constant 1 : i32
      %get3A_1919 = arith.index_cast %get3A_1918 : i32 to index
      %get3A_1920 = arith.constant 42 : index
      %get3A_1921 = tpu.vector_load %arg8[%get3A_1919, %get3A_1920] {strides = array<i32>} : memref<2x120xf32, #tpu.memory_space<vmem>>, vector<1x16xf32>,
      %get3A_1922 = vector.shape_cast %get3A_1921 : vector<1x16xf32> to vector<16xf32>
      %jit3A_1923 = arith.constant 0.000000e+00 : f32
      %broadcast_in_dim3A_1924 = vector.broadcast %jit3A_1923 : f32 to vector<16xf32>
      %select_n3A_1925 = arith.select %lt3A_4, %get3A_1922, %broadcast_in_dim3A_1924 : vector<16xi1>, vector<16xf32>
      %mul3A_1926 = arith.mulf %add3A_1910, %add3A_1910 : vector<16xf32>
      %sub3A_1927 = arith.subf %mul3A_1926, %add3A_1912 : vector<16xf32>
      %mul3A_1928 = arith.constant 5.000000e-01 : f32
      %mul3A_1929 = vector.broadcast %mul3A_1928 : f32 to vector<16xf32>
      %mul3A_1930 = arith.mulf %mul3A_1929, %sub3A_1927 : vector<16xf32>
      %add3A_1931 = arith.addf %mul3A_1930, %get3A_1917 : vector<16xf32>
      %add3A_1932 = arith.addf %add3A_1931, %select_n3A_1925 : vector<16xf32>
      %xor3A_1933 = arith.constant 8 : i32
      %xor3A_1934 = vector.broadcast %xor3A_1933 : i32 to vector<16xi32>
      %xor3A_1935 = arith.xori %iota3A, %xor3A_1934 : vector<16xi32>
      %broadcast_in_dim3A_1936 = vector.shape_cast %xor3A_1935 : vector<16xi32> to vector<16x1xi32>
      %gather3A_1937 = vector.shape_cast %broadcast_in_dim3A_1936 : vector<16x1xi32> to vector<16xi32>
      %gather3A_1938 = tpu.dynamic_gather %add3A_1932[%gather3A_1937] in [0] : vector<16xf32>, vector<16xi32> -> vector<16xf32>
      %add3A_1939 = arith.addf %add3A_1932, %gather3A_1938 : vector<16xf32>
      %xor3A_1940 = arith.constant 4 : i32
      %xor3A_1941 = vector.broadcast %xor3A_1940 : i32 to vector<16xi32>
      %xor3A_1942 = arith.xori %iota3A, %xor3A_1941 : vector<16xi32>
      %broadcast_in_dim3A_1943 = vector.shape_cast %xor3A_1942 : vector<16xi32> to vector<16x1xi32>
      %gather3A_1944 = vector.shape_cast %broadcast_in_dim3A_1943 : vector<16x1xi32> to vector<16xi32>
      %gather3A_1945 = tpu.dynamic_gather %add3A_1939[%gather3A_1944] in [0] : vector<16xf32>, vector<16xi32> -> vector<16xf32>
      %add3A_1946 = arith.addf %add3A_1939, %gather3A_1945 : vector<16xf32>
      %xor3A_1947 = arith.constant 2 : i32
      %xor3A_1948 = vector.broadcast %xor3A_1947 : i32 to vector<16xi32>
      %xor3A_1949 = arith.xori %iota3A, %xor3A_1948 : vector<16xi32>
      %broadcast_in_dim3A_1950 = vector.shape_cast %xor3A_1949 : vector<16xi32> to vector<16x1xi32>
      %gather3A_1951 = vector.shape_cast %broadcast_in_dim3A_1950 : vector<16x1xi32> to vector<16xi32>
      %gather3A_1952 = tpu.dynamic_gather %add3A_1946[%gather3A_1951] in [0] : vector<16xf32>, vector<16xi32> -> vector<16xf32>
      %add3A_1953 = arith.addf %add3A_1946, %gather3A_1952 : vector<16xf32>
      %xor3A_1954 = arith.constant 1 : i32
      %xor3A_1955 = vector.broadcast %xor3A_1954 : i32 to vector<16xi32>
      %xor3A_1956 = arith.xori %iota3A, %xor3A_1955 : vector<16xi32>
      %broadcast_in_dim3A_1957 = vector.shape_cast %xor3A_1956 : vector<16xi32> to vector<16x1xi32>
      %gather3A_1958 = vector.shape_cast %broadcast_in_dim3A_1957 : vector<16x1xi32> to vector<16xi32>
      %gather3A_1959 = tpu.dynamic_gather %add3A_1953[%gather3A_1958] in [0] : vector<16xf32>, vector<16xi32> -> vector<16xf32>
      %add3A_1960 = arith.addf %add3A_1953, %gather3A_1959 : vector<16xf32>
      %eq3A_1961 = arith.constant 5 : i32
      %eq3A_1962 = vector.broadcast %eq3A_1961 : i32 to vector<16xi32>
      %eq3A_1963 = arith.cmpi eq, %iota3A, %eq3A_1962 : vector<16xi32>
      %select_n3A_1964 = arith.select %eq3A_1963, %add3A_1960, %select_n3A_1654 : vector<16xi1>, vector<16xf32>
      %get3A_1965 = arith.constant 1 : i32
      %get3A_1966 = arith.constant 52 : i32
      %get3A_1967 = arith.index_cast %get3A_1965 : i32 to index
      %get3A_1968 = arith.index_cast %get3A_1966 : i32 to index
      %get3A_1969 = arith.constant 0 : index
      %get3A_1970 = tpu.vector_load %arg7[%get3A_1967, %get3A_1968, %get3A_1969] {strides = array<i32>} : memref<2x104x128xf32, #tpu.memory_space<vmem>>, vector<1x1x16xf32>,
      %get3A_1971 = vector.shape_cast %get3A_1970 : vector<1x1x16xf32> to vector<16xf32>
      %mul3A_1972 = arith.mulf %get3A_1971, %get3A_1971 : vector<16xf32>
      %get3A_1973 = arith.constant 1 : i32
      %get3A_1974 = arith.constant 53 : i32
      %get3A_1975 = arith.index_cast %get3A_1973 : i32 to index
      %get3A_1976 = arith.index_cast %get3A_1974 : i32 to index
      %get3A_1977 = arith.constant 0 : index
      %get3A_1978 = tpu.vector_load %arg7[%get3A_1975, %get3A_1976, %get3A_1977] {strides = array<i32>} : memref<2x104x128xf32, #tpu.memory_space<vmem>>, vector<1x1x16xf32>,
      %get3A_1979 = vector.shape_cast %get3A_1978 : vector<1x1x16xf32> to vector<16xf32>
      %add3A_1980 = arith.addf %get3A_1971, %get3A_1979 : vector<16xf32>
      %mul3A_1981 = arith.mulf %get3A_1979, %get3A_1979 : vector<16xf32>
      %add3A_1982 = arith.addf %mul3A_1972, %mul3A_1981 : vector<16xf32>
      %get3A_1983 = arith.constant 1 : i32
      %get3A_1984 = arith.constant 54 : i32
      %get3A_1985 = arith.index_cast %get3A_1983 : i32 to index
      %get3A_1986 = arith.index_cast %get3A_1984 : i32 to index
      %get3A_1987 = arith.constant 0 : index
      %get3A_1988 = tpu.vector_load %arg7[%get3A_1985, %get3A_1986, %get3A_1987] {strides = array<i32>} : memref<2x104x128xf32, #tpu.memory_space<vmem>>, vector<1x1x16xf32>,
      %get3A_1989 = vector.shape_cast %get3A_1988 : vector<1x1x16xf32> to vector<16xf32>
      %add3A_1990 = arith.addf %add3A_1980, %get3A_1989 : vector<16xf32>
      %mul3A_1991 = arith.mulf %get3A_1989, %get3A_1989 : vector<16xf32>
      %add3A_1992 = arith.addf %add3A_1982, %mul3A_1991 : vector<16xf32>
      %get3A_1993 = arith.constant 1 : i32
      %get3A_1994 = arith.constant 55 : i32
      %get3A_1995 = arith.index_cast %get3A_1993 : i32 to index
      %get3A_1996 = arith.index_cast %get3A_1994 : i32 to index
      %get3A_1997 = arith.constant 0 : index
      %get3A_1998 = tpu.vector_load %arg7[%get3A_1995, %get3A_1996, %get3A_1997] {strides = array<i32>} : memref<2x104x128xf32, #tpu.memory_space<vmem>>, vector<1x1x16xf32>,
      %get3A_1999 = vector.shape_cast %get3A_1998 : vector<1x1x16xf32> to vector<16xf32>
      %add3A_2000 = arith.addf %add3A_1990, %get3A_1999 : vector<16xf32>
      %mul3A_2001 = arith.mulf %get3A_1999, %get3A_1999 : vector<16xf32>
      %add3A_2002 = arith.addf %add3A_1992, %mul3A_2001 : vector<16xf32>
      %get3A_2003 = arith.constant 1 : i32
      %get3A_2004 = arith.constant 56 : i32
      %get3A_2005 = arith.index_cast %get3A_2003 : i32 to index
      %get3A_2006 = arith.index_cast %get3A_2004 : i32 to index
      %get3A_2007 = arith.constant 0 : index
      %get3A_2008 = tpu.vector_load %arg7[%get3A_2005, %get3A_2006, %get3A_2007] {strides = array<i32>} : memref<2x104x128xf32, #tpu.memory_space<vmem>>, vector<1x1x16xf32>,
      %get3A_2009 = vector.shape_cast %get3A_2008 : vector<1x1x16xf32> to vector<16xf32>
      %add3A_2010 = arith.addf %add3A_2000, %get3A_2009 : vector<16xf32>
      %mul3A_2011 = arith.mulf %get3A_2009, %get3A_2009 : vector<16xf32>
      %add3A_2012 = arith.addf %add3A_2002, %mul3A_2011 : vector<16xf32>
      %get3A_2013 = arith.constant 1 : i32
      %get3A_2014 = arith.constant 57 : i32
      %get3A_2015 = arith.index_cast %get3A_2013 : i32 to index
      %get3A_2016 = arith.index_cast %get3A_2014 : i32 to index
      %get3A_2017 = arith.constant 0 : index
      %get3A_2018 = tpu.vector_load %arg7[%get3A_2015, %get3A_2016, %get3A_2017] {strides = array<i32>} : memref<2x104x128xf32, #tpu.memory_space<vmem>>, vector<1x1x16xf32>,
      %get3A_2019 = vector.shape_cast %get3A_2018 : vector<1x1x16xf32> to vector<16xf32>
      %add3A_2020 = arith.addf %add3A_2010, %get3A_2019 : vector<16xf32>
      %mul3A_2021 = arith.mulf %get3A_2019, %get3A_2019 : vector<16xf32>
      %add3A_2022 = arith.addf %add3A_2012, %mul3A_2021 : vector<16xf32>
      %get3A_2023 = arith.constant 1 : i32
      %get3A_2024 = arith.constant 58 : i32
      %get3A_2025 = arith.index_cast %get3A_2023 : i32 to index
      %get3A_2026 = arith.index_cast %get3A_2024 : i32 to index
      %get3A_2027 = arith.constant 0 : index
      %get3A_2028 = tpu.vector_load %arg7[%get3A_2025, %get3A_2026, %get3A_2027] {strides = array<i32>} : memref<2x104x128xf32, #tpu.memory_space<vmem>>, vector<1x1x16xf32>,
      %get3A_2029 = vector.shape_cast %get3A_2028 : vector<1x1x16xf32> to vector<16xf32>
      %add3A_2030 = arith.addf %add3A_2020, %get3A_2029 : vector<16xf32>
      %mul3A_2031 = arith.mulf %get3A_2029, %get3A_2029 : vector<16xf32>
      %add3A_2032 = arith.addf %add3A_2022, %mul3A_2031 : vector<16xf32>
      %get3A_2033 = arith.constant 1 : i32
      %get3A_2034 = arith.constant 59 : i32
      %get3A_2035 = arith.index_cast %get3A_2033 : i32 to index
      %get3A_2036 = arith.index_cast %get3A_2034 : i32 to index
      %get3A_2037 = arith.constant 0 : index
      %get3A_2038 = tpu.vector_load %arg7[%get3A_2035, %get3A_2036, %get3A_2037] {strides = array<i32>} : memref<2x104x128xf32, #tpu.memory_space<vmem>>, vector<1x1x16xf32>,
      %get3A_2039 = vector.shape_cast %get3A_2038 : vector<1x1x16xf32> to vector<16xf32>
      %add3A_2040 = arith.addf %add3A_2030, %get3A_2039 : vector<16xf32>
      %mul3A_2041 = arith.mulf %get3A_2039, %get3A_2039 : vector<16xf32>
      %add3A_2042 = arith.addf %add3A_2032, %mul3A_2041 : vector<16xf32>
      %get3A_2043 = arith.constant 1 : i32
      %get3A_2044 = arith.constant 60 : i32
      %get3A_2045 = arith.index_cast %get3A_2043 : i32 to index
      %get3A_2046 = arith.index_cast %get3A_2044 : i32 to index
      %get3A_2047 = arith.constant 0 : index
      %get3A_2048 = tpu.vector_load %arg7[%get3A_2045, %get3A_2046, %get3A_2047] {strides = array<i32>} : memref<2x104x128xf32, #tpu.memory_space<vmem>>, vector<1x1x16xf32>,
      %get3A_2049 = vector.shape_cast %get3A_2048 : vector<1x1x16xf32> to vector<16xf32>
      %add3A_2050 = arith.addf %add3A_2040, %get3A_2049 : vector<16xf32>
      %mul3A_2051 = arith.mulf %get3A_2049, %get3A_2049 : vector<16xf32>
      %add3A_2052 = arith.addf %add3A_2042, %mul3A_2051 : vector<16xf32>
      %get3A_2053 = arith.constant 1 : i32
      %get3A_2054 = arith.constant 61 : i32
      %get3A_2055 = arith.index_cast %get3A_2053 : i32 to index
      %get3A_2056 = arith.index_cast %get3A_2054 : i32 to index
      %get3A_2057 = arith.constant 0 : index
      %get3A_2058 = tpu.vector_load %arg7[%get3A_2055, %get3A_2056, %get3A_2057] {strides = array<i32>} : memref<2x104x128xf32, #tpu.memory_space<vmem>>, vector<1x1x16xf32>,
      %get3A_2059 = vector.shape_cast %get3A_2058 : vector<1x1x16xf32> to vector<16xf32>
      %add3A_2060 = arith.addf %add3A_2050, %get3A_2059 : vector<16xf32>
      %mul3A_2061 = arith.mulf %get3A_2059, %get3A_2059 : vector<16xf32>
      %add3A_2062 = arith.addf %add3A_2052, %mul3A_2061 : vector<16xf32>
      %get3A_2063 = arith.constant 1 : i32
      %get3A_2064 = arith.constant 62 : i32
      %get3A_2065 = arith.index_cast %get3A_2063 : i32 to index
      %get3A_2066 = arith.index_cast %get3A_2064 : i32 to index
      %get3A_2067 = arith.constant 0 : index
      %get3A_2068 = tpu.vector_load %arg7[%get3A_2065, %get3A_2066, %get3A_2067] {strides = array<i32>} : memref<2x104x128xf32, #tpu.memory_space<vmem>>, vector<1x1x16xf32>,
      %get3A_2069 = vector.shape_cast %get3A_2068 : vector<1x1x16xf32> to vector<16xf32>
      %add3A_2070 = arith.addf %add3A_2060, %get3A_2069 : vector<16xf32>
      %mul3A_2071 = arith.mulf %get3A_2069, %get3A_2069 : vector<16xf32>
      %add3A_2072 = arith.addf %add3A_2062, %mul3A_2071 : vector<16xf32>
      %get3A_2073 = arith.constant 1 : i32
      %get3A_2074 = arith.constant 63 : i32
      %get3A_2075 = arith.index_cast %get3A_2073 : i32 to index
      %get3A_2076 = arith.index_cast %get3A_2074 : i32 to index
      %get3A_2077 = arith.constant 0 : index
      %get3A_2078 = tpu.vector_load %arg7[%get3A_2075, %get3A_2076, %get3A_2077] {strides = array<i32>} : memref<2x104x128xf32, #tpu.memory_space<vmem>>, vector<1x1x16xf32>,
      %get3A_2079 = vector.shape_cast %get3A_2078 : vector<1x1x16xf32> to vector<16xf32>
      %add3A_2080 = arith.addf %add3A_2070, %get3A_2079 : vector<16xf32>
      %mul3A_2081 = arith.mulf %get3A_2079, %get3A_2079 : vector<16xf32>
      %add3A_2082 = arith.addf %add3A_2072, %mul3A_2081 : vector<16xf32>
      %get3A_2083 = arith.constant 1 : i32
      %get3A_2084 = arith.constant 64 : i32
      %get3A_2085 = arith.index_cast %get3A_2083 : i32 to index
      %get3A_2086 = arith.index_cast %get3A_2084 : i32 to index
      %get3A_2087 = arith.constant 0 : index
      %get3A_2088 = tpu.vector_load %arg7[%get3A_2085, %get3A_2086, %get3A_2087] {strides = array<i32>} : memref<2x104x128xf32, #tpu.memory_space<vmem>>, vector<1x1x16xf32>,
      %get3A_2089 = vector.shape_cast %get3A_2088 : vector<1x1x16xf32> to vector<16xf32>
      %add3A_2090 = arith.addf %add3A_2080, %get3A_2089 : vector<16xf32>
      %mul3A_2091 = arith.mulf %get3A_2089, %get3A_2089 : vector<16xf32>
      %add3A_2092 = arith.addf %add3A_2082, %mul3A_2091 : vector<16xf32>
      %get3A_2093 = arith.constant 1 : i32
      %get3A_2094 = arith.constant 65 : i32
      %get3A_2095 = arith.index_cast %get3A_2093 : i32 to index
      %get3A_2096 = arith.index_cast %get3A_2094 : i32 to index
      %get3A_2097 = arith.constant 0 : index
      %get3A_2098 = tpu.vector_load %arg7[%get3A_2095, %get3A_2096, %get3A_2097] {strides = array<i32>} : memref<2x104x128xf32, #tpu.memory_space<vmem>>, vector<1x1x16xf32>,
      %get3A_2099 = vector.shape_cast %get3A_2098 : vector<1x1x16xf32> to vector<16xf32>
      %add3A_2100 = arith.addf %add3A_2090, %get3A_2099 : vector<16xf32>
      %mul3A_2101 = arith.mulf %get3A_2099, %get3A_2099 : vector<16xf32>
      %add3A_2102 = arith.addf %add3A_2092, %mul3A_2101 : vector<16xf32>
      %get3A_2103 = arith.constant 1 : i32
      %get3A_2104 = arith.constant 66 : i32
      %get3A_2105 = arith.index_cast %get3A_2103 : i32 to index
      %get3A_2106 = arith.index_cast %get3A_2104 : i32 to index
      %get3A_2107 = arith.constant 0 : index
      %get3A_2108 = tpu.vector_load %arg7[%get3A_2105, %get3A_2106, %get3A_2107] {strides = array<i32>} : memref<2x104x128xf32, #tpu.memory_space<vmem>>, vector<1x1x16xf32>,
      %get3A_2109 = vector.shape_cast %get3A_2108 : vector<1x1x16xf32> to vector<16xf32>
      %add3A_2110 = arith.addf %add3A_2100, %get3A_2109 : vector<16xf32>
      %mul3A_2111 = arith.mulf %get3A_2109, %get3A_2109 : vector<16xf32>
      %add3A_2112 = arith.addf %add3A_2102, %mul3A_2111 : vector<16xf32>
      %get3A_2113 = arith.constant 1 : i32
      %get3A_2114 = arith.constant 67 : i32
      %get3A_2115 = arith.index_cast %get3A_2113 : i32 to index
      %get3A_2116 = arith.index_cast %get3A_2114 : i32 to index
      %get3A_2117 = arith.constant 0 : index
      %get3A_2118 = tpu.vector_load %arg7[%get3A_2115, %get3A_2116, %get3A_2117] {strides = array<i32>} : memref<2x104x128xf32, #tpu.memory_space<vmem>>, vector<1x1x16xf32>,
      %get3A_2119 = vector.shape_cast %get3A_2118 : vector<1x1x16xf32> to vector<16xf32>
      %add3A_2120 = arith.addf %add3A_2110, %get3A_2119 : vector<16xf32>
      %mul3A_2121 = arith.mulf %get3A_2119, %get3A_2119 : vector<16xf32>
      %add3A_2122 = arith.addf %add3A_2112, %mul3A_2121 : vector<16xf32>
      %get3A_2123 = arith.constant 1 : i32
      %get3A_2124 = arith.constant 68 : i32
      %get3A_2125 = arith.index_cast %get3A_2123 : i32 to index
      %get3A_2126 = arith.index_cast %get3A_2124 : i32 to index
      %get3A_2127 = arith.constant 0 : index
      %get3A_2128 = tpu.vector_load %arg7[%get3A_2125, %get3A_2126, %get3A_2127] {strides = array<i32>} : memref<2x104x128xf32, #tpu.memory_space<vmem>>, vector<1x1x16xf32>,
      %get3A_2129 = vector.shape_cast %get3A_2128 : vector<1x1x16xf32> to vector<16xf32>
      %add3A_2130 = arith.addf %add3A_2120, %get3A_2129 : vector<16xf32>
      %mul3A_2131 = arith.mulf %get3A_2129, %get3A_2129 : vector<16xf32>
      %add3A_2132 = arith.addf %add3A_2122, %mul3A_2131 : vector<16xf32>
      %get3A_2133 = arith.constant 1 : i32
      %get3A_2134 = arith.constant 69 : i32
      %get3A_2135 = arith.index_cast %get3A_2133 : i32 to index
      %get3A_2136 = arith.index_cast %get3A_2134 : i32 to index
      %get3A_2137 = arith.constant 0 : index
      %get3A_2138 = tpu.vector_load %arg7[%get3A_2135, %get3A_2136, %get3A_2137] {strides = array<i32>} : memref<2x104x128xf32, #tpu.memory_space<vmem>>, vector<1x1x16xf32>,
      %get3A_2139 = vector.shape_cast %get3A_2138 : vector<1x1x16xf32> to vector<16xf32>
      %add3A_2140 = arith.addf %add3A_2130, %get3A_2139 : vector<16xf32>
      %mul3A_2141 = arith.mulf %get3A_2139, %get3A_2139 : vector<16xf32>
      %add3A_2142 = arith.addf %add3A_2132, %mul3A_2141 : vector<16xf32>
      %get3A_2143 = arith.constant 1 : i32
      %get3A_2144 = arith.constant 70 : i32
      %get3A_2145 = arith.index_cast %get3A_2143 : i32 to index
      %get3A_2146 = arith.index_cast %get3A_2144 : i32 to index
      %get3A_2147 = arith.constant 0 : index
      %get3A_2148 = tpu.vector_load %arg7[%get3A_2145, %get3A_2146, %get3A_2147] {strides = array<i32>} : memref<2x104x128xf32, #tpu.memory_space<vmem>>, vector<1x1x16xf32>,
      %get3A_2149 = vector.shape_cast %get3A_2148 : vector<1x1x16xf32> to vector<16xf32>
      %add3A_2150 = arith.addf %add3A_2140, %get3A_2149 : vector<16xf32>
      %mul3A_2151 = arith.mulf %get3A_2149, %get3A_2149 : vector<16xf32>
      %add3A_2152 = arith.addf %add3A_2142, %mul3A_2151 : vector<16xf32>
      %get3A_2153 = arith.constant 1 : i32
      %get3A_2154 = arith.constant 71 : i32
      %get3A_2155 = arith.index_cast %get3A_2153 : i32 to index
      %get3A_2156 = arith.index_cast %get3A_2154 : i32 to index
      %get3A_2157 = arith.constant 0 : index
      %get3A_2158 = tpu.vector_load %arg7[%get3A_2155, %get3A_2156, %get3A_2157] {strides = array<i32>} : memref<2x104x128xf32, #tpu.memory_space<vmem>>, vector<1x1x16xf32>,
      %get3A_2159 = vector.shape_cast %get3A_2158 : vector<1x1x16xf32> to vector<16xf32>
      %add3A_2160 = arith.addf %add3A_2150, %get3A_2159 : vector<16xf32>
      %mul3A_2161 = arith.mulf %get3A_2159, %get3A_2159 : vector<16xf32>
      %add3A_2162 = arith.addf %add3A_2152, %mul3A_2161 : vector<16xf32>
      %get3A_2163 = arith.constant 1 : i32
      %get3A_2164 = arith.constant 72 : i32
      %get3A_2165 = arith.index_cast %get3A_2163 : i32 to index
      %get3A_2166 = arith.index_cast %get3A_2164 : i32 to index
      %get3A_2167 = arith.constant 0 : index
      %get3A_2168 = tpu.vector_load %arg7[%get3A_2165, %get3A_2166, %get3A_2167] {strides = array<i32>} : memref<2x104x128xf32, #tpu.memory_space<vmem>>, vector<1x1x16xf32>,
      %get3A_2169 = vector.shape_cast %get3A_2168 : vector<1x1x16xf32> to vector<16xf32>
      %add3A_2170 = arith.addf %add3A_2160, %get3A_2169 : vector<16xf32>
      %mul3A_2171 = arith.mulf %get3A_2169, %get3A_2169 : vector<16xf32>
      %add3A_2172 = arith.addf %add3A_2162, %mul3A_2171 : vector<16xf32>
      %get3A_2173 = arith.constant 1 : i32
      %get3A_2174 = arith.constant 73 : i32
      %get3A_2175 = arith.index_cast %get3A_2173 : i32 to index
      %get3A_2176 = arith.index_cast %get3A_2174 : i32 to index
      %get3A_2177 = arith.constant 0 : index
      %get3A_2178 = tpu.vector_load %arg7[%get3A_2175, %get3A_2176, %get3A_2177] {strides = array<i32>} : memref<2x104x128xf32, #tpu.memory_space<vmem>>, vector<1x1x16xf32>,
      %get3A_2179 = vector.shape_cast %get3A_2178 : vector<1x1x16xf32> to vector<16xf32>
      %add3A_2180 = arith.addf %add3A_2170, %get3A_2179 : vector<16xf32>
      %mul3A_2181 = arith.mulf %get3A_2179, %get3A_2179 : vector<16xf32>
      %add3A_2182 = arith.addf %add3A_2172, %mul3A_2181 : vector<16xf32>
      %get3A_2183 = arith.constant 1 : i32
      %get3A_2184 = arith.constant 74 : i32
      %get3A_2185 = arith.index_cast %get3A_2183 : i32 to index
      %get3A_2186 = arith.index_cast %get3A_2184 : i32 to index
      %get3A_2187 = arith.constant 0 : index
      %get3A_2188 = tpu.vector_load %arg7[%get3A_2185, %get3A_2186, %get3A_2187] {strides = array<i32>} : memref<2x104x128xf32, #tpu.memory_space<vmem>>, vector<1x1x16xf32>,
      %get3A_2189 = vector.shape_cast %get3A_2188 : vector<1x1x16xf32> to vector<16xf32>
      %add3A_2190 = arith.addf %add3A_2180, %get3A_2189 : vector<16xf32>
      %mul3A_2191 = arith.mulf %get3A_2189, %get3A_2189 : vector<16xf32>
      %add3A_2192 = arith.addf %add3A_2182, %mul3A_2191 : vector<16xf32>
      %get3A_2193 = arith.constant 1 : i32
      %get3A_2194 = arith.constant 75 : i32
      %get3A_2195 = arith.index_cast %get3A_2193 : i32 to index
      %get3A_2196 = arith.index_cast %get3A_2194 : i32 to index
      %get3A_2197 = arith.constant 0 : index
      %get3A_2198 = tpu.vector_load %arg7[%get3A_2195, %get3A_2196, %get3A_2197] {strides = array<i32>} : memref<2x104x128xf32, #tpu.memory_space<vmem>>, vector<1x1x16xf32>,
      %get3A_2199 = vector.shape_cast %get3A_2198 : vector<1x1x16xf32> to vector<16xf32>
      %add3A_2200 = arith.addf %add3A_2190, %get3A_2199 : vector<16xf32>
      %mul3A_2201 = arith.mulf %get3A_2199, %get3A_2199 : vector<16xf32>
      %add3A_2202 = arith.addf %add3A_2192, %mul3A_2201 : vector<16xf32>
      %get3A_2203 = arith.constant 1 : i32
      %get3A_2204 = arith.constant 76 : i32
      %get3A_2205 = arith.index_cast %get3A_2203 : i32 to index
      %get3A_2206 = arith.index_cast %get3A_2204 : i32 to index
      %get3A_2207 = arith.constant 0 : index
      %get3A_2208 = tpu.vector_load %arg7[%get3A_2205, %get3A_2206, %get3A_2207] {strides = array<i32>} : memref<2x104x128xf32, #tpu.memory_space<vmem>>, vector<1x1x16xf32>,
      %get3A_2209 = vector.shape_cast %get3A_2208 : vector<1x1x16xf32> to vector<16xf32>
      %add3A_2210 = arith.addf %add3A_2200, %get3A_2209 : vector<16xf32>
      %mul3A_2211 = arith.mulf %get3A_2209, %get3A_2209 : vector<16xf32>
      %add3A_2212 = arith.addf %add3A_2202, %mul3A_2211 : vector<16xf32>
      %get3A_2213 = arith.constant 1 : i32
      %get3A_2214 = arith.constant 77 : i32
      %get3A_2215 = arith.index_cast %get3A_2213 : i32 to index
      %get3A_2216 = arith.index_cast %get3A_2214 : i32 to index
      %get3A_2217 = arith.constant 0 : index
      %get3A_2218 = tpu.vector_load %arg7[%get3A_2215, %get3A_2216, %get3A_2217] {strides = array<i32>} : memref<2x104x128xf32, #tpu.memory_space<vmem>>, vector<1x1x16xf32>,
      %get3A_2219 = vector.shape_cast %get3A_2218 : vector<1x1x16xf32> to vector<16xf32>
      %add3A_2220 = arith.addf %add3A_2210, %get3A_2219 : vector<16xf32>
      %mul3A_2221 = arith.mulf %get3A_2219, %get3A_2219 : vector<16xf32>
      %add3A_2222 = arith.addf %add3A_2212, %mul3A_2221 : vector<16xf32>
      %get3A_2223 = arith.constant 1 : i32
      %get3A_2224 = arith.index_cast %get3A_2223 : i32 to index
      %get3A_2225 = arith.constant 52 : index
      %get3A_2226 = tpu.vector_load %arg8[%get3A_2224, %get3A_2225] {strides = array<i32>} : memref<2x120xf32, #tpu.memory_space<vmem>>, vector<1x16xf32>,
      %get3A_2227 = vector.shape_cast %get3A_2226 : vector<1x16xf32> to vector<16xf32>
      %get3A_2228 = arith.constant 1 : i32
      %get3A_2229 = arith.index_cast %get3A_2228 : i32 to index
      %get3A_2230 = arith.constant 68 : index
      %get3A_2231 = tpu.vector_load %arg8[%get3A_2229, %get3A_2230] {strides = array<i32>} : memref<2x120xf32, #tpu.memory_space<vmem>>, vector<1x16xf32>,
      %get3A_2232 = vector.shape_cast %get3A_2231 : vector<1x16xf32> to vector<16xf32>
      %jit3A_2233 = arith.constant 0.000000e+00 : f32
      %broadcast_in_dim3A_2234 = vector.broadcast %jit3A_2233 : f32 to vector<16xf32>
      %select_n3A_2235 = arith.select %lt3A_4, %get3A_2232, %broadcast_in_dim3A_2234 : vector<16xi1>, vector<16xf32>
      %mul3A_2236 = arith.mulf %add3A_2220, %add3A_2220 : vector<16xf32>
      %sub3A_2237 = arith.subf %mul3A_2236, %add3A_2222 : vector<16xf32>
      %mul3A_2238 = arith.constant 5.000000e-01 : f32
      %mul3A_2239 = vector.broadcast %mul3A_2238 : f32 to vector<16xf32>
      %mul3A_2240 = arith.mulf %mul3A_2239, %sub3A_2237 : vector<16xf32>
      %add3A_2241 = arith.addf %mul3A_2240, %get3A_2227 : vector<16xf32>
      %add3A_2242 = arith.addf %add3A_2241, %select_n3A_2235 : vector<16xf32>
      %xor3A_2243 = arith.constant 8 : i32
      %xor3A_2244 = vector.broadcast %xor3A_2243 : i32 to vector<16xi32>
      %xor3A_2245 = arith.xori %iota3A, %xor3A_2244 : vector<16xi32>
      %broadcast_in_dim3A_2246 = vector.shape_cast %xor3A_2245 : vector<16xi32> to vector<16x1xi32>
      %gather3A_2247 = vector.shape_cast %broadcast_in_dim3A_2246 : vector<16x1xi32> to vector<16xi32>
      %gather3A_2248 = tpu.dynamic_gather %add3A_2242[%gather3A_2247] in [0] : vector<16xf32>, vector<16xi32> -> vector<16xf32>
      %add3A_2249 = arith.addf %add3A_2242, %gather3A_2248 : vector<16xf32>
      %xor3A_2250 = arith.constant 4 : i32
      %xor3A_2251 = vector.broadcast %xor3A_2250 : i32 to vector<16xi32>
      %xor3A_2252 = arith.xori %iota3A, %xor3A_2251 : vector<16xi32>
      %broadcast_in_dim3A_2253 = vector.shape_cast %xor3A_2252 : vector<16xi32> to vector<16x1xi32>
      %gather3A_2254 = vector.shape_cast %broadcast_in_dim3A_2253 : vector<16x1xi32> to vector<16xi32>
      %gather3A_2255 = tpu.dynamic_gather %add3A_2249[%gather3A_2254] in [0] : vector<16xf32>, vector<16xi32> -> vector<16xf32>
      %add3A_2256 = arith.addf %add3A_2249, %gather3A_2255 : vector<16xf32>
      %xor3A_2257 = arith.constant 2 : i32
      %xor3A_2258 = vector.broadcast %xor3A_2257 : i32 to vector<16xi32>
      %xor3A_2259 = arith.xori %iota3A, %xor3A_2258 : vector<16xi32>
      %broadcast_in_dim3A_2260 = vector.shape_cast %xor3A_2259 : vector<16xi32> to vector<16x1xi32>
      %gather3A_2261 = vector.shape_cast %broadcast_in_dim3A_2260 : vector<16x1xi32> to vector<16xi32>
      %gather3A_2262 = tpu.dynamic_gather %add3A_2256[%gather3A_2261] in [0] : vector<16xf32>, vector<16xi32> -> vector<16xf32>
      %add3A_2263 = arith.addf %add3A_2256, %gather3A_2262 : vector<16xf32>
      %xor3A_2264 = arith.constant 1 : i32
      %xor3A_2265 = vector.broadcast %xor3A_2264 : i32 to vector<16xi32>
      %xor3A_2266 = arith.xori %iota3A, %xor3A_2265 : vector<16xi32>
      %broadcast_in_dim3A_2267 = vector.shape_cast %xor3A_2266 : vector<16xi32> to vector<16x1xi32>
      %gather3A_2268 = vector.shape_cast %broadcast_in_dim3A_2267 : vector<16x1xi32> to vector<16xi32>
      %gather3A_2269 = tpu.dynamic_gather %add3A_2263[%gather3A_2268] in [0] : vector<16xf32>, vector<16xi32> -> vector<16xf32>
      %add3A_2270 = arith.addf %add3A_2263, %gather3A_2269 : vector<16xf32>
      %eq3A_2271 = arith.constant 6 : i32
      %eq3A_2272 = vector.broadcast %eq3A_2271 : i32 to vector<16xi32>
      %eq3A_2273 = arith.cmpi eq, %iota3A, %eq3A_2272 : vector<16xi32>
      %select_n3A_2274 = arith.select %eq3A_2273, %add3A_2270, %select_n3A_1964 : vector<16xi1>, vector<16xf32>
      %get3A_2275 = arith.constant 1 : i32
      %get3A_2276 = arith.constant 78 : i32
      %get3A_2277 = arith.index_cast %get3A_2275 : i32 to index
      %get3A_2278 = arith.index_cast %get3A_2276 : i32 to index
      %get3A_2279 = arith.constant 0 : index
      %get3A_2280 = tpu.vector_load %arg7[%get3A_2277, %get3A_2278, %get3A_2279] {strides = array<i32>} : memref<2x104x128xf32, #tpu.memory_space<vmem>>, vector<1x1x16xf32>,
      %get3A_2281 = vector.shape_cast %get3A_2280 : vector<1x1x16xf32> to vector<16xf32>
      %mul3A_2282 = arith.mulf %get3A_2281, %get3A_2281 : vector<16xf32>
      %get3A_2283 = arith.constant 1 : i32
      %get3A_2284 = arith.constant 79 : i32
      %get3A_2285 = arith.index_cast %get3A_2283 : i32 to index
      %get3A_2286 = arith.index_cast %get3A_2284 : i32 to index
      %get3A_2287 = arith.constant 0 : index
      %get3A_2288 = tpu.vector_load %arg7[%get3A_2285, %get3A_2286, %get3A_2287] {strides = array<i32>} : memref<2x104x128xf32, #tpu.memory_space<vmem>>, vector<1x1x16xf32>,
      %get3A_2289 = vector.shape_cast %get3A_2288 : vector<1x1x16xf32> to vector<16xf32>
      %add3A_2290 = arith.addf %get3A_2281, %get3A_2289 : vector<16xf32>
      %mul3A_2291 = arith.mulf %get3A_2289, %get3A_2289 : vector<16xf32>
      %add3A_2292 = arith.addf %mul3A_2282, %mul3A_2291 : vector<16xf32>
      %get3A_2293 = arith.constant 1 : i32
      %get3A_2294 = arith.constant 80 : i32
      %get3A_2295 = arith.index_cast %get3A_2293 : i32 to index
      %get3A_2296 = arith.index_cast %get3A_2294 : i32 to index
      %get3A_2297 = arith.constant 0 : index
      %get3A_2298 = tpu.vector_load %arg7[%get3A_2295, %get3A_2296, %get3A_2297] {strides = array<i32>} : memref<2x104x128xf32, #tpu.memory_space<vmem>>, vector<1x1x16xf32>,
      %get3A_2299 = vector.shape_cast %get3A_2298 : vector<1x1x16xf32> to vector<16xf32>
      %add3A_2300 = arith.addf %add3A_2290, %get3A_2299 : vector<16xf32>
      %mul3A_2301 = arith.mulf %get3A_2299, %get3A_2299 : vector<16xf32>
      %add3A_2302 = arith.addf %add3A_2292, %mul3A_2301 : vector<16xf32>
      %get3A_2303 = arith.constant 1 : i32
      %get3A_2304 = arith.constant 81 : i32
      %get3A_2305 = arith.index_cast %get3A_2303 : i32 to index
      %get3A_2306 = arith.index_cast %get3A_2304 : i32 to index
      %get3A_2307 = arith.constant 0 : index
      %get3A_2308 = tpu.vector_load %arg7[%get3A_2305, %get3A_2306, %get3A_2307] {strides = array<i32>} : memref<2x104x128xf32, #tpu.memory_space<vmem>>, vector<1x1x16xf32>,
      %get3A_2309 = vector.shape_cast %get3A_2308 : vector<1x1x16xf32> to vector<16xf32>
      %add3A_2310 = arith.addf %add3A_2300, %get3A_2309 : vector<16xf32>
      %mul3A_2311 = arith.mulf %get3A_2309, %get3A_2309 : vector<16xf32>
      %add3A_2312 = arith.addf %add3A_2302, %mul3A_2311 : vector<16xf32>
      %get3A_2313 = arith.constant 1 : i32
      %get3A_2314 = arith.constant 82 : i32
      %get3A_2315 = arith.index_cast %get3A_2313 : i32 to index
      %get3A_2316 = arith.index_cast %get3A_2314 : i32 to index
      %get3A_2317 = arith.constant 0 : index
      %get3A_2318 = tpu.vector_load %arg7[%get3A_2315, %get3A_2316, %get3A_2317] {strides = array<i32>} : memref<2x104x128xf32, #tpu.memory_space<vmem>>, vector<1x1x16xf32>,
      %get3A_2319 = vector.shape_cast %get3A_2318 : vector<1x1x16xf32> to vector<16xf32>
      %add3A_2320 = arith.addf %add3A_2310, %get3A_2319 : vector<16xf32>
      %mul3A_2321 = arith.mulf %get3A_2319, %get3A_2319 : vector<16xf32>
      %add3A_2322 = arith.addf %add3A_2312, %mul3A_2321 : vector<16xf32>
      %get3A_2323 = arith.constant 1 : i32
      %get3A_2324 = arith.constant 83 : i32
      %get3A_2325 = arith.index_cast %get3A_2323 : i32 to index
      %get3A_2326 = arith.index_cast %get3A_2324 : i32 to index
      %get3A_2327 = arith.constant 0 : index
      %get3A_2328 = tpu.vector_load %arg7[%get3A_2325, %get3A_2326, %get3A_2327] {strides = array<i32>} : memref<2x104x128xf32, #tpu.memory_space<vmem>>, vector<1x1x16xf32>,
      %get3A_2329 = vector.shape_cast %get3A_2328 : vector<1x1x16xf32> to vector<16xf32>
      %add3A_2330 = arith.addf %add3A_2320, %get3A_2329 : vector<16xf32>
      %mul3A_2331 = arith.mulf %get3A_2329, %get3A_2329 : vector<16xf32>
      %add3A_2332 = arith.addf %add3A_2322, %mul3A_2331 : vector<16xf32>
      %get3A_2333 = arith.constant 1 : i32
      %get3A_2334 = arith.constant 84 : i32
      %get3A_2335 = arith.index_cast %get3A_2333 : i32 to index
      %get3A_2336 = arith.index_cast %get3A_2334 : i32 to index
      %get3A_2337 = arith.constant 0 : index
      %get3A_2338 = tpu.vector_load %arg7[%get3A_2335, %get3A_2336, %get3A_2337] {strides = array<i32>} : memref<2x104x128xf32, #tpu.memory_space<vmem>>, vector<1x1x16xf32>,
      %get3A_2339 = vector.shape_cast %get3A_2338 : vector<1x1x16xf32> to vector<16xf32>
      %add3A_2340 = arith.addf %add3A_2330, %get3A_2339 : vector<16xf32>
      %mul3A_2341 = arith.mulf %get3A_2339, %get3A_2339 : vector<16xf32>
      %add3A_2342 = arith.addf %add3A_2332, %mul3A_2341 : vector<16xf32>
      %get3A_2343 = arith.constant 1 : i32
      %get3A_2344 = arith.constant 85 : i32
      %get3A_2345 = arith.index_cast %get3A_2343 : i32 to index
      %get3A_2346 = arith.index_cast %get3A_2344 : i32 to index
      %get3A_2347 = arith.constant 0 : index
      %get3A_2348 = tpu.vector_load %arg7[%get3A_2345, %get3A_2346, %get3A_2347] {strides = array<i32>} : memref<2x104x128xf32, #tpu.memory_space<vmem>>, vector<1x1x16xf32>,
      %get3A_2349 = vector.shape_cast %get3A_2348 : vector<1x1x16xf32> to vector<16xf32>
      %add3A_2350 = arith.addf %add3A_2340, %get3A_2349 : vector<16xf32>
      %mul3A_2351 = arith.mulf %get3A_2349, %get3A_2349 : vector<16xf32>
      %add3A_2352 = arith.addf %add3A_2342, %mul3A_2351 : vector<16xf32>
      %get3A_2353 = arith.constant 1 : i32
      %get3A_2354 = arith.constant 86 : i32
      %get3A_2355 = arith.index_cast %get3A_2353 : i32 to index
      %get3A_2356 = arith.index_cast %get3A_2354 : i32 to index
      %get3A_2357 = arith.constant 0 : index
      %get3A_2358 = tpu.vector_load %arg7[%get3A_2355, %get3A_2356, %get3A_2357] {strides = array<i32>} : memref<2x104x128xf32, #tpu.memory_space<vmem>>, vector<1x1x16xf32>,
      %get3A_2359 = vector.shape_cast %get3A_2358 : vector<1x1x16xf32> to vector<16xf32>
      %add3A_2360 = arith.addf %add3A_2350, %get3A_2359 : vector<16xf32>
      %mul3A_2361 = arith.mulf %get3A_2359, %get3A_2359 : vector<16xf32>
      %add3A_2362 = arith.addf %add3A_2352, %mul3A_2361 : vector<16xf32>
      %get3A_2363 = arith.constant 1 : i32
      %get3A_2364 = arith.constant 87 : i32
      %get3A_2365 = arith.index_cast %get3A_2363 : i32 to index
      %get3A_2366 = arith.index_cast %get3A_2364 : i32 to index
      %get3A_2367 = arith.constant 0 : index
      %get3A_2368 = tpu.vector_load %arg7[%get3A_2365, %get3A_2366, %get3A_2367] {strides = array<i32>} : memref<2x104x128xf32, #tpu.memory_space<vmem>>, vector<1x1x16xf32>,
      %get3A_2369 = vector.shape_cast %get3A_2368 : vector<1x1x16xf32> to vector<16xf32>
      %add3A_2370 = arith.addf %add3A_2360, %get3A_2369 : vector<16xf32>
      %mul3A_2371 = arith.mulf %get3A_2369, %get3A_2369 : vector<16xf32>
      %add3A_2372 = arith.addf %add3A_2362, %mul3A_2371 : vector<16xf32>
      %get3A_2373 = arith.constant 1 : i32
      %get3A_2374 = arith.constant 88 : i32
      %get3A_2375 = arith.index_cast %get3A_2373 : i32 to index
      %get3A_2376 = arith.index_cast %get3A_2374 : i32 to index
      %get3A_2377 = arith.constant 0 : index
      %get3A_2378 = tpu.vector_load %arg7[%get3A_2375, %get3A_2376, %get3A_2377] {strides = array<i32>} : memref<2x104x128xf32, #tpu.memory_space<vmem>>, vector<1x1x16xf32>,
      %get3A_2379 = vector.shape_cast %get3A_2378 : vector<1x1x16xf32> to vector<16xf32>
      %add3A_2380 = arith.addf %add3A_2370, %get3A_2379 : vector<16xf32>
      %mul3A_2381 = arith.mulf %get3A_2379, %get3A_2379 : vector<16xf32>
      %add3A_2382 = arith.addf %add3A_2372, %mul3A_2381 : vector<16xf32>
      %get3A_2383 = arith.constant 1 : i32
      %get3A_2384 = arith.constant 89 : i32
      %get3A_2385 = arith.index_cast %get3A_2383 : i32 to index
      %get3A_2386 = arith.index_cast %get3A_2384 : i32 to index
      %get3A_2387 = arith.constant 0 : index
      %get3A_2388 = tpu.vector_load %arg7[%get3A_2385, %get3A_2386, %get3A_2387] {strides = array<i32>} : memref<2x104x128xf32, #tpu.memory_space<vmem>>, vector<1x1x16xf32>,
      %get3A_2389 = vector.shape_cast %get3A_2388 : vector<1x1x16xf32> to vector<16xf32>
      %add3A_2390 = arith.addf %add3A_2380, %get3A_2389 : vector<16xf32>
      %mul3A_2391 = arith.mulf %get3A_2389, %get3A_2389 : vector<16xf32>
      %add3A_2392 = arith.addf %add3A_2382, %mul3A_2391 : vector<16xf32>
      %get3A_2393 = arith.constant 1 : i32
      %get3A_2394 = arith.constant 90 : i32
      %get3A_2395 = arith.index_cast %get3A_2393 : i32 to index
      %get3A_2396 = arith.index_cast %get3A_2394 : i32 to index
      %get3A_2397 = arith.constant 0 : index
      %get3A_2398 = tpu.vector_load %arg7[%get3A_2395, %get3A_2396, %get3A_2397] {strides = array<i32>} : memref<2x104x128xf32, #tpu.memory_space<vmem>>, vector<1x1x16xf32>,
      %get3A_2399 = vector.shape_cast %get3A_2398 : vector<1x1x16xf32> to vector<16xf32>
      %add3A_2400 = arith.addf %add3A_2390, %get3A_2399 : vector<16xf32>
      %mul3A_2401 = arith.mulf %get3A_2399, %get3A_2399 : vector<16xf32>
      %add3A_2402 = arith.addf %add3A_2392, %mul3A_2401 : vector<16xf32>
      %get3A_2403 = arith.constant 1 : i32
      %get3A_2404 = arith.constant 91 : i32
      %get3A_2405 = arith.index_cast %get3A_2403 : i32 to index
      %get3A_2406 = arith.index_cast %get3A_2404 : i32 to index
      %get3A_2407 = arith.constant 0 : index
      %get3A_2408 = tpu.vector_load %arg7[%get3A_2405, %get3A_2406, %get3A_2407] {strides = array<i32>} : memref<2x104x128xf32, #tpu.memory_space<vmem>>, vector<1x1x16xf32>,
      %get3A_2409 = vector.shape_cast %get3A_2408 : vector<1x1x16xf32> to vector<16xf32>
      %add3A_2410 = arith.addf %add3A_2400, %get3A_2409 : vector<16xf32>
      %mul3A_2411 = arith.mulf %get3A_2409, %get3A_2409 : vector<16xf32>
      %add3A_2412 = arith.addf %add3A_2402, %mul3A_2411 : vector<16xf32>
      %get3A_2413 = arith.constant 1 : i32
      %get3A_2414 = arith.constant 92 : i32
      %get3A_2415 = arith.index_cast %get3A_2413 : i32 to index
      %get3A_2416 = arith.index_cast %get3A_2414 : i32 to index
      %get3A_2417 = arith.constant 0 : index
      %get3A_2418 = tpu.vector_load %arg7[%get3A_2415, %get3A_2416, %get3A_2417] {strides = array<i32>} : memref<2x104x128xf32, #tpu.memory_space<vmem>>, vector<1x1x16xf32>,
      %get3A_2419 = vector.shape_cast %get3A_2418 : vector<1x1x16xf32> to vector<16xf32>
      %add3A_2420 = arith.addf %add3A_2410, %get3A_2419 : vector<16xf32>
      %mul3A_2421 = arith.mulf %get3A_2419, %get3A_2419 : vector<16xf32>
      %add3A_2422 = arith.addf %add3A_2412, %mul3A_2421 : vector<16xf32>
      %get3A_2423 = arith.constant 1 : i32
      %get3A_2424 = arith.constant 93 : i32
      %get3A_2425 = arith.index_cast %get3A_2423 : i32 to index
      %get3A_2426 = arith.index_cast %get3A_2424 : i32 to index
      %get3A_2427 = arith.constant 0 : index
      %get3A_2428 = tpu.vector_load %arg7[%get3A_2425, %get3A_2426, %get3A_2427] {strides = array<i32>} : memref<2x104x128xf32, #tpu.memory_space<vmem>>, vector<1x1x16xf32>,
      %get3A_2429 = vector.shape_cast %get3A_2428 : vector<1x1x16xf32> to vector<16xf32>
      %add3A_2430 = arith.addf %add3A_2420, %get3A_2429 : vector<16xf32>
      %mul3A_2431 = arith.mulf %get3A_2429, %get3A_2429 : vector<16xf32>
      %add3A_2432 = arith.addf %add3A_2422, %mul3A_2431 : vector<16xf32>
      %get3A_2433 = arith.constant 1 : i32
      %get3A_2434 = arith.constant 94 : i32
      %get3A_2435 = arith.index_cast %get3A_2433 : i32 to index
      %get3A_2436 = arith.index_cast %get3A_2434 : i32 to index
      %get3A_2437 = arith.constant 0 : index
      %get3A_2438 = tpu.vector_load %arg7[%get3A_2435, %get3A_2436, %get3A_2437] {strides = array<i32>} : memref<2x104x128xf32, #tpu.memory_space<vmem>>, vector<1x1x16xf32>,
      %get3A_2439 = vector.shape_cast %get3A_2438 : vector<1x1x16xf32> to vector<16xf32>
      %add3A_2440 = arith.addf %add3A_2430, %get3A_2439 : vector<16xf32>
      %mul3A_2441 = arith.mulf %get3A_2439, %get3A_2439 : vector<16xf32>
      %add3A_2442 = arith.addf %add3A_2432, %mul3A_2441 : vector<16xf32>
      %get3A_2443 = arith.constant 1 : i32
      %get3A_2444 = arith.constant 95 : i32
      %get3A_2445 = arith.index_cast %get3A_2443 : i32 to index
      %get3A_2446 = arith.index_cast %get3A_2444 : i32 to index
      %get3A_2447 = arith.constant 0 : index
      %get3A_2448 = tpu.vector_load %arg7[%get3A_2445, %get3A_2446, %get3A_2447] {strides = array<i32>} : memref<2x104x128xf32, #tpu.memory_space<vmem>>, vector<1x1x16xf32>,
      %get3A_2449 = vector.shape_cast %get3A_2448 : vector<1x1x16xf32> to vector<16xf32>
      %add3A_2450 = arith.addf %add3A_2440, %get3A_2449 : vector<16xf32>
      %mul3A_2451 = arith.mulf %get3A_2449, %get3A_2449 : vector<16xf32>
      %add3A_2452 = arith.addf %add3A_2442, %mul3A_2451 : vector<16xf32>
      %get3A_2453 = arith.constant 1 : i32
      %get3A_2454 = arith.constant 96 : i32
      %get3A_2455 = arith.index_cast %get3A_2453 : i32 to index
      %get3A_2456 = arith.index_cast %get3A_2454 : i32 to index
      %get3A_2457 = arith.constant 0 : index
      %get3A_2458 = tpu.vector_load %arg7[%get3A_2455, %get3A_2456, %get3A_2457] {strides = array<i32>} : memref<2x104x128xf32, #tpu.memory_space<vmem>>, vector<1x1x16xf32>,
      %get3A_2459 = vector.shape_cast %get3A_2458 : vector<1x1x16xf32> to vector<16xf32>
      %add3A_2460 = arith.addf %add3A_2450, %get3A_2459 : vector<16xf32>
      %mul3A_2461 = arith.mulf %get3A_2459, %get3A_2459 : vector<16xf32>
      %add3A_2462 = arith.addf %add3A_2452, %mul3A_2461 : vector<16xf32>
      %get3A_2463 = arith.constant 1 : i32
      %get3A_2464 = arith.constant 97 : i32
      %get3A_2465 = arith.index_cast %get3A_2463 : i32 to index
      %get3A_2466 = arith.index_cast %get3A_2464 : i32 to index
      %get3A_2467 = arith.constant 0 : index
      %get3A_2468 = tpu.vector_load %arg7[%get3A_2465, %get3A_2466, %get3A_2467] {strides = array<i32>} : memref<2x104x128xf32, #tpu.memory_space<vmem>>, vector<1x1x16xf32>,
      %get3A_2469 = vector.shape_cast %get3A_2468 : vector<1x1x16xf32> to vector<16xf32>
      %add3A_2470 = arith.addf %add3A_2460, %get3A_2469 : vector<16xf32>
      %mul3A_2471 = arith.mulf %get3A_2469, %get3A_2469 : vector<16xf32>
      %add3A_2472 = arith.addf %add3A_2462, %mul3A_2471 : vector<16xf32>
      %get3A_2473 = arith.constant 1 : i32
      %get3A_2474 = arith.constant 98 : i32
      %get3A_2475 = arith.index_cast %get3A_2473 : i32 to index
      %get3A_2476 = arith.index_cast %get3A_2474 : i32 to index
      %get3A_2477 = arith.constant 0 : index
      %get3A_2478 = tpu.vector_load %arg7[%get3A_2475, %get3A_2476, %get3A_2477] {strides = array<i32>} : memref<2x104x128xf32, #tpu.memory_space<vmem>>, vector<1x1x16xf32>,
      %get3A_2479 = vector.shape_cast %get3A_2478 : vector<1x1x16xf32> to vector<16xf32>
      %add3A_2480 = arith.addf %add3A_2470, %get3A_2479 : vector<16xf32>
      %mul3A_2481 = arith.mulf %get3A_2479, %get3A_2479 : vector<16xf32>
      %add3A_2482 = arith.addf %add3A_2472, %mul3A_2481 : vector<16xf32>
      %get3A_2483 = arith.constant 1 : i32
      %get3A_2484 = arith.constant 99 : i32
      %get3A_2485 = arith.index_cast %get3A_2483 : i32 to index
      %get3A_2486 = arith.index_cast %get3A_2484 : i32 to index
      %get3A_2487 = arith.constant 0 : index
      %get3A_2488 = tpu.vector_load %arg7[%get3A_2485, %get3A_2486, %get3A_2487] {strides = array<i32>} : memref<2x104x128xf32, #tpu.memory_space<vmem>>, vector<1x1x16xf32>,
      %get3A_2489 = vector.shape_cast %get3A_2488 : vector<1x1x16xf32> to vector<16xf32>
      %add3A_2490 = arith.addf %add3A_2480, %get3A_2489 : vector<16xf32>
      %mul3A_2491 = arith.mulf %get3A_2489, %get3A_2489 : vector<16xf32>
      %add3A_2492 = arith.addf %add3A_2482, %mul3A_2491 : vector<16xf32>
      %get3A_2493 = arith.constant 1 : i32
      %get3A_2494 = arith.constant 100 : i32
      %get3A_2495 = arith.index_cast %get3A_2493 : i32 to index
      %get3A_2496 = arith.index_cast %get3A_2494 : i32 to index
      %get3A_2497 = arith.constant 0 : index
      %get3A_2498 = tpu.vector_load %arg7[%get3A_2495, %get3A_2496, %get3A_2497] {strides = array<i32>} : memref<2x104x128xf32, #tpu.memory_space<vmem>>, vector<1x1x16xf32>,
      %get3A_2499 = vector.shape_cast %get3A_2498 : vector<1x1x16xf32> to vector<16xf32>
      %add3A_2500 = arith.addf %add3A_2490, %get3A_2499 : vector<16xf32>
      %mul3A_2501 = arith.mulf %get3A_2499, %get3A_2499 : vector<16xf32>
      %add3A_2502 = arith.addf %add3A_2492, %mul3A_2501 : vector<16xf32>
      %get3A_2503 = arith.constant 1 : i32
      %get3A_2504 = arith.constant 101 : i32
      %get3A_2505 = arith.index_cast %get3A_2503 : i32 to index
      %get3A_2506 = arith.index_cast %get3A_2504 : i32 to index
      %get3A_2507 = arith.constant 0 : index
      %get3A_2508 = tpu.vector_load %arg7[%get3A_2505, %get3A_2506, %get3A_2507] {strides = array<i32>} : memref<2x104x128xf32, #tpu.memory_space<vmem>>, vector<1x1x16xf32>,
      %get3A_2509 = vector.shape_cast %get3A_2508 : vector<1x1x16xf32> to vector<16xf32>
      %add3A_2510 = arith.addf %add3A_2500, %get3A_2509 : vector<16xf32>
      %mul3A_2511 = arith.mulf %get3A_2509, %get3A_2509 : vector<16xf32>
      %add3A_2512 = arith.addf %add3A_2502, %mul3A_2511 : vector<16xf32>
      %get3A_2513 = arith.constant 1 : i32
      %get3A_2514 = arith.constant 102 : i32
      %get3A_2515 = arith.index_cast %get3A_2513 : i32 to index
      %get3A_2516 = arith.index_cast %get3A_2514 : i32 to index
      %get3A_2517 = arith.constant 0 : index
      %get3A_2518 = tpu.vector_load %arg7[%get3A_2515, %get3A_2516, %get3A_2517] {strides = array<i32>} : memref<2x104x128xf32, #tpu.memory_space<vmem>>, vector<1x1x16xf32>,
      %get3A_2519 = vector.shape_cast %get3A_2518 : vector<1x1x16xf32> to vector<16xf32>
      %add3A_2520 = arith.addf %add3A_2510, %get3A_2519 : vector<16xf32>
      %mul3A_2521 = arith.mulf %get3A_2519, %get3A_2519 : vector<16xf32>
      %add3A_2522 = arith.addf %add3A_2512, %mul3A_2521 : vector<16xf32>
      %get3A_2523 = arith.constant 1 : i32
      %get3A_2524 = arith.constant 103 : i32
      %get3A_2525 = arith.index_cast %get3A_2523 : i32 to index
      %get3A_2526 = arith.index_cast %get3A_2524 : i32 to index
      %get3A_2527 = arith.constant 0 : index
      %get3A_2528 = tpu.vector_load %arg7[%get3A_2525, %get3A_2526, %get3A_2527] {strides = array<i32>} : memref<2x104x128xf32, #tpu.memory_space<vmem>>, vector<1x1x16xf32>,
      %get3A_2529 = vector.shape_cast %get3A_2528 : vector<1x1x16xf32> to vector<16xf32>
      %add3A_2530 = arith.addf %add3A_2520, %get3A_2529 : vector<16xf32>
      %mul3A_2531 = arith.mulf %get3A_2529, %get3A_2529 : vector<16xf32>
      %add3A_2532 = arith.addf %add3A_2522, %mul3A_2531 : vector<16xf32>
      %get3A_2533 = arith.constant 1 : i32
      %get3A_2534 = arith.index_cast %get3A_2533 : i32 to index
      %get3A_2535 = arith.constant 78 : index
      %get3A_2536 = tpu.vector_load %arg8[%get3A_2534, %get3A_2535] {strides = array<i32>} : memref<2x120xf32, #tpu.memory_space<vmem>>, vector<1x16xf32>,
      %get3A_2537 = vector.shape_cast %get3A_2536 : vector<1x16xf32> to vector<16xf32>
      %get3A_2538 = arith.constant 1 : i32
      %get3A_2539 = arith.index_cast %get3A_2538 : i32 to index
      %get3A_2540 = arith.constant 94 : index
      %get3A_2541 = tpu.vector_load %arg8[%get3A_2539, %get3A_2540] {strides = array<i32>} : memref<2x120xf32, #tpu.memory_space<vmem>>, vector<1x16xf32>,
      %get3A_2542 = vector.shape_cast %get3A_2541 : vector<1x16xf32> to vector<16xf32>
      %jit3A_2543 = arith.constant 0.000000e+00 : f32
      %broadcast_in_dim3A_2544 = vector.broadcast %jit3A_2543 : f32 to vector<16xf32>
      %select_n3A_2545 = arith.select %lt3A_4, %get3A_2542, %broadcast_in_dim3A_2544 : vector<16xi1>, vector<16xf32>
      %mul3A_2546 = arith.mulf %add3A_2530, %add3A_2530 : vector<16xf32>
      %sub3A_2547 = arith.subf %mul3A_2546, %add3A_2532 : vector<16xf32>
      %mul3A_2548 = arith.constant 5.000000e-01 : f32
      %mul3A_2549 = vector.broadcast %mul3A_2548 : f32 to vector<16xf32>
      %mul3A_2550 = arith.mulf %mul3A_2549, %sub3A_2547 : vector<16xf32>
      %add3A_2551 = arith.addf %mul3A_2550, %get3A_2537 : vector<16xf32>
      %add3A_2552 = arith.addf %add3A_2551, %select_n3A_2545 : vector<16xf32>
      %xor3A_2553 = arith.constant 8 : i32
      %xor3A_2554 = vector.broadcast %xor3A_2553 : i32 to vector<16xi32>
      %xor3A_2555 = arith.xori %iota3A, %xor3A_2554 : vector<16xi32>
      %broadcast_in_dim3A_2556 = vector.shape_cast %xor3A_2555 : vector<16xi32> to vector<16x1xi32>
      %gather3A_2557 = vector.shape_cast %broadcast_in_dim3A_2556 : vector<16x1xi32> to vector<16xi32>
      %gather3A_2558 = tpu.dynamic_gather %add3A_2552[%gather3A_2557] in [0] : vector<16xf32>, vector<16xi32> -> vector<16xf32>
      %add3A_2559 = arith.addf %add3A_2552, %gather3A_2558 : vector<16xf32>
      %xor3A_2560 = arith.constant 4 : i32
      %xor3A_2561 = vector.broadcast %xor3A_2560 : i32 to vector<16xi32>
      %xor3A_2562 = arith.xori %iota3A, %xor3A_2561 : vector<16xi32>
      %broadcast_in_dim3A_2563 = vector.shape_cast %xor3A_2562 : vector<16xi32> to vector<16x1xi32>
      %gather3A_2564 = vector.shape_cast %broadcast_in_dim3A_2563 : vector<16x1xi32> to vector<16xi32>
      %gather3A_2565 = tpu.dynamic_gather %add3A_2559[%gather3A_2564] in [0] : vector<16xf32>, vector<16xi32> -> vector<16xf32>
      %add3A_2566 = arith.addf %add3A_2559, %gather3A_2565 : vector<16xf32>
      %xor3A_2567 = arith.constant 2 : i32
      %xor3A_2568 = vector.broadcast %xor3A_2567 : i32 to vector<16xi32>
      %xor3A_2569 = arith.xori %iota3A, %xor3A_2568 : vector<16xi32>
      %broadcast_in_dim3A_2570 = vector.shape_cast %xor3A_2569 : vector<16xi32> to vector<16x1xi32>
      %gather3A_2571 = vector.shape_cast %broadcast_in_dim3A_2570 : vector<16x1xi32> to vector<16xi32>
      %gather3A_2572 = tpu.dynamic_gather %add3A_2566[%gather3A_2571] in [0] : vector<16xf32>, vector<16xi32> -> vector<16xf32>
      %add3A_2573 = arith.addf %add3A_2566, %gather3A_2572 : vector<16xf32>
      %xor3A_2574 = arith.constant 1 : i32
      %xor3A_2575 = vector.broadcast %xor3A_2574 : i32 to vector<16xi32>
      %xor3A_2576 = arith.xori %iota3A, %xor3A_2575 : vector<16xi32>
      %broadcast_in_dim3A_2577 = vector.shape_cast %xor3A_2576 : vector<16xi32> to vector<16x1xi32>
      %gather3A_2578 = vector.shape_cast %broadcast_in_dim3A_2577 : vector<16x1xi32> to vector<16xi32>
      %gather3A_2579 = tpu.dynamic_gather %add3A_2573[%gather3A_2578] in [0] : vector<16xf32>, vector<16xi32> -> vector<16xf32>
      %add3A_2580 = arith.addf %add3A_2573, %gather3A_2579 : vector<16xf32>
      %eq3A_2581 = arith.constant 7 : i32
      %eq3A_2582 = vector.broadcast %eq3A_2581 : i32 to vector<16xi32>
      %eq3A_2583 = arith.cmpi eq, %iota3A, %eq3A_2582 : vector<16xi32>
      %select_n3A_2584 = arith.select %eq3A_2583, %add3A_2580, %select_n3A_2274 : vector<16xi1>, vector<16xf32>
      %mul3A_2585 = arith.constant 4 : i32
      %mul3A_2586 = arith.muli %scan3A_39, %mul3A_2585 : i32
      %add3A_2587 = arith.constant 2 : i32
      %add3A_2588 = arith.addi %mul3A_2586, %add3A_2587 : i32
      %add3A_2589 = arith.constant 1 : i32
      %add3A_2590 = arith.addi %add3A_2588, %add3A_2589 : i32
      %lt3A_2591 = arith.constant 128 : i32
      %lt3A_2592 = arith.cmpi slt, %add3A_2590, %lt3A_2591 : i32
      %convert_element_type3A_2593 = arith.extui %lt3A_2592 : i1 to i32
      %cond3A_2594 = arith.constant 0 : i32
      %cond3A_2595 = arith.cmpi ne, %convert_element_type3A_2593, %cond3A_2594 : i32
      scf.if %cond3A_2595 {
        %add3A_5144 = arith.constant 1 : i32
        %add3A_5145 = arith.addi %add3A_2588, %add3A_5144 : i32
        %dma_start3A_5146 = arith.constant 1 : i32
        %dma_start3A_5147 = arith.constant 1 : i32
        %dma_start3A_5148 = arith.constant 0 : i32
        %dma_start3A_5149 = arith.constant 0 : i32
        %dma_start3A_5150 = tpu.memref_slice %arg7[%dma_start3A_5146, %dma_start3A_5148, %dma_start3A_5149] : memref<2x104x128xf32, #tpu.memory_space<vmem>> -> memref<1x104x128xf32, #tpu.memory_space<vmem>>
        %dma_start3A_5151 = tpu.memref_squeeze %dma_start3A_5150 : memref<1x104x128xf32, #tpu.memory_space<vmem>> -> memref<104x128xf32, #tpu.memory_space<vmem>>
        %dma_start3A_5152 = arith.constant 0 : i32
        %dma_start3A_5153 = tpu.memref_slice %arg6[%add3A_5145, %dma_start3A_5152] : memref<128x104xi32, #tpu.memory_space<vmem>> -> memref<1x104xi32, #tpu.memory_space<vmem>>
        %dma_start3A_5154 = tpu.memref_squeeze %dma_start3A_5153 : memref<1x104xi32, #tpu.memory_space<vmem>> -> memref<104xi32, #tpu.memory_space<vmem>>
        %dma_start3A_5155 = arith.constant 0 : i32
        %dma_start3A_5156 = arith.constant 0 : i32
        %dma_start3A_5157 = tpu.memref_slice %arg4[%dma_start3A_5155, %dma_start3A_5156] : memref<1000000x128xf32, #tpu.memory_space<hbm>> -> memref<1000000x128xf32, #tpu.memory_space<hbm>>
        %dma_start3A_5158 = tpu.memref_slice %arg10[%dma_start3A_5147] : memref<2x!tpu.dma_semaphore, #tpu.memory_space<semaphore_mem>> -> memref<1x!tpu.dma_semaphore, #tpu.memory_space<semaphore_mem>>
        %dma_start3A_5159 = tpu.memref_squeeze %dma_start3A_5158 : memref<1x!tpu.dma_semaphore, #tpu.memory_space<semaphore_mem>> -> memref<!tpu.dma_semaphore, #tpu.memory_space<semaphore_mem>>
        tpu.enqueue_indirect_dma source(%dma_start3A_5157 : memref<1000000x128xf32, #tpu.memory_space<hbm>>) target(%dma_start3A_5151 : memref<104x128xf32, #tpu.memory_space<vmem>>) offsets(%dma_start3A_5154 : memref<104xi32, #tpu.memory_space<vmem>>) semaphore(%dma_start3A_5159 : memref<!tpu.dma_semaphore, #tpu.memory_space<semaphore_mem>>)
        %dma_start3A_5160 = arith.constant 1 : i32
        %dma_start3A_5161 = arith.constant 1 : i32
        %dma_start3A_5162 = arith.constant 0 : i32
        %dma_start3A_5163 = tpu.memref_slice %arg8[%dma_start3A_5160, %dma_start3A_5162] : memref<2x120xf32, #tpu.memory_space<vmem>> -> memref<1x104xf32, #tpu.memory_space<vmem>>
        %dma_start3A_5164 = tpu.memref_squeeze %dma_start3A_5163 : memref<1x104xf32, #tpu.memory_space<vmem>> -> memref<104xf32, #tpu.memory_space<vmem>>
        %dma_start3A_5165 = arith.constant 0 : i32
        %dma_start3A_5166 = tpu.memref_slice %arg6[%add3A_5145, %dma_start3A_5165] : memref<128x104xi32, #tpu.memory_space<vmem>> -> memref<1x104xi32, #tpu.memory_space<vmem>>
        %dma_start3A_5167 = tpu.memref_squeeze %dma_start3A_5166 : memref<1x104xi32, #tpu.memory_space<vmem>> -> memref<104xi32, #tpu.memory_space<vmem>>
        %dma_start3A_5168 = arith.constant 0 : i32
        %dma_start3A_5169 = tpu.memref_slice %arg3[%dma_start3A_5168] : memref<1000000xf32, #tpu.memory_space<hbm>> -> memref<1000000xf32, #tpu.memory_space<hbm>>
        %dma_start3A_5170 = tpu.memref_slice %arg11[%dma_start3A_5161] : memref<2x!tpu.dma_semaphore, #tpu.memory_space<semaphore_mem>> -> memref<1x!tpu.dma_semaphore, #tpu.memory_space<semaphore_mem>>
        %dma_start3A_5171 = tpu.memref_squeeze %dma_start3A_5170 : memref<1x!tpu.dma_semaphore, #tpu.memory_space<semaphore_mem>> -> memref<!tpu.dma_semaphore, #tpu.memory_space<semaphore_mem>>
        tpu.enqueue_indirect_dma source(%dma_start3A_5169 : memref<1000000xf32, #tpu.memory_space<hbm>>) target(%dma_start3A_5164 : memref<104xf32, #tpu.memory_space<vmem>>) offsets(%dma_start3A_5167 : memref<104xi32, #tpu.memory_space<vmem>>) semaphore(%dma_start3A_5171 : memref<!tpu.dma_semaphore, #tpu.memory_space<semaphore_mem>>)
      } else {
      }
      %dma_wait3A_2596 = arith.constant 0 : i32
      %dma_wait3A_2597 = arith.constant 0 : i32
      %dma_wait3A_2598 = arith.constant 0 : i32
      %dma_wait3A_2599 = arith.constant 0 : i32
      %dma_wait3A_2600 = tpu.memref_slice %arg7[%dma_wait3A_2596, %dma_wait3A_2598, %dma_wait3A_2599] : memref<2x104x128xf32, #tpu.memory_space<vmem>> -> memref<1x104x128xf32, #tpu.memory_space<vmem>>
      %dma_wait3A_2601 = tpu.memref_squeeze %dma_wait3A_2600 : memref<1x104x128xf32, #tpu.memory_space<vmem>> -> memref<104x128xf32, #tpu.memory_space<vmem>>
      %dma_wait3A_2602 = arith.constant 0 : i32
      %dma_wait3A_2603 = tpu.memref_slice %arg6[%add3A_2588, %dma_wait3A_2602] : memref<128x104xi32, #tpu.memory_space<vmem>> -> memref<1x104xi32, #tpu.memory_space<vmem>>
      %dma_wait3A_2604 = tpu.memref_squeeze %dma_wait3A_2603 : memref<1x104xi32, #tpu.memory_space<vmem>> -> memref<104xi32, #tpu.memory_space<vmem>>
      %dma_wait3A_2605 = arith.constant 0 : i32
      %dma_wait3A_2606 = arith.constant 0 : i32
      %dma_wait3A_2607 = tpu.memref_slice %arg4[%dma_wait3A_2605, %dma_wait3A_2606] : memref<1000000x128xf32, #tpu.memory_space<hbm>> -> memref<1000000x128xf32, #tpu.memory_space<hbm>>
      %dma_wait3A_2608 = tpu.memref_slice %arg10[%dma_wait3A_2597] : memref<2x!tpu.dma_semaphore, #tpu.memory_space<semaphore_mem>> -> memref<1x!tpu.dma_semaphore, #tpu.memory_space<semaphore_mem>>
      %dma_wait3A_2609 = tpu.memref_squeeze %dma_wait3A_2608 : memref<1x!tpu.dma_semaphore, #tpu.memory_space<semaphore_mem>> -> memref<!tpu.dma_semaphore, #tpu.memory_space<semaphore_mem>>
      tpu.wait_indirect_dma semaphore(%dma_wait3A_2609 : memref<!tpu.dma_semaphore, #tpu.memory_space<semaphore_mem>>) src(%dma_wait3A_2607 : memref<1000000x128xf32, #tpu.memory_space<hbm>>) dst(%dma_wait3A_2601 : memref<104x128xf32, #tpu.memory_space<vmem>>)
      %dma_wait3A_2610 = arith.constant 0 : i32
      %dma_wait3A_2611 = arith.constant 0 : i32
      %dma_wait3A_2612 = arith.constant 0 : i32
      %dma_wait3A_2613 = tpu.memref_slice %arg8[%dma_wait3A_2610, %dma_wait3A_2612] : memref<2x120xf32, #tpu.memory_space<vmem>> -> memref<1x104xf32, #tpu.memory_space<vmem>>
      %dma_wait3A_2614 = tpu.memref_squeeze %dma_wait3A_2613 : memref<1x104xf32, #tpu.memory_space<vmem>> -> memref<104xf32, #tpu.memory_space<vmem>>
      %dma_wait3A_2615 = arith.constant 0 : i32
      %dma_wait3A_2616 = tpu.memref_slice %arg6[%add3A_2588, %dma_wait3A_2615] : memref<128x104xi32, #tpu.memory_space<vmem>> -> memref<1x104xi32, #tpu.memory_space<vmem>>
      %dma_wait3A_2617 = tpu.memref_squeeze %dma_wait3A_2616 : memref<1x104xi32, #tpu.memory_space<vmem>> -> memref<104xi32, #tpu.memory_space<vmem>>
      %dma_wait3A_2618 = arith.constant 0 : i32
      %dma_wait3A_2619 = tpu.memref_slice %arg3[%dma_wait3A_2618] : memref<1000000xf32, #tpu.memory_space<hbm>> -> memref<1000000xf32, #tpu.memory_space<hbm>>
      %dma_wait3A_2620 = tpu.memref_slice %arg11[%dma_wait3A_2611] : memref<2x!tpu.dma_semaphore, #tpu.memory_space<semaphore_mem>> -> memref<1x!tpu.dma_semaphore, #tpu.memory_space<semaphore_mem>>
      %dma_wait3A_2621 = tpu.memref_squeeze %dma_wait3A_2620 : memref<1x!tpu.dma_semaphore, #tpu.memory_space<semaphore_mem>> -> memref<!tpu.dma_semaphore, #tpu.memory_space<semaphore_mem>>
      tpu.wait_indirect_dma semaphore(%dma_wait3A_2621 : memref<!tpu.dma_semaphore, #tpu.memory_space<semaphore_mem>>) src(%dma_wait3A_2619 : memref<1000000xf32, #tpu.memory_space<hbm>>) dst(%dma_wait3A_2614 : memref<104xf32, #tpu.memory_space<vmem>>)
      %get3A_2622 = arith.constant 0 : i32
      %get3A_2623 = arith.constant 0 : i32
      %get3A_2624 = arith.index_cast %get3A_2622 : i32 to index
      %get3A_2625 = arith.index_cast %get3A_2623 : i32 to index
      %get3A_2626 = arith.constant 0 : index
      %get3A_2627 = tpu.vector_load %arg7[%get3A_2624, %get3A_2625, %get3A_2626] {strides = array<i32>} : memref<2x104x128xf32, #tpu.memory_space<vmem>>, vector<1x1x16xf32>,
      %get3A_2628 = vector.shape_cast %get3A_2627 : vector<1x1x16xf32> to vector<16xf32>
      %mul3A_2629 = arith.mulf %get3A_2628, %get3A_2628 : vector<16xf32>
      %get3A_2630 = arith.constant 0 : i32
      %get3A_2631 = arith.constant 1 : i32
      %get3A_2632 = arith.index_cast %get3A_2630 : i32 to index
      %get3A_2633 = arith.index_cast %get3A_2631 : i32 to index
      %get3A_2634 = arith.constant 0 : index
      %get3A_2635 = tpu.vector_load %arg7[%get3A_2632, %get3A_2633, %get3A_2634] {strides = array<i32>} : memref<2x104x128xf32, #tpu.memory_space<vmem>>, vector<1x1x16xf32>,
      %get3A_2636 = vector.shape_cast %get3A_2635 : vector<1x1x16xf32> to vector<16xf32>
      %add3A_2637 = arith.addf %get3A_2628, %get3A_2636 : vector<16xf32>
      %mul3A_2638 = arith.mulf %get3A_2636, %get3A_2636 : vector<16xf32>
      %add3A_2639 = arith.addf %mul3A_2629, %mul3A_2638 : vector<16xf32>
      %get3A_2640 = arith.constant 0 : i32
      %get3A_2641 = arith.constant 2 : i32
      %get3A_2642 = arith.index_cast %get3A_2640 : i32 to index
      %get3A_2643 = arith.index_cast %get3A_2641 : i32 to index
      %get3A_2644 = arith.constant 0 : index
      %get3A_2645 = tpu.vector_load %arg7[%get3A_2642, %get3A_2643, %get3A_2644] {strides = array<i32>} : memref<2x104x128xf32, #tpu.memory_space<vmem>>, vector<1x1x16xf32>,
      %get3A_2646 = vector.shape_cast %get3A_2645 : vector<1x1x16xf32> to vector<16xf32>
      %add3A_2647 = arith.addf %add3A_2637, %get3A_2646 : vector<16xf32>
      %mul3A_2648 = arith.mulf %get3A_2646, %get3A_2646 : vector<16xf32>
      %add3A_2649 = arith.addf %add3A_2639, %mul3A_2648 : vector<16xf32>
      %get3A_2650 = arith.constant 0 : i32
      %get3A_2651 = arith.constant 3 : i32
      %get3A_2652 = arith.index_cast %get3A_2650 : i32 to index
      %get3A_2653 = arith.index_cast %get3A_2651 : i32 to index
      %get3A_2654 = arith.constant 0 : index
      %get3A_2655 = tpu.vector_load %arg7[%get3A_2652, %get3A_2653, %get3A_2654] {strides = array<i32>} : memref<2x104x128xf32, #tpu.memory_space<vmem>>, vector<1x1x16xf32>,
      %get3A_2656 = vector.shape_cast %get3A_2655 : vector<1x1x16xf32> to vector<16xf32>
      %add3A_2657 = arith.addf %add3A_2647, %get3A_2656 : vector<16xf32>
      %mul3A_2658 = arith.mulf %get3A_2656, %get3A_2656 : vector<16xf32>
      %add3A_2659 = arith.addf %add3A_2649, %mul3A_2658 : vector<16xf32>
      %get3A_2660 = arith.constant 0 : i32
      %get3A_2661 = arith.constant 4 : i32
      %get3A_2662 = arith.index_cast %get3A_2660 : i32 to index
      %get3A_2663 = arith.index_cast %get3A_2661 : i32 to index
      %get3A_2664 = arith.constant 0 : index
      %get3A_2665 = tpu.vector_load %arg7[%get3A_2662, %get3A_2663, %get3A_2664] {strides = array<i32>} : memref<2x104x128xf32, #tpu.memory_space<vmem>>, vector<1x1x16xf32>,
      %get3A_2666 = vector.shape_cast %get3A_2665 : vector<1x1x16xf32> to vector<16xf32>
      %add3A_2667 = arith.addf %add3A_2657, %get3A_2666 : vector<16xf32>
      %mul3A_2668 = arith.mulf %get3A_2666, %get3A_2666 : vector<16xf32>
      %add3A_2669 = arith.addf %add3A_2659, %mul3A_2668 : vector<16xf32>
      %get3A_2670 = arith.constant 0 : i32
      %get3A_2671 = arith.constant 5 : i32
      %get3A_2672 = arith.index_cast %get3A_2670 : i32 to index
      %get3A_2673 = arith.index_cast %get3A_2671 : i32 to index
      %get3A_2674 = arith.constant 0 : index
      %get3A_2675 = tpu.vector_load %arg7[%get3A_2672, %get3A_2673, %get3A_2674] {strides = array<i32>} : memref<2x104x128xf32, #tpu.memory_space<vmem>>, vector<1x1x16xf32>,
      %get3A_2676 = vector.shape_cast %get3A_2675 : vector<1x1x16xf32> to vector<16xf32>
      %add3A_2677 = arith.addf %add3A_2667, %get3A_2676 : vector<16xf32>
      %mul3A_2678 = arith.mulf %get3A_2676, %get3A_2676 : vector<16xf32>
      %add3A_2679 = arith.addf %add3A_2669, %mul3A_2678 : vector<16xf32>
      %get3A_2680 = arith.constant 0 : i32
      %get3A_2681 = arith.constant 6 : i32
      %get3A_2682 = arith.index_cast %get3A_2680 : i32 to index
      %get3A_2683 = arith.index_cast %get3A_2681 : i32 to index
      %get3A_2684 = arith.constant 0 : index
      %get3A_2685 = tpu.vector_load %arg7[%get3A_2682, %get3A_2683, %get3A_2684] {strides = array<i32>} : memref<2x104x128xf32, #tpu.memory_space<vmem>>, vector<1x1x16xf32>,
      %get3A_2686 = vector.shape_cast %get3A_2685 : vector<1x1x16xf32> to vector<16xf32>
      %add3A_2687 = arith.addf %add3A_2677, %get3A_2686 : vector<16xf32>
      %mul3A_2688 = arith.mulf %get3A_2686, %get3A_2686 : vector<16xf32>
      %add3A_2689 = arith.addf %add3A_2679, %mul3A_2688 : vector<16xf32>
      %get3A_2690 = arith.constant 0 : i32
      %get3A_2691 = arith.constant 7 : i32
      %get3A_2692 = arith.index_cast %get3A_2690 : i32 to index
      %get3A_2693 = arith.index_cast %get3A_2691 : i32 to index
      %get3A_2694 = arith.constant 0 : index
      %get3A_2695 = tpu.vector_load %arg7[%get3A_2692, %get3A_2693, %get3A_2694] {strides = array<i32>} : memref<2x104x128xf32, #tpu.memory_space<vmem>>, vector<1x1x16xf32>,
      %get3A_2696 = vector.shape_cast %get3A_2695 : vector<1x1x16xf32> to vector<16xf32>
      %add3A_2697 = arith.addf %add3A_2687, %get3A_2696 : vector<16xf32>
      %mul3A_2698 = arith.mulf %get3A_2696, %get3A_2696 : vector<16xf32>
      %add3A_2699 = arith.addf %add3A_2689, %mul3A_2698 : vector<16xf32>
      %get3A_2700 = arith.constant 0 : i32
      %get3A_2701 = arith.constant 8 : i32
      %get3A_2702 = arith.index_cast %get3A_2700 : i32 to index
      %get3A_2703 = arith.index_cast %get3A_2701 : i32 to index
      %get3A_2704 = arith.constant 0 : index
      %get3A_2705 = tpu.vector_load %arg7[%get3A_2702, %get3A_2703, %get3A_2704] {strides = array<i32>} : memref<2x104x128xf32, #tpu.memory_space<vmem>>, vector<1x1x16xf32>,
      %get3A_2706 = vector.shape_cast %get3A_2705 : vector<1x1x16xf32> to vector<16xf32>
      %add3A_2707 = arith.addf %add3A_2697, %get3A_2706 : vector<16xf32>
      %mul3A_2708 = arith.mulf %get3A_2706, %get3A_2706 : vector<16xf32>
      %add3A_2709 = arith.addf %add3A_2699, %mul3A_2708 : vector<16xf32>
      %get3A_2710 = arith.constant 0 : i32
      %get3A_2711 = arith.constant 9 : i32
      %get3A_2712 = arith.index_cast %get3A_2710 : i32 to index
      %get3A_2713 = arith.index_cast %get3A_2711 : i32 to index
      %get3A_2714 = arith.constant 0 : index
      %get3A_2715 = tpu.vector_load %arg7[%get3A_2712, %get3A_2713, %get3A_2714] {strides = array<i32>} : memref<2x104x128xf32, #tpu.memory_space<vmem>>, vector<1x1x16xf32>,
      %get3A_2716 = vector.shape_cast %get3A_2715 : vector<1x1x16xf32> to vector<16xf32>
      %add3A_2717 = arith.addf %add3A_2707, %get3A_2716 : vector<16xf32>
      %mul3A_2718 = arith.mulf %get3A_2716, %get3A_2716 : vector<16xf32>
      %add3A_2719 = arith.addf %add3A_2709, %mul3A_2718 : vector<16xf32>
      %get3A_2720 = arith.constant 0 : i32
      %get3A_2721 = arith.constant 10 : i32
      %get3A_2722 = arith.index_cast %get3A_2720 : i32 to index
      %get3A_2723 = arith.index_cast %get3A_2721 : i32 to index
      %get3A_2724 = arith.constant 0 : index
      %get3A_2725 = tpu.vector_load %arg7[%get3A_2722, %get3A_2723, %get3A_2724] {strides = array<i32>} : memref<2x104x128xf32, #tpu.memory_space<vmem>>, vector<1x1x16xf32>,
      %get3A_2726 = vector.shape_cast %get3A_2725 : vector<1x1x16xf32> to vector<16xf32>
      %add3A_2727 = arith.addf %add3A_2717, %get3A_2726 : vector<16xf32>
      %mul3A_2728 = arith.mulf %get3A_2726, %get3A_2726 : vector<16xf32>
      %add3A_2729 = arith.addf %add3A_2719, %mul3A_2728 : vector<16xf32>
      %get3A_2730 = arith.constant 0 : i32
      %get3A_2731 = arith.constant 11 : i32
      %get3A_2732 = arith.index_cast %get3A_2730 : i32 to index
      %get3A_2733 = arith.index_cast %get3A_2731 : i32 to index
      %get3A_2734 = arith.constant 0 : index
      %get3A_2735 = tpu.vector_load %arg7[%get3A_2732, %get3A_2733, %get3A_2734] {strides = array<i32>} : memref<2x104x128xf32, #tpu.memory_space<vmem>>, vector<1x1x16xf32>,
      %get3A_2736 = vector.shape_cast %get3A_2735 : vector<1x1x16xf32> to vector<16xf32>
      %add3A_2737 = arith.addf %add3A_2727, %get3A_2736 : vector<16xf32>
      %mul3A_2738 = arith.mulf %get3A_2736, %get3A_2736 : vector<16xf32>
      %add3A_2739 = arith.addf %add3A_2729, %mul3A_2738 : vector<16xf32>
      %get3A_2740 = arith.constant 0 : i32
      %get3A_2741 = arith.constant 12 : i32
      %get3A_2742 = arith.index_cast %get3A_2740 : i32 to index
      %get3A_2743 = arith.index_cast %get3A_2741 : i32 to index
      %get3A_2744 = arith.constant 0 : index
      %get3A_2745 = tpu.vector_load %arg7[%get3A_2742, %get3A_2743, %get3A_2744] {strides = array<i32>} : memref<2x104x128xf32, #tpu.memory_space<vmem>>, vector<1x1x16xf32>,
      %get3A_2746 = vector.shape_cast %get3A_2745 : vector<1x1x16xf32> to vector<16xf32>
      %add3A_2747 = arith.addf %add3A_2737, %get3A_2746 : vector<16xf32>
      %mul3A_2748 = arith.mulf %get3A_2746, %get3A_2746 : vector<16xf32>
      %add3A_2749 = arith.addf %add3A_2739, %mul3A_2748 : vector<16xf32>
      %get3A_2750 = arith.constant 0 : i32
      %get3A_2751 = arith.constant 13 : i32
      %get3A_2752 = arith.index_cast %get3A_2750 : i32 to index
      %get3A_2753 = arith.index_cast %get3A_2751 : i32 to index
      %get3A_2754 = arith.constant 0 : index
      %get3A_2755 = tpu.vector_load %arg7[%get3A_2752, %get3A_2753, %get3A_2754] {strides = array<i32>} : memref<2x104x128xf32, #tpu.memory_space<vmem>>, vector<1x1x16xf32>,
      %get3A_2756 = vector.shape_cast %get3A_2755 : vector<1x1x16xf32> to vector<16xf32>
      %add3A_2757 = arith.addf %add3A_2747, %get3A_2756 : vector<16xf32>
      %mul3A_2758 = arith.mulf %get3A_2756, %get3A_2756 : vector<16xf32>
      %add3A_2759 = arith.addf %add3A_2749, %mul3A_2758 : vector<16xf32>
      %get3A_2760 = arith.constant 0 : i32
      %get3A_2761 = arith.constant 14 : i32
      %get3A_2762 = arith.index_cast %get3A_2760 : i32 to index
      %get3A_2763 = arith.index_cast %get3A_2761 : i32 to index
      %get3A_2764 = arith.constant 0 : index
      %get3A_2765 = tpu.vector_load %arg7[%get3A_2762, %get3A_2763, %get3A_2764] {strides = array<i32>} : memref<2x104x128xf32, #tpu.memory_space<vmem>>, vector<1x1x16xf32>,
      %get3A_2766 = vector.shape_cast %get3A_2765 : vector<1x1x16xf32> to vector<16xf32>
      %add3A_2767 = arith.addf %add3A_2757, %get3A_2766 : vector<16xf32>
      %mul3A_2768 = arith.mulf %get3A_2766, %get3A_2766 : vector<16xf32>
      %add3A_2769 = arith.addf %add3A_2759, %mul3A_2768 : vector<16xf32>
      %get3A_2770 = arith.constant 0 : i32
      %get3A_2771 = arith.constant 15 : i32
      %get3A_2772 = arith.index_cast %get3A_2770 : i32 to index
      %get3A_2773 = arith.index_cast %get3A_2771 : i32 to index
      %get3A_2774 = arith.constant 0 : index
      %get3A_2775 = tpu.vector_load %arg7[%get3A_2772, %get3A_2773, %get3A_2774] {strides = array<i32>} : memref<2x104x128xf32, #tpu.memory_space<vmem>>, vector<1x1x16xf32>,
      %get3A_2776 = vector.shape_cast %get3A_2775 : vector<1x1x16xf32> to vector<16xf32>
      %add3A_2777 = arith.addf %add3A_2767, %get3A_2776 : vector<16xf32>
      %mul3A_2778 = arith.mulf %get3A_2776, %get3A_2776 : vector<16xf32>
      %add3A_2779 = arith.addf %add3A_2769, %mul3A_2778 : vector<16xf32>
      %get3A_2780 = arith.constant 0 : i32
      %get3A_2781 = arith.constant 16 : i32
      %get3A_2782 = arith.index_cast %get3A_2780 : i32 to index
      %get3A_2783 = arith.index_cast %get3A_2781 : i32 to index
      %get3A_2784 = arith.constant 0 : index
      %get3A_2785 = tpu.vector_load %arg7[%get3A_2782, %get3A_2783, %get3A_2784] {strides = array<i32>} : memref<2x104x128xf32, #tpu.memory_space<vmem>>, vector<1x1x16xf32>,
      %get3A_2786 = vector.shape_cast %get3A_2785 : vector<1x1x16xf32> to vector<16xf32>
      %add3A_2787 = arith.addf %add3A_2777, %get3A_2786 : vector<16xf32>
      %mul3A_2788 = arith.mulf %get3A_2786, %get3A_2786 : vector<16xf32>
      %add3A_2789 = arith.addf %add3A_2779, %mul3A_2788 : vector<16xf32>
      %get3A_2790 = arith.constant 0 : i32
      %get3A_2791 = arith.constant 17 : i32
      %get3A_2792 = arith.index_cast %get3A_2790 : i32 to index
      %get3A_2793 = arith.index_cast %get3A_2791 : i32 to index
      %get3A_2794 = arith.constant 0 : index
      %get3A_2795 = tpu.vector_load %arg7[%get3A_2792, %get3A_2793, %get3A_2794] {strides = array<i32>} : memref<2x104x128xf32, #tpu.memory_space<vmem>>, vector<1x1x16xf32>,
      %get3A_2796 = vector.shape_cast %get3A_2795 : vector<1x1x16xf32> to vector<16xf32>
      %add3A_2797 = arith.addf %add3A_2787, %get3A_2796 : vector<16xf32>
      %mul3A_2798 = arith.mulf %get3A_2796, %get3A_2796 : vector<16xf32>
      %add3A_2799 = arith.addf %add3A_2789, %mul3A_2798 : vector<16xf32>
      %get3A_2800 = arith.constant 0 : i32
      %get3A_2801 = arith.constant 18 : i32
      %get3A_2802 = arith.index_cast %get3A_2800 : i32 to index
      %get3A_2803 = arith.index_cast %get3A_2801 : i32 to index
      %get3A_2804 = arith.constant 0 : index
      %get3A_2805 = tpu.vector_load %arg7[%get3A_2802, %get3A_2803, %get3A_2804] {strides = array<i32>} : memref<2x104x128xf32, #tpu.memory_space<vmem>>, vector<1x1x16xf32>,
      %get3A_2806 = vector.shape_cast %get3A_2805 : vector<1x1x16xf32> to vector<16xf32>
      %add3A_2807 = arith.addf %add3A_2797, %get3A_2806 : vector<16xf32>
      %mul3A_2808 = arith.mulf %get3A_2806, %get3A_2806 : vector<16xf32>
      %add3A_2809 = arith.addf %add3A_2799, %mul3A_2808 : vector<16xf32>
      %get3A_2810 = arith.constant 0 : i32
      %get3A_2811 = arith.constant 19 : i32
      %get3A_2812 = arith.index_cast %get3A_2810 : i32 to index
      %get3A_2813 = arith.index_cast %get3A_2811 : i32 to index
      %get3A_2814 = arith.constant 0 : index
      %get3A_2815 = tpu.vector_load %arg7[%get3A_2812, %get3A_2813, %get3A_2814] {strides = array<i32>} : memref<2x104x128xf32, #tpu.memory_space<vmem>>, vector<1x1x16xf32>,
      %get3A_2816 = vector.shape_cast %get3A_2815 : vector<1x1x16xf32> to vector<16xf32>
      %add3A_2817 = arith.addf %add3A_2807, %get3A_2816 : vector<16xf32>
      %mul3A_2818 = arith.mulf %get3A_2816, %get3A_2816 : vector<16xf32>
      %add3A_2819 = arith.addf %add3A_2809, %mul3A_2818 : vector<16xf32>
      %get3A_2820 = arith.constant 0 : i32
      %get3A_2821 = arith.constant 20 : i32
      %get3A_2822 = arith.index_cast %get3A_2820 : i32 to index
      %get3A_2823 = arith.index_cast %get3A_2821 : i32 to index
      %get3A_2824 = arith.constant 0 : index
      %get3A_2825 = tpu.vector_load %arg7[%get3A_2822, %get3A_2823, %get3A_2824] {strides = array<i32>} : memref<2x104x128xf32, #tpu.memory_space<vmem>>, vector<1x1x16xf32>,
      %get3A_2826 = vector.shape_cast %get3A_2825 : vector<1x1x16xf32> to vector<16xf32>
      %add3A_2827 = arith.addf %add3A_2817, %get3A_2826 : vector<16xf32>
      %mul3A_2828 = arith.mulf %get3A_2826, %get3A_2826 : vector<16xf32>
      %add3A_2829 = arith.addf %add3A_2819, %mul3A_2828 : vector<16xf32>
      %get3A_2830 = arith.constant 0 : i32
      %get3A_2831 = arith.constant 21 : i32
      %get3A_2832 = arith.index_cast %get3A_2830 : i32 to index
      %get3A_2833 = arith.index_cast %get3A_2831 : i32 to index
      %get3A_2834 = arith.constant 0 : index
      %get3A_2835 = tpu.vector_load %arg7[%get3A_2832, %get3A_2833, %get3A_2834] {strides = array<i32>} : memref<2x104x128xf32, #tpu.memory_space<vmem>>, vector<1x1x16xf32>,
      %get3A_2836 = vector.shape_cast %get3A_2835 : vector<1x1x16xf32> to vector<16xf32>
      %add3A_2837 = arith.addf %add3A_2827, %get3A_2836 : vector<16xf32>
      %mul3A_2838 = arith.mulf %get3A_2836, %get3A_2836 : vector<16xf32>
      %add3A_2839 = arith.addf %add3A_2829, %mul3A_2838 : vector<16xf32>
      %get3A_2840 = arith.constant 0 : i32
      %get3A_2841 = arith.constant 22 : i32
      %get3A_2842 = arith.index_cast %get3A_2840 : i32 to index
      %get3A_2843 = arith.index_cast %get3A_2841 : i32 to index
      %get3A_2844 = arith.constant 0 : index
      %get3A_2845 = tpu.vector_load %arg7[%get3A_2842, %get3A_2843, %get3A_2844] {strides = array<i32>} : memref<2x104x128xf32, #tpu.memory_space<vmem>>, vector<1x1x16xf32>,
      %get3A_2846 = vector.shape_cast %get3A_2845 : vector<1x1x16xf32> to vector<16xf32>
      %add3A_2847 = arith.addf %add3A_2837, %get3A_2846 : vector<16xf32>
      %mul3A_2848 = arith.mulf %get3A_2846, %get3A_2846 : vector<16xf32>
      %add3A_2849 = arith.addf %add3A_2839, %mul3A_2848 : vector<16xf32>
      %get3A_2850 = arith.constant 0 : i32
      %get3A_2851 = arith.constant 23 : i32
      %get3A_2852 = arith.index_cast %get3A_2850 : i32 to index
      %get3A_2853 = arith.index_cast %get3A_2851 : i32 to index
      %get3A_2854 = arith.constant 0 : index
      %get3A_2855 = tpu.vector_load %arg7[%get3A_2852, %get3A_2853, %get3A_2854] {strides = array<i32>} : memref<2x104x128xf32, #tpu.memory_space<vmem>>, vector<1x1x16xf32>,
      %get3A_2856 = vector.shape_cast %get3A_2855 : vector<1x1x16xf32> to vector<16xf32>
      %add3A_2857 = arith.addf %add3A_2847, %get3A_2856 : vector<16xf32>
      %mul3A_2858 = arith.mulf %get3A_2856, %get3A_2856 : vector<16xf32>
      %add3A_2859 = arith.addf %add3A_2849, %mul3A_2858 : vector<16xf32>
      %get3A_2860 = arith.constant 0 : i32
      %get3A_2861 = arith.constant 24 : i32
      %get3A_2862 = arith.index_cast %get3A_2860 : i32 to index
      %get3A_2863 = arith.index_cast %get3A_2861 : i32 to index
      %get3A_2864 = arith.constant 0 : index
      %get3A_2865 = tpu.vector_load %arg7[%get3A_2862, %get3A_2863, %get3A_2864] {strides = array<i32>} : memref<2x104x128xf32, #tpu.memory_space<vmem>>, vector<1x1x16xf32>,
      %get3A_2866 = vector.shape_cast %get3A_2865 : vector<1x1x16xf32> to vector<16xf32>
      %add3A_2867 = arith.addf %add3A_2857, %get3A_2866 : vector<16xf32>
      %mul3A_2868 = arith.mulf %get3A_2866, %get3A_2866 : vector<16xf32>
      %add3A_2869 = arith.addf %add3A_2859, %mul3A_2868 : vector<16xf32>
      %get3A_2870 = arith.constant 0 : i32
      %get3A_2871 = arith.constant 25 : i32
      %get3A_2872 = arith.index_cast %get3A_2870 : i32 to index
      %get3A_2873 = arith.index_cast %get3A_2871 : i32 to index
      %get3A_2874 = arith.constant 0 : index
      %get3A_2875 = tpu.vector_load %arg7[%get3A_2872, %get3A_2873, %get3A_2874] {strides = array<i32>} : memref<2x104x128xf32, #tpu.memory_space<vmem>>, vector<1x1x16xf32>,
      %get3A_2876 = vector.shape_cast %get3A_2875 : vector<1x1x16xf32> to vector<16xf32>
      %add3A_2877 = arith.addf %add3A_2867, %get3A_2876 : vector<16xf32>
      %mul3A_2878 = arith.mulf %get3A_2876, %get3A_2876 : vector<16xf32>
      %add3A_2879 = arith.addf %add3A_2869, %mul3A_2878 : vector<16xf32>
      %get3A_2880 = arith.constant 0 : i32
      %get3A_2881 = arith.index_cast %get3A_2880 : i32 to index
      %get3A_2882 = arith.constant 0 : index
      %get3A_2883 = tpu.vector_load %arg8[%get3A_2881, %get3A_2882] {strides = array<i32>} : memref<2x120xf32, #tpu.memory_space<vmem>>, vector<1x16xf32>,
      %get3A_2884 = vector.shape_cast %get3A_2883 : vector<1x16xf32> to vector<16xf32>
      %get3A_2885 = arith.constant 0 : i32
      %get3A_2886 = arith.index_cast %get3A_2885 : i32 to index
      %get3A_2887 = arith.constant 16 : index
      %get3A_2888 = tpu.vector_load %arg8[%get3A_2886, %get3A_2887] {strides = array<i32>} : memref<2x120xf32, #tpu.memory_space<vmem>>, vector<1x16xf32>,
      %get3A_2889 = vector.shape_cast %get3A_2888 : vector<1x16xf32> to vector<16xf32>
      %jit3A_2890 = arith.constant 0.000000e+00 : f32
      %broadcast_in_dim3A_2891 = vector.broadcast %jit3A_2890 : f32 to vector<16xf32>
      %select_n3A_2892 = arith.select %lt3A_4, %get3A_2889, %broadcast_in_dim3A_2891 : vector<16xi1>, vector<16xf32>
      %mul3A_2893 = arith.mulf %add3A_2877, %add3A_2877 : vector<16xf32>
      %sub3A_2894 = arith.subf %mul3A_2893, %add3A_2879 : vector<16xf32>
      %mul3A_2895 = arith.constant 5.000000e-01 : f32
      %mul3A_2896 = vector.broadcast %mul3A_2895 : f32 to vector<16xf32>
      %mul3A_2897 = arith.mulf %mul3A_2896, %sub3A_2894 : vector<16xf32>
      %add3A_2898 = arith.addf %mul3A_2897, %get3A_2884 : vector<16xf32>
      %add3A_2899 = arith.addf %add3A_2898, %select_n3A_2892 : vector<16xf32>
      %xor3A_2900 = arith.constant 8 : i32
      %xor3A_2901 = vector.broadcast %xor3A_2900 : i32 to vector<16xi32>
      %xor3A_2902 = arith.xori %iota3A, %xor3A_2901 : vector<16xi32>
      %broadcast_in_dim3A_2903 = vector.shape_cast %xor3A_2902 : vector<16xi32> to vector<16x1xi32>
      %gather3A_2904 = vector.shape_cast %broadcast_in_dim3A_2903 : vector<16x1xi32> to vector<16xi32>
      %gather3A_2905 = tpu.dynamic_gather %add3A_2899[%gather3A_2904] in [0] : vector<16xf32>, vector<16xi32> -> vector<16xf32>
      %add3A_2906 = arith.addf %add3A_2899, %gather3A_2905 : vector<16xf32>
      %xor3A_2907 = arith.constant 4 : i32
      %xor3A_2908 = vector.broadcast %xor3A_2907 : i32 to vector<16xi32>
      %xor3A_2909 = arith.xori %iota3A, %xor3A_2908 : vector<16xi32>
      %broadcast_in_dim3A_2910 = vector.shape_cast %xor3A_2909 : vector<16xi32> to vector<16x1xi32>
      %gather3A_2911 = vector.shape_cast %broadcast_in_dim3A_2910 : vector<16x1xi32> to vector<16xi32>
      %gather3A_2912 = tpu.dynamic_gather %add3A_2906[%gather3A_2911] in [0] : vector<16xf32>, vector<16xi32> -> vector<16xf32>
      %add3A_2913 = arith.addf %add3A_2906, %gather3A_2912 : vector<16xf32>
      %xor3A_2914 = arith.constant 2 : i32
      %xor3A_2915 = vector.broadcast %xor3A_2914 : i32 to vector<16xi32>
      %xor3A_2916 = arith.xori %iota3A, %xor3A_2915 : vector<16xi32>
      %broadcast_in_dim3A_2917 = vector.shape_cast %xor3A_2916 : vector<16xi32> to vector<16x1xi32>
      %gather3A_2918 = vector.shape_cast %broadcast_in_dim3A_2917 : vector<16x1xi32> to vector<16xi32>
      %gather3A_2919 = tpu.dynamic_gather %add3A_2913[%gather3A_2918] in [0] : vector<16xf32>, vector<16xi32> -> vector<16xf32>
      %add3A_2920 = arith.addf %add3A_2913, %gather3A_2919 : vector<16xf32>
      %xor3A_2921 = arith.constant 1 : i32
      %xor3A_2922 = vector.broadcast %xor3A_2921 : i32 to vector<16xi32>
      %xor3A_2923 = arith.xori %iota3A, %xor3A_2922 : vector<16xi32>
      %broadcast_in_dim3A_2924 = vector.shape_cast %xor3A_2923 : vector<16xi32> to vector<16x1xi32>
      %gather3A_2925 = vector.shape_cast %broadcast_in_dim3A_2924 : vector<16x1xi32> to vector<16xi32>
      %gather3A_2926 = tpu.dynamic_gather %add3A_2920[%gather3A_2925] in [0] : vector<16xf32>, vector<16xi32> -> vector<16xf32>
      %add3A_2927 = arith.addf %add3A_2920, %gather3A_2926 : vector<16xf32>
      %eq3A_2928 = arith.constant 8 : i32
      %eq3A_2929 = vector.broadcast %eq3A_2928 : i32 to vector<16xi32>
      %eq3A_2930 = arith.cmpi eq, %iota3A, %eq3A_2929 : vector<16xi32>
      %select_n3A_2931 = arith.select %eq3A_2930, %add3A_2927, %select_n3A_2584 : vector<16xi1>, vector<16xf32>
      %get3A_2932 = arith.constant 0 : i32
      %get3A_2933 = arith.constant 26 : i32
      %get3A_2934 = arith.index_cast %get3A_2932 : i32 to index
      %get3A_2935 = arith.index_cast %get3A_2933 : i32 to index
      %get3A_2936 = arith.constant 0 : index
      %get3A_2937 = tpu.vector_load %arg7[%get3A_2934, %get3A_2935, %get3A_2936] {strides = array<i32>} : memref<2x104x128xf32, #tpu.memory_space<vmem>>, vector<1x1x16xf32>,
      %get3A_2938 = vector.shape_cast %get3A_2937 : vector<1x1x16xf32> to vector<16xf32>
      %mul3A_2939 = arith.mulf %get3A_2938, %get3A_2938 : vector<16xf32>
      %get3A_2940 = arith.constant 0 : i32
      %get3A_2941 = arith.constant 27 : i32
      %get3A_2942 = arith.index_cast %get3A_2940 : i32 to index
      %get3A_2943 = arith.index_cast %get3A_2941 : i32 to index
      %get3A_2944 = arith.constant 0 : index
      %get3A_2945 = tpu.vector_load %arg7[%get3A_2942, %get3A_2943, %get3A_2944] {strides = array<i32>} : memref<2x104x128xf32, #tpu.memory_space<vmem>>, vector<1x1x16xf32>,
      %get3A_2946 = vector.shape_cast %get3A_2945 : vector<1x1x16xf32> to vector<16xf32>
      %add3A_2947 = arith.addf %get3A_2938, %get3A_2946 : vector<16xf32>
      %mul3A_2948 = arith.mulf %get3A_2946, %get3A_2946 : vector<16xf32>
      %add3A_2949 = arith.addf %mul3A_2939, %mul3A_2948 : vector<16xf32>
      %get3A_2950 = arith.constant 0 : i32
      %get3A_2951 = arith.constant 28 : i32
      %get3A_2952 = arith.index_cast %get3A_2950 : i32 to index
      %get3A_2953 = arith.index_cast %get3A_2951 : i32 to index
      %get3A_2954 = arith.constant 0 : index
      %get3A_2955 = tpu.vector_load %arg7[%get3A_2952, %get3A_2953, %get3A_2954] {strides = array<i32>} : memref<2x104x128xf32, #tpu.memory_space<vmem>>, vector<1x1x16xf32>,
      %get3A_2956 = vector.shape_cast %get3A_2955 : vector<1x1x16xf32> to vector<16xf32>
      %add3A_2957 = arith.addf %add3A_2947, %get3A_2956 : vector<16xf32>
      %mul3A_2958 = arith.mulf %get3A_2956, %get3A_2956 : vector<16xf32>
      %add3A_2959 = arith.addf %add3A_2949, %mul3A_2958 : vector<16xf32>
      %get3A_2960 = arith.constant 0 : i32
      %get3A_2961 = arith.constant 29 : i32
      %get3A_2962 = arith.index_cast %get3A_2960 : i32 to index
      %get3A_2963 = arith.index_cast %get3A_2961 : i32 to index
      %get3A_2964 = arith.constant 0 : index
      %get3A_2965 = tpu.vector_load %arg7[%get3A_2962, %get3A_2963, %get3A_2964] {strides = array<i32>} : memref<2x104x128xf32, #tpu.memory_space<vmem>>, vector<1x1x16xf32>,
      %get3A_2966 = vector.shape_cast %get3A_2965 : vector<1x1x16xf32> to vector<16xf32>
      %add3A_2967 = arith.addf %add3A_2957, %get3A_2966 : vector<16xf32>
      %mul3A_2968 = arith.mulf %get3A_2966, %get3A_2966 : vector<16xf32>
      %add3A_2969 = arith.addf %add3A_2959, %mul3A_2968 : vector<16xf32>
      %get3A_2970 = arith.constant 0 : i32
      %get3A_2971 = arith.constant 30 : i32
      %get3A_2972 = arith.index_cast %get3A_2970 : i32 to index
      %get3A_2973 = arith.index_cast %get3A_2971 : i32 to index
      %get3A_2974 = arith.constant 0 : index
      %get3A_2975 = tpu.vector_load %arg7[%get3A_2972, %get3A_2973, %get3A_2974] {strides = array<i32>} : memref<2x104x128xf32, #tpu.memory_space<vmem>>, vector<1x1x16xf32>,
      %get3A_2976 = vector.shape_cast %get3A_2975 : vector<1x1x16xf32> to vector<16xf32>
      %add3A_2977 = arith.addf %add3A_2967, %get3A_2976 : vector<16xf32>
      %mul3A_2978 = arith.mulf %get3A_2976, %get3A_2976 : vector<16xf32>
      %add3A_2979 = arith.addf %add3A_2969, %mul3A_2978 : vector<16xf32>
      %get3A_2980 = arith.constant 0 : i32
      %get3A_2981 = arith.constant 31 : i32
      %get3A_2982 = arith.index_cast %get3A_2980 : i32 to index
      %get3A_2983 = arith.index_cast %get3A_2981 : i32 to index
      %get3A_2984 = arith.constant 0 : index
      %get3A_2985 = tpu.vector_load %arg7[%get3A_2982, %get3A_2983, %get3A_2984] {strides = array<i32>} : memref<2x104x128xf32, #tpu.memory_space<vmem>>, vector<1x1x16xf32>,
      %get3A_2986 = vector.shape_cast %get3A_2985 : vector<1x1x16xf32> to vector<16xf32>
      %add3A_2987 = arith.addf %add3A_2977, %get3A_2986 : vector<16xf32>
      %mul3A_2988 = arith.mulf %get3A_2986, %get3A_2986 : vector<16xf32>
      %add3A_2989 = arith.addf %add3A_2979, %mul3A_2988 : vector<16xf32>
      %get3A_2990 = arith.constant 0 : i32
      %get3A_2991 = arith.constant 32 : i32
      %get3A_2992 = arith.index_cast %get3A_2990 : i32 to index
      %get3A_2993 = arith.index_cast %get3A_2991 : i32 to index
      %get3A_2994 = arith.constant 0 : index
      %get3A_2995 = tpu.vector_load %arg7[%get3A_2992, %get3A_2993, %get3A_2994] {strides = array<i32>} : memref<2x104x128xf32, #tpu.memory_space<vmem>>, vector<1x1x16xf32>,
      %get3A_2996 = vector.shape_cast %get3A_2995 : vector<1x1x16xf32> to vector<16xf32>
      %add3A_2997 = arith.addf %add3A_2987, %get3A_2996 : vector<16xf32>
      %mul3A_2998 = arith.mulf %get3A_2996, %get3A_2996 : vector<16xf32>
      %add3A_2999 = arith.addf %add3A_2989, %mul3A_2998 : vector<16xf32>
      %get3A_3000 = arith.constant 0 : i32
      %get3A_3001 = arith.constant 33 : i32
      %get3A_3002 = arith.index_cast %get3A_3000 : i32 to index
      %get3A_3003 = arith.index_cast %get3A_3001 : i32 to index
      %get3A_3004 = arith.constant 0 : index
      %get3A_3005 = tpu.vector_load %arg7[%get3A_3002, %get3A_3003, %get3A_3004] {strides = array<i32>} : memref<2x104x128xf32, #tpu.memory_space<vmem>>, vector<1x1x16xf32>,
      %get3A_3006 = vector.shape_cast %get3A_3005 : vector<1x1x16xf32> to vector<16xf32>
      %add3A_3007 = arith.addf %add3A_2997, %get3A_3006 : vector<16xf32>
      %mul3A_3008 = arith.mulf %get3A_3006, %get3A_3006 : vector<16xf32>
      %add3A_3009 = arith.addf %add3A_2999, %mul3A_3008 : vector<16xf32>
      %get3A_3010 = arith.constant 0 : i32
      %get3A_3011 = arith.constant 34 : i32
      %get3A_3012 = arith.index_cast %get3A_3010 : i32 to index
      %get3A_3013 = arith.index_cast %get3A_3011 : i32 to index
      %get3A_3014 = arith.constant 0 : index
      %get3A_3015 = tpu.vector_load %arg7[%get3A_3012, %get3A_3013, %get3A_3014] {strides = array<i32>} : memref<2x104x128xf32, #tpu.memory_space<vmem>>, vector<1x1x16xf32>,
      %get3A_3016 = vector.shape_cast %get3A_3015 : vector<1x1x16xf32> to vector<16xf32>
      %add3A_3017 = arith.addf %add3A_3007, %get3A_3016 : vector<16xf32>
      %mul3A_3018 = arith.mulf %get3A_3016, %get3A_3016 : vector<16xf32>
      %add3A_3019 = arith.addf %add3A_3009, %mul3A_3018 : vector<16xf32>
      %get3A_3020 = arith.constant 0 : i32
      %get3A_3021 = arith.constant 35 : i32
      %get3A_3022 = arith.index_cast %get3A_3020 : i32 to index
      %get3A_3023 = arith.index_cast %get3A_3021 : i32 to index
      %get3A_3024 = arith.constant 0 : index
      %get3A_3025 = tpu.vector_load %arg7[%get3A_3022, %get3A_3023, %get3A_3024] {strides = array<i32>} : memref<2x104x128xf32, #tpu.memory_space<vmem>>, vector<1x1x16xf32>,
      %get3A_3026 = vector.shape_cast %get3A_3025 : vector<1x1x16xf32> to vector<16xf32>
      %add3A_3027 = arith.addf %add3A_3017, %get3A_3026 : vector<16xf32>
      %mul3A_3028 = arith.mulf %get3A_3026, %get3A_3026 : vector<16xf32>
      %add3A_3029 = arith.addf %add3A_3019, %mul3A_3028 : vector<16xf32>
      %get3A_3030 = arith.constant 0 : i32
      %get3A_3031 = arith.constant 36 : i32
      %get3A_3032 = arith.index_cast %get3A_3030 : i32 to index
      %get3A_3033 = arith.index_cast %get3A_3031 : i32 to index
      %get3A_3034 = arith.constant 0 : index
      %get3A_3035 = tpu.vector_load %arg7[%get3A_3032, %get3A_3033, %get3A_3034] {strides = array<i32>} : memref<2x104x128xf32, #tpu.memory_space<vmem>>, vector<1x1x16xf32>,
      %get3A_3036 = vector.shape_cast %get3A_3035 : vector<1x1x16xf32> to vector<16xf32>
      %add3A_3037 = arith.addf %add3A_3027, %get3A_3036 : vector<16xf32>
      %mul3A_3038 = arith.mulf %get3A_3036, %get3A_3036 : vector<16xf32>
      %add3A_3039 = arith.addf %add3A_3029, %mul3A_3038 : vector<16xf32>
      %get3A_3040 = arith.constant 0 : i32
      %get3A_3041 = arith.constant 37 : i32
      %get3A_3042 = arith.index_cast %get3A_3040 : i32 to index
      %get3A_3043 = arith.index_cast %get3A_3041 : i32 to index
      %get3A_3044 = arith.constant 0 : index
      %get3A_3045 = tpu.vector_load %arg7[%get3A_3042, %get3A_3043, %get3A_3044] {strides = array<i32>} : memref<2x104x128xf32, #tpu.memory_space<vmem>>, vector<1x1x16xf32>,
      %get3A_3046 = vector.shape_cast %get3A_3045 : vector<1x1x16xf32> to vector<16xf32>
      %add3A_3047 = arith.addf %add3A_3037, %get3A_3046 : vector<16xf32>
      %mul3A_3048 = arith.mulf %get3A_3046, %get3A_3046 : vector<16xf32>
      %add3A_3049 = arith.addf %add3A_3039, %mul3A_3048 : vector<16xf32>
      %get3A_3050 = arith.constant 0 : i32
      %get3A_3051 = arith.constant 38 : i32
      %get3A_3052 = arith.index_cast %get3A_3050 : i32 to index
      %get3A_3053 = arith.index_cast %get3A_3051 : i32 to index
      %get3A_3054 = arith.constant 0 : index
      %get3A_3055 = tpu.vector_load %arg7[%get3A_3052, %get3A_3053, %get3A_3054] {strides = array<i32>} : memref<2x104x128xf32, #tpu.memory_space<vmem>>, vector<1x1x16xf32>,
      %get3A_3056 = vector.shape_cast %get3A_3055 : vector<1x1x16xf32> to vector<16xf32>
      %add3A_3057 = arith.addf %add3A_3047, %get3A_3056 : vector<16xf32>
      %mul3A_3058 = arith.mulf %get3A_3056, %get3A_3056 : vector<16xf32>
      %add3A_3059 = arith.addf %add3A_3049, %mul3A_3058 : vector<16xf32>
      %get3A_3060 = arith.constant 0 : i32
      %get3A_3061 = arith.constant 39 : i32
      %get3A_3062 = arith.index_cast %get3A_3060 : i32 to index
      %get3A_3063 = arith.index_cast %get3A_3061 : i32 to index
      %get3A_3064 = arith.constant 0 : index
      %get3A_3065 = tpu.vector_load %arg7[%get3A_3062, %get3A_3063, %get3A_3064] {strides = array<i32>} : memref<2x104x128xf32, #tpu.memory_space<vmem>>, vector<1x1x16xf32>,
      %get3A_3066 = vector.shape_cast %get3A_3065 : vector<1x1x16xf32> to vector<16xf32>
      %add3A_3067 = arith.addf %add3A_3057, %get3A_3066 : vector<16xf32>
      %mul3A_3068 = arith.mulf %get3A_3066, %get3A_3066 : vector<16xf32>
      %add3A_3069 = arith.addf %add3A_3059, %mul3A_3068 : vector<16xf32>
      %get3A_3070 = arith.constant 0 : i32
      %get3A_3071 = arith.constant 40 : i32
      %get3A_3072 = arith.index_cast %get3A_3070 : i32 to index
      %get3A_3073 = arith.index_cast %get3A_3071 : i32 to index
      %get3A_3074 = arith.constant 0 : index
      %get3A_3075 = tpu.vector_load %arg7[%get3A_3072, %get3A_3073, %get3A_3074] {strides = array<i32>} : memref<2x104x128xf32, #tpu.memory_space<vmem>>, vector<1x1x16xf32>,
      %get3A_3076 = vector.shape_cast %get3A_3075 : vector<1x1x16xf32> to vector<16xf32>
      %add3A_3077 = arith.addf %add3A_3067, %get3A_3076 : vector<16xf32>
      %mul3A_3078 = arith.mulf %get3A_3076, %get3A_3076 : vector<16xf32>
      %add3A_3079 = arith.addf %add3A_3069, %mul3A_3078 : vector<16xf32>
      %get3A_3080 = arith.constant 0 : i32
      %get3A_3081 = arith.constant 41 : i32
      %get3A_3082 = arith.index_cast %get3A_3080 : i32 to index
      %get3A_3083 = arith.index_cast %get3A_3081 : i32 to index
      %get3A_3084 = arith.constant 0 : index
      %get3A_3085 = tpu.vector_load %arg7[%get3A_3082, %get3A_3083, %get3A_3084] {strides = array<i32>} : memref<2x104x128xf32, #tpu.memory_space<vmem>>, vector<1x1x16xf32>,
      %get3A_3086 = vector.shape_cast %get3A_3085 : vector<1x1x16xf32> to vector<16xf32>
      %add3A_3087 = arith.addf %add3A_3077, %get3A_3086 : vector<16xf32>
      %mul3A_3088 = arith.mulf %get3A_3086, %get3A_3086 : vector<16xf32>
      %add3A_3089 = arith.addf %add3A_3079, %mul3A_3088 : vector<16xf32>
      %get3A_3090 = arith.constant 0 : i32
      %get3A_3091 = arith.constant 42 : i32
      %get3A_3092 = arith.index_cast %get3A_3090 : i32 to index
      %get3A_3093 = arith.index_cast %get3A_3091 : i32 to index
      %get3A_3094 = arith.constant 0 : index
      %get3A_3095 = tpu.vector_load %arg7[%get3A_3092, %get3A_3093, %get3A_3094] {strides = array<i32>} : memref<2x104x128xf32, #tpu.memory_space<vmem>>, vector<1x1x16xf32>,
      %get3A_3096 = vector.shape_cast %get3A_3095 : vector<1x1x16xf32> to vector<16xf32>
      %add3A_3097 = arith.addf %add3A_3087, %get3A_3096 : vector<16xf32>
      %mul3A_3098 = arith.mulf %get3A_3096, %get3A_3096 : vector<16xf32>
      %add3A_3099 = arith.addf %add3A_3089, %mul3A_3098 : vector<16xf32>
      %get3A_3100 = arith.constant 0 : i32
      %get3A_3101 = arith.constant 43 : i32
      %get3A_3102 = arith.index_cast %get3A_3100 : i32 to index
      %get3A_3103 = arith.index_cast %get3A_3101 : i32 to index
      %get3A_3104 = arith.constant 0 : index
      %get3A_3105 = tpu.vector_load %arg7[%get3A_3102, %get3A_3103, %get3A_3104] {strides = array<i32>} : memref<2x104x128xf32, #tpu.memory_space<vmem>>, vector<1x1x16xf32>,
      %get3A_3106 = vector.shape_cast %get3A_3105 : vector<1x1x16xf32> to vector<16xf32>
      %add3A_3107 = arith.addf %add3A_3097, %get3A_3106 : vector<16xf32>
      %mul3A_3108 = arith.mulf %get3A_3106, %get3A_3106 : vector<16xf32>
      %add3A_3109 = arith.addf %add3A_3099, %mul3A_3108 : vector<16xf32>
      %get3A_3110 = arith.constant 0 : i32
      %get3A_3111 = arith.constant 44 : i32
      %get3A_3112 = arith.index_cast %get3A_3110 : i32 to index
      %get3A_3113 = arith.index_cast %get3A_3111 : i32 to index
      %get3A_3114 = arith.constant 0 : index
      %get3A_3115 = tpu.vector_load %arg7[%get3A_3112, %get3A_3113, %get3A_3114] {strides = array<i32>} : memref<2x104x128xf32, #tpu.memory_space<vmem>>, vector<1x1x16xf32>,
      %get3A_3116 = vector.shape_cast %get3A_3115 : vector<1x1x16xf32> to vector<16xf32>
      %add3A_3117 = arith.addf %add3A_3107, %get3A_3116 : vector<16xf32>
      %mul3A_3118 = arith.mulf %get3A_3116, %get3A_3116 : vector<16xf32>
      %add3A_3119 = arith.addf %add3A_3109, %mul3A_3118 : vector<16xf32>
      %get3A_3120 = arith.constant 0 : i32
      %get3A_3121 = arith.constant 45 : i32
      %get3A_3122 = arith.index_cast %get3A_3120 : i32 to index
      %get3A_3123 = arith.index_cast %get3A_3121 : i32 to index
      %get3A_3124 = arith.constant 0 : index
      %get3A_3125 = tpu.vector_load %arg7[%get3A_3122, %get3A_3123, %get3A_3124] {strides = array<i32>} : memref<2x104x128xf32, #tpu.memory_space<vmem>>, vector<1x1x16xf32>,
      %get3A_3126 = vector.shape_cast %get3A_3125 : vector<1x1x16xf32> to vector<16xf32>
      %add3A_3127 = arith.addf %add3A_3117, %get3A_3126 : vector<16xf32>
      %mul3A_3128 = arith.mulf %get3A_3126, %get3A_3126 : vector<16xf32>
      %add3A_3129 = arith.addf %add3A_3119, %mul3A_3128 : vector<16xf32>
      %get3A_3130 = arith.constant 0 : i32
      %get3A_3131 = arith.constant 46 : i32
      %get3A_3132 = arith.index_cast %get3A_3130 : i32 to index
      %get3A_3133 = arith.index_cast %get3A_3131 : i32 to index
      %get3A_3134 = arith.constant 0 : index
      %get3A_3135 = tpu.vector_load %arg7[%get3A_3132, %get3A_3133, %get3A_3134] {strides = array<i32>} : memref<2x104x128xf32, #tpu.memory_space<vmem>>, vector<1x1x16xf32>,
      %get3A_3136 = vector.shape_cast %get3A_3135 : vector<1x1x16xf32> to vector<16xf32>
      %add3A_3137 = arith.addf %add3A_3127, %get3A_3136 : vector<16xf32>
      %mul3A_3138 = arith.mulf %get3A_3136, %get3A_3136 : vector<16xf32>
      %add3A_3139 = arith.addf %add3A_3129, %mul3A_3138 : vector<16xf32>
      %get3A_3140 = arith.constant 0 : i32
      %get3A_3141 = arith.constant 47 : i32
      %get3A_3142 = arith.index_cast %get3A_3140 : i32 to index
      %get3A_3143 = arith.index_cast %get3A_3141 : i32 to index
      %get3A_3144 = arith.constant 0 : index
      %get3A_3145 = tpu.vector_load %arg7[%get3A_3142, %get3A_3143, %get3A_3144] {strides = array<i32>} : memref<2x104x128xf32, #tpu.memory_space<vmem>>, vector<1x1x16xf32>,
      %get3A_3146 = vector.shape_cast %get3A_3145 : vector<1x1x16xf32> to vector<16xf32>
      %add3A_3147 = arith.addf %add3A_3137, %get3A_3146 : vector<16xf32>
      %mul3A_3148 = arith.mulf %get3A_3146, %get3A_3146 : vector<16xf32>
      %add3A_3149 = arith.addf %add3A_3139, %mul3A_3148 : vector<16xf32>
      %get3A_3150 = arith.constant 0 : i32
      %get3A_3151 = arith.constant 48 : i32
      %get3A_3152 = arith.index_cast %get3A_3150 : i32 to index
      %get3A_3153 = arith.index_cast %get3A_3151 : i32 to index
      %get3A_3154 = arith.constant 0 : index
      %get3A_3155 = tpu.vector_load %arg7[%get3A_3152, %get3A_3153, %get3A_3154] {strides = array<i32>} : memref<2x104x128xf32, #tpu.memory_space<vmem>>, vector<1x1x16xf32>,
      %get3A_3156 = vector.shape_cast %get3A_3155 : vector<1x1x16xf32> to vector<16xf32>
      %add3A_3157 = arith.addf %add3A_3147, %get3A_3156 : vector<16xf32>
      %mul3A_3158 = arith.mulf %get3A_3156, %get3A_3156 : vector<16xf32>
      %add3A_3159 = arith.addf %add3A_3149, %mul3A_3158 : vector<16xf32>
      %get3A_3160 = arith.constant 0 : i32
      %get3A_3161 = arith.constant 49 : i32
      %get3A_3162 = arith.index_cast %get3A_3160 : i32 to index
      %get3A_3163 = arith.index_cast %get3A_3161 : i32 to index
      %get3A_3164 = arith.constant 0 : index
      %get3A_3165 = tpu.vector_load %arg7[%get3A_3162, %get3A_3163, %get3A_3164] {strides = array<i32>} : memref<2x104x128xf32, #tpu.memory_space<vmem>>, vector<1x1x16xf32>,
      %get3A_3166 = vector.shape_cast %get3A_3165 : vector<1x1x16xf32> to vector<16xf32>
      %add3A_3167 = arith.addf %add3A_3157, %get3A_3166 : vector<16xf32>
      %mul3A_3168 = arith.mulf %get3A_3166, %get3A_3166 : vector<16xf32>
      %add3A_3169 = arith.addf %add3A_3159, %mul3A_3168 : vector<16xf32>
      %get3A_3170 = arith.constant 0 : i32
      %get3A_3171 = arith.constant 50 : i32
      %get3A_3172 = arith.index_cast %get3A_3170 : i32 to index
      %get3A_3173 = arith.index_cast %get3A_3171 : i32 to index
      %get3A_3174 = arith.constant 0 : index
      %get3A_3175 = tpu.vector_load %arg7[%get3A_3172, %get3A_3173, %get3A_3174] {strides = array<i32>} : memref<2x104x128xf32, #tpu.memory_space<vmem>>, vector<1x1x16xf32>,
      %get3A_3176 = vector.shape_cast %get3A_3175 : vector<1x1x16xf32> to vector<16xf32>
      %add3A_3177 = arith.addf %add3A_3167, %get3A_3176 : vector<16xf32>
      %mul3A_3178 = arith.mulf %get3A_3176, %get3A_3176 : vector<16xf32>
      %add3A_3179 = arith.addf %add3A_3169, %mul3A_3178 : vector<16xf32>
      %get3A_3180 = arith.constant 0 : i32
      %get3A_3181 = arith.constant 51 : i32
      %get3A_3182 = arith.index_cast %get3A_3180 : i32 to index
      %get3A_3183 = arith.index_cast %get3A_3181 : i32 to index
      %get3A_3184 = arith.constant 0 : index
      %get3A_3185 = tpu.vector_load %arg7[%get3A_3182, %get3A_3183, %get3A_3184] {strides = array<i32>} : memref<2x104x128xf32, #tpu.memory_space<vmem>>, vector<1x1x16xf32>,
      %get3A_3186 = vector.shape_cast %get3A_3185 : vector<1x1x16xf32> to vector<16xf32>
      %add3A_3187 = arith.addf %add3A_3177, %get3A_3186 : vector<16xf32>
      %mul3A_3188 = arith.mulf %get3A_3186, %get3A_3186 : vector<16xf32>
      %add3A_3189 = arith.addf %add3A_3179, %mul3A_3188 : vector<16xf32>
      %get3A_3190 = arith.constant 0 : i32
      %get3A_3191 = arith.index_cast %get3A_3190 : i32 to index
      %get3A_3192 = arith.constant 26 : index
      %get3A_3193 = tpu.vector_load %arg8[%get3A_3191, %get3A_3192] {strides = array<i32>} : memref<2x120xf32, #tpu.memory_space<vmem>>, vector<1x16xf32>,
      %get3A_3194 = vector.shape_cast %get3A_3193 : vector<1x16xf32> to vector<16xf32>
      %get3A_3195 = arith.constant 0 : i32
      %get3A_3196 = arith.index_cast %get3A_3195 : i32 to index
      %get3A_3197 = arith.constant 42 : index
      %get3A_3198 = tpu.vector_load %arg8[%get3A_3196, %get3A_3197] {strides = array<i32>} : memref<2x120xf32, #tpu.memory_space<vmem>>, vector<1x16xf32>,
      %get3A_3199 = vector.shape_cast %get3A_3198 : vector<1x16xf32> to vector<16xf32>
      %jit3A_3200 = arith.constant 0.000000e+00 : f32
      %broadcast_in_dim3A_3201 = vector.broadcast %jit3A_3200 : f32 to vector<16xf32>
      %select_n3A_3202 = arith.select %lt3A_4, %get3A_3199, %broadcast_in_dim3A_3201 : vector<16xi1>, vector<16xf32>
      %mul3A_3203 = arith.mulf %add3A_3187, %add3A_3187 : vector<16xf32>
      %sub3A_3204 = arith.subf %mul3A_3203, %add3A_3189 : vector<16xf32>
      %mul3A_3205 = arith.constant 5.000000e-01 : f32
      %mul3A_3206 = vector.broadcast %mul3A_3205 : f32 to vector<16xf32>
      %mul3A_3207 = arith.mulf %mul3A_3206, %sub3A_3204 : vector<16xf32>
      %add3A_3208 = arith.addf %mul3A_3207, %get3A_3194 : vector<16xf32>
      %add3A_3209 = arith.addf %add3A_3208, %select_n3A_3202 : vector<16xf32>
      %xor3A_3210 = arith.constant 8 : i32
      %xor3A_3211 = vector.broadcast %xor3A_3210 : i32 to vector<16xi32>
      %xor3A_3212 = arith.xori %iota3A, %xor3A_3211 : vector<16xi32>
      %broadcast_in_dim3A_3213 = vector.shape_cast %xor3A_3212 : vector<16xi32> to vector<16x1xi32>
      %gather3A_3214 = vector.shape_cast %broadcast_in_dim3A_3213 : vector<16x1xi32> to vector<16xi32>
      %gather3A_3215 = tpu.dynamic_gather %add3A_3209[%gather3A_3214] in [0] : vector<16xf32>, vector<16xi32> -> vector<16xf32>
      %add3A_3216 = arith.addf %add3A_3209, %gather3A_3215 : vector<16xf32>
      %xor3A_3217 = arith.constant 4 : i32
      %xor3A_3218 = vector.broadcast %xor3A_3217 : i32 to vector<16xi32>
      %xor3A_3219 = arith.xori %iota3A, %xor3A_3218 : vector<16xi32>
      %broadcast_in_dim3A_3220 = vector.shape_cast %xor3A_3219 : vector<16xi32> to vector<16x1xi32>
      %gather3A_3221 = vector.shape_cast %broadcast_in_dim3A_3220 : vector<16x1xi32> to vector<16xi32>
      %gather3A_3222 = tpu.dynamic_gather %add3A_3216[%gather3A_3221] in [0] : vector<16xf32>, vector<16xi32> -> vector<16xf32>
      %add3A_3223 = arith.addf %add3A_3216, %gather3A_3222 : vector<16xf32>
      %xor3A_3224 = arith.constant 2 : i32
      %xor3A_3225 = vector.broadcast %xor3A_3224 : i32 to vector<16xi32>
      %xor3A_3226 = arith.xori %iota3A, %xor3A_3225 : vector<16xi32>
      %broadcast_in_dim3A_3227 = vector.shape_cast %xor3A_3226 : vector<16xi32> to vector<16x1xi32>
      %gather3A_3228 = vector.shape_cast %broadcast_in_dim3A_3227 : vector<16x1xi32> to vector<16xi32>
      %gather3A_3229 = tpu.dynamic_gather %add3A_3223[%gather3A_3228] in [0] : vector<16xf32>, vector<16xi32> -> vector<16xf32>
      %add3A_3230 = arith.addf %add3A_3223, %gather3A_3229 : vector<16xf32>
      %xor3A_3231 = arith.constant 1 : i32
      %xor3A_3232 = vector.broadcast %xor3A_3231 : i32 to vector<16xi32>
      %xor3A_3233 = arith.xori %iota3A, %xor3A_3232 : vector<16xi32>
      %broadcast_in_dim3A_3234 = vector.shape_cast %xor3A_3233 : vector<16xi32> to vector<16x1xi32>
      %gather3A_3235 = vector.shape_cast %broadcast_in_dim3A_3234 : vector<16x1xi32> to vector<16xi32>
      %gather3A_3236 = tpu.dynamic_gather %add3A_3230[%gather3A_3235] in [0] : vector<16xf32>, vector<16xi32> -> vector<16xf32>
      %add3A_3237 = arith.addf %add3A_3230, %gather3A_3236 : vector<16xf32>
      %eq3A_3238 = arith.constant 9 : i32
      %eq3A_3239 = vector.broadcast %eq3A_3238 : i32 to vector<16xi32>
      %eq3A_3240 = arith.cmpi eq, %iota3A, %eq3A_3239 : vector<16xi32>
      %select_n3A_3241 = arith.select %eq3A_3240, %add3A_3237, %select_n3A_2931 : vector<16xi1>, vector<16xf32>
      %get3A_3242 = arith.constant 0 : i32
      %get3A_3243 = arith.constant 52 : i32
      %get3A_3244 = arith.index_cast %get3A_3242 : i32 to index
      %get3A_3245 = arith.index_cast %get3A_3243 : i32 to index
      %get3A_3246 = arith.constant 0 : index
      %get3A_3247 = tpu.vector_load %arg7[%get3A_3244, %get3A_3245, %get3A_3246] {strides = array<i32>} : memref<2x104x128xf32, #tpu.memory_space<vmem>>, vector<1x1x16xf32>,
      %get3A_3248 = vector.shape_cast %get3A_3247 : vector<1x1x16xf32> to vector<16xf32>
      %mul3A_3249 = arith.mulf %get3A_3248, %get3A_3248 : vector<16xf32>
      %get3A_3250 = arith.constant 0 : i32
      %get3A_3251 = arith.constant 53 : i32
      %get3A_3252 = arith.index_cast %get3A_3250 : i32 to index
      %get3A_3253 = arith.index_cast %get3A_3251 : i32 to index
      %get3A_3254 = arith.constant 0 : index
      %get3A_3255 = tpu.vector_load %arg7[%get3A_3252, %get3A_3253, %get3A_3254] {strides = array<i32>} : memref<2x104x128xf32, #tpu.memory_space<vmem>>, vector<1x1x16xf32>,
      %get3A_3256 = vector.shape_cast %get3A_3255 : vector<1x1x16xf32> to vector<16xf32>
      %add3A_3257 = arith.addf %get3A_3248, %get3A_3256 : vector<16xf32>
      %mul3A_3258 = arith.mulf %get3A_3256, %get3A_3256 : vector<16xf32>
      %add3A_3259 = arith.addf %mul3A_3249, %mul3A_3258 : vector<16xf32>
      %get3A_3260 = arith.constant 0 : i32
      %get3A_3261 = arith.constant 54 : i32
      %get3A_3262 = arith.index_cast %get3A_3260 : i32 to index
      %get3A_3263 = arith.index_cast %get3A_3261 : i32 to index
      %get3A_3264 = arith.constant 0 : index
      %get3A_3265 = tpu.vector_load %arg7[%get3A_3262, %get3A_3263, %get3A_3264] {strides = array<i32>} : memref<2x104x128xf32, #tpu.memory_space<vmem>>, vector<1x1x16xf32>,
      %get3A_3266 = vector.shape_cast %get3A_3265 : vector<1x1x16xf32> to vector<16xf32>
      %add3A_3267 = arith.addf %add3A_3257, %get3A_3266 : vector<16xf32>
      %mul3A_3268 = arith.mulf %get3A_3266, %get3A_3266 : vector<16xf32>
      %add3A_3269 = arith.addf %add3A_3259, %mul3A_3268 : vector<16xf32>
      %get3A_3270 = arith.constant 0 : i32
      %get3A_3271 = arith.constant 55 : i32
      %get3A_3272 = arith.index_cast %get3A_3270 : i32 to index
      %get3A_3273 = arith.index_cast %get3A_3271 : i32 to index
      %get3A_3274 = arith.constant 0 : index
      %get3A_3275 = tpu.vector_load %arg7[%get3A_3272, %get3A_3273, %get3A_3274] {strides = array<i32>} : memref<2x104x128xf32, #tpu.memory_space<vmem>>, vector<1x1x16xf32>,
      %get3A_3276 = vector.shape_cast %get3A_3275 : vector<1x1x16xf32> to vector<16xf32>
      %add3A_3277 = arith.addf %add3A_3267, %get3A_3276 : vector<16xf32>
      %mul3A_3278 = arith.mulf %get3A_3276, %get3A_3276 : vector<16xf32>
      %add3A_3279 = arith.addf %add3A_3269, %mul3A_3278 : vector<16xf32>
      %get3A_3280 = arith.constant 0 : i32
      %get3A_3281 = arith.constant 56 : i32
      %get3A_3282 = arith.index_cast %get3A_3280 : i32 to index
      %get3A_3283 = arith.index_cast %get3A_3281 : i32 to index
      %get3A_3284 = arith.constant 0 : index
      %get3A_3285 = tpu.vector_load %arg7[%get3A_3282, %get3A_3283, %get3A_3284] {strides = array<i32>} : memref<2x104x128xf32, #tpu.memory_space<vmem>>, vector<1x1x16xf32>,
      %get3A_3286 = vector.shape_cast %get3A_3285 : vector<1x1x16xf32> to vector<16xf32>
      %add3A_3287 = arith.addf %add3A_3277, %get3A_3286 : vector<16xf32>
      %mul3A_3288 = arith.mulf %get3A_3286, %get3A_3286 : vector<16xf32>
      %add3A_3289 = arith.addf %add3A_3279, %mul3A_3288 : vector<16xf32>
      %get3A_3290 = arith.constant 0 : i32
      %get3A_3291 = arith.constant 57 : i32
      %get3A_3292 = arith.index_cast %get3A_3290 : i32 to index
      %get3A_3293 = arith.index_cast %get3A_3291 : i32 to index
      %get3A_3294 = arith.constant 0 : index
      %get3A_3295 = tpu.vector_load %arg7[%get3A_3292, %get3A_3293, %get3A_3294] {strides = array<i32>} : memref<2x104x128xf32, #tpu.memory_space<vmem>>, vector<1x1x16xf32>,
      %get3A_3296 = vector.shape_cast %get3A_3295 : vector<1x1x16xf32> to vector<16xf32>
      %add3A_3297 = arith.addf %add3A_3287, %get3A_3296 : vector<16xf32>
      %mul3A_3298 = arith.mulf %get3A_3296, %get3A_3296 : vector<16xf32>
      %add3A_3299 = arith.addf %add3A_3289, %mul3A_3298 : vector<16xf32>
      %get3A_3300 = arith.constant 0 : i32
      %get3A_3301 = arith.constant 58 : i32
      %get3A_3302 = arith.index_cast %get3A_3300 : i32 to index
      %get3A_3303 = arith.index_cast %get3A_3301 : i32 to index
      %get3A_3304 = arith.constant 0 : index
      %get3A_3305 = tpu.vector_load %arg7[%get3A_3302, %get3A_3303, %get3A_3304] {strides = array<i32>} : memref<2x104x128xf32, #tpu.memory_space<vmem>>, vector<1x1x16xf32>,
      %get3A_3306 = vector.shape_cast %get3A_3305 : vector<1x1x16xf32> to vector<16xf32>
      %add3A_3307 = arith.addf %add3A_3297, %get3A_3306 : vector<16xf32>
      %mul3A_3308 = arith.mulf %get3A_3306, %get3A_3306 : vector<16xf32>
      %add3A_3309 = arith.addf %add3A_3299, %mul3A_3308 : vector<16xf32>
      %get3A_3310 = arith.constant 0 : i32
      %get3A_3311 = arith.constant 59 : i32
      %get3A_3312 = arith.index_cast %get3A_3310 : i32 to index
      %get3A_3313 = arith.index_cast %get3A_3311 : i32 to index
      %get3A_3314 = arith.constant 0 : index
      %get3A_3315 = tpu.vector_load %arg7[%get3A_3312, %get3A_3313, %get3A_3314] {strides = array<i32>} : memref<2x104x128xf32, #tpu.memory_space<vmem>>, vector<1x1x16xf32>,
      %get3A_3316 = vector.shape_cast %get3A_3315 : vector<1x1x16xf32> to vector<16xf32>
      %add3A_3317 = arith.addf %add3A_3307, %get3A_3316 : vector<16xf32>
      %mul3A_3318 = arith.mulf %get3A_3316, %get3A_3316 : vector<16xf32>
      %add3A_3319 = arith.addf %add3A_3309, %mul3A_3318 : vector<16xf32>
      %get3A_3320 = arith.constant 0 : i32
      %get3A_3321 = arith.constant 60 : i32
      %get3A_3322 = arith.index_cast %get3A_3320 : i32 to index
      %get3A_3323 = arith.index_cast %get3A_3321 : i32 to index
      %get3A_3324 = arith.constant 0 : index
      %get3A_3325 = tpu.vector_load %arg7[%get3A_3322, %get3A_3323, %get3A_3324] {strides = array<i32>} : memref<2x104x128xf32, #tpu.memory_space<vmem>>, vector<1x1x16xf32>,
      %get3A_3326 = vector.shape_cast %get3A_3325 : vector<1x1x16xf32> to vector<16xf32>
      %add3A_3327 = arith.addf %add3A_3317, %get3A_3326 : vector<16xf32>
      %mul3A_3328 = arith.mulf %get3A_3326, %get3A_3326 : vector<16xf32>
      %add3A_3329 = arith.addf %add3A_3319, %mul3A_3328 : vector<16xf32>
      %get3A_3330 = arith.constant 0 : i32
      %get3A_3331 = arith.constant 61 : i32
      %get3A_3332 = arith.index_cast %get3A_3330 : i32 to index
      %get3A_3333 = arith.index_cast %get3A_3331 : i32 to index
      %get3A_3334 = arith.constant 0 : index
      %get3A_3335 = tpu.vector_load %arg7[%get3A_3332, %get3A_3333, %get3A_3334] {strides = array<i32>} : memref<2x104x128xf32, #tpu.memory_space<vmem>>, vector<1x1x16xf32>,
      %get3A_3336 = vector.shape_cast %get3A_3335 : vector<1x1x16xf32> to vector<16xf32>
      %add3A_3337 = arith.addf %add3A_3327, %get3A_3336 : vector<16xf32>
      %mul3A_3338 = arith.mulf %get3A_3336, %get3A_3336 : vector<16xf32>
      %add3A_3339 = arith.addf %add3A_3329, %mul3A_3338 : vector<16xf32>
      %get3A_3340 = arith.constant 0 : i32
      %get3A_3341 = arith.constant 62 : i32
      %get3A_3342 = arith.index_cast %get3A_3340 : i32 to index
      %get3A_3343 = arith.index_cast %get3A_3341 : i32 to index
      %get3A_3344 = arith.constant 0 : index
      %get3A_3345 = tpu.vector_load %arg7[%get3A_3342, %get3A_3343, %get3A_3344] {strides = array<i32>} : memref<2x104x128xf32, #tpu.memory_space<vmem>>, vector<1x1x16xf32>,
      %get3A_3346 = vector.shape_cast %get3A_3345 : vector<1x1x16xf32> to vector<16xf32>
      %add3A_3347 = arith.addf %add3A_3337, %get3A_3346 : vector<16xf32>
      %mul3A_3348 = arith.mulf %get3A_3346, %get3A_3346 : vector<16xf32>
      %add3A_3349 = arith.addf %add3A_3339, %mul3A_3348 : vector<16xf32>
      %get3A_3350 = arith.constant 0 : i32
      %get3A_3351 = arith.constant 63 : i32
      %get3A_3352 = arith.index_cast %get3A_3350 : i32 to index
      %get3A_3353 = arith.index_cast %get3A_3351 : i32 to index
      %get3A_3354 = arith.constant 0 : index
      %get3A_3355 = tpu.vector_load %arg7[%get3A_3352, %get3A_3353, %get3A_3354] {strides = array<i32>} : memref<2x104x128xf32, #tpu.memory_space<vmem>>, vector<1x1x16xf32>,
      %get3A_3356 = vector.shape_cast %get3A_3355 : vector<1x1x16xf32> to vector<16xf32>
      %add3A_3357 = arith.addf %add3A_3347, %get3A_3356 : vector<16xf32>
      %mul3A_3358 = arith.mulf %get3A_3356, %get3A_3356 : vector<16xf32>
      %add3A_3359 = arith.addf %add3A_3349, %mul3A_3358 : vector<16xf32>
      %get3A_3360 = arith.constant 0 : i32
      %get3A_3361 = arith.constant 64 : i32
      %get3A_3362 = arith.index_cast %get3A_3360 : i32 to index
      %get3A_3363 = arith.index_cast %get3A_3361 : i32 to index
      %get3A_3364 = arith.constant 0 : index
      %get3A_3365 = tpu.vector_load %arg7[%get3A_3362, %get3A_3363, %get3A_3364] {strides = array<i32>} : memref<2x104x128xf32, #tpu.memory_space<vmem>>, vector<1x1x16xf32>,
      %get3A_3366 = vector.shape_cast %get3A_3365 : vector<1x1x16xf32> to vector<16xf32>
      %add3A_3367 = arith.addf %add3A_3357, %get3A_3366 : vector<16xf32>
      %mul3A_3368 = arith.mulf %get3A_3366, %get3A_3366 : vector<16xf32>
      %add3A_3369 = arith.addf %add3A_3359, %mul3A_3368 : vector<16xf32>
      %get3A_3370 = arith.constant 0 : i32
      %get3A_3371 = arith.constant 65 : i32
      %get3A_3372 = arith.index_cast %get3A_3370 : i32 to index
      %get3A_3373 = arith.index_cast %get3A_3371 : i32 to index
      %get3A_3374 = arith.constant 0 : index
      %get3A_3375 = tpu.vector_load %arg7[%get3A_3372, %get3A_3373, %get3A_3374] {strides = array<i32>} : memref<2x104x128xf32, #tpu.memory_space<vmem>>, vector<1x1x16xf32>,
      %get3A_3376 = vector.shape_cast %get3A_3375 : vector<1x1x16xf32> to vector<16xf32>
      %add3A_3377 = arith.addf %add3A_3367, %get3A_3376 : vector<16xf32>
      %mul3A_3378 = arith.mulf %get3A_3376, %get3A_3376 : vector<16xf32>
      %add3A_3379 = arith.addf %add3A_3369, %mul3A_3378 : vector<16xf32>
      %get3A_3380 = arith.constant 0 : i32
      %get3A_3381 = arith.constant 66 : i32
      %get3A_3382 = arith.index_cast %get3A_3380 : i32 to index
      %get3A_3383 = arith.index_cast %get3A_3381 : i32 to index
      %get3A_3384 = arith.constant 0 : index
      %get3A_3385 = tpu.vector_load %arg7[%get3A_3382, %get3A_3383, %get3A_3384] {strides = array<i32>} : memref<2x104x128xf32, #tpu.memory_space<vmem>>, vector<1x1x16xf32>,
      %get3A_3386 = vector.shape_cast %get3A_3385 : vector<1x1x16xf32> to vector<16xf32>
      %add3A_3387 = arith.addf %add3A_3377, %get3A_3386 : vector<16xf32>
      %mul3A_3388 = arith.mulf %get3A_3386, %get3A_3386 : vector<16xf32>
      %add3A_3389 = arith.addf %add3A_3379, %mul3A_3388 : vector<16xf32>
      %get3A_3390 = arith.constant 0 : i32
      %get3A_3391 = arith.constant 67 : i32
      %get3A_3392 = arith.index_cast %get3A_3390 : i32 to index
      %get3A_3393 = arith.index_cast %get3A_3391 : i32 to index
      %get3A_3394 = arith.constant 0 : index
      %get3A_3395 = tpu.vector_load %arg7[%get3A_3392, %get3A_3393, %get3A_3394] {strides = array<i32>} : memref<2x104x128xf32, #tpu.memory_space<vmem>>, vector<1x1x16xf32>,
      %get3A_3396 = vector.shape_cast %get3A_3395 : vector<1x1x16xf32> to vector<16xf32>
      %add3A_3397 = arith.addf %add3A_3387, %get3A_3396 : vector<16xf32>
      %mul3A_3398 = arith.mulf %get3A_3396, %get3A_3396 : vector<16xf32>
      %add3A_3399 = arith.addf %add3A_3389, %mul3A_3398 : vector<16xf32>
      %get3A_3400 = arith.constant 0 : i32
      %get3A_3401 = arith.constant 68 : i32
      %get3A_3402 = arith.index_cast %get3A_3400 : i32 to index
      %get3A_3403 = arith.index_cast %get3A_3401 : i32 to index
      %get3A_3404 = arith.constant 0 : index
      %get3A_3405 = tpu.vector_load %arg7[%get3A_3402, %get3A_3403, %get3A_3404] {strides = array<i32>} : memref<2x104x128xf32, #tpu.memory_space<vmem>>, vector<1x1x16xf32>,
      %get3A_3406 = vector.shape_cast %get3A_3405 : vector<1x1x16xf32> to vector<16xf32>
      %add3A_3407 = arith.addf %add3A_3397, %get3A_3406 : vector<16xf32>
      %mul3A_3408 = arith.mulf %get3A_3406, %get3A_3406 : vector<16xf32>
      %add3A_3409 = arith.addf %add3A_3399, %mul3A_3408 : vector<16xf32>
      %get3A_3410 = arith.constant 0 : i32
      %get3A_3411 = arith.constant 69 : i32
      %get3A_3412 = arith.index_cast %get3A_3410 : i32 to index
      %get3A_3413 = arith.index_cast %get3A_3411 : i32 to index
      %get3A_3414 = arith.constant 0 : index
      %get3A_3415 = tpu.vector_load %arg7[%get3A_3412, %get3A_3413, %get3A_3414] {strides = array<i32>} : memref<2x104x128xf32, #tpu.memory_space<vmem>>, vector<1x1x16xf32>,
      %get3A_3416 = vector.shape_cast %get3A_3415 : vector<1x1x16xf32> to vector<16xf32>
      %add3A_3417 = arith.addf %add3A_3407, %get3A_3416 : vector<16xf32>
      %mul3A_3418 = arith.mulf %get3A_3416, %get3A_3416 : vector<16xf32>
      %add3A_3419 = arith.addf %add3A_3409, %mul3A_3418 : vector<16xf32>
      %get3A_3420 = arith.constant 0 : i32
      %get3A_3421 = arith.constant 70 : i32
      %get3A_3422 = arith.index_cast %get3A_3420 : i32 to index
      %get3A_3423 = arith.index_cast %get3A_3421 : i32 to index
      %get3A_3424 = arith.constant 0 : index
      %get3A_3425 = tpu.vector_load %arg7[%get3A_3422, %get3A_3423, %get3A_3424] {strides = array<i32>} : memref<2x104x128xf32, #tpu.memory_space<vmem>>, vector<1x1x16xf32>,
      %get3A_3426 = vector.shape_cast %get3A_3425 : vector<1x1x16xf32> to vector<16xf32>
      %add3A_3427 = arith.addf %add3A_3417, %get3A_3426 : vector<16xf32>
      %mul3A_3428 = arith.mulf %get3A_3426, %get3A_3426 : vector<16xf32>
      %add3A_3429 = arith.addf %add3A_3419, %mul3A_3428 : vector<16xf32>
      %get3A_3430 = arith.constant 0 : i32
      %get3A_3431 = arith.constant 71 : i32
      %get3A_3432 = arith.index_cast %get3A_3430 : i32 to index
      %get3A_3433 = arith.index_cast %get3A_3431 : i32 to index
      %get3A_3434 = arith.constant 0 : index
      %get3A_3435 = tpu.vector_load %arg7[%get3A_3432, %get3A_3433, %get3A_3434] {strides = array<i32>} : memref<2x104x128xf32, #tpu.memory_space<vmem>>, vector<1x1x16xf32>,
      %get3A_3436 = vector.shape_cast %get3A_3435 : vector<1x1x16xf32> to vector<16xf32>
      %add3A_3437 = arith.addf %add3A_3427, %get3A_3436 : vector<16xf32>
      %mul3A_3438 = arith.mulf %get3A_3436, %get3A_3436 : vector<16xf32>
      %add3A_3439 = arith.addf %add3A_3429, %mul3A_3438 : vector<16xf32>
      %get3A_3440 = arith.constant 0 : i32
      %get3A_3441 = arith.constant 72 : i32
      %get3A_3442 = arith.index_cast %get3A_3440 : i32 to index
      %get3A_3443 = arith.index_cast %get3A_3441 : i32 to index
      %get3A_3444 = arith.constant 0 : index
      %get3A_3445 = tpu.vector_load %arg7[%get3A_3442, %get3A_3443, %get3A_3444] {strides = array<i32>} : memref<2x104x128xf32, #tpu.memory_space<vmem>>, vector<1x1x16xf32>,
      %get3A_3446 = vector.shape_cast %get3A_3445 : vector<1x1x16xf32> to vector<16xf32>
      %add3A_3447 = arith.addf %add3A_3437, %get3A_3446 : vector<16xf32>
      %mul3A_3448 = arith.mulf %get3A_3446, %get3A_3446 : vector<16xf32>
      %add3A_3449 = arith.addf %add3A_3439, %mul3A_3448 : vector<16xf32>
      %get3A_3450 = arith.constant 0 : i32
      %get3A_3451 = arith.constant 73 : i32
      %get3A_3452 = arith.index_cast %get3A_3450 : i32 to index
      %get3A_3453 = arith.index_cast %get3A_3451 : i32 to index
      %get3A_3454 = arith.constant 0 : index
      %get3A_3455 = tpu.vector_load %arg7[%get3A_3452, %get3A_3453, %get3A_3454] {strides = array<i32>} : memref<2x104x128xf32, #tpu.memory_space<vmem>>, vector<1x1x16xf32>,
      %get3A_3456 = vector.shape_cast %get3A_3455 : vector<1x1x16xf32> to vector<16xf32>
      %add3A_3457 = arith.addf %add3A_3447, %get3A_3456 : vector<16xf32>
      %mul3A_3458 = arith.mulf %get3A_3456, %get3A_3456 : vector<16xf32>
      %add3A_3459 = arith.addf %add3A_3449, %mul3A_3458 : vector<16xf32>
      %get3A_3460 = arith.constant 0 : i32
      %get3A_3461 = arith.constant 74 : i32
      %get3A_3462 = arith.index_cast %get3A_3460 : i32 to index
      %get3A_3463 = arith.index_cast %get3A_3461 : i32 to index
      %get3A_3464 = arith.constant 0 : index
      %get3A_3465 = tpu.vector_load %arg7[%get3A_3462, %get3A_3463, %get3A_3464] {strides = array<i32>} : memref<2x104x128xf32, #tpu.memory_space<vmem>>, vector<1x1x16xf32>,
      %get3A_3466 = vector.shape_cast %get3A_3465 : vector<1x1x16xf32> to vector<16xf32>
      %add3A_3467 = arith.addf %add3A_3457, %get3A_3466 : vector<16xf32>
      %mul3A_3468 = arith.mulf %get3A_3466, %get3A_3466 : vector<16xf32>
      %add3A_3469 = arith.addf %add3A_3459, %mul3A_3468 : vector<16xf32>
      %get3A_3470 = arith.constant 0 : i32
      %get3A_3471 = arith.constant 75 : i32
      %get3A_3472 = arith.index_cast %get3A_3470 : i32 to index
      %get3A_3473 = arith.index_cast %get3A_3471 : i32 to index
      %get3A_3474 = arith.constant 0 : index
      %get3A_3475 = tpu.vector_load %arg7[%get3A_3472, %get3A_3473, %get3A_3474] {strides = array<i32>} : memref<2x104x128xf32, #tpu.memory_space<vmem>>, vector<1x1x16xf32>,
      %get3A_3476 = vector.shape_cast %get3A_3475 : vector<1x1x16xf32> to vector<16xf32>
      %add3A_3477 = arith.addf %add3A_3467, %get3A_3476 : vector<16xf32>
      %mul3A_3478 = arith.mulf %get3A_3476, %get3A_3476 : vector<16xf32>
      %add3A_3479 = arith.addf %add3A_3469, %mul3A_3478 : vector<16xf32>
      %get3A_3480 = arith.constant 0 : i32
      %get3A_3481 = arith.constant 76 : i32
      %get3A_3482 = arith.index_cast %get3A_3480 : i32 to index
      %get3A_3483 = arith.index_cast %get3A_3481 : i32 to index
      %get3A_3484 = arith.constant 0 : index
      %get3A_3485 = tpu.vector_load %arg7[%get3A_3482, %get3A_3483, %get3A_3484] {strides = array<i32>} : memref<2x104x128xf32, #tpu.memory_space<vmem>>, vector<1x1x16xf32>,
      %get3A_3486 = vector.shape_cast %get3A_3485 : vector<1x1x16xf32> to vector<16xf32>
      %add3A_3487 = arith.addf %add3A_3477, %get3A_3486 : vector<16xf32>
      %mul3A_3488 = arith.mulf %get3A_3486, %get3A_3486 : vector<16xf32>
      %add3A_3489 = arith.addf %add3A_3479, %mul3A_3488 : vector<16xf32>
      %get3A_3490 = arith.constant 0 : i32
      %get3A_3491 = arith.constant 77 : i32
      %get3A_3492 = arith.index_cast %get3A_3490 : i32 to index
      %get3A_3493 = arith.index_cast %get3A_3491 : i32 to index
      %get3A_3494 = arith.constant 0 : index
      %get3A_3495 = tpu.vector_load %arg7[%get3A_3492, %get3A_3493, %get3A_3494] {strides = array<i32>} : memref<2x104x128xf32, #tpu.memory_space<vmem>>, vector<1x1x16xf32>,
      %get3A_3496 = vector.shape_cast %get3A_3495 : vector<1x1x16xf32> to vector<16xf32>
      %add3A_3497 = arith.addf %add3A_3487, %get3A_3496 : vector<16xf32>
      %mul3A_3498 = arith.mulf %get3A_3496, %get3A_3496 : vector<16xf32>
      %add3A_3499 = arith.addf %add3A_3489, %mul3A_3498 : vector<16xf32>
      %get3A_3500 = arith.constant 0 : i32
      %get3A_3501 = arith.index_cast %get3A_3500 : i32 to index
      %get3A_3502 = arith.constant 52 : index
      %get3A_3503 = tpu.vector_load %arg8[%get3A_3501, %get3A_3502] {strides = array<i32>} : memref<2x120xf32, #tpu.memory_space<vmem>>, vector<1x16xf32>,
      %get3A_3504 = vector.shape_cast %get3A_3503 : vector<1x16xf32> to vector<16xf32>
      %get3A_3505 = arith.constant 0 : i32
      %get3A_3506 = arith.index_cast %get3A_3505 : i32 to index
      %get3A_3507 = arith.constant 68 : index
      %get3A_3508 = tpu.vector_load %arg8[%get3A_3506, %get3A_3507] {strides = array<i32>} : memref<2x120xf32, #tpu.memory_space<vmem>>, vector<1x16xf32>,
      %get3A_3509 = vector.shape_cast %get3A_3508 : vector<1x16xf32> to vector<16xf32>
      %jit3A_3510 = arith.constant 0.000000e+00 : f32
      %broadcast_in_dim3A_3511 = vector.broadcast %jit3A_3510 : f32 to vector<16xf32>
      %select_n3A_3512 = arith.select %lt3A_4, %get3A_3509, %broadcast_in_dim3A_3511 : vector<16xi1>, vector<16xf32>
      %mul3A_3513 = arith.mulf %add3A_3497, %add3A_3497 : vector<16xf32>
      %sub3A_3514 = arith.subf %mul3A_3513, %add3A_3499 : vector<16xf32>
      %mul3A_3515 = arith.constant 5.000000e-01 : f32
      %mul3A_3516 = vector.broadcast %mul3A_3515 : f32 to vector<16xf32>
      %mul3A_3517 = arith.mulf %mul3A_3516, %sub3A_3514 : vector<16xf32>
      %add3A_3518 = arith.addf %mul3A_3517, %get3A_3504 : vector<16xf32>
      %add3A_3519 = arith.addf %add3A_3518, %select_n3A_3512 : vector<16xf32>
      %xor3A_3520 = arith.constant 8 : i32
      %xor3A_3521 = vector.broadcast %xor3A_3520 : i32 to vector<16xi32>
      %xor3A_3522 = arith.xori %iota3A, %xor3A_3521 : vector<16xi32>
      %broadcast_in_dim3A_3523 = vector.shape_cast %xor3A_3522 : vector<16xi32> to vector<16x1xi32>
      %gather3A_3524 = vector.shape_cast %broadcast_in_dim3A_3523 : vector<16x1xi32> to vector<16xi32>
      %gather3A_3525 = tpu.dynamic_gather %add3A_3519[%gather3A_3524] in [0] : vector<16xf32>, vector<16xi32> -> vector<16xf32>
      %add3A_3526 = arith.addf %add3A_3519, %gather3A_3525 : vector<16xf32>
      %xor3A_3527 = arith.constant 4 : i32
      %xor3A_3528 = vector.broadcast %xor3A_3527 : i32 to vector<16xi32>
      %xor3A_3529 = arith.xori %iota3A, %xor3A_3528 : vector<16xi32>
      %broadcast_in_dim3A_3530 = vector.shape_cast %xor3A_3529 : vector<16xi32> to vector<16x1xi32>
      %gather3A_3531 = vector.shape_cast %broadcast_in_dim3A_3530 : vector<16x1xi32> to vector<16xi32>
      %gather3A_3532 = tpu.dynamic_gather %add3A_3526[%gather3A_3531] in [0] : vector<16xf32>, vector<16xi32> -> vector<16xf32>
      %add3A_3533 = arith.addf %add3A_3526, %gather3A_3532 : vector<16xf32>
      %xor3A_3534 = arith.constant 2 : i32
      %xor3A_3535 = vector.broadcast %xor3A_3534 : i32 to vector<16xi32>
      %xor3A_3536 = arith.xori %iota3A, %xor3A_3535 : vector<16xi32>
      %broadcast_in_dim3A_3537 = vector.shape_cast %xor3A_3536 : vector<16xi32> to vector<16x1xi32>
      %gather3A_3538 = vector.shape_cast %broadcast_in_dim3A_3537 : vector<16x1xi32> to vector<16xi32>
      %gather3A_3539 = tpu.dynamic_gather %add3A_3533[%gather3A_3538] in [0] : vector<16xf32>, vector<16xi32> -> vector<16xf32>
      %add3A_3540 = arith.addf %add3A_3533, %gather3A_3539 : vector<16xf32>
      %xor3A_3541 = arith.constant 1 : i32
      %xor3A_3542 = vector.broadcast %xor3A_3541 : i32 to vector<16xi32>
      %xor3A_3543 = arith.xori %iota3A, %xor3A_3542 : vector<16xi32>
      %broadcast_in_dim3A_3544 = vector.shape_cast %xor3A_3543 : vector<16xi32> to vector<16x1xi32>
      %gather3A_3545 = vector.shape_cast %broadcast_in_dim3A_3544 : vector<16x1xi32> to vector<16xi32>
      %gather3A_3546 = tpu.dynamic_gather %add3A_3540[%gather3A_3545] in [0] : vector<16xf32>, vector<16xi32> -> vector<16xf32>
      %add3A_3547 = arith.addf %add3A_3540, %gather3A_3546 : vector<16xf32>
      %eq3A_3548 = arith.constant 10 : i32
      %eq3A_3549 = vector.broadcast %eq3A_3548 : i32 to vector<16xi32>
      %eq3A_3550 = arith.cmpi eq, %iota3A, %eq3A_3549 : vector<16xi32>
      %select_n3A_3551 = arith.select %eq3A_3550, %add3A_3547, %select_n3A_3241 : vector<16xi1>, vector<16xf32>
      %get3A_3552 = arith.constant 0 : i32
      %get3A_3553 = arith.constant 78 : i32
      %get3A_3554 = arith.index_cast %get3A_3552 : i32 to index
      %get3A_3555 = arith.index_cast %get3A_3553 : i32 to index
      %get3A_3556 = arith.constant 0 : index
      %get3A_3557 = tpu.vector_load %arg7[%get3A_3554, %get3A_3555, %get3A_3556] {strides = array<i32>} : memref<2x104x128xf32, #tpu.memory_space<vmem>>, vector<1x1x16xf32>,
      %get3A_3558 = vector.shape_cast %get3A_3557 : vector<1x1x16xf32> to vector<16xf32>
      %mul3A_3559 = arith.mulf %get3A_3558, %get3A_3558 : vector<16xf32>
      %get3A_3560 = arith.constant 0 : i32
      %get3A_3561 = arith.constant 79 : i32
      %get3A_3562 = arith.index_cast %get3A_3560 : i32 to index
      %get3A_3563 = arith.index_cast %get3A_3561 : i32 to index
      %get3A_3564 = arith.constant 0 : index
      %get3A_3565 = tpu.vector_load %arg7[%get3A_3562, %get3A_3563, %get3A_3564] {strides = array<i32>} : memref<2x104x128xf32, #tpu.memory_space<vmem>>, vector<1x1x16xf32>,
      %get3A_3566 = vector.shape_cast %get3A_3565 : vector<1x1x16xf32> to vector<16xf32>
      %add3A_3567 = arith.addf %get3A_3558, %get3A_3566 : vector<16xf32>
      %mul3A_3568 = arith.mulf %get3A_3566, %get3A_3566 : vector<16xf32>
      %add3A_3569 = arith.addf %mul3A_3559, %mul3A_3568 : vector<16xf32>
      %get3A_3570 = arith.constant 0 : i32
      %get3A_3571 = arith.constant 80 : i32
      %get3A_3572 = arith.index_cast %get3A_3570 : i32 to index
      %get3A_3573 = arith.index_cast %get3A_3571 : i32 to index
      %get3A_3574 = arith.constant 0 : index
      %get3A_3575 = tpu.vector_load %arg7[%get3A_3572, %get3A_3573, %get3A_3574] {strides = array<i32>} : memref<2x104x128xf32, #tpu.memory_space<vmem>>, vector<1x1x16xf32>,
      %get3A_3576 = vector.shape_cast %get3A_3575 : vector<1x1x16xf32> to vector<16xf32>
      %add3A_3577 = arith.addf %add3A_3567, %get3A_3576 : vector<16xf32>
      %mul3A_3578 = arith.mulf %get3A_3576, %get3A_3576 : vector<16xf32>
      %add3A_3579 = arith.addf %add3A_3569, %mul3A_3578 : vector<16xf32>
      %get3A_3580 = arith.constant 0 : i32
      %get3A_3581 = arith.constant 81 : i32
      %get3A_3582 = arith.index_cast %get3A_3580 : i32 to index
      %get3A_3583 = arith.index_cast %get3A_3581 : i32 to index
      %get3A_3584 = arith.constant 0 : index
      %get3A_3585 = tpu.vector_load %arg7[%get3A_3582, %get3A_3583, %get3A_3584] {strides = array<i32>} : memref<2x104x128xf32, #tpu.memory_space<vmem>>, vector<1x1x16xf32>,
      %get3A_3586 = vector.shape_cast %get3A_3585 : vector<1x1x16xf32> to vector<16xf32>
      %add3A_3587 = arith.addf %add3A_3577, %get3A_3586 : vector<16xf32>
      %mul3A_3588 = arith.mulf %get3A_3586, %get3A_3586 : vector<16xf32>
      %add3A_3589 = arith.addf %add3A_3579, %mul3A_3588 : vector<16xf32>
      %get3A_3590 = arith.constant 0 : i32
      %get3A_3591 = arith.constant 82 : i32
      %get3A_3592 = arith.index_cast %get3A_3590 : i32 to index
      %get3A_3593 = arith.index_cast %get3A_3591 : i32 to index
      %get3A_3594 = arith.constant 0 : index
      %get3A_3595 = tpu.vector_load %arg7[%get3A_3592, %get3A_3593, %get3A_3594] {strides = array<i32>} : memref<2x104x128xf32, #tpu.memory_space<vmem>>, vector<1x1x16xf32>,
      %get3A_3596 = vector.shape_cast %get3A_3595 : vector<1x1x16xf32> to vector<16xf32>
      %add3A_3597 = arith.addf %add3A_3587, %get3A_3596 : vector<16xf32>
      %mul3A_3598 = arith.mulf %get3A_3596, %get3A_3596 : vector<16xf32>
      %add3A_3599 = arith.addf %add3A_3589, %mul3A_3598 : vector<16xf32>
      %get3A_3600 = arith.constant 0 : i32
      %get3A_3601 = arith.constant 83 : i32
      %get3A_3602 = arith.index_cast %get3A_3600 : i32 to index
      %get3A_3603 = arith.index_cast %get3A_3601 : i32 to index
      %get3A_3604 = arith.constant 0 : index
      %get3A_3605 = tpu.vector_load %arg7[%get3A_3602, %get3A_3603, %get3A_3604] {strides = array<i32>} : memref<2x104x128xf32, #tpu.memory_space<vmem>>, vector<1x1x16xf32>,
      %get3A_3606 = vector.shape_cast %get3A_3605 : vector<1x1x16xf32> to vector<16xf32>
      %add3A_3607 = arith.addf %add3A_3597, %get3A_3606 : vector<16xf32>
      %mul3A_3608 = arith.mulf %get3A_3606, %get3A_3606 : vector<16xf32>
      %add3A_3609 = arith.addf %add3A_3599, %mul3A_3608 : vector<16xf32>
      %get3A_3610 = arith.constant 0 : i32
      %get3A_3611 = arith.constant 84 : i32
      %get3A_3612 = arith.index_cast %get3A_3610 : i32 to index
      %get3A_3613 = arith.index_cast %get3A_3611 : i32 to index
      %get3A_3614 = arith.constant 0 : index
      %get3A_3615 = tpu.vector_load %arg7[%get3A_3612, %get3A_3613, %get3A_3614] {strides = array<i32>} : memref<2x104x128xf32, #tpu.memory_space<vmem>>, vector<1x1x16xf32>,
      %get3A_3616 = vector.shape_cast %get3A_3615 : vector<1x1x16xf32> to vector<16xf32>
      %add3A_3617 = arith.addf %add3A_3607, %get3A_3616 : vector<16xf32>
      %mul3A_3618 = arith.mulf %get3A_3616, %get3A_3616 : vector<16xf32>
      %add3A_3619 = arith.addf %add3A_3609, %mul3A_3618 : vector<16xf32>
      %get3A_3620 = arith.constant 0 : i32
      %get3A_3621 = arith.constant 85 : i32
      %get3A_3622 = arith.index_cast %get3A_3620 : i32 to index
      %get3A_3623 = arith.index_cast %get3A_3621 : i32 to index
      %get3A_3624 = arith.constant 0 : index
      %get3A_3625 = tpu.vector_load %arg7[%get3A_3622, %get3A_3623, %get3A_3624] {strides = array<i32>} : memref<2x104x128xf32, #tpu.memory_space<vmem>>, vector<1x1x16xf32>,
      %get3A_3626 = vector.shape_cast %get3A_3625 : vector<1x1x16xf32> to vector<16xf32>
      %add3A_3627 = arith.addf %add3A_3617, %get3A_3626 : vector<16xf32>
      %mul3A_3628 = arith.mulf %get3A_3626, %get3A_3626 : vector<16xf32>
      %add3A_3629 = arith.addf %add3A_3619, %mul3A_3628 : vector<16xf32>
      %get3A_3630 = arith.constant 0 : i32
      %get3A_3631 = arith.constant 86 : i32
      %get3A_3632 = arith.index_cast %get3A_3630 : i32 to index
      %get3A_3633 = arith.index_cast %get3A_3631 : i32 to index
      %get3A_3634 = arith.constant 0 : index
      %get3A_3635 = tpu.vector_load %arg7[%get3A_3632, %get3A_3633, %get3A_3634] {strides = array<i32>} : memref<2x104x128xf32, #tpu.memory_space<vmem>>, vector<1x1x16xf32>,
      %get3A_3636 = vector.shape_cast %get3A_3635 : vector<1x1x16xf32> to vector<16xf32>
      %add3A_3637 = arith.addf %add3A_3627, %get3A_3636 : vector<16xf32>
      %mul3A_3638 = arith.mulf %get3A_3636, %get3A_3636 : vector<16xf32>
      %add3A_3639 = arith.addf %add3A_3629, %mul3A_3638 : vector<16xf32>
      %get3A_3640 = arith.constant 0 : i32
      %get3A_3641 = arith.constant 87 : i32
      %get3A_3642 = arith.index_cast %get3A_3640 : i32 to index
      %get3A_3643 = arith.index_cast %get3A_3641 : i32 to index
      %get3A_3644 = arith.constant 0 : index
      %get3A_3645 = tpu.vector_load %arg7[%get3A_3642, %get3A_3643, %get3A_3644] {strides = array<i32>} : memref<2x104x128xf32, #tpu.memory_space<vmem>>, vector<1x1x16xf32>,
      %get3A_3646 = vector.shape_cast %get3A_3645 : vector<1x1x16xf32> to vector<16xf32>
      %add3A_3647 = arith.addf %add3A_3637, %get3A_3646 : vector<16xf32>
      %mul3A_3648 = arith.mulf %get3A_3646, %get3A_3646 : vector<16xf32>
      %add3A_3649 = arith.addf %add3A_3639, %mul3A_3648 : vector<16xf32>
      %get3A_3650 = arith.constant 0 : i32
      %get3A_3651 = arith.constant 88 : i32
      %get3A_3652 = arith.index_cast %get3A_3650 : i32 to index
      %get3A_3653 = arith.index_cast %get3A_3651 : i32 to index
      %get3A_3654 = arith.constant 0 : index
      %get3A_3655 = tpu.vector_load %arg7[%get3A_3652, %get3A_3653, %get3A_3654] {strides = array<i32>} : memref<2x104x128xf32, #tpu.memory_space<vmem>>, vector<1x1x16xf32>,
      %get3A_3656 = vector.shape_cast %get3A_3655 : vector<1x1x16xf32> to vector<16xf32>
      %add3A_3657 = arith.addf %add3A_3647, %get3A_3656 : vector<16xf32>
      %mul3A_3658 = arith.mulf %get3A_3656, %get3A_3656 : vector<16xf32>
      %add3A_3659 = arith.addf %add3A_3649, %mul3A_3658 : vector<16xf32>
      %get3A_3660 = arith.constant 0 : i32
      %get3A_3661 = arith.constant 89 : i32
      %get3A_3662 = arith.index_cast %get3A_3660 : i32 to index
      %get3A_3663 = arith.index_cast %get3A_3661 : i32 to index
      %get3A_3664 = arith.constant 0 : index
      %get3A_3665 = tpu.vector_load %arg7[%get3A_3662, %get3A_3663, %get3A_3664] {strides = array<i32>} : memref<2x104x128xf32, #tpu.memory_space<vmem>>, vector<1x1x16xf32>,
      %get3A_3666 = vector.shape_cast %get3A_3665 : vector<1x1x16xf32> to vector<16xf32>
      %add3A_3667 = arith.addf %add3A_3657, %get3A_3666 : vector<16xf32>
      %mul3A_3668 = arith.mulf %get3A_3666, %get3A_3666 : vector<16xf32>
      %add3A_3669 = arith.addf %add3A_3659, %mul3A_3668 : vector<16xf32>
      %get3A_3670 = arith.constant 0 : i32
      %get3A_3671 = arith.constant 90 : i32
      %get3A_3672 = arith.index_cast %get3A_3670 : i32 to index
      %get3A_3673 = arith.index_cast %get3A_3671 : i32 to index
      %get3A_3674 = arith.constant 0 : index
      %get3A_3675 = tpu.vector_load %arg7[%get3A_3672, %get3A_3673, %get3A_3674] {strides = array<i32>} : memref<2x104x128xf32, #tpu.memory_space<vmem>>, vector<1x1x16xf32>,
      %get3A_3676 = vector.shape_cast %get3A_3675 : vector<1x1x16xf32> to vector<16xf32>
      %add3A_3677 = arith.addf %add3A_3667, %get3A_3676 : vector<16xf32>
      %mul3A_3678 = arith.mulf %get3A_3676, %get3A_3676 : vector<16xf32>
      %add3A_3679 = arith.addf %add3A_3669, %mul3A_3678 : vector<16xf32>
      %get3A_3680 = arith.constant 0 : i32
      %get3A_3681 = arith.constant 91 : i32
      %get3A_3682 = arith.index_cast %get3A_3680 : i32 to index
      %get3A_3683 = arith.index_cast %get3A_3681 : i32 to index
      %get3A_3684 = arith.constant 0 : index
      %get3A_3685 = tpu.vector_load %arg7[%get3A_3682, %get3A_3683, %get3A_3684] {strides = array<i32>} : memref<2x104x128xf32, #tpu.memory_space<vmem>>, vector<1x1x16xf32>,
      %get3A_3686 = vector.shape_cast %get3A_3685 : vector<1x1x16xf32> to vector<16xf32>
      %add3A_3687 = arith.addf %add3A_3677, %get3A_3686 : vector<16xf32>
      %mul3A_3688 = arith.mulf %get3A_3686, %get3A_3686 : vector<16xf32>
      %add3A_3689 = arith.addf %add3A_3679, %mul3A_3688 : vector<16xf32>
      %get3A_3690 = arith.constant 0 : i32
      %get3A_3691 = arith.constant 92 : i32
      %get3A_3692 = arith.index_cast %get3A_3690 : i32 to index
      %get3A_3693 = arith.index_cast %get3A_3691 : i32 to index
      %get3A_3694 = arith.constant 0 : index
      %get3A_3695 = tpu.vector_load %arg7[%get3A_3692, %get3A_3693, %get3A_3694] {strides = array<i32>} : memref<2x104x128xf32, #tpu.memory_space<vmem>>, vector<1x1x16xf32>,
      %get3A_3696 = vector.shape_cast %get3A_3695 : vector<1x1x16xf32> to vector<16xf32>
      %add3A_3697 = arith.addf %add3A_3687, %get3A_3696 : vector<16xf32>
      %mul3A_3698 = arith.mulf %get3A_3696, %get3A_3696 : vector<16xf32>
      %add3A_3699 = arith.addf %add3A_3689, %mul3A_3698 : vector<16xf32>
      %get3A_3700 = arith.constant 0 : i32
      %get3A_3701 = arith.constant 93 : i32
      %get3A_3702 = arith.index_cast %get3A_3700 : i32 to index
      %get3A_3703 = arith.index_cast %get3A_3701 : i32 to index
      %get3A_3704 = arith.constant 0 : index
      %get3A_3705 = tpu.vector_load %arg7[%get3A_3702, %get3A_3703, %get3A_3704] {strides = array<i32>} : memref<2x104x128xf32, #tpu.memory_space<vmem>>, vector<1x1x16xf32>,
      %get3A_3706 = vector.shape_cast %get3A_3705 : vector<1x1x16xf32> to vector<16xf32>
      %add3A_3707 = arith.addf %add3A_3697, %get3A_3706 : vector<16xf32>
      %mul3A_3708 = arith.mulf %get3A_3706, %get3A_3706 : vector<16xf32>
      %add3A_3709 = arith.addf %add3A_3699, %mul3A_3708 : vector<16xf32>
      %get3A_3710 = arith.constant 0 : i32
      %get3A_3711 = arith.constant 94 : i32
      %get3A_3712 = arith.index_cast %get3A_3710 : i32 to index
      %get3A_3713 = arith.index_cast %get3A_3711 : i32 to index
      %get3A_3714 = arith.constant 0 : index
      %get3A_3715 = tpu.vector_load %arg7[%get3A_3712, %get3A_3713, %get3A_3714] {strides = array<i32>} : memref<2x104x128xf32, #tpu.memory_space<vmem>>, vector<1x1x16xf32>,
      %get3A_3716 = vector.shape_cast %get3A_3715 : vector<1x1x16xf32> to vector<16xf32>
      %add3A_3717 = arith.addf %add3A_3707, %get3A_3716 : vector<16xf32>
      %mul3A_3718 = arith.mulf %get3A_3716, %get3A_3716 : vector<16xf32>
      %add3A_3719 = arith.addf %add3A_3709, %mul3A_3718 : vector<16xf32>
      %get3A_3720 = arith.constant 0 : i32
      %get3A_3721 = arith.constant 95 : i32
      %get3A_3722 = arith.index_cast %get3A_3720 : i32 to index
      %get3A_3723 = arith.index_cast %get3A_3721 : i32 to index
      %get3A_3724 = arith.constant 0 : index
      %get3A_3725 = tpu.vector_load %arg7[%get3A_3722, %get3A_3723, %get3A_3724] {strides = array<i32>} : memref<2x104x128xf32, #tpu.memory_space<vmem>>, vector<1x1x16xf32>,
      %get3A_3726 = vector.shape_cast %get3A_3725 : vector<1x1x16xf32> to vector<16xf32>
      %add3A_3727 = arith.addf %add3A_3717, %get3A_3726 : vector<16xf32>
      %mul3A_3728 = arith.mulf %get3A_3726, %get3A_3726 : vector<16xf32>
      %add3A_3729 = arith.addf %add3A_3719, %mul3A_3728 : vector<16xf32>
      %get3A_3730 = arith.constant 0 : i32
      %get3A_3731 = arith.constant 96 : i32
      %get3A_3732 = arith.index_cast %get3A_3730 : i32 to index
      %get3A_3733 = arith.index_cast %get3A_3731 : i32 to index
      %get3A_3734 = arith.constant 0 : index
      %get3A_3735 = tpu.vector_load %arg7[%get3A_3732, %get3A_3733, %get3A_3734] {strides = array<i32>} : memref<2x104x128xf32, #tpu.memory_space<vmem>>, vector<1x1x16xf32>,
      %get3A_3736 = vector.shape_cast %get3A_3735 : vector<1x1x16xf32> to vector<16xf32>
      %add3A_3737 = arith.addf %add3A_3727, %get3A_3736 : vector<16xf32>
      %mul3A_3738 = arith.mulf %get3A_3736, %get3A_3736 : vector<16xf32>
      %add3A_3739 = arith.addf %add3A_3729, %mul3A_3738 : vector<16xf32>
      %get3A_3740 = arith.constant 0 : i32
      %get3A_3741 = arith.constant 97 : i32
      %get3A_3742 = arith.index_cast %get3A_3740 : i32 to index
      %get3A_3743 = arith.index_cast %get3A_3741 : i32 to index
      %get3A_3744 = arith.constant 0 : index
      %get3A_3745 = tpu.vector_load %arg7[%get3A_3742, %get3A_3743, %get3A_3744] {strides = array<i32>} : memref<2x104x128xf32, #tpu.memory_space<vmem>>, vector<1x1x16xf32>,
      %get3A_3746 = vector.shape_cast %get3A_3745 : vector<1x1x16xf32> to vector<16xf32>
      %add3A_3747 = arith.addf %add3A_3737, %get3A_3746 : vector<16xf32>
      %mul3A_3748 = arith.mulf %get3A_3746, %get3A_3746 : vector<16xf32>
      %add3A_3749 = arith.addf %add3A_3739, %mul3A_3748 : vector<16xf32>
      %get3A_3750 = arith.constant 0 : i32
      %get3A_3751 = arith.constant 98 : i32
      %get3A_3752 = arith.index_cast %get3A_3750 : i32 to index
      %get3A_3753 = arith.index_cast %get3A_3751 : i32 to index
      %get3A_3754 = arith.constant 0 : index
      %get3A_3755 = tpu.vector_load %arg7[%get3A_3752, %get3A_3753, %get3A_3754] {strides = array<i32>} : memref<2x104x128xf32, #tpu.memory_space<vmem>>, vector<1x1x16xf32>,
      %get3A_3756 = vector.shape_cast %get3A_3755 : vector<1x1x16xf32> to vector<16xf32>
      %add3A_3757 = arith.addf %add3A_3747, %get3A_3756 : vector<16xf32>
      %mul3A_3758 = arith.mulf %get3A_3756, %get3A_3756 : vector<16xf32>
      %add3A_3759 = arith.addf %add3A_3749, %mul3A_3758 : vector<16xf32>
      %get3A_3760 = arith.constant 0 : i32
      %get3A_3761 = arith.constant 99 : i32
      %get3A_3762 = arith.index_cast %get3A_3760 : i32 to index
      %get3A_3763 = arith.index_cast %get3A_3761 : i32 to index
      %get3A_3764 = arith.constant 0 : index
      %get3A_3765 = tpu.vector_load %arg7[%get3A_3762, %get3A_3763, %get3A_3764] {strides = array<i32>} : memref<2x104x128xf32, #tpu.memory_space<vmem>>, vector<1x1x16xf32>,
      %get3A_3766 = vector.shape_cast %get3A_3765 : vector<1x1x16xf32> to vector<16xf32>
      %add3A_3767 = arith.addf %add3A_3757, %get3A_3766 : vector<16xf32>
      %mul3A_3768 = arith.mulf %get3A_3766, %get3A_3766 : vector<16xf32>
      %add3A_3769 = arith.addf %add3A_3759, %mul3A_3768 : vector<16xf32>
      %get3A_3770 = arith.constant 0 : i32
      %get3A_3771 = arith.constant 100 : i32
      %get3A_3772 = arith.index_cast %get3A_3770 : i32 to index
      %get3A_3773 = arith.index_cast %get3A_3771 : i32 to index
      %get3A_3774 = arith.constant 0 : index
      %get3A_3775 = tpu.vector_load %arg7[%get3A_3772, %get3A_3773, %get3A_3774] {strides = array<i32>} : memref<2x104x128xf32, #tpu.memory_space<vmem>>, vector<1x1x16xf32>,
      %get3A_3776 = vector.shape_cast %get3A_3775 : vector<1x1x16xf32> to vector<16xf32>
      %add3A_3777 = arith.addf %add3A_3767, %get3A_3776 : vector<16xf32>
      %mul3A_3778 = arith.mulf %get3A_3776, %get3A_3776 : vector<16xf32>
      %add3A_3779 = arith.addf %add3A_3769, %mul3A_3778 : vector<16xf32>
      %get3A_3780 = arith.constant 0 : i32
      %get3A_3781 = arith.constant 101 : i32
      %get3A_3782 = arith.index_cast %get3A_3780 : i32 to index
      %get3A_3783 = arith.index_cast %get3A_3781 : i32 to index
      %get3A_3784 = arith.constant 0 : index
      %get3A_3785 = tpu.vector_load %arg7[%get3A_3782, %get3A_3783, %get3A_3784] {strides = array<i32>} : memref<2x104x128xf32, #tpu.memory_space<vmem>>, vector<1x1x16xf32>,
      %get3A_3786 = vector.shape_cast %get3A_3785 : vector<1x1x16xf32> to vector<16xf32>
      %add3A_3787 = arith.addf %add3A_3777, %get3A_3786 : vector<16xf32>
      %mul3A_3788 = arith.mulf %get3A_3786, %get3A_3786 : vector<16xf32>
      %add3A_3789 = arith.addf %add3A_3779, %mul3A_3788 : vector<16xf32>
      %get3A_3790 = arith.constant 0 : i32
      %get3A_3791 = arith.constant 102 : i32
      %get3A_3792 = arith.index_cast %get3A_3790 : i32 to index
      %get3A_3793 = arith.index_cast %get3A_3791 : i32 to index
      %get3A_3794 = arith.constant 0 : index
      %get3A_3795 = tpu.vector_load %arg7[%get3A_3792, %get3A_3793, %get3A_3794] {strides = array<i32>} : memref<2x104x128xf32, #tpu.memory_space<vmem>>, vector<1x1x16xf32>,
      %get3A_3796 = vector.shape_cast %get3A_3795 : vector<1x1x16xf32> to vector<16xf32>
      %add3A_3797 = arith.addf %add3A_3787, %get3A_3796 : vector<16xf32>
      %mul3A_3798 = arith.mulf %get3A_3796, %get3A_3796 : vector<16xf32>
      %add3A_3799 = arith.addf %add3A_3789, %mul3A_3798 : vector<16xf32>
      %get3A_3800 = arith.constant 0 : i32
      %get3A_3801 = arith.constant 103 : i32
      %get3A_3802 = arith.index_cast %get3A_3800 : i32 to index
      %get3A_3803 = arith.index_cast %get3A_3801 : i32 to index
      %get3A_3804 = arith.constant 0 : index
      %get3A_3805 = tpu.vector_load %arg7[%get3A_3802, %get3A_3803, %get3A_3804] {strides = array<i32>} : memref<2x104x128xf32, #tpu.memory_space<vmem>>, vector<1x1x16xf32>,
      %get3A_3806 = vector.shape_cast %get3A_3805 : vector<1x1x16xf32> to vector<16xf32>
      %add3A_3807 = arith.addf %add3A_3797, %get3A_3806 : vector<16xf32>
      %mul3A_3808 = arith.mulf %get3A_3806, %get3A_3806 : vector<16xf32>
      %add3A_3809 = arith.addf %add3A_3799, %mul3A_3808 : vector<16xf32>
      %get3A_3810 = arith.constant 0 : i32
      %get3A_3811 = arith.index_cast %get3A_3810 : i32 to index
      %get3A_3812 = arith.constant 78 : index
      %get3A_3813 = tpu.vector_load %arg8[%get3A_3811, %get3A_3812] {strides = array<i32>} : memref<2x120xf32, #tpu.memory_space<vmem>>, vector<1x16xf32>,
      %get3A_3814 = vector.shape_cast %get3A_3813 : vector<1x16xf32> to vector<16xf32>
      %get3A_3815 = arith.constant 0 : i32
      %get3A_3816 = arith.index_cast %get3A_3815 : i32 to index
      %get3A_3817 = arith.constant 94 : index
      %get3A_3818 = tpu.vector_load %arg8[%get3A_3816, %get3A_3817] {strides = array<i32>} : memref<2x120xf32, #tpu.memory_space<vmem>>, vector<1x16xf32>,
      %get3A_3819 = vector.shape_cast %get3A_3818 : vector<1x16xf32> to vector<16xf32>
      %jit3A_3820 = arith.constant 0.000000e+00 : f32
      %broadcast_in_dim3A_3821 = vector.broadcast %jit3A_3820 : f32 to vector<16xf32>
      %select_n3A_3822 = arith.select %lt3A_4, %get3A_3819, %broadcast_in_dim3A_3821 : vector<16xi1>, vector<16xf32>
      %mul3A_3823 = arith.mulf %add3A_3807, %add3A_3807 : vector<16xf32>
      %sub3A_3824 = arith.subf %mul3A_3823, %add3A_3809 : vector<16xf32>
      %mul3A_3825 = arith.constant 5.000000e-01 : f32
      %mul3A_3826 = vector.broadcast %mul3A_3825 : f32 to vector<16xf32>
      %mul3A_3827 = arith.mulf %mul3A_3826, %sub3A_3824 : vector<16xf32>
      %add3A_3828 = arith.addf %mul3A_3827, %get3A_3814 : vector<16xf32>
      %add3A_3829 = arith.addf %add3A_3828, %select_n3A_3822 : vector<16xf32>
      %xor3A_3830 = arith.constant 8 : i32
      %xor3A_3831 = vector.broadcast %xor3A_3830 : i32 to vector<16xi32>
      %xor3A_3832 = arith.xori %iota3A, %xor3A_3831 : vector<16xi32>
      %broadcast_in_dim3A_3833 = vector.shape_cast %xor3A_3832 : vector<16xi32> to vector<16x1xi32>
      %gather3A_3834 = vector.shape_cast %broadcast_in_dim3A_3833 : vector<16x1xi32> to vector<16xi32>
      %gather3A_3835 = tpu.dynamic_gather %add3A_3829[%gather3A_3834] in [0] : vector<16xf32>, vector<16xi32> -> vector<16xf32>
      %add3A_3836 = arith.addf %add3A_3829, %gather3A_3835 : vector<16xf32>
      %xor3A_3837 = arith.constant 4 : i32
      %xor3A_3838 = vector.broadcast %xor3A_3837 : i32 to vector<16xi32>
      %xor3A_3839 = arith.xori %iota3A, %xor3A_3838 : vector<16xi32>
      %broadcast_in_dim3A_3840 = vector.shape_cast %xor3A_3839 : vector<16xi32> to vector<16x1xi32>
      %gather3A_3841 = vector.shape_cast %broadcast_in_dim3A_3840 : vector<16x1xi32> to vector<16xi32>
      %gather3A_3842 = tpu.dynamic_gather %add3A_3836[%gather3A_3841] in [0] : vector<16xf32>, vector<16xi32> -> vector<16xf32>
      %add3A_3843 = arith.addf %add3A_3836, %gather3A_3842 : vector<16xf32>
      %xor3A_3844 = arith.constant 2 : i32
      %xor3A_3845 = vector.broadcast %xor3A_3844 : i32 to vector<16xi32>
      %xor3A_3846 = arith.xori %iota3A, %xor3A_3845 : vector<16xi32>
      %broadcast_in_dim3A_3847 = vector.shape_cast %xor3A_3846 : vector<16xi32> to vector<16x1xi32>
      %gather3A_3848 = vector.shape_cast %broadcast_in_dim3A_3847 : vector<16x1xi32> to vector<16xi32>
      %gather3A_3849 = tpu.dynamic_gather %add3A_3843[%gather3A_3848] in [0] : vector<16xf32>, vector<16xi32> -> vector<16xf32>
      %add3A_3850 = arith.addf %add3A_3843, %gather3A_3849 : vector<16xf32>
      %xor3A_3851 = arith.constant 1 : i32
      %xor3A_3852 = vector.broadcast %xor3A_3851 : i32 to vector<16xi32>
      %xor3A_3853 = arith.xori %iota3A, %xor3A_3852 : vector<16xi32>
      %broadcast_in_dim3A_3854 = vector.shape_cast %xor3A_3853 : vector<16xi32> to vector<16x1xi32>
      %gather3A_3855 = vector.shape_cast %broadcast_in_dim3A_3854 : vector<16x1xi32> to vector<16xi32>
      %gather3A_3856 = tpu.dynamic_gather %add3A_3850[%gather3A_3855] in [0] : vector<16xf32>, vector<16xi32> -> vector<16xf32>
      %add3A_3857 = arith.addf %add3A_3850, %gather3A_3856 : vector<16xf32>
      %eq3A_3858 = arith.constant 11 : i32
      %eq3A_3859 = vector.broadcast %eq3A_3858 : i32 to vector<16xi32>
      %eq3A_3860 = arith.cmpi eq, %iota3A, %eq3A_3859 : vector<16xi32>
      %select_n3A_3861 = arith.select %eq3A_3860, %add3A_3857, %select_n3A_3551 : vector<16xi1>, vector<16xf32>
      %mul3A_3862 = arith.constant 4 : i32
      %mul3A_3863 = arith.muli %scan3A_39, %mul3A_3862 : i32
      %add3A_3864 = arith.constant 3 : i32
      %add3A_3865 = arith.addi %mul3A_3863, %add3A_3864 : i32
      %add3A_3866 = arith.constant 1 : i32
      %add3A_3867 = arith.addi %add3A_3865, %add3A_3866 : i32
      %lt3A_3868 = arith.constant 128 : i32
      %lt3A_3869 = arith.cmpi slt, %add3A_3867, %lt3A_3868 : i32
      %convert_element_type3A_3870 = arith.extui %lt3A_3869 : i1 to i32
      %cond3A_3871 = arith.constant 0 : i32
      %cond3A_3872 = arith.cmpi ne, %convert_element_type3A_3870, %cond3A_3871 : i32
      scf.if %cond3A_3872 {
        %add3A_5144 = arith.constant 1 : i32
        %add3A_5145 = arith.addi %add3A_3865, %add3A_5144 : i32
        %dma_start3A_5146 = arith.constant 0 : i32
        %dma_start3A_5147 = arith.constant 0 : i32
        %dma_start3A_5148 = arith.constant 0 : i32
        %dma_start3A_5149 = arith.constant 0 : i32
        %dma_start3A_5150 = tpu.memref_slice %arg7[%dma_start3A_5146, %dma_start3A_5148, %dma_start3A_5149] : memref<2x104x128xf32, #tpu.memory_space<vmem>> -> memref<1x104x128xf32, #tpu.memory_space<vmem>>
        %dma_start3A_5151 = tpu.memref_squeeze %dma_start3A_5150 : memref<1x104x128xf32, #tpu.memory_space<vmem>> -> memref<104x128xf32, #tpu.memory_space<vmem>>
        %dma_start3A_5152 = arith.constant 0 : i32
        %dma_start3A_5153 = tpu.memref_slice %arg6[%add3A_5145, %dma_start3A_5152] : memref<128x104xi32, #tpu.memory_space<vmem>> -> memref<1x104xi32, #tpu.memory_space<vmem>>
        %dma_start3A_5154 = tpu.memref_squeeze %dma_start3A_5153 : memref<1x104xi32, #tpu.memory_space<vmem>> -> memref<104xi32, #tpu.memory_space<vmem>>
        %dma_start3A_5155 = arith.constant 0 : i32
        %dma_start3A_5156 = arith.constant 0 : i32
        %dma_start3A_5157 = tpu.memref_slice %arg4[%dma_start3A_5155, %dma_start3A_5156] : memref<1000000x128xf32, #tpu.memory_space<hbm>> -> memref<1000000x128xf32, #tpu.memory_space<hbm>>
        %dma_start3A_5158 = tpu.memref_slice %arg10[%dma_start3A_5147] : memref<2x!tpu.dma_semaphore, #tpu.memory_space<semaphore_mem>> -> memref<1x!tpu.dma_semaphore, #tpu.memory_space<semaphore_mem>>
        %dma_start3A_5159 = tpu.memref_squeeze %dma_start3A_5158 : memref<1x!tpu.dma_semaphore, #tpu.memory_space<semaphore_mem>> -> memref<!tpu.dma_semaphore, #tpu.memory_space<semaphore_mem>>
        tpu.enqueue_indirect_dma source(%dma_start3A_5157 : memref<1000000x128xf32, #tpu.memory_space<hbm>>) target(%dma_start3A_5151 : memref<104x128xf32, #tpu.memory_space<vmem>>) offsets(%dma_start3A_5154 : memref<104xi32, #tpu.memory_space<vmem>>) semaphore(%dma_start3A_5159 : memref<!tpu.dma_semaphore, #tpu.memory_space<semaphore_mem>>)
        %dma_start3A_5160 = arith.constant 0 : i32
        %dma_start3A_5161 = arith.constant 0 : i32
        %dma_start3A_5162 = arith.constant 0 : i32
        %dma_start3A_5163 = tpu.memref_slice %arg8[%dma_start3A_5160, %dma_start3A_5162] : memref<2x120xf32, #tpu.memory_space<vmem>> -> memref<1x104xf32, #tpu.memory_space<vmem>>
        %dma_start3A_5164 = tpu.memref_squeeze %dma_start3A_5163 : memref<1x104xf32, #tpu.memory_space<vmem>> -> memref<104xf32, #tpu.memory_space<vmem>>
        %dma_start3A_5165 = arith.constant 0 : i32
        %dma_start3A_5166 = tpu.memref_slice %arg6[%add3A_5145, %dma_start3A_5165] : memref<128x104xi32, #tpu.memory_space<vmem>> -> memref<1x104xi32, #tpu.memory_space<vmem>>
        %dma_start3A_5167 = tpu.memref_squeeze %dma_start3A_5166 : memref<1x104xi32, #tpu.memory_space<vmem>> -> memref<104xi32, #tpu.memory_space<vmem>>
        %dma_start3A_5168 = arith.constant 0 : i32
        %dma_start3A_5169 = tpu.memref_slice %arg3[%dma_start3A_5168] : memref<1000000xf32, #tpu.memory_space<hbm>> -> memref<1000000xf32, #tpu.memory_space<hbm>>
        %dma_start3A_5170 = tpu.memref_slice %arg11[%dma_start3A_5161] : memref<2x!tpu.dma_semaphore, #tpu.memory_space<semaphore_mem>> -> memref<1x!tpu.dma_semaphore, #tpu.memory_space<semaphore_mem>>
        %dma_start3A_5171 = tpu.memref_squeeze %dma_start3A_5170 : memref<1x!tpu.dma_semaphore, #tpu.memory_space<semaphore_mem>> -> memref<!tpu.dma_semaphore, #tpu.memory_space<semaphore_mem>>
        tpu.enqueue_indirect_dma source(%dma_start3A_5169 : memref<1000000xf32, #tpu.memory_space<hbm>>) target(%dma_start3A_5164 : memref<104xf32, #tpu.memory_space<vmem>>) offsets(%dma_start3A_5167 : memref<104xi32, #tpu.memory_space<vmem>>) semaphore(%dma_start3A_5171 : memref<!tpu.dma_semaphore, #tpu.memory_space<semaphore_mem>>)
      } else {
      }
      %dma_wait3A_3873 = arith.constant 1 : i32
      %dma_wait3A_3874 = arith.constant 1 : i32
      %dma_wait3A_3875 = arith.constant 0 : i32
      %dma_wait3A_3876 = arith.constant 0 : i32
      %dma_wait3A_3877 = tpu.memref_slice %arg7[%dma_wait3A_3873, %dma_wait3A_3875, %dma_wait3A_3876] : memref<2x104x128xf32, #tpu.memory_space<vmem>> -> memref<1x104x128xf32, #tpu.memory_space<vmem>>
      %dma_wait3A_3878 = tpu.memref_squeeze %dma_wait3A_3877 : memref<1x104x128xf32, #tpu.memory_space<vmem>> -> memref<104x128xf32, #tpu.memory_space<vmem>>
      %dma_wait3A_3879 = arith.constant 0 : i32
      %dma_wait3A_3880 = tpu.memref_slice %arg6[%add3A_3865, %dma_wait3A_3879] : memref<128x104xi32, #tpu.memory_space<vmem>> -> memref<1x104xi32, #tpu.memory_space<vmem>>
      %dma_wait3A_3881 = tpu.memref_squeeze %dma_wait3A_3880 : memref<1x104xi32, #tpu.memory_space<vmem>> -> memref<104xi32, #tpu.memory_space<vmem>>
      %dma_wait3A_3882 = arith.constant 0 : i32
      %dma_wait3A_3883 = arith.constant 0 : i32
      %dma_wait3A_3884 = tpu.memref_slice %arg4[%dma_wait3A_3882, %dma_wait3A_3883] : memref<1000000x128xf32, #tpu.memory_space<hbm>> -> memref<1000000x128xf32, #tpu.memory_space<hbm>>
      %dma_wait3A_3885 = tpu.memref_slice %arg10[%dma_wait3A_3874] : memref<2x!tpu.dma_semaphore, #tpu.memory_space<semaphore_mem>> -> memref<1x!tpu.dma_semaphore, #tpu.memory_space<semaphore_mem>>
      %dma_wait3A_3886 = tpu.memref_squeeze %dma_wait3A_3885 : memref<1x!tpu.dma_semaphore, #tpu.memory_space<semaphore_mem>> -> memref<!tpu.dma_semaphore, #tpu.memory_space<semaphore_mem>>
      tpu.wait_indirect_dma semaphore(%dma_wait3A_3886 : memref<!tpu.dma_semaphore, #tpu.memory_space<semaphore_mem>>) src(%dma_wait3A_3884 : memref<1000000x128xf32, #tpu.memory_space<hbm>>) dst(%dma_wait3A_3878 : memref<104x128xf32, #tpu.memory_space<vmem>>)
      %dma_wait3A_3887 = arith.constant 1 : i32
      %dma_wait3A_3888 = arith.constant 1 : i32
      %dma_wait3A_3889 = arith.constant 0 : i32
      %dma_wait3A_3890 = tpu.memref_slice %arg8[%dma_wait3A_3887, %dma_wait3A_3889] : memref<2x120xf32, #tpu.memory_space<vmem>> -> memref<1x104xf32, #tpu.memory_space<vmem>>
      %dma_wait3A_3891 = tpu.memref_squeeze %dma_wait3A_3890 : memref<1x104xf32, #tpu.memory_space<vmem>> -> memref<104xf32, #tpu.memory_space<vmem>>
      %dma_wait3A_3892 = arith.constant 0 : i32
      %dma_wait3A_3893 = tpu.memref_slice %arg6[%add3A_3865, %dma_wait3A_3892] : memref<128x104xi32, #tpu.memory_space<vmem>> -> memref<1x104xi32, #tpu.memory_space<vmem>>
      %dma_wait3A_3894 = tpu.memref_squeeze %dma_wait3A_3893 : memref<1x104xi32, #tpu.memory_space<vmem>> -> memref<104xi32, #tpu.memory_space<vmem>>
      %dma_wait3A_3895 = arith.constant 0 : i32
      %dma_wait3A_3896 = tpu.memref_slice %arg3[%dma_wait3A_3895] : memref<1000000xf32, #tpu.memory_space<hbm>> -> memref<1000000xf32, #tpu.memory_space<hbm>>
      %dma_wait3A_3897 = tpu.memref_slice %arg11[%dma_wait3A_3888] : memref<2x!tpu.dma_semaphore, #tpu.memory_space<semaphore_mem>> -> memref<1x!tpu.dma_semaphore, #tpu.memory_space<semaphore_mem>>
      %dma_wait3A_3898 = tpu.memref_squeeze %dma_wait3A_3897 : memref<1x!tpu.dma_semaphore, #tpu.memory_space<semaphore_mem>> -> memref<!tpu.dma_semaphore, #tpu.memory_space<semaphore_mem>>
      tpu.wait_indirect_dma semaphore(%dma_wait3A_3898 : memref<!tpu.dma_semaphore, #tpu.memory_space<semaphore_mem>>) src(%dma_wait3A_3896 : memref<1000000xf32, #tpu.memory_space<hbm>>) dst(%dma_wait3A_3891 : memref<104xf32, #tpu.memory_space<vmem>>)
      %get3A_3899 = arith.constant 1 : i32
      %get3A_3900 = arith.constant 0 : i32
      %get3A_3901 = arith.index_cast %get3A_3899 : i32 to index
      %get3A_3902 = arith.index_cast %get3A_3900 : i32 to index
      %get3A_3903 = arith.constant 0 : index
      %get3A_3904 = tpu.vector_load %arg7[%get3A_3901, %get3A_3902, %get3A_3903] {strides = array<i32>} : memref<2x104x128xf32, #tpu.memory_space<vmem>>, vector<1x1x16xf32>,
      %get3A_3905 = vector.shape_cast %get3A_3904 : vector<1x1x16xf32> to vector<16xf32>
      %mul3A_3906 = arith.mulf %get3A_3905, %get3A_3905 : vector<16xf32>
      %get3A_3907 = arith.constant 1 : i32
      %get3A_3908 = arith.constant 1 : i32
      %get3A_3909 = arith.index_cast %get3A_3907 : i32 to index
      %get3A_3910 = arith.index_cast %get3A_3908 : i32 to index
      %get3A_3911 = arith.constant 0 : index
      %get3A_3912 = tpu.vector_load %arg7[%get3A_3909, %get3A_3910, %get3A_3911] {strides = array<i32>} : memref<2x104x128xf32, #tpu.memory_space<vmem>>, vector<1x1x16xf32>,
      %get3A_3913 = vector.shape_cast %get3A_3912 : vector<1x1x16xf32> to vector<16xf32>
      %add3A_3914 = arith.addf %get3A_3905, %get3A_3913 : vector<16xf32>
      %mul3A_3915 = arith.mulf %get3A_3913, %get3A_3913 : vector<16xf32>
      %add3A_3916 = arith.addf %mul3A_3906, %mul3A_3915 : vector<16xf32>
      %get3A_3917 = arith.constant 1 : i32
      %get3A_3918 = arith.constant 2 : i32
      %get3A_3919 = arith.index_cast %get3A_3917 : i32 to index
      %get3A_3920 = arith.index_cast %get3A_3918 : i32 to index
      %get3A_3921 = arith.constant 0 : index
      %get3A_3922 = tpu.vector_load %arg7[%get3A_3919, %get3A_3920, %get3A_3921] {strides = array<i32>} : memref<2x104x128xf32, #tpu.memory_space<vmem>>, vector<1x1x16xf32>,
      %get3A_3923 = vector.shape_cast %get3A_3922 : vector<1x1x16xf32> to vector<16xf32>
      %add3A_3924 = arith.addf %add3A_3914, %get3A_3923 : vector<16xf32>
      %mul3A_3925 = arith.mulf %get3A_3923, %get3A_3923 : vector<16xf32>
      %add3A_3926 = arith.addf %add3A_3916, %mul3A_3925 : vector<16xf32>
      %get3A_3927 = arith.constant 1 : i32
      %get3A_3928 = arith.constant 3 : i32
      %get3A_3929 = arith.index_cast %get3A_3927 : i32 to index
      %get3A_3930 = arith.index_cast %get3A_3928 : i32 to index
      %get3A_3931 = arith.constant 0 : index
      %get3A_3932 = tpu.vector_load %arg7[%get3A_3929, %get3A_3930, %get3A_3931] {strides = array<i32>} : memref<2x104x128xf32, #tpu.memory_space<vmem>>, vector<1x1x16xf32>,
      %get3A_3933 = vector.shape_cast %get3A_3932 : vector<1x1x16xf32> to vector<16xf32>
      %add3A_3934 = arith.addf %add3A_3924, %get3A_3933 : vector<16xf32>
      %mul3A_3935 = arith.mulf %get3A_3933, %get3A_3933 : vector<16xf32>
      %add3A_3936 = arith.addf %add3A_3926, %mul3A_3935 : vector<16xf32>
      %get3A_3937 = arith.constant 1 : i32
      %get3A_3938 = arith.constant 4 : i32
      %get3A_3939 = arith.index_cast %get3A_3937 : i32 to index
      %get3A_3940 = arith.index_cast %get3A_3938 : i32 to index
      %get3A_3941 = arith.constant 0 : index
      %get3A_3942 = tpu.vector_load %arg7[%get3A_3939, %get3A_3940, %get3A_3941] {strides = array<i32>} : memref<2x104x128xf32, #tpu.memory_space<vmem>>, vector<1x1x16xf32>,
      %get3A_3943 = vector.shape_cast %get3A_3942 : vector<1x1x16xf32> to vector<16xf32>
      %add3A_3944 = arith.addf %add3A_3934, %get3A_3943 : vector<16xf32>
      %mul3A_3945 = arith.mulf %get3A_3943, %get3A_3943 : vector<16xf32>
      %add3A_3946 = arith.addf %add3A_3936, %mul3A_3945 : vector<16xf32>
      %get3A_3947 = arith.constant 1 : i32
      %get3A_3948 = arith.constant 5 : i32
      %get3A_3949 = arith.index_cast %get3A_3947 : i32 to index
      %get3A_3950 = arith.index_cast %get3A_3948 : i32 to index
      %get3A_3951 = arith.constant 0 : index
      %get3A_3952 = tpu.vector_load %arg7[%get3A_3949, %get3A_3950, %get3A_3951] {strides = array<i32>} : memref<2x104x128xf32, #tpu.memory_space<vmem>>, vector<1x1x16xf32>,
      %get3A_3953 = vector.shape_cast %get3A_3952 : vector<1x1x16xf32> to vector<16xf32>
      %add3A_3954 = arith.addf %add3A_3944, %get3A_3953 : vector<16xf32>
      %mul3A_3955 = arith.mulf %get3A_3953, %get3A_3953 : vector<16xf32>
      %add3A_3956 = arith.addf %add3A_3946, %mul3A_3955 : vector<16xf32>
      %get3A_3957 = arith.constant 1 : i32
      %get3A_3958 = arith.constant 6 : i32
      %get3A_3959 = arith.index_cast %get3A_3957 : i32 to index
      %get3A_3960 = arith.index_cast %get3A_3958 : i32 to index
      %get3A_3961 = arith.constant 0 : index
      %get3A_3962 = tpu.vector_load %arg7[%get3A_3959, %get3A_3960, %get3A_3961] {strides = array<i32>} : memref<2x104x128xf32, #tpu.memory_space<vmem>>, vector<1x1x16xf32>,
      %get3A_3963 = vector.shape_cast %get3A_3962 : vector<1x1x16xf32> to vector<16xf32>
      %add3A_3964 = arith.addf %add3A_3954, %get3A_3963 : vector<16xf32>
      %mul3A_3965 = arith.mulf %get3A_3963, %get3A_3963 : vector<16xf32>
      %add3A_3966 = arith.addf %add3A_3956, %mul3A_3965 : vector<16xf32>
      %get3A_3967 = arith.constant 1 : i32
      %get3A_3968 = arith.constant 7 : i32
      %get3A_3969 = arith.index_cast %get3A_3967 : i32 to index
      %get3A_3970 = arith.index_cast %get3A_3968 : i32 to index
      %get3A_3971 = arith.constant 0 : index
      %get3A_3972 = tpu.vector_load %arg7[%get3A_3969, %get3A_3970, %get3A_3971] {strides = array<i32>} : memref<2x104x128xf32, #tpu.memory_space<vmem>>, vector<1x1x16xf32>,
      %get3A_3973 = vector.shape_cast %get3A_3972 : vector<1x1x16xf32> to vector<16xf32>
      %add3A_3974 = arith.addf %add3A_3964, %get3A_3973 : vector<16xf32>
      %mul3A_3975 = arith.mulf %get3A_3973, %get3A_3973 : vector<16xf32>
      %add3A_3976 = arith.addf %add3A_3966, %mul3A_3975 : vector<16xf32>
      %get3A_3977 = arith.constant 1 : i32
      %get3A_3978 = arith.constant 8 : i32
      %get3A_3979 = arith.index_cast %get3A_3977 : i32 to index
      %get3A_3980 = arith.index_cast %get3A_3978 : i32 to index
      %get3A_3981 = arith.constant 0 : index
      %get3A_3982 = tpu.vector_load %arg7[%get3A_3979, %get3A_3980, %get3A_3981] {strides = array<i32>} : memref<2x104x128xf32, #tpu.memory_space<vmem>>, vector<1x1x16xf32>,
      %get3A_3983 = vector.shape_cast %get3A_3982 : vector<1x1x16xf32> to vector<16xf32>
      %add3A_3984 = arith.addf %add3A_3974, %get3A_3983 : vector<16xf32>
      %mul3A_3985 = arith.mulf %get3A_3983, %get3A_3983 : vector<16xf32>
      %add3A_3986 = arith.addf %add3A_3976, %mul3A_3985 : vector<16xf32>
      %get3A_3987 = arith.constant 1 : i32
      %get3A_3988 = arith.constant 9 : i32
      %get3A_3989 = arith.index_cast %get3A_3987 : i32 to index
      %get3A_3990 = arith.index_cast %get3A_3988 : i32 to index
      %get3A_3991 = arith.constant 0 : index
      %get3A_3992 = tpu.vector_load %arg7[%get3A_3989, %get3A_3990, %get3A_3991] {strides = array<i32>} : memref<2x104x128xf32, #tpu.memory_space<vmem>>, vector<1x1x16xf32>,
      %get3A_3993 = vector.shape_cast %get3A_3992 : vector<1x1x16xf32> to vector<16xf32>
      %add3A_3994 = arith.addf %add3A_3984, %get3A_3993 : vector<16xf32>
      %mul3A_3995 = arith.mulf %get3A_3993, %get3A_3993 : vector<16xf32>
      %add3A_3996 = arith.addf %add3A_3986, %mul3A_3995 : vector<16xf32>
      %get3A_3997 = arith.constant 1 : i32
      %get3A_3998 = arith.constant 10 : i32
      %get3A_3999 = arith.index_cast %get3A_3997 : i32 to index
      %get3A_4000 = arith.index_cast %get3A_3998 : i32 to index
      %get3A_4001 = arith.constant 0 : index
      %get3A_4002 = tpu.vector_load %arg7[%get3A_3999, %get3A_4000, %get3A_4001] {strides = array<i32>} : memref<2x104x128xf32, #tpu.memory_space<vmem>>, vector<1x1x16xf32>,
      %get3A_4003 = vector.shape_cast %get3A_4002 : vector<1x1x16xf32> to vector<16xf32>
      %add3A_4004 = arith.addf %add3A_3994, %get3A_4003 : vector<16xf32>
      %mul3A_4005 = arith.mulf %get3A_4003, %get3A_4003 : vector<16xf32>
      %add3A_4006 = arith.addf %add3A_3996, %mul3A_4005 : vector<16xf32>
      %get3A_4007 = arith.constant 1 : i32
      %get3A_4008 = arith.constant 11 : i32
      %get3A_4009 = arith.index_cast %get3A_4007 : i32 to index
      %get3A_4010 = arith.index_cast %get3A_4008 : i32 to index
      %get3A_4011 = arith.constant 0 : index
      %get3A_4012 = tpu.vector_load %arg7[%get3A_4009, %get3A_4010, %get3A_4011] {strides = array<i32>} : memref<2x104x128xf32, #tpu.memory_space<vmem>>, vector<1x1x16xf32>,
      %get3A_4013 = vector.shape_cast %get3A_4012 : vector<1x1x16xf32> to vector<16xf32>
      %add3A_4014 = arith.addf %add3A_4004, %get3A_4013 : vector<16xf32>
      %mul3A_4015 = arith.mulf %get3A_4013, %get3A_4013 : vector<16xf32>
      %add3A_4016 = arith.addf %add3A_4006, %mul3A_4015 : vector<16xf32>
      %get3A_4017 = arith.constant 1 : i32
      %get3A_4018 = arith.constant 12 : i32
      %get3A_4019 = arith.index_cast %get3A_4017 : i32 to index
      %get3A_4020 = arith.index_cast %get3A_4018 : i32 to index
      %get3A_4021 = arith.constant 0 : index
      %get3A_4022 = tpu.vector_load %arg7[%get3A_4019, %get3A_4020, %get3A_4021] {strides = array<i32>} : memref<2x104x128xf32, #tpu.memory_space<vmem>>, vector<1x1x16xf32>,
      %get3A_4023 = vector.shape_cast %get3A_4022 : vector<1x1x16xf32> to vector<16xf32>
      %add3A_4024 = arith.addf %add3A_4014, %get3A_4023 : vector<16xf32>
      %mul3A_4025 = arith.mulf %get3A_4023, %get3A_4023 : vector<16xf32>
      %add3A_4026 = arith.addf %add3A_4016, %mul3A_4025 : vector<16xf32>
      %get3A_4027 = arith.constant 1 : i32
      %get3A_4028 = arith.constant 13 : i32
      %get3A_4029 = arith.index_cast %get3A_4027 : i32 to index
      %get3A_4030 = arith.index_cast %get3A_4028 : i32 to index
      %get3A_4031 = arith.constant 0 : index
      %get3A_4032 = tpu.vector_load %arg7[%get3A_4029, %get3A_4030, %get3A_4031] {strides = array<i32>} : memref<2x104x128xf32, #tpu.memory_space<vmem>>, vector<1x1x16xf32>,
      %get3A_4033 = vector.shape_cast %get3A_4032 : vector<1x1x16xf32> to vector<16xf32>
      %add3A_4034 = arith.addf %add3A_4024, %get3A_4033 : vector<16xf32>
      %mul3A_4035 = arith.mulf %get3A_4033, %get3A_4033 : vector<16xf32>
      %add3A_4036 = arith.addf %add3A_4026, %mul3A_4035 : vector<16xf32>
      %get3A_4037 = arith.constant 1 : i32
      %get3A_4038 = arith.constant 14 : i32
      %get3A_4039 = arith.index_cast %get3A_4037 : i32 to index
      %get3A_4040 = arith.index_cast %get3A_4038 : i32 to index
      %get3A_4041 = arith.constant 0 : index
      %get3A_4042 = tpu.vector_load %arg7[%get3A_4039, %get3A_4040, %get3A_4041] {strides = array<i32>} : memref<2x104x128xf32, #tpu.memory_space<vmem>>, vector<1x1x16xf32>,
      %get3A_4043 = vector.shape_cast %get3A_4042 : vector<1x1x16xf32> to vector<16xf32>
      %add3A_4044 = arith.addf %add3A_4034, %get3A_4043 : vector<16xf32>
      %mul3A_4045 = arith.mulf %get3A_4043, %get3A_4043 : vector<16xf32>
      %add3A_4046 = arith.addf %add3A_4036, %mul3A_4045 : vector<16xf32>
      %get3A_4047 = arith.constant 1 : i32
      %get3A_4048 = arith.constant 15 : i32
      %get3A_4049 = arith.index_cast %get3A_4047 : i32 to index
      %get3A_4050 = arith.index_cast %get3A_4048 : i32 to index
      %get3A_4051 = arith.constant 0 : index
      %get3A_4052 = tpu.vector_load %arg7[%get3A_4049, %get3A_4050, %get3A_4051] {strides = array<i32>} : memref<2x104x128xf32, #tpu.memory_space<vmem>>, vector<1x1x16xf32>,
      %get3A_4053 = vector.shape_cast %get3A_4052 : vector<1x1x16xf32> to vector<16xf32>
      %add3A_4054 = arith.addf %add3A_4044, %get3A_4053 : vector<16xf32>
      %mul3A_4055 = arith.mulf %get3A_4053, %get3A_4053 : vector<16xf32>
      %add3A_4056 = arith.addf %add3A_4046, %mul3A_4055 : vector<16xf32>
      %get3A_4057 = arith.constant 1 : i32
      %get3A_4058 = arith.constant 16 : i32
      %get3A_4059 = arith.index_cast %get3A_4057 : i32 to index
      %get3A_4060 = arith.index_cast %get3A_4058 : i32 to index
      %get3A_4061 = arith.constant 0 : index
      %get3A_4062 = tpu.vector_load %arg7[%get3A_4059, %get3A_4060, %get3A_4061] {strides = array<i32>} : memref<2x104x128xf32, #tpu.memory_space<vmem>>, vector<1x1x16xf32>,
      %get3A_4063 = vector.shape_cast %get3A_4062 : vector<1x1x16xf32> to vector<16xf32>
      %add3A_4064 = arith.addf %add3A_4054, %get3A_4063 : vector<16xf32>
      %mul3A_4065 = arith.mulf %get3A_4063, %get3A_4063 : vector<16xf32>
      %add3A_4066 = arith.addf %add3A_4056, %mul3A_4065 : vector<16xf32>
      %get3A_4067 = arith.constant 1 : i32
      %get3A_4068 = arith.constant 17 : i32
      %get3A_4069 = arith.index_cast %get3A_4067 : i32 to index
      %get3A_4070 = arith.index_cast %get3A_4068 : i32 to index
      %get3A_4071 = arith.constant 0 : index
      %get3A_4072 = tpu.vector_load %arg7[%get3A_4069, %get3A_4070, %get3A_4071] {strides = array<i32>} : memref<2x104x128xf32, #tpu.memory_space<vmem>>, vector<1x1x16xf32>,
      %get3A_4073 = vector.shape_cast %get3A_4072 : vector<1x1x16xf32> to vector<16xf32>
      %add3A_4074 = arith.addf %add3A_4064, %get3A_4073 : vector<16xf32>
      %mul3A_4075 = arith.mulf %get3A_4073, %get3A_4073 : vector<16xf32>
      %add3A_4076 = arith.addf %add3A_4066, %mul3A_4075 : vector<16xf32>
      %get3A_4077 = arith.constant 1 : i32
      %get3A_4078 = arith.constant 18 : i32
      %get3A_4079 = arith.index_cast %get3A_4077 : i32 to index
      %get3A_4080 = arith.index_cast %get3A_4078 : i32 to index
      %get3A_4081 = arith.constant 0 : index
      %get3A_4082 = tpu.vector_load %arg7[%get3A_4079, %get3A_4080, %get3A_4081] {strides = array<i32>} : memref<2x104x128xf32, #tpu.memory_space<vmem>>, vector<1x1x16xf32>,
      %get3A_4083 = vector.shape_cast %get3A_4082 : vector<1x1x16xf32> to vector<16xf32>
      %add3A_4084 = arith.addf %add3A_4074, %get3A_4083 : vector<16xf32>
      %mul3A_4085 = arith.mulf %get3A_4083, %get3A_4083 : vector<16xf32>
      %add3A_4086 = arith.addf %add3A_4076, %mul3A_4085 : vector<16xf32>
      %get3A_4087 = arith.constant 1 : i32
      %get3A_4088 = arith.constant 19 : i32
      %get3A_4089 = arith.index_cast %get3A_4087 : i32 to index
      %get3A_4090 = arith.index_cast %get3A_4088 : i32 to index
      %get3A_4091 = arith.constant 0 : index
      %get3A_4092 = tpu.vector_load %arg7[%get3A_4089, %get3A_4090, %get3A_4091] {strides = array<i32>} : memref<2x104x128xf32, #tpu.memory_space<vmem>>, vector<1x1x16xf32>,
      %get3A_4093 = vector.shape_cast %get3A_4092 : vector<1x1x16xf32> to vector<16xf32>
      %add3A_4094 = arith.addf %add3A_4084, %get3A_4093 : vector<16xf32>
      %mul3A_4095 = arith.mulf %get3A_4093, %get3A_4093 : vector<16xf32>
      %add3A_4096 = arith.addf %add3A_4086, %mul3A_4095 : vector<16xf32>
      %get3A_4097 = arith.constant 1 : i32
      %get3A_4098 = arith.constant 20 : i32
      %get3A_4099 = arith.index_cast %get3A_4097 : i32 to index
      %get3A_4100 = arith.index_cast %get3A_4098 : i32 to index
      %get3A_4101 = arith.constant 0 : index
      %get3A_4102 = tpu.vector_load %arg7[%get3A_4099, %get3A_4100, %get3A_4101] {strides = array<i32>} : memref<2x104x128xf32, #tpu.memory_space<vmem>>, vector<1x1x16xf32>,
      %get3A_4103 = vector.shape_cast %get3A_4102 : vector<1x1x16xf32> to vector<16xf32>
      %add3A_4104 = arith.addf %add3A_4094, %get3A_4103 : vector<16xf32>
      %mul3A_4105 = arith.mulf %get3A_4103, %get3A_4103 : vector<16xf32>
      %add3A_4106 = arith.addf %add3A_4096, %mul3A_4105 : vector<16xf32>
      %get3A_4107 = arith.constant 1 : i32
      %get3A_4108 = arith.constant 21 : i32
      %get3A_4109 = arith.index_cast %get3A_4107 : i32 to index
      %get3A_4110 = arith.index_cast %get3A_4108 : i32 to index
      %get3A_4111 = arith.constant 0 : index
      %get3A_4112 = tpu.vector_load %arg7[%get3A_4109, %get3A_4110, %get3A_4111] {strides = array<i32>} : memref<2x104x128xf32, #tpu.memory_space<vmem>>, vector<1x1x16xf32>,
      %get3A_4113 = vector.shape_cast %get3A_4112 : vector<1x1x16xf32> to vector<16xf32>
      %add3A_4114 = arith.addf %add3A_4104, %get3A_4113 : vector<16xf32>
      %mul3A_4115 = arith.mulf %get3A_4113, %get3A_4113 : vector<16xf32>
      %add3A_4116 = arith.addf %add3A_4106, %mul3A_4115 : vector<16xf32>
      %get3A_4117 = arith.constant 1 : i32
      %get3A_4118 = arith.constant 22 : i32
      %get3A_4119 = arith.index_cast %get3A_4117 : i32 to index
      %get3A_4120 = arith.index_cast %get3A_4118 : i32 to index
      %get3A_4121 = arith.constant 0 : index
      %get3A_4122 = tpu.vector_load %arg7[%get3A_4119, %get3A_4120, %get3A_4121] {strides = array<i32>} : memref<2x104x128xf32, #tpu.memory_space<vmem>>, vector<1x1x16xf32>,
      %get3A_4123 = vector.shape_cast %get3A_4122 : vector<1x1x16xf32> to vector<16xf32>
      %add3A_4124 = arith.addf %add3A_4114, %get3A_4123 : vector<16xf32>
      %mul3A_4125 = arith.mulf %get3A_4123, %get3A_4123 : vector<16xf32>
      %add3A_4126 = arith.addf %add3A_4116, %mul3A_4125 : vector<16xf32>
      %get3A_4127 = arith.constant 1 : i32
      %get3A_4128 = arith.constant 23 : i32
      %get3A_4129 = arith.index_cast %get3A_4127 : i32 to index
      %get3A_4130 = arith.index_cast %get3A_4128 : i32 to index
      %get3A_4131 = arith.constant 0 : index
      %get3A_4132 = tpu.vector_load %arg7[%get3A_4129, %get3A_4130, %get3A_4131] {strides = array<i32>} : memref<2x104x128xf32, #tpu.memory_space<vmem>>, vector<1x1x16xf32>,
      %get3A_4133 = vector.shape_cast %get3A_4132 : vector<1x1x16xf32> to vector<16xf32>
      %add3A_4134 = arith.addf %add3A_4124, %get3A_4133 : vector<16xf32>
      %mul3A_4135 = arith.mulf %get3A_4133, %get3A_4133 : vector<16xf32>
      %add3A_4136 = arith.addf %add3A_4126, %mul3A_4135 : vector<16xf32>
      %get3A_4137 = arith.constant 1 : i32
      %get3A_4138 = arith.constant 24 : i32
      %get3A_4139 = arith.index_cast %get3A_4137 : i32 to index
      %get3A_4140 = arith.index_cast %get3A_4138 : i32 to index
      %get3A_4141 = arith.constant 0 : index
      %get3A_4142 = tpu.vector_load %arg7[%get3A_4139, %get3A_4140, %get3A_4141] {strides = array<i32>} : memref<2x104x128xf32, #tpu.memory_space<vmem>>, vector<1x1x16xf32>,
      %get3A_4143 = vector.shape_cast %get3A_4142 : vector<1x1x16xf32> to vector<16xf32>
      %add3A_4144 = arith.addf %add3A_4134, %get3A_4143 : vector<16xf32>
      %mul3A_4145 = arith.mulf %get3A_4143, %get3A_4143 : vector<16xf32>
      %add3A_4146 = arith.addf %add3A_4136, %mul3A_4145 : vector<16xf32>
      %get3A_4147 = arith.constant 1 : i32
      %get3A_4148 = arith.constant 25 : i32
      %get3A_4149 = arith.index_cast %get3A_4147 : i32 to index
      %get3A_4150 = arith.index_cast %get3A_4148 : i32 to index
      %get3A_4151 = arith.constant 0 : index
      %get3A_4152 = tpu.vector_load %arg7[%get3A_4149, %get3A_4150, %get3A_4151] {strides = array<i32>} : memref<2x104x128xf32, #tpu.memory_space<vmem>>, vector<1x1x16xf32>,
      %get3A_4153 = vector.shape_cast %get3A_4152 : vector<1x1x16xf32> to vector<16xf32>
      %add3A_4154 = arith.addf %add3A_4144, %get3A_4153 : vector<16xf32>
      %mul3A_4155 = arith.mulf %get3A_4153, %get3A_4153 : vector<16xf32>
      %add3A_4156 = arith.addf %add3A_4146, %mul3A_4155 : vector<16xf32>
      %get3A_4157 = arith.constant 1 : i32
      %get3A_4158 = arith.index_cast %get3A_4157 : i32 to index
      %get3A_4159 = arith.constant 0 : index
      %get3A_4160 = tpu.vector_load %arg8[%get3A_4158, %get3A_4159] {strides = array<i32>} : memref<2x120xf32, #tpu.memory_space<vmem>>, vector<1x16xf32>,
      %get3A_4161 = vector.shape_cast %get3A_4160 : vector<1x16xf32> to vector<16xf32>
      %get3A_4162 = arith.constant 1 : i32
      %get3A_4163 = arith.index_cast %get3A_4162 : i32 to index
      %get3A_4164 = arith.constant 16 : index
      %get3A_4165 = tpu.vector_load %arg8[%get3A_4163, %get3A_4164] {strides = array<i32>} : memref<2x120xf32, #tpu.memory_space<vmem>>, vector<1x16xf32>,
      %get3A_4166 = vector.shape_cast %get3A_4165 : vector<1x16xf32> to vector<16xf32>
      %jit3A_4167 = arith.constant 0.000000e+00 : f32
      %broadcast_in_dim3A_4168 = vector.broadcast %jit3A_4167 : f32 to vector<16xf32>
      %select_n3A_4169 = arith.select %lt3A_4, %get3A_4166, %broadcast_in_dim3A_4168 : vector<16xi1>, vector<16xf32>
      %mul3A_4170 = arith.mulf %add3A_4154, %add3A_4154 : vector<16xf32>
      %sub3A_4171 = arith.subf %mul3A_4170, %add3A_4156 : vector<16xf32>
      %mul3A_4172 = arith.constant 5.000000e-01 : f32
      %mul3A_4173 = vector.broadcast %mul3A_4172 : f32 to vector<16xf32>
      %mul3A_4174 = arith.mulf %mul3A_4173, %sub3A_4171 : vector<16xf32>
      %add3A_4175 = arith.addf %mul3A_4174, %get3A_4161 : vector<16xf32>
      %add3A_4176 = arith.addf %add3A_4175, %select_n3A_4169 : vector<16xf32>
      %xor3A_4177 = arith.constant 8 : i32
      %xor3A_4178 = vector.broadcast %xor3A_4177 : i32 to vector<16xi32>
      %xor3A_4179 = arith.xori %iota3A, %xor3A_4178 : vector<16xi32>
      %broadcast_in_dim3A_4180 = vector.shape_cast %xor3A_4179 : vector<16xi32> to vector<16x1xi32>
      %gather3A_4181 = vector.shape_cast %broadcast_in_dim3A_4180 : vector<16x1xi32> to vector<16xi32>
      %gather3A_4182 = tpu.dynamic_gather %add3A_4176[%gather3A_4181] in [0] : vector<16xf32>, vector<16xi32> -> vector<16xf32>
      %add3A_4183 = arith.addf %add3A_4176, %gather3A_4182 : vector<16xf32>
      %xor3A_4184 = arith.constant 4 : i32
      %xor3A_4185 = vector.broadcast %xor3A_4184 : i32 to vector<16xi32>
      %xor3A_4186 = arith.xori %iota3A, %xor3A_4185 : vector<16xi32>
      %broadcast_in_dim3A_4187 = vector.shape_cast %xor3A_4186 : vector<16xi32> to vector<16x1xi32>
      %gather3A_4188 = vector.shape_cast %broadcast_in_dim3A_4187 : vector<16x1xi32> to vector<16xi32>
      %gather3A_4189 = tpu.dynamic_gather %add3A_4183[%gather3A_4188] in [0] : vector<16xf32>, vector<16xi32> -> vector<16xf32>
      %add3A_4190 = arith.addf %add3A_4183, %gather3A_4189 : vector<16xf32>
      %xor3A_4191 = arith.constant 2 : i32
      %xor3A_4192 = vector.broadcast %xor3A_4191 : i32 to vector<16xi32>
      %xor3A_4193 = arith.xori %iota3A, %xor3A_4192 : vector<16xi32>
      %broadcast_in_dim3A_4194 = vector.shape_cast %xor3A_4193 : vector<16xi32> to vector<16x1xi32>
      %gather3A_4195 = vector.shape_cast %broadcast_in_dim3A_4194 : vector<16x1xi32> to vector<16xi32>
      %gather3A_4196 = tpu.dynamic_gather %add3A_4190[%gather3A_4195] in [0] : vector<16xf32>, vector<16xi32> -> vector<16xf32>
      %add3A_4197 = arith.addf %add3A_4190, %gather3A_4196 : vector<16xf32>
      %xor3A_4198 = arith.constant 1 : i32
      %xor3A_4199 = vector.broadcast %xor3A_4198 : i32 to vector<16xi32>
      %xor3A_4200 = arith.xori %iota3A, %xor3A_4199 : vector<16xi32>
      %broadcast_in_dim3A_4201 = vector.shape_cast %xor3A_4200 : vector<16xi32> to vector<16x1xi32>
      %gather3A_4202 = vector.shape_cast %broadcast_in_dim3A_4201 : vector<16x1xi32> to vector<16xi32>
      %gather3A_4203 = tpu.dynamic_gather %add3A_4197[%gather3A_4202] in [0] : vector<16xf32>, vector<16xi32> -> vector<16xf32>
      %add3A_4204 = arith.addf %add3A_4197, %gather3A_4203 : vector<16xf32>
      %eq3A_4205 = arith.constant 12 : i32
      %eq3A_4206 = vector.broadcast %eq3A_4205 : i32 to vector<16xi32>
      %eq3A_4207 = arith.cmpi eq, %iota3A, %eq3A_4206 : vector<16xi32>
      %select_n3A_4208 = arith.select %eq3A_4207, %add3A_4204, %select_n3A_3861 : vector<16xi1>, vector<16xf32>
      %get3A_4209 = arith.constant 1 : i32
      %get3A_4210 = arith.constant 26 : i32
      %get3A_4211 = arith.index_cast %get3A_4209 : i32 to index
      %get3A_4212 = arith.index_cast %get3A_4210 : i32 to index
      %get3A_4213 = arith.constant 0 : index
      %get3A_4214 = tpu.vector_load %arg7[%get3A_4211, %get3A_4212, %get3A_4213] {strides = array<i32>} : memref<2x104x128xf32, #tpu.memory_space<vmem>>, vector<1x1x16xf32>,
      %get3A_4215 = vector.shape_cast %get3A_4214 : vector<1x1x16xf32> to vector<16xf32>
      %mul3A_4216 = arith.mulf %get3A_4215, %get3A_4215 : vector<16xf32>
      %get3A_4217 = arith.constant 1 : i32
      %get3A_4218 = arith.constant 27 : i32
      %get3A_4219 = arith.index_cast %get3A_4217 : i32 to index
      %get3A_4220 = arith.index_cast %get3A_4218 : i32 to index
      %get3A_4221 = arith.constant 0 : index
      %get3A_4222 = tpu.vector_load %arg7[%get3A_4219, %get3A_4220, %get3A_4221] {strides = array<i32>} : memref<2x104x128xf32, #tpu.memory_space<vmem>>, vector<1x1x16xf32>,
      %get3A_4223 = vector.shape_cast %get3A_4222 : vector<1x1x16xf32> to vector<16xf32>
      %add3A_4224 = arith.addf %get3A_4215, %get3A_4223 : vector<16xf32>
      %mul3A_4225 = arith.mulf %get3A_4223, %get3A_4223 : vector<16xf32>
      %add3A_4226 = arith.addf %mul3A_4216, %mul3A_4225 : vector<16xf32>
      %get3A_4227 = arith.constant 1 : i32
      %get3A_4228 = arith.constant 28 : i32
      %get3A_4229 = arith.index_cast %get3A_4227 : i32 to index
      %get3A_4230 = arith.index_cast %get3A_4228 : i32 to index
      %get3A_4231 = arith.constant 0 : index
      %get3A_4232 = tpu.vector_load %arg7[%get3A_4229, %get3A_4230, %get3A_4231] {strides = array<i32>} : memref<2x104x128xf32, #tpu.memory_space<vmem>>, vector<1x1x16xf32>,
      %get3A_4233 = vector.shape_cast %get3A_4232 : vector<1x1x16xf32> to vector<16xf32>
      %add3A_4234 = arith.addf %add3A_4224, %get3A_4233 : vector<16xf32>
      %mul3A_4235 = arith.mulf %get3A_4233, %get3A_4233 : vector<16xf32>
      %add3A_4236 = arith.addf %add3A_4226, %mul3A_4235 : vector<16xf32>
      %get3A_4237 = arith.constant 1 : i32
      %get3A_4238 = arith.constant 29 : i32
      %get3A_4239 = arith.index_cast %get3A_4237 : i32 to index
      %get3A_4240 = arith.index_cast %get3A_4238 : i32 to index
      %get3A_4241 = arith.constant 0 : index
      %get3A_4242 = tpu.vector_load %arg7[%get3A_4239, %get3A_4240, %get3A_4241] {strides = array<i32>} : memref<2x104x128xf32, #tpu.memory_space<vmem>>, vector<1x1x16xf32>,
      %get3A_4243 = vector.shape_cast %get3A_4242 : vector<1x1x16xf32> to vector<16xf32>
      %add3A_4244 = arith.addf %add3A_4234, %get3A_4243 : vector<16xf32>
      %mul3A_4245 = arith.mulf %get3A_4243, %get3A_4243 : vector<16xf32>
      %add3A_4246 = arith.addf %add3A_4236, %mul3A_4245 : vector<16xf32>
      %get3A_4247 = arith.constant 1 : i32
      %get3A_4248 = arith.constant 30 : i32
      %get3A_4249 = arith.index_cast %get3A_4247 : i32 to index
      %get3A_4250 = arith.index_cast %get3A_4248 : i32 to index
      %get3A_4251 = arith.constant 0 : index
      %get3A_4252 = tpu.vector_load %arg7[%get3A_4249, %get3A_4250, %get3A_4251] {strides = array<i32>} : memref<2x104x128xf32, #tpu.memory_space<vmem>>, vector<1x1x16xf32>,
      %get3A_4253 = vector.shape_cast %get3A_4252 : vector<1x1x16xf32> to vector<16xf32>
      %add3A_4254 = arith.addf %add3A_4244, %get3A_4253 : vector<16xf32>
      %mul3A_4255 = arith.mulf %get3A_4253, %get3A_4253 : vector<16xf32>
      %add3A_4256 = arith.addf %add3A_4246, %mul3A_4255 : vector<16xf32>
      %get3A_4257 = arith.constant 1 : i32
      %get3A_4258 = arith.constant 31 : i32
      %get3A_4259 = arith.index_cast %get3A_4257 : i32 to index
      %get3A_4260 = arith.index_cast %get3A_4258 : i32 to index
      %get3A_4261 = arith.constant 0 : index
      %get3A_4262 = tpu.vector_load %arg7[%get3A_4259, %get3A_4260, %get3A_4261] {strides = array<i32>} : memref<2x104x128xf32, #tpu.memory_space<vmem>>, vector<1x1x16xf32>,
      %get3A_4263 = vector.shape_cast %get3A_4262 : vector<1x1x16xf32> to vector<16xf32>
      %add3A_4264 = arith.addf %add3A_4254, %get3A_4263 : vector<16xf32>
      %mul3A_4265 = arith.mulf %get3A_4263, %get3A_4263 : vector<16xf32>
      %add3A_4266 = arith.addf %add3A_4256, %mul3A_4265 : vector<16xf32>
      %get3A_4267 = arith.constant 1 : i32
      %get3A_4268 = arith.constant 32 : i32
      %get3A_4269 = arith.index_cast %get3A_4267 : i32 to index
      %get3A_4270 = arith.index_cast %get3A_4268 : i32 to index
      %get3A_4271 = arith.constant 0 : index
      %get3A_4272 = tpu.vector_load %arg7[%get3A_4269, %get3A_4270, %get3A_4271] {strides = array<i32>} : memref<2x104x128xf32, #tpu.memory_space<vmem>>, vector<1x1x16xf32>,
      %get3A_4273 = vector.shape_cast %get3A_4272 : vector<1x1x16xf32> to vector<16xf32>
      %add3A_4274 = arith.addf %add3A_4264, %get3A_4273 : vector<16xf32>
      %mul3A_4275 = arith.mulf %get3A_4273, %get3A_4273 : vector<16xf32>
      %add3A_4276 = arith.addf %add3A_4266, %mul3A_4275 : vector<16xf32>
      %get3A_4277 = arith.constant 1 : i32
      %get3A_4278 = arith.constant 33 : i32
      %get3A_4279 = arith.index_cast %get3A_4277 : i32 to index
      %get3A_4280 = arith.index_cast %get3A_4278 : i32 to index
      %get3A_4281 = arith.constant 0 : index
      %get3A_4282 = tpu.vector_load %arg7[%get3A_4279, %get3A_4280, %get3A_4281] {strides = array<i32>} : memref<2x104x128xf32, #tpu.memory_space<vmem>>, vector<1x1x16xf32>,
      %get3A_4283 = vector.shape_cast %get3A_4282 : vector<1x1x16xf32> to vector<16xf32>
      %add3A_4284 = arith.addf %add3A_4274, %get3A_4283 : vector<16xf32>
      %mul3A_4285 = arith.mulf %get3A_4283, %get3A_4283 : vector<16xf32>
      %add3A_4286 = arith.addf %add3A_4276, %mul3A_4285 : vector<16xf32>
      %get3A_4287 = arith.constant 1 : i32
      %get3A_4288 = arith.constant 34 : i32
      %get3A_4289 = arith.index_cast %get3A_4287 : i32 to index
      %get3A_4290 = arith.index_cast %get3A_4288 : i32 to index
      %get3A_4291 = arith.constant 0 : index
      %get3A_4292 = tpu.vector_load %arg7[%get3A_4289, %get3A_4290, %get3A_4291] {strides = array<i32>} : memref<2x104x128xf32, #tpu.memory_space<vmem>>, vector<1x1x16xf32>,
      %get3A_4293 = vector.shape_cast %get3A_4292 : vector<1x1x16xf32> to vector<16xf32>
      %add3A_4294 = arith.addf %add3A_4284, %get3A_4293 : vector<16xf32>
      %mul3A_4295 = arith.mulf %get3A_4293, %get3A_4293 : vector<16xf32>
      %add3A_4296 = arith.addf %add3A_4286, %mul3A_4295 : vector<16xf32>
      %get3A_4297 = arith.constant 1 : i32
      %get3A_4298 = arith.constant 35 : i32
      %get3A_4299 = arith.index_cast %get3A_4297 : i32 to index
      %get3A_4300 = arith.index_cast %get3A_4298 : i32 to index
      %get3A_4301 = arith.constant 0 : index
      %get3A_4302 = tpu.vector_load %arg7[%get3A_4299, %get3A_4300, %get3A_4301] {strides = array<i32>} : memref<2x104x128xf32, #tpu.memory_space<vmem>>, vector<1x1x16xf32>,
      %get3A_4303 = vector.shape_cast %get3A_4302 : vector<1x1x16xf32> to vector<16xf32>
      %add3A_4304 = arith.addf %add3A_4294, %get3A_4303 : vector<16xf32>
      %mul3A_4305 = arith.mulf %get3A_4303, %get3A_4303 : vector<16xf32>
      %add3A_4306 = arith.addf %add3A_4296, %mul3A_4305 : vector<16xf32>
      %get3A_4307 = arith.constant 1 : i32
      %get3A_4308 = arith.constant 36 : i32
      %get3A_4309 = arith.index_cast %get3A_4307 : i32 to index
      %get3A_4310 = arith.index_cast %get3A_4308 : i32 to index
      %get3A_4311 = arith.constant 0 : index
      %get3A_4312 = tpu.vector_load %arg7[%get3A_4309, %get3A_4310, %get3A_4311] {strides = array<i32>} : memref<2x104x128xf32, #tpu.memory_space<vmem>>, vector<1x1x16xf32>,
      %get3A_4313 = vector.shape_cast %get3A_4312 : vector<1x1x16xf32> to vector<16xf32>
      %add3A_4314 = arith.addf %add3A_4304, %get3A_4313 : vector<16xf32>
      %mul3A_4315 = arith.mulf %get3A_4313, %get3A_4313 : vector<16xf32>
      %add3A_4316 = arith.addf %add3A_4306, %mul3A_4315 : vector<16xf32>
      %get3A_4317 = arith.constant 1 : i32
      %get3A_4318 = arith.constant 37 : i32
      %get3A_4319 = arith.index_cast %get3A_4317 : i32 to index
      %get3A_4320 = arith.index_cast %get3A_4318 : i32 to index
      %get3A_4321 = arith.constant 0 : index
      %get3A_4322 = tpu.vector_load %arg7[%get3A_4319, %get3A_4320, %get3A_4321] {strides = array<i32>} : memref<2x104x128xf32, #tpu.memory_space<vmem>>, vector<1x1x16xf32>,
      %get3A_4323 = vector.shape_cast %get3A_4322 : vector<1x1x16xf32> to vector<16xf32>
      %add3A_4324 = arith.addf %add3A_4314, %get3A_4323 : vector<16xf32>
      %mul3A_4325 = arith.mulf %get3A_4323, %get3A_4323 : vector<16xf32>
      %add3A_4326 = arith.addf %add3A_4316, %mul3A_4325 : vector<16xf32>
      %get3A_4327 = arith.constant 1 : i32
      %get3A_4328 = arith.constant 38 : i32
      %get3A_4329 = arith.index_cast %get3A_4327 : i32 to index
      %get3A_4330 = arith.index_cast %get3A_4328 : i32 to index
      %get3A_4331 = arith.constant 0 : index
      %get3A_4332 = tpu.vector_load %arg7[%get3A_4329, %get3A_4330, %get3A_4331] {strides = array<i32>} : memref<2x104x128xf32, #tpu.memory_space<vmem>>, vector<1x1x16xf32>,
      %get3A_4333 = vector.shape_cast %get3A_4332 : vector<1x1x16xf32> to vector<16xf32>
      %add3A_4334 = arith.addf %add3A_4324, %get3A_4333 : vector<16xf32>
      %mul3A_4335 = arith.mulf %get3A_4333, %get3A_4333 : vector<16xf32>
      %add3A_4336 = arith.addf %add3A_4326, %mul3A_4335 : vector<16xf32>
      %get3A_4337 = arith.constant 1 : i32
      %get3A_4338 = arith.constant 39 : i32
      %get3A_4339 = arith.index_cast %get3A_4337 : i32 to index
      %get3A_4340 = arith.index_cast %get3A_4338 : i32 to index
      %get3A_4341 = arith.constant 0 : index
      %get3A_4342 = tpu.vector_load %arg7[%get3A_4339, %get3A_4340, %get3A_4341] {strides = array<i32>} : memref<2x104x128xf32, #tpu.memory_space<vmem>>, vector<1x1x16xf32>,
      %get3A_4343 = vector.shape_cast %get3A_4342 : vector<1x1x16xf32> to vector<16xf32>
      %add3A_4344 = arith.addf %add3A_4334, %get3A_4343 : vector<16xf32>
      %mul3A_4345 = arith.mulf %get3A_4343, %get3A_4343 : vector<16xf32>
      %add3A_4346 = arith.addf %add3A_4336, %mul3A_4345 : vector<16xf32>
      %get3A_4347 = arith.constant 1 : i32
      %get3A_4348 = arith.constant 40 : i32
      %get3A_4349 = arith.index_cast %get3A_4347 : i32 to index
      %get3A_4350 = arith.index_cast %get3A_4348 : i32 to index
      %get3A_4351 = arith.constant 0 : index
      %get3A_4352 = tpu.vector_load %arg7[%get3A_4349, %get3A_4350, %get3A_4351] {strides = array<i32>} : memref<2x104x128xf32, #tpu.memory_space<vmem>>, vector<1x1x16xf32>,
      %get3A_4353 = vector.shape_cast %get3A_4352 : vector<1x1x16xf32> to vector<16xf32>
      %add3A_4354 = arith.addf %add3A_4344, %get3A_4353 : vector<16xf32>
      %mul3A_4355 = arith.mulf %get3A_4353, %get3A_4353 : vector<16xf32>
      %add3A_4356 = arith.addf %add3A_4346, %mul3A_4355 : vector<16xf32>
      %get3A_4357 = arith.constant 1 : i32
      %get3A_4358 = arith.constant 41 : i32
      %get3A_4359 = arith.index_cast %get3A_4357 : i32 to index
      %get3A_4360 = arith.index_cast %get3A_4358 : i32 to index
      %get3A_4361 = arith.constant 0 : index
      %get3A_4362 = tpu.vector_load %arg7[%get3A_4359, %get3A_4360, %get3A_4361] {strides = array<i32>} : memref<2x104x128xf32, #tpu.memory_space<vmem>>, vector<1x1x16xf32>,
      %get3A_4363 = vector.shape_cast %get3A_4362 : vector<1x1x16xf32> to vector<16xf32>
      %add3A_4364 = arith.addf %add3A_4354, %get3A_4363 : vector<16xf32>
      %mul3A_4365 = arith.mulf %get3A_4363, %get3A_4363 : vector<16xf32>
      %add3A_4366 = arith.addf %add3A_4356, %mul3A_4365 : vector<16xf32>
      %get3A_4367 = arith.constant 1 : i32
      %get3A_4368 = arith.constant 42 : i32
      %get3A_4369 = arith.index_cast %get3A_4367 : i32 to index
      %get3A_4370 = arith.index_cast %get3A_4368 : i32 to index
      %get3A_4371 = arith.constant 0 : index
      %get3A_4372 = tpu.vector_load %arg7[%get3A_4369, %get3A_4370, %get3A_4371] {strides = array<i32>} : memref<2x104x128xf32, #tpu.memory_space<vmem>>, vector<1x1x16xf32>,
      %get3A_4373 = vector.shape_cast %get3A_4372 : vector<1x1x16xf32> to vector<16xf32>
      %add3A_4374 = arith.addf %add3A_4364, %get3A_4373 : vector<16xf32>
      %mul3A_4375 = arith.mulf %get3A_4373, %get3A_4373 : vector<16xf32>
      %add3A_4376 = arith.addf %add3A_4366, %mul3A_4375 : vector<16xf32>
      %get3A_4377 = arith.constant 1 : i32
      %get3A_4378 = arith.constant 43 : i32
      %get3A_4379 = arith.index_cast %get3A_4377 : i32 to index
      %get3A_4380 = arith.index_cast %get3A_4378 : i32 to index
      %get3A_4381 = arith.constant 0 : index
      %get3A_4382 = tpu.vector_load %arg7[%get3A_4379, %get3A_4380, %get3A_4381] {strides = array<i32>} : memref<2x104x128xf32, #tpu.memory_space<vmem>>, vector<1x1x16xf32>,
      %get3A_4383 = vector.shape_cast %get3A_4382 : vector<1x1x16xf32> to vector<16xf32>
      %add3A_4384 = arith.addf %add3A_4374, %get3A_4383 : vector<16xf32>
      %mul3A_4385 = arith.mulf %get3A_4383, %get3A_4383 : vector<16xf32>
      %add3A_4386 = arith.addf %add3A_4376, %mul3A_4385 : vector<16xf32>
      %get3A_4387 = arith.constant 1 : i32
      %get3A_4388 = arith.constant 44 : i32
      %get3A_4389 = arith.index_cast %get3A_4387 : i32 to index
      %get3A_4390 = arith.index_cast %get3A_4388 : i32 to index
      %get3A_4391 = arith.constant 0 : index
      %get3A_4392 = tpu.vector_load %arg7[%get3A_4389, %get3A_4390, %get3A_4391] {strides = array<i32>} : memref<2x104x128xf32, #tpu.memory_space<vmem>>, vector<1x1x16xf32>,
      %get3A_4393 = vector.shape_cast %get3A_4392 : vector<1x1x16xf32> to vector<16xf32>
      %add3A_4394 = arith.addf %add3A_4384, %get3A_4393 : vector<16xf32>
      %mul3A_4395 = arith.mulf %get3A_4393, %get3A_4393 : vector<16xf32>
      %add3A_4396 = arith.addf %add3A_4386, %mul3A_4395 : vector<16xf32>
      %get3A_4397 = arith.constant 1 : i32
      %get3A_4398 = arith.constant 45 : i32
      %get3A_4399 = arith.index_cast %get3A_4397 : i32 to index
      %get3A_4400 = arith.index_cast %get3A_4398 : i32 to index
      %get3A_4401 = arith.constant 0 : index
      %get3A_4402 = tpu.vector_load %arg7[%get3A_4399, %get3A_4400, %get3A_4401] {strides = array<i32>} : memref<2x104x128xf32, #tpu.memory_space<vmem>>, vector<1x1x16xf32>,
      %get3A_4403 = vector.shape_cast %get3A_4402 : vector<1x1x16xf32> to vector<16xf32>
      %add3A_4404 = arith.addf %add3A_4394, %get3A_4403 : vector<16xf32>
      %mul3A_4405 = arith.mulf %get3A_4403, %get3A_4403 : vector<16xf32>
      %add3A_4406 = arith.addf %add3A_4396, %mul3A_4405 : vector<16xf32>
      %get3A_4407 = arith.constant 1 : i32
      %get3A_4408 = arith.constant 46 : i32
      %get3A_4409 = arith.index_cast %get3A_4407 : i32 to index
      %get3A_4410 = arith.index_cast %get3A_4408 : i32 to index
      %get3A_4411 = arith.constant 0 : index
      %get3A_4412 = tpu.vector_load %arg7[%get3A_4409, %get3A_4410, %get3A_4411] {strides = array<i32>} : memref<2x104x128xf32, #tpu.memory_space<vmem>>, vector<1x1x16xf32>,
      %get3A_4413 = vector.shape_cast %get3A_4412 : vector<1x1x16xf32> to vector<16xf32>
      %add3A_4414 = arith.addf %add3A_4404, %get3A_4413 : vector<16xf32>
      %mul3A_4415 = arith.mulf %get3A_4413, %get3A_4413 : vector<16xf32>
      %add3A_4416 = arith.addf %add3A_4406, %mul3A_4415 : vector<16xf32>
      %get3A_4417 = arith.constant 1 : i32
      %get3A_4418 = arith.constant 47 : i32
      %get3A_4419 = arith.index_cast %get3A_4417 : i32 to index
      %get3A_4420 = arith.index_cast %get3A_4418 : i32 to index
      %get3A_4421 = arith.constant 0 : index
      %get3A_4422 = tpu.vector_load %arg7[%get3A_4419, %get3A_4420, %get3A_4421] {strides = array<i32>} : memref<2x104x128xf32, #tpu.memory_space<vmem>>, vector<1x1x16xf32>,
      %get3A_4423 = vector.shape_cast %get3A_4422 : vector<1x1x16xf32> to vector<16xf32>
      %add3A_4424 = arith.addf %add3A_4414, %get3A_4423 : vector<16xf32>
      %mul3A_4425 = arith.mulf %get3A_4423, %get3A_4423 : vector<16xf32>
      %add3A_4426 = arith.addf %add3A_4416, %mul3A_4425 : vector<16xf32>
      %get3A_4427 = arith.constant 1 : i32
      %get3A_4428 = arith.constant 48 : i32
      %get3A_4429 = arith.index_cast %get3A_4427 : i32 to index
      %get3A_4430 = arith.index_cast %get3A_4428 : i32 to index
      %get3A_4431 = arith.constant 0 : index
      %get3A_4432 = tpu.vector_load %arg7[%get3A_4429, %get3A_4430, %get3A_4431] {strides = array<i32>} : memref<2x104x128xf32, #tpu.memory_space<vmem>>, vector<1x1x16xf32>,
      %get3A_4433 = vector.shape_cast %get3A_4432 : vector<1x1x16xf32> to vector<16xf32>
      %add3A_4434 = arith.addf %add3A_4424, %get3A_4433 : vector<16xf32>
      %mul3A_4435 = arith.mulf %get3A_4433, %get3A_4433 : vector<16xf32>
      %add3A_4436 = arith.addf %add3A_4426, %mul3A_4435 : vector<16xf32>
      %get3A_4437 = arith.constant 1 : i32
      %get3A_4438 = arith.constant 49 : i32
      %get3A_4439 = arith.index_cast %get3A_4437 : i32 to index
      %get3A_4440 = arith.index_cast %get3A_4438 : i32 to index
      %get3A_4441 = arith.constant 0 : index
      %get3A_4442 = tpu.vector_load %arg7[%get3A_4439, %get3A_4440, %get3A_4441] {strides = array<i32>} : memref<2x104x128xf32, #tpu.memory_space<vmem>>, vector<1x1x16xf32>,
      %get3A_4443 = vector.shape_cast %get3A_4442 : vector<1x1x16xf32> to vector<16xf32>
      %add3A_4444 = arith.addf %add3A_4434, %get3A_4443 : vector<16xf32>
      %mul3A_4445 = arith.mulf %get3A_4443, %get3A_4443 : vector<16xf32>
      %add3A_4446 = arith.addf %add3A_4436, %mul3A_4445 : vector<16xf32>
      %get3A_4447 = arith.constant 1 : i32
      %get3A_4448 = arith.constant 50 : i32
      %get3A_4449 = arith.index_cast %get3A_4447 : i32 to index
      %get3A_4450 = arith.index_cast %get3A_4448 : i32 to index
      %get3A_4451 = arith.constant 0 : index
      %get3A_4452 = tpu.vector_load %arg7[%get3A_4449, %get3A_4450, %get3A_4451] {strides = array<i32>} : memref<2x104x128xf32, #tpu.memory_space<vmem>>, vector<1x1x16xf32>,
      %get3A_4453 = vector.shape_cast %get3A_4452 : vector<1x1x16xf32> to vector<16xf32>
      %add3A_4454 = arith.addf %add3A_4444, %get3A_4453 : vector<16xf32>
      %mul3A_4455 = arith.mulf %get3A_4453, %get3A_4453 : vector<16xf32>
      %add3A_4456 = arith.addf %add3A_4446, %mul3A_4455 : vector<16xf32>
      %get3A_4457 = arith.constant 1 : i32
      %get3A_4458 = arith.constant 51 : i32
      %get3A_4459 = arith.index_cast %get3A_4457 : i32 to index
      %get3A_4460 = arith.index_cast %get3A_4458 : i32 to index
      %get3A_4461 = arith.constant 0 : index
      %get3A_4462 = tpu.vector_load %arg7[%get3A_4459, %get3A_4460, %get3A_4461] {strides = array<i32>} : memref<2x104x128xf32, #tpu.memory_space<vmem>>, vector<1x1x16xf32>,
      %get3A_4463 = vector.shape_cast %get3A_4462 : vector<1x1x16xf32> to vector<16xf32>
      %add3A_4464 = arith.addf %add3A_4454, %get3A_4463 : vector<16xf32>
      %mul3A_4465 = arith.mulf %get3A_4463, %get3A_4463 : vector<16xf32>
      %add3A_4466 = arith.addf %add3A_4456, %mul3A_4465 : vector<16xf32>
      %get3A_4467 = arith.constant 1 : i32
      %get3A_4468 = arith.index_cast %get3A_4467 : i32 to index
      %get3A_4469 = arith.constant 26 : index
      %get3A_4470 = tpu.vector_load %arg8[%get3A_4468, %get3A_4469] {strides = array<i32>} : memref<2x120xf32, #tpu.memory_space<vmem>>, vector<1x16xf32>,
      %get3A_4471 = vector.shape_cast %get3A_4470 : vector<1x16xf32> to vector<16xf32>
      %get3A_4472 = arith.constant 1 : i32
      %get3A_4473 = arith.index_cast %get3A_4472 : i32 to index
      %get3A_4474 = arith.constant 42 : index
      %get3A_4475 = tpu.vector_load %arg8[%get3A_4473, %get3A_4474] {strides = array<i32>} : memref<2x120xf32, #tpu.memory_space<vmem>>, vector<1x16xf32>,
      %get3A_4476 = vector.shape_cast %get3A_4475 : vector<1x16xf32> to vector<16xf32>
      %jit3A_4477 = arith.constant 0.000000e+00 : f32
      %broadcast_in_dim3A_4478 = vector.broadcast %jit3A_4477 : f32 to vector<16xf32>
      %select_n3A_4479 = arith.select %lt3A_4, %get3A_4476, %broadcast_in_dim3A_4478 : vector<16xi1>, vector<16xf32>
      %mul3A_4480 = arith.mulf %add3A_4464, %add3A_4464 : vector<16xf32>
      %sub3A_4481 = arith.subf %mul3A_4480, %add3A_4466 : vector<16xf32>
      %mul3A_4482 = arith.constant 5.000000e-01 : f32
      %mul3A_4483 = vector.broadcast %mul3A_4482 : f32 to vector<16xf32>
      %mul3A_4484 = arith.mulf %mul3A_4483, %sub3A_4481 : vector<16xf32>
      %add3A_4485 = arith.addf %mul3A_4484, %get3A_4471 : vector<16xf32>
      %add3A_4486 = arith.addf %add3A_4485, %select_n3A_4479 : vector<16xf32>
      %xor3A_4487 = arith.constant 8 : i32
      %xor3A_4488 = vector.broadcast %xor3A_4487 : i32 to vector<16xi32>
      %xor3A_4489 = arith.xori %iota3A, %xor3A_4488 : vector<16xi32>
      %broadcast_in_dim3A_4490 = vector.shape_cast %xor3A_4489 : vector<16xi32> to vector<16x1xi32>
      %gather3A_4491 = vector.shape_cast %broadcast_in_dim3A_4490 : vector<16x1xi32> to vector<16xi32>
      %gather3A_4492 = tpu.dynamic_gather %add3A_4486[%gather3A_4491] in [0] : vector<16xf32>, vector<16xi32> -> vector<16xf32>
      %add3A_4493 = arith.addf %add3A_4486, %gather3A_4492 : vector<16xf32>
      %xor3A_4494 = arith.constant 4 : i32
      %xor3A_4495 = vector.broadcast %xor3A_4494 : i32 to vector<16xi32>
      %xor3A_4496 = arith.xori %iota3A, %xor3A_4495 : vector<16xi32>
      %broadcast_in_dim3A_4497 = vector.shape_cast %xor3A_4496 : vector<16xi32> to vector<16x1xi32>
      %gather3A_4498 = vector.shape_cast %broadcast_in_dim3A_4497 : vector<16x1xi32> to vector<16xi32>
      %gather3A_4499 = tpu.dynamic_gather %add3A_4493[%gather3A_4498] in [0] : vector<16xf32>, vector<16xi32> -> vector<16xf32>
      %add3A_4500 = arith.addf %add3A_4493, %gather3A_4499 : vector<16xf32>
      %xor3A_4501 = arith.constant 2 : i32
      %xor3A_4502 = vector.broadcast %xor3A_4501 : i32 to vector<16xi32>
      %xor3A_4503 = arith.xori %iota3A, %xor3A_4502 : vector<16xi32>
      %broadcast_in_dim3A_4504 = vector.shape_cast %xor3A_4503 : vector<16xi32> to vector<16x1xi32>
      %gather3A_4505 = vector.shape_cast %broadcast_in_dim3A_4504 : vector<16x1xi32> to vector<16xi32>
      %gather3A_4506 = tpu.dynamic_gather %add3A_4500[%gather3A_4505] in [0] : vector<16xf32>, vector<16xi32> -> vector<16xf32>
      %add3A_4507 = arith.addf %add3A_4500, %gather3A_4506 : vector<16xf32>
      %xor3A_4508 = arith.constant 1 : i32
      %xor3A_4509 = vector.broadcast %xor3A_4508 : i32 to vector<16xi32>
      %xor3A_4510 = arith.xori %iota3A, %xor3A_4509 : vector<16xi32>
      %broadcast_in_dim3A_4511 = vector.shape_cast %xor3A_4510 : vector<16xi32> to vector<16x1xi32>
      %gather3A_4512 = vector.shape_cast %broadcast_in_dim3A_4511 : vector<16x1xi32> to vector<16xi32>
      %gather3A_4513 = tpu.dynamic_gather %add3A_4507[%gather3A_4512] in [0] : vector<16xf32>, vector<16xi32> -> vector<16xf32>
      %add3A_4514 = arith.addf %add3A_4507, %gather3A_4513 : vector<16xf32>
      %eq3A_4515 = arith.constant 13 : i32
      %eq3A_4516 = vector.broadcast %eq3A_4515 : i32 to vector<16xi32>
      %eq3A_4517 = arith.cmpi eq, %iota3A, %eq3A_4516 : vector<16xi32>
      %select_n3A_4518 = arith.select %eq3A_4517, %add3A_4514, %select_n3A_4208 : vector<16xi1>, vector<16xf32>
      %get3A_4519 = arith.constant 1 : i32
      %get3A_4520 = arith.constant 52 : i32
      %get3A_4521 = arith.index_cast %get3A_4519 : i32 to index
      %get3A_4522 = arith.index_cast %get3A_4520 : i32 to index
      %get3A_4523 = arith.constant 0 : index
      %get3A_4524 = tpu.vector_load %arg7[%get3A_4521, %get3A_4522, %get3A_4523] {strides = array<i32>} : memref<2x104x128xf32, #tpu.memory_space<vmem>>, vector<1x1x16xf32>,
      %get3A_4525 = vector.shape_cast %get3A_4524 : vector<1x1x16xf32> to vector<16xf32>
      %mul3A_4526 = arith.mulf %get3A_4525, %get3A_4525 : vector<16xf32>
      %get3A_4527 = arith.constant 1 : i32
      %get3A_4528 = arith.constant 53 : i32
      %get3A_4529 = arith.index_cast %get3A_4527 : i32 to index
      %get3A_4530 = arith.index_cast %get3A_4528 : i32 to index
      %get3A_4531 = arith.constant 0 : index
      %get3A_4532 = tpu.vector_load %arg7[%get3A_4529, %get3A_4530, %get3A_4531] {strides = array<i32>} : memref<2x104x128xf32, #tpu.memory_space<vmem>>, vector<1x1x16xf32>,
      %get3A_4533 = vector.shape_cast %get3A_4532 : vector<1x1x16xf32> to vector<16xf32>
      %add3A_4534 = arith.addf %get3A_4525, %get3A_4533 : vector<16xf32>
      %mul3A_4535 = arith.mulf %get3A_4533, %get3A_4533 : vector<16xf32>
      %add3A_4536 = arith.addf %mul3A_4526, %mul3A_4535 : vector<16xf32>
      %get3A_4537 = arith.constant 1 : i32
      %get3A_4538 = arith.constant 54 : i32
      %get3A_4539 = arith.index_cast %get3A_4537 : i32 to index
      %get3A_4540 = arith.index_cast %get3A_4538 : i32 to index
      %get3A_4541 = arith.constant 0 : index
      %get3A_4542 = tpu.vector_load %arg7[%get3A_4539, %get3A_4540, %get3A_4541] {strides = array<i32>} : memref<2x104x128xf32, #tpu.memory_space<vmem>>, vector<1x1x16xf32>,
      %get3A_4543 = vector.shape_cast %get3A_4542 : vector<1x1x16xf32> to vector<16xf32>
      %add3A_4544 = arith.addf %add3A_4534, %get3A_4543 : vector<16xf32>
      %mul3A_4545 = arith.mulf %get3A_4543, %get3A_4543 : vector<16xf32>
      %add3A_4546 = arith.addf %add3A_4536, %mul3A_4545 : vector<16xf32>
      %get3A_4547 = arith.constant 1 : i32
      %get3A_4548 = arith.constant 55 : i32
      %get3A_4549 = arith.index_cast %get3A_4547 : i32 to index
      %get3A_4550 = arith.index_cast %get3A_4548 : i32 to index
      %get3A_4551 = arith.constant 0 : index
      %get3A_4552 = tpu.vector_load %arg7[%get3A_4549, %get3A_4550, %get3A_4551] {strides = array<i32>} : memref<2x104x128xf32, #tpu.memory_space<vmem>>, vector<1x1x16xf32>,
      %get3A_4553 = vector.shape_cast %get3A_4552 : vector<1x1x16xf32> to vector<16xf32>
      %add3A_4554 = arith.addf %add3A_4544, %get3A_4553 : vector<16xf32>
      %mul3A_4555 = arith.mulf %get3A_4553, %get3A_4553 : vector<16xf32>
      %add3A_4556 = arith.addf %add3A_4546, %mul3A_4555 : vector<16xf32>
      %get3A_4557 = arith.constant 1 : i32
      %get3A_4558 = arith.constant 56 : i32
      %get3A_4559 = arith.index_cast %get3A_4557 : i32 to index
      %get3A_4560 = arith.index_cast %get3A_4558 : i32 to index
      %get3A_4561 = arith.constant 0 : index
      %get3A_4562 = tpu.vector_load %arg7[%get3A_4559, %get3A_4560, %get3A_4561] {strides = array<i32>} : memref<2x104x128xf32, #tpu.memory_space<vmem>>, vector<1x1x16xf32>,
      %get3A_4563 = vector.shape_cast %get3A_4562 : vector<1x1x16xf32> to vector<16xf32>
      %add3A_4564 = arith.addf %add3A_4554, %get3A_4563 : vector<16xf32>
      %mul3A_4565 = arith.mulf %get3A_4563, %get3A_4563 : vector<16xf32>
      %add3A_4566 = arith.addf %add3A_4556, %mul3A_4565 : vector<16xf32>
      %get3A_4567 = arith.constant 1 : i32
      %get3A_4568 = arith.constant 57 : i32
      %get3A_4569 = arith.index_cast %get3A_4567 : i32 to index
      %get3A_4570 = arith.index_cast %get3A_4568 : i32 to index
      %get3A_4571 = arith.constant 0 : index
      %get3A_4572 = tpu.vector_load %arg7[%get3A_4569, %get3A_4570, %get3A_4571] {strides = array<i32>} : memref<2x104x128xf32, #tpu.memory_space<vmem>>, vector<1x1x16xf32>,
      %get3A_4573 = vector.shape_cast %get3A_4572 : vector<1x1x16xf32> to vector<16xf32>
      %add3A_4574 = arith.addf %add3A_4564, %get3A_4573 : vector<16xf32>
      %mul3A_4575 = arith.mulf %get3A_4573, %get3A_4573 : vector<16xf32>
      %add3A_4576 = arith.addf %add3A_4566, %mul3A_4575 : vector<16xf32>
      %get3A_4577 = arith.constant 1 : i32
      %get3A_4578 = arith.constant 58 : i32
      %get3A_4579 = arith.index_cast %get3A_4577 : i32 to index
      %get3A_4580 = arith.index_cast %get3A_4578 : i32 to index
      %get3A_4581 = arith.constant 0 : index
      %get3A_4582 = tpu.vector_load %arg7[%get3A_4579, %get3A_4580, %get3A_4581] {strides = array<i32>} : memref<2x104x128xf32, #tpu.memory_space<vmem>>, vector<1x1x16xf32>,
      %get3A_4583 = vector.shape_cast %get3A_4582 : vector<1x1x16xf32> to vector<16xf32>
      %add3A_4584 = arith.addf %add3A_4574, %get3A_4583 : vector<16xf32>
      %mul3A_4585 = arith.mulf %get3A_4583, %get3A_4583 : vector<16xf32>
      %add3A_4586 = arith.addf %add3A_4576, %mul3A_4585 : vector<16xf32>
      %get3A_4587 = arith.constant 1 : i32
      %get3A_4588 = arith.constant 59 : i32
      %get3A_4589 = arith.index_cast %get3A_4587 : i32 to index
      %get3A_4590 = arith.index_cast %get3A_4588 : i32 to index
      %get3A_4591 = arith.constant 0 : index
      %get3A_4592 = tpu.vector_load %arg7[%get3A_4589, %get3A_4590, %get3A_4591] {strides = array<i32>} : memref<2x104x128xf32, #tpu.memory_space<vmem>>, vector<1x1x16xf32>,
      %get3A_4593 = vector.shape_cast %get3A_4592 : vector<1x1x16xf32> to vector<16xf32>
      %add3A_4594 = arith.addf %add3A_4584, %get3A_4593 : vector<16xf32>
      %mul3A_4595 = arith.mulf %get3A_4593, %get3A_4593 : vector<16xf32>
      %add3A_4596 = arith.addf %add3A_4586, %mul3A_4595 : vector<16xf32>
      %get3A_4597 = arith.constant 1 : i32
      %get3A_4598 = arith.constant 60 : i32
      %get3A_4599 = arith.index_cast %get3A_4597 : i32 to index
      %get3A_4600 = arith.index_cast %get3A_4598 : i32 to index
      %get3A_4601 = arith.constant 0 : index
      %get3A_4602 = tpu.vector_load %arg7[%get3A_4599, %get3A_4600, %get3A_4601] {strides = array<i32>} : memref<2x104x128xf32, #tpu.memory_space<vmem>>, vector<1x1x16xf32>,
      %get3A_4603 = vector.shape_cast %get3A_4602 : vector<1x1x16xf32> to vector<16xf32>
      %add3A_4604 = arith.addf %add3A_4594, %get3A_4603 : vector<16xf32>
      %mul3A_4605 = arith.mulf %get3A_4603, %get3A_4603 : vector<16xf32>
      %add3A_4606 = arith.addf %add3A_4596, %mul3A_4605 : vector<16xf32>
      %get3A_4607 = arith.constant 1 : i32
      %get3A_4608 = arith.constant 61 : i32
      %get3A_4609 = arith.index_cast %get3A_4607 : i32 to index
      %get3A_4610 = arith.index_cast %get3A_4608 : i32 to index
      %get3A_4611 = arith.constant 0 : index
      %get3A_4612 = tpu.vector_load %arg7[%get3A_4609, %get3A_4610, %get3A_4611] {strides = array<i32>} : memref<2x104x128xf32, #tpu.memory_space<vmem>>, vector<1x1x16xf32>,
      %get3A_4613 = vector.shape_cast %get3A_4612 : vector<1x1x16xf32> to vector<16xf32>
      %add3A_4614 = arith.addf %add3A_4604, %get3A_4613 : vector<16xf32>
      %mul3A_4615 = arith.mulf %get3A_4613, %get3A_4613 : vector<16xf32>
      %add3A_4616 = arith.addf %add3A_4606, %mul3A_4615 : vector<16xf32>
      %get3A_4617 = arith.constant 1 : i32
      %get3A_4618 = arith.constant 62 : i32
      %get3A_4619 = arith.index_cast %get3A_4617 : i32 to index
      %get3A_4620 = arith.index_cast %get3A_4618 : i32 to index
      %get3A_4621 = arith.constant 0 : index
      %get3A_4622 = tpu.vector_load %arg7[%get3A_4619, %get3A_4620, %get3A_4621] {strides = array<i32>} : memref<2x104x128xf32, #tpu.memory_space<vmem>>, vector<1x1x16xf32>,
      %get3A_4623 = vector.shape_cast %get3A_4622 : vector<1x1x16xf32> to vector<16xf32>
      %add3A_4624 = arith.addf %add3A_4614, %get3A_4623 : vector<16xf32>
      %mul3A_4625 = arith.mulf %get3A_4623, %get3A_4623 : vector<16xf32>
      %add3A_4626 = arith.addf %add3A_4616, %mul3A_4625 : vector<16xf32>
      %get3A_4627 = arith.constant 1 : i32
      %get3A_4628 = arith.constant 63 : i32
      %get3A_4629 = arith.index_cast %get3A_4627 : i32 to index
      %get3A_4630 = arith.index_cast %get3A_4628 : i32 to index
      %get3A_4631 = arith.constant 0 : index
      %get3A_4632 = tpu.vector_load %arg7[%get3A_4629, %get3A_4630, %get3A_4631] {strides = array<i32>} : memref<2x104x128xf32, #tpu.memory_space<vmem>>, vector<1x1x16xf32>,
      %get3A_4633 = vector.shape_cast %get3A_4632 : vector<1x1x16xf32> to vector<16xf32>
      %add3A_4634 = arith.addf %add3A_4624, %get3A_4633 : vector<16xf32>
      %mul3A_4635 = arith.mulf %get3A_4633, %get3A_4633 : vector<16xf32>
      %add3A_4636 = arith.addf %add3A_4626, %mul3A_4635 : vector<16xf32>
      %get3A_4637 = arith.constant 1 : i32
      %get3A_4638 = arith.constant 64 : i32
      %get3A_4639 = arith.index_cast %get3A_4637 : i32 to index
      %get3A_4640 = arith.index_cast %get3A_4638 : i32 to index
      %get3A_4641 = arith.constant 0 : index
      %get3A_4642 = tpu.vector_load %arg7[%get3A_4639, %get3A_4640, %get3A_4641] {strides = array<i32>} : memref<2x104x128xf32, #tpu.memory_space<vmem>>, vector<1x1x16xf32>,
      %get3A_4643 = vector.shape_cast %get3A_4642 : vector<1x1x16xf32> to vector<16xf32>
      %add3A_4644 = arith.addf %add3A_4634, %get3A_4643 : vector<16xf32>
      %mul3A_4645 = arith.mulf %get3A_4643, %get3A_4643 : vector<16xf32>
      %add3A_4646 = arith.addf %add3A_4636, %mul3A_4645 : vector<16xf32>
      %get3A_4647 = arith.constant 1 : i32
      %get3A_4648 = arith.constant 65 : i32
      %get3A_4649 = arith.index_cast %get3A_4647 : i32 to index
      %get3A_4650 = arith.index_cast %get3A_4648 : i32 to index
      %get3A_4651 = arith.constant 0 : index
      %get3A_4652 = tpu.vector_load %arg7[%get3A_4649, %get3A_4650, %get3A_4651] {strides = array<i32>} : memref<2x104x128xf32, #tpu.memory_space<vmem>>, vector<1x1x16xf32>,
      %get3A_4653 = vector.shape_cast %get3A_4652 : vector<1x1x16xf32> to vector<16xf32>
      %add3A_4654 = arith.addf %add3A_4644, %get3A_4653 : vector<16xf32>
      %mul3A_4655 = arith.mulf %get3A_4653, %get3A_4653 : vector<16xf32>
      %add3A_4656 = arith.addf %add3A_4646, %mul3A_4655 : vector<16xf32>
      %get3A_4657 = arith.constant 1 : i32
      %get3A_4658 = arith.constant 66 : i32
      %get3A_4659 = arith.index_cast %get3A_4657 : i32 to index
      %get3A_4660 = arith.index_cast %get3A_4658 : i32 to index
      %get3A_4661 = arith.constant 0 : index
      %get3A_4662 = tpu.vector_load %arg7[%get3A_4659, %get3A_4660, %get3A_4661] {strides = array<i32>} : memref<2x104x128xf32, #tpu.memory_space<vmem>>, vector<1x1x16xf32>,
      %get3A_4663 = vector.shape_cast %get3A_4662 : vector<1x1x16xf32> to vector<16xf32>
      %add3A_4664 = arith.addf %add3A_4654, %get3A_4663 : vector<16xf32>
      %mul3A_4665 = arith.mulf %get3A_4663, %get3A_4663 : vector<16xf32>
      %add3A_4666 = arith.addf %add3A_4656, %mul3A_4665 : vector<16xf32>
      %get3A_4667 = arith.constant 1 : i32
      %get3A_4668 = arith.constant 67 : i32
      %get3A_4669 = arith.index_cast %get3A_4667 : i32 to index
      %get3A_4670 = arith.index_cast %get3A_4668 : i32 to index
      %get3A_4671 = arith.constant 0 : index
      %get3A_4672 = tpu.vector_load %arg7[%get3A_4669, %get3A_4670, %get3A_4671] {strides = array<i32>} : memref<2x104x128xf32, #tpu.memory_space<vmem>>, vector<1x1x16xf32>,
      %get3A_4673 = vector.shape_cast %get3A_4672 : vector<1x1x16xf32> to vector<16xf32>
      %add3A_4674 = arith.addf %add3A_4664, %get3A_4673 : vector<16xf32>
      %mul3A_4675 = arith.mulf %get3A_4673, %get3A_4673 : vector<16xf32>
      %add3A_4676 = arith.addf %add3A_4666, %mul3A_4675 : vector<16xf32>
      %get3A_4677 = arith.constant 1 : i32
      %get3A_4678 = arith.constant 68 : i32
      %get3A_4679 = arith.index_cast %get3A_4677 : i32 to index
      %get3A_4680 = arith.index_cast %get3A_4678 : i32 to index
      %get3A_4681 = arith.constant 0 : index
      %get3A_4682 = tpu.vector_load %arg7[%get3A_4679, %get3A_4680, %get3A_4681] {strides = array<i32>} : memref<2x104x128xf32, #tpu.memory_space<vmem>>, vector<1x1x16xf32>,
      %get3A_4683 = vector.shape_cast %get3A_4682 : vector<1x1x16xf32> to vector<16xf32>
      %add3A_4684 = arith.addf %add3A_4674, %get3A_4683 : vector<16xf32>
      %mul3A_4685 = arith.mulf %get3A_4683, %get3A_4683 : vector<16xf32>
      %add3A_4686 = arith.addf %add3A_4676, %mul3A_4685 : vector<16xf32>
      %get3A_4687 = arith.constant 1 : i32
      %get3A_4688 = arith.constant 69 : i32
      %get3A_4689 = arith.index_cast %get3A_4687 : i32 to index
      %get3A_4690 = arith.index_cast %get3A_4688 : i32 to index
      %get3A_4691 = arith.constant 0 : index
      %get3A_4692 = tpu.vector_load %arg7[%get3A_4689, %get3A_4690, %get3A_4691] {strides = array<i32>} : memref<2x104x128xf32, #tpu.memory_space<vmem>>, vector<1x1x16xf32>,
      %get3A_4693 = vector.shape_cast %get3A_4692 : vector<1x1x16xf32> to vector<16xf32>
      %add3A_4694 = arith.addf %add3A_4684, %get3A_4693 : vector<16xf32>
      %mul3A_4695 = arith.mulf %get3A_4693, %get3A_4693 : vector<16xf32>
      %add3A_4696 = arith.addf %add3A_4686, %mul3A_4695 : vector<16xf32>
      %get3A_4697 = arith.constant 1 : i32
      %get3A_4698 = arith.constant 70 : i32
      %get3A_4699 = arith.index_cast %get3A_4697 : i32 to index
      %get3A_4700 = arith.index_cast %get3A_4698 : i32 to index
      %get3A_4701 = arith.constant 0 : index
      %get3A_4702 = tpu.vector_load %arg7[%get3A_4699, %get3A_4700, %get3A_4701] {strides = array<i32>} : memref<2x104x128xf32, #tpu.memory_space<vmem>>, vector<1x1x16xf32>,
      %get3A_4703 = vector.shape_cast %get3A_4702 : vector<1x1x16xf32> to vector<16xf32>
      %add3A_4704 = arith.addf %add3A_4694, %get3A_4703 : vector<16xf32>
      %mul3A_4705 = arith.mulf %get3A_4703, %get3A_4703 : vector<16xf32>
      %add3A_4706 = arith.addf %add3A_4696, %mul3A_4705 : vector<16xf32>
      %get3A_4707 = arith.constant 1 : i32
      %get3A_4708 = arith.constant 71 : i32
      %get3A_4709 = arith.index_cast %get3A_4707 : i32 to index
      %get3A_4710 = arith.index_cast %get3A_4708 : i32 to index
      %get3A_4711 = arith.constant 0 : index
      %get3A_4712 = tpu.vector_load %arg7[%get3A_4709, %get3A_4710, %get3A_4711] {strides = array<i32>} : memref<2x104x128xf32, #tpu.memory_space<vmem>>, vector<1x1x16xf32>,
      %get3A_4713 = vector.shape_cast %get3A_4712 : vector<1x1x16xf32> to vector<16xf32>
      %add3A_4714 = arith.addf %add3A_4704, %get3A_4713 : vector<16xf32>
      %mul3A_4715 = arith.mulf %get3A_4713, %get3A_4713 : vector<16xf32>
      %add3A_4716 = arith.addf %add3A_4706, %mul3A_4715 : vector<16xf32>
      %get3A_4717 = arith.constant 1 : i32
      %get3A_4718 = arith.constant 72 : i32
      %get3A_4719 = arith.index_cast %get3A_4717 : i32 to index
      %get3A_4720 = arith.index_cast %get3A_4718 : i32 to index
      %get3A_4721 = arith.constant 0 : index
      %get3A_4722 = tpu.vector_load %arg7[%get3A_4719, %get3A_4720, %get3A_4721] {strides = array<i32>} : memref<2x104x128xf32, #tpu.memory_space<vmem>>, vector<1x1x16xf32>,
      %get3A_4723 = vector.shape_cast %get3A_4722 : vector<1x1x16xf32> to vector<16xf32>
      %add3A_4724 = arith.addf %add3A_4714, %get3A_4723 : vector<16xf32>
      %mul3A_4725 = arith.mulf %get3A_4723, %get3A_4723 : vector<16xf32>
      %add3A_4726 = arith.addf %add3A_4716, %mul3A_4725 : vector<16xf32>
      %get3A_4727 = arith.constant 1 : i32
      %get3A_4728 = arith.constant 73 : i32
      %get3A_4729 = arith.index_cast %get3A_4727 : i32 to index
      %get3A_4730 = arith.index_cast %get3A_4728 : i32 to index
      %get3A_4731 = arith.constant 0 : index
      %get3A_4732 = tpu.vector_load %arg7[%get3A_4729, %get3A_4730, %get3A_4731] {strides = array<i32>} : memref<2x104x128xf32, #tpu.memory_space<vmem>>, vector<1x1x16xf32>,
      %get3A_4733 = vector.shape_cast %get3A_4732 : vector<1x1x16xf32> to vector<16xf32>
      %add3A_4734 = arith.addf %add3A_4724, %get3A_4733 : vector<16xf32>
      %mul3A_4735 = arith.mulf %get3A_4733, %get3A_4733 : vector<16xf32>
      %add3A_4736 = arith.addf %add3A_4726, %mul3A_4735 : vector<16xf32>
      %get3A_4737 = arith.constant 1 : i32
      %get3A_4738 = arith.constant 74 : i32
      %get3A_4739 = arith.index_cast %get3A_4737 : i32 to index
      %get3A_4740 = arith.index_cast %get3A_4738 : i32 to index
      %get3A_4741 = arith.constant 0 : index
      %get3A_4742 = tpu.vector_load %arg7[%get3A_4739, %get3A_4740, %get3A_4741] {strides = array<i32>} : memref<2x104x128xf32, #tpu.memory_space<vmem>>, vector<1x1x16xf32>,
      %get3A_4743 = vector.shape_cast %get3A_4742 : vector<1x1x16xf32> to vector<16xf32>
      %add3A_4744 = arith.addf %add3A_4734, %get3A_4743 : vector<16xf32>
      %mul3A_4745 = arith.mulf %get3A_4743, %get3A_4743 : vector<16xf32>
      %add3A_4746 = arith.addf %add3A_4736, %mul3A_4745 : vector<16xf32>
      %get3A_4747 = arith.constant 1 : i32
      %get3A_4748 = arith.constant 75 : i32
      %get3A_4749 = arith.index_cast %get3A_4747 : i32 to index
      %get3A_4750 = arith.index_cast %get3A_4748 : i32 to index
      %get3A_4751 = arith.constant 0 : index
      %get3A_4752 = tpu.vector_load %arg7[%get3A_4749, %get3A_4750, %get3A_4751] {strides = array<i32>} : memref<2x104x128xf32, #tpu.memory_space<vmem>>, vector<1x1x16xf32>,
      %get3A_4753 = vector.shape_cast %get3A_4752 : vector<1x1x16xf32> to vector<16xf32>
      %add3A_4754 = arith.addf %add3A_4744, %get3A_4753 : vector<16xf32>
      %mul3A_4755 = arith.mulf %get3A_4753, %get3A_4753 : vector<16xf32>
      %add3A_4756 = arith.addf %add3A_4746, %mul3A_4755 : vector<16xf32>
      %get3A_4757 = arith.constant 1 : i32
      %get3A_4758 = arith.constant 76 : i32
      %get3A_4759 = arith.index_cast %get3A_4757 : i32 to index
      %get3A_4760 = arith.index_cast %get3A_4758 : i32 to index
      %get3A_4761 = arith.constant 0 : index
      %get3A_4762 = tpu.vector_load %arg7[%get3A_4759, %get3A_4760, %get3A_4761] {strides = array<i32>} : memref<2x104x128xf32, #tpu.memory_space<vmem>>, vector<1x1x16xf32>,
      %get3A_4763 = vector.shape_cast %get3A_4762 : vector<1x1x16xf32> to vector<16xf32>
      %add3A_4764 = arith.addf %add3A_4754, %get3A_4763 : vector<16xf32>
      %mul3A_4765 = arith.mulf %get3A_4763, %get3A_4763 : vector<16xf32>
      %add3A_4766 = arith.addf %add3A_4756, %mul3A_4765 : vector<16xf32>
      %get3A_4767 = arith.constant 1 : i32
      %get3A_4768 = arith.constant 77 : i32
      %get3A_4769 = arith.index_cast %get3A_4767 : i32 to index
      %get3A_4770 = arith.index_cast %get3A_4768 : i32 to index
      %get3A_4771 = arith.constant 0 : index
      %get3A_4772 = tpu.vector_load %arg7[%get3A_4769, %get3A_4770, %get3A_4771] {strides = array<i32>} : memref<2x104x128xf32, #tpu.memory_space<vmem>>, vector<1x1x16xf32>,
      %get3A_4773 = vector.shape_cast %get3A_4772 : vector<1x1x16xf32> to vector<16xf32>
      %add3A_4774 = arith.addf %add3A_4764, %get3A_4773 : vector<16xf32>
      %mul3A_4775 = arith.mulf %get3A_4773, %get3A_4773 : vector<16xf32>
      %add3A_4776 = arith.addf %add3A_4766, %mul3A_4775 : vector<16xf32>
      %get3A_4777 = arith.constant 1 : i32
      %get3A_4778 = arith.index_cast %get3A_4777 : i32 to index
      %get3A_4779 = arith.constant 52 : index
      %get3A_4780 = tpu.vector_load %arg8[%get3A_4778, %get3A_4779] {strides = array<i32>} : memref<2x120xf32, #tpu.memory_space<vmem>>, vector<1x16xf32>,
      %get3A_4781 = vector.shape_cast %get3A_4780 : vector<1x16xf32> to vector<16xf32>
      %get3A_4782 = arith.constant 1 : i32
      %get3A_4783 = arith.index_cast %get3A_4782 : i32 to index
      %get3A_4784 = arith.constant 68 : index
      %get3A_4785 = tpu.vector_load %arg8[%get3A_4783, %get3A_4784] {strides = array<i32>} : memref<2x120xf32, #tpu.memory_space<vmem>>, vector<1x16xf32>,
      %get3A_4786 = vector.shape_cast %get3A_4785 : vector<1x16xf32> to vector<16xf32>
      %jit3A_4787 = arith.constant 0.000000e+00 : f32
      %broadcast_in_dim3A_4788 = vector.broadcast %jit3A_4787 : f32 to vector<16xf32>
      %select_n3A_4789 = arith.select %lt3A_4, %get3A_4786, %broadcast_in_dim3A_4788 : vector<16xi1>, vector<16xf32>
      %mul3A_4790 = arith.mulf %add3A_4774, %add3A_4774 : vector<16xf32>
      %sub3A_4791 = arith.subf %mul3A_4790, %add3A_4776 : vector<16xf32>
      %mul3A_4792 = arith.constant 5.000000e-01 : f32
      %mul3A_4793 = vector.broadcast %mul3A_4792 : f32 to vector<16xf32>
      %mul3A_4794 = arith.mulf %mul3A_4793, %sub3A_4791 : vector<16xf32>
      %add3A_4795 = arith.addf %mul3A_4794, %get3A_4781 : vector<16xf32>
      %add3A_4796 = arith.addf %add3A_4795, %select_n3A_4789 : vector<16xf32>
      %xor3A_4797 = arith.constant 8 : i32
      %xor3A_4798 = vector.broadcast %xor3A_4797 : i32 to vector<16xi32>
      %xor3A_4799 = arith.xori %iota3A, %xor3A_4798 : vector<16xi32>
      %broadcast_in_dim3A_4800 = vector.shape_cast %xor3A_4799 : vector<16xi32> to vector<16x1xi32>
      %gather3A_4801 = vector.shape_cast %broadcast_in_dim3A_4800 : vector<16x1xi32> to vector<16xi32>
      %gather3A_4802 = tpu.dynamic_gather %add3A_4796[%gather3A_4801] in [0] : vector<16xf32>, vector<16xi32> -> vector<16xf32>
      %add3A_4803 = arith.addf %add3A_4796, %gather3A_4802 : vector<16xf32>
      %xor3A_4804 = arith.constant 4 : i32
      %xor3A_4805 = vector.broadcast %xor3A_4804 : i32 to vector<16xi32>
      %xor3A_4806 = arith.xori %iota3A, %xor3A_4805 : vector<16xi32>
      %broadcast_in_dim3A_4807 = vector.shape_cast %xor3A_4806 : vector<16xi32> to vector<16x1xi32>
      %gather3A_4808 = vector.shape_cast %broadcast_in_dim3A_4807 : vector<16x1xi32> to vector<16xi32>
      %gather3A_4809 = tpu.dynamic_gather %add3A_4803[%gather3A_4808] in [0] : vector<16xf32>, vector<16xi32> -> vector<16xf32>
      %add3A_4810 = arith.addf %add3A_4803, %gather3A_4809 : vector<16xf32>
      %xor3A_4811 = arith.constant 2 : i32
      %xor3A_4812 = vector.broadcast %xor3A_4811 : i32 to vector<16xi32>
      %xor3A_4813 = arith.xori %iota3A, %xor3A_4812 : vector<16xi32>
      %broadcast_in_dim3A_4814 = vector.shape_cast %xor3A_4813 : vector<16xi32> to vector<16x1xi32>
      %gather3A_4815 = vector.shape_cast %broadcast_in_dim3A_4814 : vector<16x1xi32> to vector<16xi32>
      %gather3A_4816 = tpu.dynamic_gather %add3A_4810[%gather3A_4815] in [0] : vector<16xf32>, vector<16xi32> -> vector<16xf32>
      %add3A_4817 = arith.addf %add3A_4810, %gather3A_4816 : vector<16xf32>
      %xor3A_4818 = arith.constant 1 : i32
      %xor3A_4819 = vector.broadcast %xor3A_4818 : i32 to vector<16xi32>
      %xor3A_4820 = arith.xori %iota3A, %xor3A_4819 : vector<16xi32>
      %broadcast_in_dim3A_4821 = vector.shape_cast %xor3A_4820 : vector<16xi32> to vector<16x1xi32>
      %gather3A_4822 = vector.shape_cast %broadcast_in_dim3A_4821 : vector<16x1xi32> to vector<16xi32>
      %gather3A_4823 = tpu.dynamic_gather %add3A_4817[%gather3A_4822] in [0] : vector<16xf32>, vector<16xi32> -> vector<16xf32>
      %add3A_4824 = arith.addf %add3A_4817, %gather3A_4823 : vector<16xf32>
      %eq3A_4825 = arith.constant 14 : i32
      %eq3A_4826 = vector.broadcast %eq3A_4825 : i32 to vector<16xi32>
      %eq3A_4827 = arith.cmpi eq, %iota3A, %eq3A_4826 : vector<16xi32>
      %select_n3A_4828 = arith.select %eq3A_4827, %add3A_4824, %select_n3A_4518 : vector<16xi1>, vector<16xf32>
      %get3A_4829 = arith.constant 1 : i32
      %get3A_4830 = arith.constant 78 : i32
      %get3A_4831 = arith.index_cast %get3A_4829 : i32 to index
      %get3A_4832 = arith.index_cast %get3A_4830 : i32 to index
      %get3A_4833 = arith.constant 0 : index
      %get3A_4834 = tpu.vector_load %arg7[%get3A_4831, %get3A_4832, %get3A_4833] {strides = array<i32>} : memref<2x104x128xf32, #tpu.memory_space<vmem>>, vector<1x1x16xf32>,
      %get3A_4835 = vector.shape_cast %get3A_4834 : vector<1x1x16xf32> to vector<16xf32>
      %mul3A_4836 = arith.mulf %get3A_4835, %get3A_4835 : vector<16xf32>
      %get3A_4837 = arith.constant 1 : i32
      %get3A_4838 = arith.constant 79 : i32
      %get3A_4839 = arith.index_cast %get3A_4837 : i32 to index
      %get3A_4840 = arith.index_cast %get3A_4838 : i32 to index
      %get3A_4841 = arith.constant 0 : index
      %get3A_4842 = tpu.vector_load %arg7[%get3A_4839, %get3A_4840, %get3A_4841] {strides = array<i32>} : memref<2x104x128xf32, #tpu.memory_space<vmem>>, vector<1x1x16xf32>,
      %get3A_4843 = vector.shape_cast %get3A_4842 : vector<1x1x16xf32> to vector<16xf32>
      %add3A_4844 = arith.addf %get3A_4835, %get3A_4843 : vector<16xf32>
      %mul3A_4845 = arith.mulf %get3A_4843, %get3A_4843 : vector<16xf32>
      %add3A_4846 = arith.addf %mul3A_4836, %mul3A_4845 : vector<16xf32>
      %get3A_4847 = arith.constant 1 : i32
      %get3A_4848 = arith.constant 80 : i32
      %get3A_4849 = arith.index_cast %get3A_4847 : i32 to index
      %get3A_4850 = arith.index_cast %get3A_4848 : i32 to index
      %get3A_4851 = arith.constant 0 : index
      %get3A_4852 = tpu.vector_load %arg7[%get3A_4849, %get3A_4850, %get3A_4851] {strides = array<i32>} : memref<2x104x128xf32, #tpu.memory_space<vmem>>, vector<1x1x16xf32>,
      %get3A_4853 = vector.shape_cast %get3A_4852 : vector<1x1x16xf32> to vector<16xf32>
      %add3A_4854 = arith.addf %add3A_4844, %get3A_4853 : vector<16xf32>
      %mul3A_4855 = arith.mulf %get3A_4853, %get3A_4853 : vector<16xf32>
      %add3A_4856 = arith.addf %add3A_4846, %mul3A_4855 : vector<16xf32>
      %get3A_4857 = arith.constant 1 : i32
      %get3A_4858 = arith.constant 81 : i32
      %get3A_4859 = arith.index_cast %get3A_4857 : i32 to index
      %get3A_4860 = arith.index_cast %get3A_4858 : i32 to index
      %get3A_4861 = arith.constant 0 : index
      %get3A_4862 = tpu.vector_load %arg7[%get3A_4859, %get3A_4860, %get3A_4861] {strides = array<i32>} : memref<2x104x128xf32, #tpu.memory_space<vmem>>, vector<1x1x16xf32>,
      %get3A_4863 = vector.shape_cast %get3A_4862 : vector<1x1x16xf32> to vector<16xf32>
      %add3A_4864 = arith.addf %add3A_4854, %get3A_4863 : vector<16xf32>
      %mul3A_4865 = arith.mulf %get3A_4863, %get3A_4863 : vector<16xf32>
      %add3A_4866 = arith.addf %add3A_4856, %mul3A_4865 : vector<16xf32>
      %get3A_4867 = arith.constant 1 : i32
      %get3A_4868 = arith.constant 82 : i32
      %get3A_4869 = arith.index_cast %get3A_4867 : i32 to index
      %get3A_4870 = arith.index_cast %get3A_4868 : i32 to index
      %get3A_4871 = arith.constant 0 : index
      %get3A_4872 = tpu.vector_load %arg7[%get3A_4869, %get3A_4870, %get3A_4871] {strides = array<i32>} : memref<2x104x128xf32, #tpu.memory_space<vmem>>, vector<1x1x16xf32>,
      %get3A_4873 = vector.shape_cast %get3A_4872 : vector<1x1x16xf32> to vector<16xf32>
      %add3A_4874 = arith.addf %add3A_4864, %get3A_4873 : vector<16xf32>
      %mul3A_4875 = arith.mulf %get3A_4873, %get3A_4873 : vector<16xf32>
      %add3A_4876 = arith.addf %add3A_4866, %mul3A_4875 : vector<16xf32>
      %get3A_4877 = arith.constant 1 : i32
      %get3A_4878 = arith.constant 83 : i32
      %get3A_4879 = arith.index_cast %get3A_4877 : i32 to index
      %get3A_4880 = arith.index_cast %get3A_4878 : i32 to index
      %get3A_4881 = arith.constant 0 : index
      %get3A_4882 = tpu.vector_load %arg7[%get3A_4879, %get3A_4880, %get3A_4881] {strides = array<i32>} : memref<2x104x128xf32, #tpu.memory_space<vmem>>, vector<1x1x16xf32>,
      %get3A_4883 = vector.shape_cast %get3A_4882 : vector<1x1x16xf32> to vector<16xf32>
      %add3A_4884 = arith.addf %add3A_4874, %get3A_4883 : vector<16xf32>
      %mul3A_4885 = arith.mulf %get3A_4883, %get3A_4883 : vector<16xf32>
      %add3A_4886 = arith.addf %add3A_4876, %mul3A_4885 : vector<16xf32>
      %get3A_4887 = arith.constant 1 : i32
      %get3A_4888 = arith.constant 84 : i32
      %get3A_4889 = arith.index_cast %get3A_4887 : i32 to index
      %get3A_4890 = arith.index_cast %get3A_4888 : i32 to index
      %get3A_4891 = arith.constant 0 : index
      %get3A_4892 = tpu.vector_load %arg7[%get3A_4889, %get3A_4890, %get3A_4891] {strides = array<i32>} : memref<2x104x128xf32, #tpu.memory_space<vmem>>, vector<1x1x16xf32>,
      %get3A_4893 = vector.shape_cast %get3A_4892 : vector<1x1x16xf32> to vector<16xf32>
      %add3A_4894 = arith.addf %add3A_4884, %get3A_4893 : vector<16xf32>
      %mul3A_4895 = arith.mulf %get3A_4893, %get3A_4893 : vector<16xf32>
      %add3A_4896 = arith.addf %add3A_4886, %mul3A_4895 : vector<16xf32>
      %get3A_4897 = arith.constant 1 : i32
      %get3A_4898 = arith.constant 85 : i32
      %get3A_4899 = arith.index_cast %get3A_4897 : i32 to index
      %get3A_4900 = arith.index_cast %get3A_4898 : i32 to index
      %get3A_4901 = arith.constant 0 : index
      %get3A_4902 = tpu.vector_load %arg7[%get3A_4899, %get3A_4900, %get3A_4901] {strides = array<i32>} : memref<2x104x128xf32, #tpu.memory_space<vmem>>, vector<1x1x16xf32>,
      %get3A_4903 = vector.shape_cast %get3A_4902 : vector<1x1x16xf32> to vector<16xf32>
      %add3A_4904 = arith.addf %add3A_4894, %get3A_4903 : vector<16xf32>
      %mul3A_4905 = arith.mulf %get3A_4903, %get3A_4903 : vector<16xf32>
      %add3A_4906 = arith.addf %add3A_4896, %mul3A_4905 : vector<16xf32>
      %get3A_4907 = arith.constant 1 : i32
      %get3A_4908 = arith.constant 86 : i32
      %get3A_4909 = arith.index_cast %get3A_4907 : i32 to index
      %get3A_4910 = arith.index_cast %get3A_4908 : i32 to index
      %get3A_4911 = arith.constant 0 : index
      %get3A_4912 = tpu.vector_load %arg7[%get3A_4909, %get3A_4910, %get3A_4911] {strides = array<i32>} : memref<2x104x128xf32, #tpu.memory_space<vmem>>, vector<1x1x16xf32>,
      %get3A_4913 = vector.shape_cast %get3A_4912 : vector<1x1x16xf32> to vector<16xf32>
      %add3A_4914 = arith.addf %add3A_4904, %get3A_4913 : vector<16xf32>
      %mul3A_4915 = arith.mulf %get3A_4913, %get3A_4913 : vector<16xf32>
      %add3A_4916 = arith.addf %add3A_4906, %mul3A_4915 : vector<16xf32>
      %get3A_4917 = arith.constant 1 : i32
      %get3A_4918 = arith.constant 87 : i32
      %get3A_4919 = arith.index_cast %get3A_4917 : i32 to index
      %get3A_4920 = arith.index_cast %get3A_4918 : i32 to index
      %get3A_4921 = arith.constant 0 : index
      %get3A_4922 = tpu.vector_load %arg7[%get3A_4919, %get3A_4920, %get3A_4921] {strides = array<i32>} : memref<2x104x128xf32, #tpu.memory_space<vmem>>, vector<1x1x16xf32>,
      %get3A_4923 = vector.shape_cast %get3A_4922 : vector<1x1x16xf32> to vector<16xf32>
      %add3A_4924 = arith.addf %add3A_4914, %get3A_4923 : vector<16xf32>
      %mul3A_4925 = arith.mulf %get3A_4923, %get3A_4923 : vector<16xf32>
      %add3A_4926 = arith.addf %add3A_4916, %mul3A_4925 : vector<16xf32>
      %get3A_4927 = arith.constant 1 : i32
      %get3A_4928 = arith.constant 88 : i32
      %get3A_4929 = arith.index_cast %get3A_4927 : i32 to index
      %get3A_4930 = arith.index_cast %get3A_4928 : i32 to index
      %get3A_4931 = arith.constant 0 : index
      %get3A_4932 = tpu.vector_load %arg7[%get3A_4929, %get3A_4930, %get3A_4931] {strides = array<i32>} : memref<2x104x128xf32, #tpu.memory_space<vmem>>, vector<1x1x16xf32>,
      %get3A_4933 = vector.shape_cast %get3A_4932 : vector<1x1x16xf32> to vector<16xf32>
      %add3A_4934 = arith.addf %add3A_4924, %get3A_4933 : vector<16xf32>
      %mul3A_4935 = arith.mulf %get3A_4933, %get3A_4933 : vector<16xf32>
      %add3A_4936 = arith.addf %add3A_4926, %mul3A_4935 : vector<16xf32>
      %get3A_4937 = arith.constant 1 : i32
      %get3A_4938 = arith.constant 89 : i32
      %get3A_4939 = arith.index_cast %get3A_4937 : i32 to index
      %get3A_4940 = arith.index_cast %get3A_4938 : i32 to index
      %get3A_4941 = arith.constant 0 : index
      %get3A_4942 = tpu.vector_load %arg7[%get3A_4939, %get3A_4940, %get3A_4941] {strides = array<i32>} : memref<2x104x128xf32, #tpu.memory_space<vmem>>, vector<1x1x16xf32>,
      %get3A_4943 = vector.shape_cast %get3A_4942 : vector<1x1x16xf32> to vector<16xf32>
      %add3A_4944 = arith.addf %add3A_4934, %get3A_4943 : vector<16xf32>
      %mul3A_4945 = arith.mulf %get3A_4943, %get3A_4943 : vector<16xf32>
      %add3A_4946 = arith.addf %add3A_4936, %mul3A_4945 : vector<16xf32>
      %get3A_4947 = arith.constant 1 : i32
      %get3A_4948 = arith.constant 90 : i32
      %get3A_4949 = arith.index_cast %get3A_4947 : i32 to index
      %get3A_4950 = arith.index_cast %get3A_4948 : i32 to index
      %get3A_4951 = arith.constant 0 : index
      %get3A_4952 = tpu.vector_load %arg7[%get3A_4949, %get3A_4950, %get3A_4951] {strides = array<i32>} : memref<2x104x128xf32, #tpu.memory_space<vmem>>, vector<1x1x16xf32>,
      %get3A_4953 = vector.shape_cast %get3A_4952 : vector<1x1x16xf32> to vector<16xf32>
      %add3A_4954 = arith.addf %add3A_4944, %get3A_4953 : vector<16xf32>
      %mul3A_4955 = arith.mulf %get3A_4953, %get3A_4953 : vector<16xf32>
      %add3A_4956 = arith.addf %add3A_4946, %mul3A_4955 : vector<16xf32>
      %get3A_4957 = arith.constant 1 : i32
      %get3A_4958 = arith.constant 91 : i32
      %get3A_4959 = arith.index_cast %get3A_4957 : i32 to index
      %get3A_4960 = arith.index_cast %get3A_4958 : i32 to index
      %get3A_4961 = arith.constant 0 : index
      %get3A_4962 = tpu.vector_load %arg7[%get3A_4959, %get3A_4960, %get3A_4961] {strides = array<i32>} : memref<2x104x128xf32, #tpu.memory_space<vmem>>, vector<1x1x16xf32>,
      %get3A_4963 = vector.shape_cast %get3A_4962 : vector<1x1x16xf32> to vector<16xf32>
      %add3A_4964 = arith.addf %add3A_4954, %get3A_4963 : vector<16xf32>
      %mul3A_4965 = arith.mulf %get3A_4963, %get3A_4963 : vector<16xf32>
      %add3A_4966 = arith.addf %add3A_4956, %mul3A_4965 : vector<16xf32>
      %get3A_4967 = arith.constant 1 : i32
      %get3A_4968 = arith.constant 92 : i32
      %get3A_4969 = arith.index_cast %get3A_4967 : i32 to index
      %get3A_4970 = arith.index_cast %get3A_4968 : i32 to index
      %get3A_4971 = arith.constant 0 : index
      %get3A_4972 = tpu.vector_load %arg7[%get3A_4969, %get3A_4970, %get3A_4971] {strides = array<i32>} : memref<2x104x128xf32, #tpu.memory_space<vmem>>, vector<1x1x16xf32>,
      %get3A_4973 = vector.shape_cast %get3A_4972 : vector<1x1x16xf32> to vector<16xf32>
      %add3A_4974 = arith.addf %add3A_4964, %get3A_4973 : vector<16xf32>
      %mul3A_4975 = arith.mulf %get3A_4973, %get3A_4973 : vector<16xf32>
      %add3A_4976 = arith.addf %add3A_4966, %mul3A_4975 : vector<16xf32>
      %get3A_4977 = arith.constant 1 : i32
      %get3A_4978 = arith.constant 93 : i32
      %get3A_4979 = arith.index_cast %get3A_4977 : i32 to index
      %get3A_4980 = arith.index_cast %get3A_4978 : i32 to index
      %get3A_4981 = arith.constant 0 : index
      %get3A_4982 = tpu.vector_load %arg7[%get3A_4979, %get3A_4980, %get3A_4981] {strides = array<i32>} : memref<2x104x128xf32, #tpu.memory_space<vmem>>, vector<1x1x16xf32>,
      %get3A_4983 = vector.shape_cast %get3A_4982 : vector<1x1x16xf32> to vector<16xf32>
      %add3A_4984 = arith.addf %add3A_4974, %get3A_4983 : vector<16xf32>
      %mul3A_4985 = arith.mulf %get3A_4983, %get3A_4983 : vector<16xf32>
      %add3A_4986 = arith.addf %add3A_4976, %mul3A_4985 : vector<16xf32>
      %get3A_4987 = arith.constant 1 : i32
      %get3A_4988 = arith.constant 94 : i32
      %get3A_4989 = arith.index_cast %get3A_4987 : i32 to index
      %get3A_4990 = arith.index_cast %get3A_4988 : i32 to index
      %get3A_4991 = arith.constant 0 : index
      %get3A_4992 = tpu.vector_load %arg7[%get3A_4989, %get3A_4990, %get3A_4991] {strides = array<i32>} : memref<2x104x128xf32, #tpu.memory_space<vmem>>, vector<1x1x16xf32>,
      %get3A_4993 = vector.shape_cast %get3A_4992 : vector<1x1x16xf32> to vector<16xf32>
      %add3A_4994 = arith.addf %add3A_4984, %get3A_4993 : vector<16xf32>
      %mul3A_4995 = arith.mulf %get3A_4993, %get3A_4993 : vector<16xf32>
      %add3A_4996 = arith.addf %add3A_4986, %mul3A_4995 : vector<16xf32>
      %get3A_4997 = arith.constant 1 : i32
      %get3A_4998 = arith.constant 95 : i32
      %get3A_4999 = arith.index_cast %get3A_4997 : i32 to index
      %get3A_5000 = arith.index_cast %get3A_4998 : i32 to index
      %get3A_5001 = arith.constant 0 : index
      %get3A_5002 = tpu.vector_load %arg7[%get3A_4999, %get3A_5000, %get3A_5001] {strides = array<i32>} : memref<2x104x128xf32, #tpu.memory_space<vmem>>, vector<1x1x16xf32>,
      %get3A_5003 = vector.shape_cast %get3A_5002 : vector<1x1x16xf32> to vector<16xf32>
      %add3A_5004 = arith.addf %add3A_4994, %get3A_5003 : vector<16xf32>
      %mul3A_5005 = arith.mulf %get3A_5003, %get3A_5003 : vector<16xf32>
      %add3A_5006 = arith.addf %add3A_4996, %mul3A_5005 : vector<16xf32>
      %get3A_5007 = arith.constant 1 : i32
      %get3A_5008 = arith.constant 96 : i32
      %get3A_5009 = arith.index_cast %get3A_5007 : i32 to index
      %get3A_5010 = arith.index_cast %get3A_5008 : i32 to index
      %get3A_5011 = arith.constant 0 : index
      %get3A_5012 = tpu.vector_load %arg7[%get3A_5009, %get3A_5010, %get3A_5011] {strides = array<i32>} : memref<2x104x128xf32, #tpu.memory_space<vmem>>, vector<1x1x16xf32>,
      %get3A_5013 = vector.shape_cast %get3A_5012 : vector<1x1x16xf32> to vector<16xf32>
      %add3A_5014 = arith.addf %add3A_5004, %get3A_5013 : vector<16xf32>
      %mul3A_5015 = arith.mulf %get3A_5013, %get3A_5013 : vector<16xf32>
      %add3A_5016 = arith.addf %add3A_5006, %mul3A_5015 : vector<16xf32>
      %get3A_5017 = arith.constant 1 : i32
      %get3A_5018 = arith.constant 97 : i32
      %get3A_5019 = arith.index_cast %get3A_5017 : i32 to index
      %get3A_5020 = arith.index_cast %get3A_5018 : i32 to index
      %get3A_5021 = arith.constant 0 : index
      %get3A_5022 = tpu.vector_load %arg7[%get3A_5019, %get3A_5020, %get3A_5021] {strides = array<i32>} : memref<2x104x128xf32, #tpu.memory_space<vmem>>, vector<1x1x16xf32>,
      %get3A_5023 = vector.shape_cast %get3A_5022 : vector<1x1x16xf32> to vector<16xf32>
      %add3A_5024 = arith.addf %add3A_5014, %get3A_5023 : vector<16xf32>
      %mul3A_5025 = arith.mulf %get3A_5023, %get3A_5023 : vector<16xf32>
      %add3A_5026 = arith.addf %add3A_5016, %mul3A_5025 : vector<16xf32>
      %get3A_5027 = arith.constant 1 : i32
      %get3A_5028 = arith.constant 98 : i32
      %get3A_5029 = arith.index_cast %get3A_5027 : i32 to index
      %get3A_5030 = arith.index_cast %get3A_5028 : i32 to index
      %get3A_5031 = arith.constant 0 : index
      %get3A_5032 = tpu.vector_load %arg7[%get3A_5029, %get3A_5030, %get3A_5031] {strides = array<i32>} : memref<2x104x128xf32, #tpu.memory_space<vmem>>, vector<1x1x16xf32>,
      %get3A_5033 = vector.shape_cast %get3A_5032 : vector<1x1x16xf32> to vector<16xf32>
      %add3A_5034 = arith.addf %add3A_5024, %get3A_5033 : vector<16xf32>
      %mul3A_5035 = arith.mulf %get3A_5033, %get3A_5033 : vector<16xf32>
      %add3A_5036 = arith.addf %add3A_5026, %mul3A_5035 : vector<16xf32>
      %get3A_5037 = arith.constant 1 : i32
      %get3A_5038 = arith.constant 99 : i32
      %get3A_5039 = arith.index_cast %get3A_5037 : i32 to index
      %get3A_5040 = arith.index_cast %get3A_5038 : i32 to index
      %get3A_5041 = arith.constant 0 : index
      %get3A_5042 = tpu.vector_load %arg7[%get3A_5039, %get3A_5040, %get3A_5041] {strides = array<i32>} : memref<2x104x128xf32, #tpu.memory_space<vmem>>, vector<1x1x16xf32>,
      %get3A_5043 = vector.shape_cast %get3A_5042 : vector<1x1x16xf32> to vector<16xf32>
      %add3A_5044 = arith.addf %add3A_5034, %get3A_5043 : vector<16xf32>
      %mul3A_5045 = arith.mulf %get3A_5043, %get3A_5043 : vector<16xf32>
      %add3A_5046 = arith.addf %add3A_5036, %mul3A_5045 : vector<16xf32>
      %get3A_5047 = arith.constant 1 : i32
      %get3A_5048 = arith.constant 100 : i32
      %get3A_5049 = arith.index_cast %get3A_5047 : i32 to index
      %get3A_5050 = arith.index_cast %get3A_5048 : i32 to index
      %get3A_5051 = arith.constant 0 : index
      %get3A_5052 = tpu.vector_load %arg7[%get3A_5049, %get3A_5050, %get3A_5051] {strides = array<i32>} : memref<2x104x128xf32, #tpu.memory_space<vmem>>, vector<1x1x16xf32>,
      %get3A_5053 = vector.shape_cast %get3A_5052 : vector<1x1x16xf32> to vector<16xf32>
      %add3A_5054 = arith.addf %add3A_5044, %get3A_5053 : vector<16xf32>
      %mul3A_5055 = arith.mulf %get3A_5053, %get3A_5053 : vector<16xf32>
      %add3A_5056 = arith.addf %add3A_5046, %mul3A_5055 : vector<16xf32>
      %get3A_5057 = arith.constant 1 : i32
      %get3A_5058 = arith.constant 101 : i32
      %get3A_5059 = arith.index_cast %get3A_5057 : i32 to index
      %get3A_5060 = arith.index_cast %get3A_5058 : i32 to index
      %get3A_5061 = arith.constant 0 : index
      %get3A_5062 = tpu.vector_load %arg7[%get3A_5059, %get3A_5060, %get3A_5061] {strides = array<i32>} : memref<2x104x128xf32, #tpu.memory_space<vmem>>, vector<1x1x16xf32>,
      %get3A_5063 = vector.shape_cast %get3A_5062 : vector<1x1x16xf32> to vector<16xf32>
      %add3A_5064 = arith.addf %add3A_5054, %get3A_5063 : vector<16xf32>
      %mul3A_5065 = arith.mulf %get3A_5063, %get3A_5063 : vector<16xf32>
      %add3A_5066 = arith.addf %add3A_5056, %mul3A_5065 : vector<16xf32>
      %get3A_5067 = arith.constant 1 : i32
      %get3A_5068 = arith.constant 102 : i32
      %get3A_5069 = arith.index_cast %get3A_5067 : i32 to index
      %get3A_5070 = arith.index_cast %get3A_5068 : i32 to index
      %get3A_5071 = arith.constant 0 : index
      %get3A_5072 = tpu.vector_load %arg7[%get3A_5069, %get3A_5070, %get3A_5071] {strides = array<i32>} : memref<2x104x128xf32, #tpu.memory_space<vmem>>, vector<1x1x16xf32>,
      %get3A_5073 = vector.shape_cast %get3A_5072 : vector<1x1x16xf32> to vector<16xf32>
      %add3A_5074 = arith.addf %add3A_5064, %get3A_5073 : vector<16xf32>
      %mul3A_5075 = arith.mulf %get3A_5073, %get3A_5073 : vector<16xf32>
      %add3A_5076 = arith.addf %add3A_5066, %mul3A_5075 : vector<16xf32>
      %get3A_5077 = arith.constant 1 : i32
      %get3A_5078 = arith.constant 103 : i32
      %get3A_5079 = arith.index_cast %get3A_5077 : i32 to index
      %get3A_5080 = arith.index_cast %get3A_5078 : i32 to index
      %get3A_5081 = arith.constant 0 : index
      %get3A_5082 = tpu.vector_load %arg7[%get3A_5079, %get3A_5080, %get3A_5081] {strides = array<i32>} : memref<2x104x128xf32, #tpu.memory_space<vmem>>, vector<1x1x16xf32>,
      %get3A_5083 = vector.shape_cast %get3A_5082 : vector<1x1x16xf32> to vector<16xf32>
      %add3A_5084 = arith.addf %add3A_5074, %get3A_5083 : vector<16xf32>
      %mul3A_5085 = arith.mulf %get3A_5083, %get3A_5083 : vector<16xf32>
      %add3A_5086 = arith.addf %add3A_5076, %mul3A_5085 : vector<16xf32>
      %get3A_5087 = arith.constant 1 : i32
      %get3A_5088 = arith.index_cast %get3A_5087 : i32 to index
      %get3A_5089 = arith.constant 78 : index
      %get3A_5090 = tpu.vector_load %arg8[%get3A_5088, %get3A_5089] {strides = array<i32>} : memref<2x120xf32, #tpu.memory_space<vmem>>, vector<1x16xf32>,
      %get3A_5091 = vector.shape_cast %get3A_5090 : vector<1x16xf32> to vector<16xf32>
      %get3A_5092 = arith.constant 1 : i32
      %get3A_5093 = arith.index_cast %get3A_5092 : i32 to index
      %get3A_5094 = arith.constant 94 : index
      %get3A_5095 = tpu.vector_load %arg8[%get3A_5093, %get3A_5094] {strides = array<i32>} : memref<2x120xf32, #tpu.memory_space<vmem>>, vector<1x16xf32>,
      %get3A_5096 = vector.shape_cast %get3A_5095 : vector<1x16xf32> to vector<16xf32>
      %jit3A_5097 = arith.constant 0.000000e+00 : f32
      %broadcast_in_dim3A_5098 = vector.broadcast %jit3A_5097 : f32 to vector<16xf32>
      %select_n3A_5099 = arith.select %lt3A_4, %get3A_5096, %broadcast_in_dim3A_5098 : vector<16xi1>, vector<16xf32>
      %mul3A_5100 = arith.mulf %add3A_5084, %add3A_5084 : vector<16xf32>
      %sub3A_5101 = arith.subf %mul3A_5100, %add3A_5086 : vector<16xf32>
      %mul3A_5102 = arith.constant 5.000000e-01 : f32
      %mul3A_5103 = vector.broadcast %mul3A_5102 : f32 to vector<16xf32>
      %mul3A_5104 = arith.mulf %mul3A_5103, %sub3A_5101 : vector<16xf32>
      %add3A_5105 = arith.addf %mul3A_5104, %get3A_5091 : vector<16xf32>
      %add3A_5106 = arith.addf %add3A_5105, %select_n3A_5099 : vector<16xf32>
      %xor3A_5107 = arith.constant 8 : i32
      %xor3A_5108 = vector.broadcast %xor3A_5107 : i32 to vector<16xi32>
      %xor3A_5109 = arith.xori %iota3A, %xor3A_5108 : vector<16xi32>
      %broadcast_in_dim3A_5110 = vector.shape_cast %xor3A_5109 : vector<16xi32> to vector<16x1xi32>
      %gather3A_5111 = vector.shape_cast %broadcast_in_dim3A_5110 : vector<16x1xi32> to vector<16xi32>
      %gather3A_5112 = tpu.dynamic_gather %add3A_5106[%gather3A_5111] in [0] : vector<16xf32>, vector<16xi32> -> vector<16xf32>
      %add3A_5113 = arith.addf %add3A_5106, %gather3A_5112 : vector<16xf32>
      %xor3A_5114 = arith.constant 4 : i32
      %xor3A_5115 = vector.broadcast %xor3A_5114 : i32 to vector<16xi32>
      %xor3A_5116 = arith.xori %iota3A, %xor3A_5115 : vector<16xi32>
      %broadcast_in_dim3A_5117 = vector.shape_cast %xor3A_5116 : vector<16xi32> to vector<16x1xi32>
      %gather3A_5118 = vector.shape_cast %broadcast_in_dim3A_5117 : vector<16x1xi32> to vector<16xi32>
      %gather3A_5119 = tpu.dynamic_gather %add3A_5113[%gather3A_5118] in [0] : vector<16xf32>, vector<16xi32> -> vector<16xf32>
      %add3A_5120 = arith.addf %add3A_5113, %gather3A_5119 : vector<16xf32>
      %xor3A_5121 = arith.constant 2 : i32
      %xor3A_5122 = vector.broadcast %xor3A_5121 : i32 to vector<16xi32>
      %xor3A_5123 = arith.xori %iota3A, %xor3A_5122 : vector<16xi32>
      %broadcast_in_dim3A_5124 = vector.shape_cast %xor3A_5123 : vector<16xi32> to vector<16x1xi32>
      %gather3A_5125 = vector.shape_cast %broadcast_in_dim3A_5124 : vector<16x1xi32> to vector<16xi32>
      %gather3A_5126 = tpu.dynamic_gather %add3A_5120[%gather3A_5125] in [0] : vector<16xf32>, vector<16xi32> -> vector<16xf32>
      %add3A_5127 = arith.addf %add3A_5120, %gather3A_5126 : vector<16xf32>
      %xor3A_5128 = arith.constant 1 : i32
      %xor3A_5129 = vector.broadcast %xor3A_5128 : i32 to vector<16xi32>
      %xor3A_5130 = arith.xori %iota3A, %xor3A_5129 : vector<16xi32>
      %broadcast_in_dim3A_5131 = vector.shape_cast %xor3A_5130 : vector<16xi32> to vector<16x1xi32>
      %gather3A_5132 = vector.shape_cast %broadcast_in_dim3A_5131 : vector<16x1xi32> to vector<16xi32>
      %gather3A_5133 = tpu.dynamic_gather %add3A_5127[%gather3A_5132] in [0] : vector<16xf32>, vector<16xi32> -> vector<16xf32>
      %add3A_5134 = arith.addf %add3A_5127, %gather3A_5133 : vector<16xf32>
      %eq3A_5135 = arith.constant 15 : i32
      %eq3A_5136 = vector.broadcast %eq3A_5135 : i32 to vector<16xi32>
      %eq3A_5137 = arith.cmpi eq, %iota3A, %eq3A_5136 : vector<16xi32>
      %select_n3A_5138 = arith.select %eq3A_5137, %add3A_5134, %select_n3A_4828 : vector<16xi1>, vector<16xf32>
      %mul3A_5139 = arith.constant 16 : i32
      %mul3A_5140 = arith.muli %scan3A_39, %mul3A_5139 : i32
      %swap3A = arith.index_cast %mul3A_5140 : i32 to index
      %swap3A_5141 = tpu.vector_load %arg9[%swap3A] {strides = array<i32>} : memref<512xf32, #tpu.memory_space<vmem>>, vector<16xf32>,
      %swap3A_5142 = vector.shape_cast %swap3A_5141 : vector<16xf32> to vector<16xf32>
      %swap3A_5143 = vector.shape_cast %select_n3A_5138 : vector<16xf32> to vector<16xf32>
      tpu.vector_store %arg9[%swap3A], %swap3A_5143 {strides = array<i32>} : memref<512xf32, #tpu.memory_space<vmem>>, vector<16xf32>,
    }
    %scan3A_36 = arith.constant 32 : i32
    %mul3A_37 = arith.constant 512 : i32
    %mul3A_38 = arith.muli %add3A, %mul3A_37 : i32
    "tpu.region"() ({
      %run_scoped3A = tpu.sem_alloc : memref<!tpu.dma_semaphore, #tpu.memory_space<semaphore_mem>>
      %dma_start3A_39 = tpu.memref_slice %arg5[%mul3A_38] : memref<16384xf32, #tpu.memory_space<hbm>> -> memref<512xf32, #tpu.memory_space<hbm>>
      %dma_start3A_40 = tpu.memref_slice %arg5[%mul3A_38] : memref<16384xf32, #tpu.memory_space<hbm>> -> memref<512xf32, #tpu.memory_space<hbm>>
      tpu.enqueue_dma source(%arg9 : memref<512xf32, #tpu.memory_space<vmem>>) target(%dma_start3A_40 : memref<512xf32, #tpu.memory_space<hbm>>) target_semaphore(%run_scoped3A : memref<!tpu.dma_semaphore, #tpu.memory_space<semaphore_mem>>)
      %dma_wait3A = tpu.memref_slice %arg5[%mul3A_38] : memref<16384xf32, #tpu.memory_space<hbm>> -> memref<512xf32, #tpu.memory_space<hbm>>
      %dma_wait3A_41 = tpu.memref_slice %arg5[%mul3A_38] : memref<16384xf32, #tpu.memory_space<hbm>> -> memref<512xf32, #tpu.memory_space<hbm>>
      tpu.wait_dma2 semaphore(%run_scoped3A : memref<!tpu.dma_semaphore, #tpu.memory_space<semaphore_mem>>) src(%arg9 : memref<512xf32, #tpu.memory_space<vmem>>) dst(%dma_wait3A_41 : memref<512xf32, #tpu.memory_space<hbm>>)
      tpu.yield
    }) : () -> ()
    return
  }
}

module attributes {stable_mosaic.version = 14 : i64} {
  func.func @_transpose_body(%arg0: i32, %arg1: memref<16x512xf32, #tpu.memory_space<vmem>>, %arg2: memref<512x128xf32, #tpu.memory_space<vmem>>) attributes {dimension_semantics = [#tpu.dimension_semantics<arbitrary>], iteration_bounds = array<i64: 1954>, scalar_prefetch = 0 : i64, scratch_operands = 0 : i64, tpu.core_type = #tpu.core_type<tc>, window_params = [{transform_indices = @transform_0, window_bounds = array<i64: 16, 512>}, {transform_indices = @transform_1, window_bounds = array<i64: 512, 128>}]} {
    %get3A = arith.constant 0 : index
    %get3A_0 = arith.constant 0 : index
    %get3A_1 = vector.load %arg1[%get3A, %get3A_0] : memref<16x512xf32, #tpu.memory_space<vmem>>, vector<16x512xf32>
    %transpose3A = tpu.transpose %get3A_1, [1, 0] : vector<16x512xf32> -> vector<512x16xf32>
    %swap3A = arith.constant 0 : index
    %swap3A_2 = arith.constant 0 : index
    %swap3A_3 = vector.load %arg2[%swap3A, %swap3A_2] : memref<512x128xf32, #tpu.memory_space<vmem>>, vector<512x16xf32>
    tpu.vector_store %arg2[%swap3A, %swap3A_2], %transpose3A {strides = array<i32>} : memref<512x128xf32, #tpu.memory_space<vmem>>, vector<512x16xf32>,
    return
  }
  func.func @transform_0(%arg0: i32) -> (i32, i32) {
    %c0_i32 = arith.constant 0 : i32
    %c0_i32_0 = arith.constant 0 : i32
    return %c0_i32, %arg0 : i32, i32
  }
  func.func @transform_1(%arg0: i32) -> (i32, i32) {
    %c0_i32 = arith.constant 0 : i32
    %c0_i32_0 = arith.constant 0 : i32
    return %arg0, %c0_i32 : i32, i32
  }
}

</mosaic_0001>

<sc_bundles>
// kernel: kernel.4.cloned.1.call-start
scs
__scs_entry_jumppad:
0x0: {  	(pc) =	sbr.rel $0x88, $3  }
0x1: {  	(tag) =	ssettag $0x0;
	lr =	simm.s32 $0x1  }
0x2: {  	[smem:$0x3F9D] =	sst lr;
	_ =	strace $0xD0000000  }
0x3: {  	_ = 	snop  }
0x4: {  	_ = 	snop  }
0x5: {  	_ = 	snop  }
0x6: {  	_ = 	snop  }
0x7: {  	_ = 	snop  }
__scs_overlays_trampoline_lowered:
0x8: {  	[smem:$0x3FAC] =	sst s0  }
0x9: {  	[smem:$0x3FAD] =	sst s1  }
0xa: {  	[smem:$0x3FAE] =	sst s2  }
0xb: {  	[smem:$0x3FAF] =	sst s3  }
0xc: {  	[smem:$0x3FB0] =	sst s4  }
0xd: {  	[smem:$0x3FB1] =	sst s5  }
0xe: {  	[smem:$0x3FB2] =	sst s6  }
0xf: {  	[smem:$0x3FB3] =	sst s7  }
0x10: {  	[smem:$0x3FB4] =	sst s8  }
0x11: {  	[smem:$0x3FB5] =	sst s9;
	s0 =	simm.s32 @!p0 $0x0  }
0x12: {  	s1 =	sld [smem:$0x3F9B];
	s0 =	simm.s32 @p0 $0x1  }
0x13: {  	[smem:$0x3FB6] =	sst s0;
	s0 =	simm.s32 @!p1 $0x0  }
0x14: {  	s2 =	sld [smem:$0x3F9A];
	s0 =	simm.s32 @p1 $0x1  }
0x15: {  	[smem:$0x3FB7] =	sst s0;
	s0 =	simm.s32 @!p2 $0x0  }
0x16: {  	s3 =	sld [smem:$0x3FDB];
	s0 =	simm.s32 @p2 $0x1  }
0x17: {  	s4 =	simm.s32 $0x1BF5;
	[smem:$0x3FB9] =	sst s0  }
0x18: {  	s0 =	sld [smem:$0x3F9C];
	_ =	swait.ge [sflag:s4], $0x0  }
0x19: {  	s7 =	sld [smem:$0x3F9D]  }
0x1a: {  	s8 =	sadd.s32 $0xFFFFE003, lr  }
0x1b: {  	s9 =	sadd.s32 $0xFFFFFEF7, lr;
	s5 =	simm.s32 $0xFFFFFFFF;
	p2 =	slt.u32 s8, $0xFFFFF086  }
0x1c: {  	p1 =	slt.u32 s9, $0xF7A;
	s5 =	simm.s32 @!p2 $0x0  }
0x1d: {  	s5 =	simm.s32 @p1 $0x1;
	p0 =	seq.s32 s7, s2  }
0x1e: {  	s7 =	smul.u32 @!p0 $0xF7A, s2;
	p2 =	seq.s32 @!p0 s5, $0x0  }
0x1f: {  	s9 =	smul.u32 $0xF7A, s1;
	s8 =	simm.s32 @!p0 $0x1BF5;
	p2 =	por !p2, p0  }
0x20: {  	[sflag:s8] =	ssyncset.s32 @!p0 $0xFFFFF086;
	s6 =	sadd.s32 @!p0 s3, s7;
	s7 =	simm.s32 @!p0 $0x108  }
0x21: {  	s3 =	sadd.s32 s3, s9;
	s6 =	sadd.s32 @!p0 $0x88, s6;
	s7 =	simm.s32 @p2 $0x1082  }
0x22: {  	[simem:s7], [sflag:s8] =	dma.local @!p0 [hbm:s6], $0xF7A  }
0x23: {  	s9 =	sor.u32 $0xD0000000, s2;
	s6 =	simm.s32 $0x108;
	_ =	swait.ge @!p0 [sflag:s8], $0x0  }
0x24: {  	s3 =	sadd.s32 $0x88, s3;
	s6 =	simm.s32 @!p1 $0x1082;
	[sflag:s4] =	ssyncset.s32 $0xFFFFF086  }
0x25: {  	[simem:s6], [sflag:s4] =	dma.local [hbm:s3], $0xF7A  }
0x26: {  	[smem:$0x3F9D] =	sst s1;
	(tag) =	ssettag s2;
	_ =	strace s9  }
0x27: {  	s1 =	sld [smem:$0x3FAD]  }
0x28: {  	s2 =	sld [smem:$0x3FAE]  }
0x29: {  	s4 =	sld [smem:$0x3FB0]  }
0x2a: {  	p0 =	seq.s32 s5, $0x0;
	s5 =	sld [smem:$0x3FB1]  }
0x2b: {  	s6 =	sld [smem:$0x3FB2]  }
0x2c: {  	s7 =	sld [smem:$0x3FB3]  }
0x2d: {  	s3 =	simm.s32 $0x108;
	s8 =	sld [smem:$0x3FB4]  }
0x2e: {  	s3 =	simm.s32 @!p0 $0x1082;
	s9 =	sld [smem:$0x3FB5]  }
0x2f: {  	lr =	sadd.s32 s0, s3;
	s0 =	sld [smem:$0x3FAC]  }
0x30: {  	s3 =	sld [smem:$0x3FAF]  }
0x31: {  	[smem:$0x3FB8] =	sst s10  }
0x32: {  	s10 =	sld [smem:$0x3FB6];
	_ =	sdelay $0x3  }
0x33: {  	p0 =	seq.s32 s10, $0x1;
	s10 =	sld [smem:$0x3FB8];
	_ =	sdelay $0x3  }
0x34: {  	[smem:$0x3FB8] =	sst s10  }
0x35: {  	s10 =	sld [smem:$0x3FB7];
	_ =	sdelay $0x3  }
0x36: {  	p1 =	seq.s32 s10, $0x1;
	s10 =	sld [smem:$0x3FB8];
	_ =	sdelay $0x3  }
0x37: {  	[smem:$0x3FB8] =	sst s10  }
0x38: {  	s10 =	sld [smem:$0x3FB9]  }
0x39: {  	_ = 	snop;
	(pc) =	sbr.ind lr, $3  }
0x3a: {  	_ = 	snop  }
0x3b: {  	_ = 	snop  }
0x3c: {  	p2 =	seq.s32 s10, $0x1;
	s10 =	sld [smem:$0x3FB8]  }
0x3d: {  	_ =	shalt  }
0x3e: {  	_ =	shalt  }
0x3f: {  	_ =	shalt  }
0x40: {  	_ =	shalt  }
0x41: {  	_ =	shalt  }
0x42: {  	_ =	shalt  }
0x43: {  	_ =	shalt  }
0x44: {  	_ =	shalt  }
0x45: {  	_ =	shalt  }
0x46: {  	_ =	shalt  }
0x47: {  	_ =	shalt  }
0x48: {  	_ =	shalt  }
0x49: {  	_ =	shalt  }
0x4a: {  	_ =	shalt  }
0x4b: {  	_ =	shalt  }
0x4c: {  	_ =	shalt  }
0x4d: {  	_ =	shalt  }
0x4e: {  	_ =	shalt  }
0x4f: {  	_ =	shalt  }
0x50: {  	_ =	shalt  }
0x51: {  	_ =	shalt  }
0x52: {  	_ =	shalt  }
0x53: {  	_ =	shalt  }
0x54: {  	_ =	shalt  }
0x55: {  	_ =	shalt  }
0x56: {  	_ =	shalt  }
0x57: {  	_ =	shalt  }
0x58: {  	_ =	shalt  }
0x59: {  	_ =	shalt  }
0x5a: {  	_ =	shalt  }
0x5b: {  	_ =	shalt  }
0x5c: {  	_ =	shalt  }
0x5d: {  	_ =	shalt  }
0x5e: {  	_ =	shalt  }
0x5f: {  	_ =	shalt  }
0x60: {  	_ =	shalt  }
0x61: {  	_ =	shalt  }
0x62: {  	_ =	shalt  }
0x63: {  	_ =	shalt  }
0x64: {  	_ =	shalt  }
0x65: {  	_ =	shalt  }
0x66: {  	_ =	shalt  }
0x67: {  	_ =	shalt  }
0x68: {  	_ =	shalt  }
0x69: {  	_ =	shalt  }
0x6a: {  	_ =	shalt  }
0x6b: {  	_ =	shalt  }
0x6c: {  	_ =	shalt  }
0x6d: {  	_ =	shalt  }
0x6e: {  	_ =	shalt  }
0x6f: {  	_ =	shalt  }
0x70: {  	_ =	shalt  }
0x71: {  	_ =	shalt  }
0x72: {  	_ =	shalt  }
0x73: {  	_ =	shalt  }
0x74: {  	_ =	shalt  }
0x75: {  	_ =	shalt  }
0x76: {  	_ =	shalt  }
0x77: {  	_ =	shalt  }
0x78: {  	_ =	shalt  }
0x79: {  	_ =	shalt  }
0x7a: {  	_ =	shalt  }
0x7b: {  	_ =	shalt  }
0x7c: {  	_ =	shalt  }
0x7d: {  	_ =	shalt  }
0x7e: {  	_ =	shalt  }
0x7f: {  	_ =	shalt  }
0x80: {  	_ =	shalt  }
0x81: {  	_ =	shalt  }
0x82: {  	_ =	shalt  }
0x83: {  	_ =	shalt  }
0x84: {  	_ =	shalt  }
0x85: {  	_ =	shalt  }
0x86: {  	_ =	shalt  }
0x87: {  	_ =	shalt  }
.Lfunc_end0:
.L_simem_size_0:
called_computation_lowered:
.L_overlay_start_0:
0x88: {  	s2 =	sld [smem:$0x3FD9]  }
0x89: {  	s3 =	sld [smem:$0x3FFE];
	_ =	sdelay $0x1  }
0x8a: {  	s1 =	srdreg.scid  }
0x8b: {  	s0 =	sand.u32 $0x1, s1  }
0x8c: {  	s17 =	sshll.u32 s0, $0xA;
	s2 =	sadd.s32 s3, s2  }
0x8d: {  	s2 =	sadd.s32 s2, s17  }
0x8e: {  	[smem:$0x3FC4] =	sst s2  }
0x8f: {  	_ = 	snop  }
0x90: {  	s2 =	sld [smem:$0x3FD0];
	(tm) =	ssettm $0x1  }
0x91: {  	s18 =	sld [smem:$0x3FFB];
	_ =	sdelay $0x3  }
0x92: {  	_ =	strace s18  }
0x93: {  	s3 =	sld [smem:$0x3FFC];
	_ =	sdelay $0x3  }
0x94: {  	_ =	strace s3  }
0x95: {  	s3 =	sld [smem:$0x3FFD];
	_ =	sdelay $0x3  }
0x96: {  	_ =	strace s3  }
0x97: {  	_ =	strace $0x8FFFFFFF  }
0x98: {  	s19 =	sld [smem:$0x3FDB];
	_ =	sdelay $0x1  }
0x99: {  	s4 =	simm.s32 $_scs_section_size  }
0x9a: {  	s5 =	simm.s32 $_size__tile_overlayer_lowered;
	s6 =	simm.s32 $_tile_overlayer_lowered  }
0x9b: {  	s22 =	simm.s32 $0x1BFF;
	s21 =	sshll.u32 s6, $0x1;
	s3 =	sadd.s32 s4, s19  }
0x9c: {  	s7 =	simm.s32 $0x0;
	s20 =	sshll.u32 s5, $0x1;
	s5 =	sadd.s32 s21, s3  }
0x9d: {  	[timem:s7], [sflag:s22] =	dma.local [hbm:s5], s20  }
0x9e: {  	_ =	swait.ge [sflag:s22], s20  }
0x9f: {  	s4 =	ssub.s32 $0x0, s20;
	[sflag:s22] =	ssyncset.done $0x0  }
0xa0: {  	[sflag:s22] =	ssyncadd.s32 s4;
	_ =	sdelay $0x1  }
0xa1: {  	s23 =	simm.s32 $0x1B8B  }
0xa2: {  	_ =	swait.ge [sflag:s23], $0x1  }
0xa3: {  	[sflag:s23] =	ssyncset.done $0x0  }
0xa4: {  	s25 =	simm.s32 $0x1B8E;
	s24 =	sld [smem:$0x3FFE];
	[sflag:s23] =	ssyncadd.s32 $0xFFFFFFFF  }
0xa5: {  	s26 =	simm.s32 $execute0_lowered;
	[smem:$0x3FD2] =	sst s25  }
0xa6: {  	s5 =	sshll.u32 s26, $0x1;
	_ =	strace $0x80000046;
	[dreg:$0x1] =	wrdreg $0xFFFFFFFF  }
0xa7: {  	s28 =	simm.s32 $_size_execute0_lowered;
	s3 =	sadd.s32 s3, s5;
	[dreg:$0x0] =	wrdreg $0x0  }
0xa8: {  	s5 =	sshll.u32 s28, $0x1;
	[dreg:$0x2] =	wrdreg s3  }
0xa9: {  	[dreg:$0x3] =	wrdreg s5  }
0xaa: {  	[dreg:$0x4] =	wrdreg $0xC0  }
0xab: {  	_ =	task [dreg:s7], $0x5FFFF  }
0xac: {  	[dreg:$0x1] =	wrdreg $0xFFFFFFFF  }
0xad: {  	[dreg:$0x0] =	wrdreg $0x60  }
0xae: {  	[dreg:$0x2] =	wrdreg s24  }
0xaf: {  	[dreg:$0x3] =	wrdreg s2  }
0xb0: {  	[dreg:$0x4] =	wrdreg $0x9  }
0xb1: {  	_ =	task.clear_ibuf [dreg:s7], $0x5FFFF;
	_ =	strace $0x90000046  }
0xb2: {  	s29 =	simm.s32 $0x9;
	_ =	strace $0x80000048  }
0xb3: {  	_ =	swait.ge [sflag:s29], $0x1  }
0xb4: {  	[sflag:s29] =	ssyncadd.s32 $0xFFFFFFFF  }
0xb5: {  	_ =	strace $0x90000048  }
0xb6: {  	_ =	sfence  }
0xb7: {  	s30 =	sld [smem:$0x0];
	_ =	sdelay $0x2  }
0xb8: {  	s31 =	sshll.u32 s1, $0xD;
	s1 =	sshrl.u32 s1, $0x2  }
0xb9: {  	s3 =	sand.u32 $0x4000, s31;
	s1 =	sadd.s32 s1, s30  }
0xba: {  	s0 =	sor.u32 s3, s0;
	s1 =	sshll.u32 s1, $0x11  }
0xbb: {  	s0 =	sor.u32 s1, s0  }
0xbc: {  	s0 =	sadd.s32 $0x8F2B, s0  }
0xbd: {  	[sflag:s0] =	ssyncadd.remote.s32 $0x1  }
0xbe: {  	_ =	sfence.sel $0xFFFF  }
0xbf: {  	[dreg:$0x0] =	wrdreg $0xFFFFFFFF;
	(pc) =	sbr.abs _section_cstart, $3  }
0xc0: {  	[dreg:$0x1] =	wrdreg $0xFFFFFFFF  }
0xc1: {  	_ =	task.clear_ibuf [dreg:s7], $0x2FFFF;
	_ =	strace $0x9FFFFFFF  }
0xc2: {  	(tm) =	ssettm $0x7FFFFFFF  }
0xc3: {  	_ =	shalt  }
tec
execute0_lowered:
.L_overlay_start_1:
0x0: {  	(tag) =	ssettag $0x1  }
0x1: {  	v0 =	vimm.s32 $0x76543210;
	v1 =	vimm.s32 $0xFEDCBA98  }
0x2: {  	v2 =	vimm.s32 $0xBA98FEDC;
	v3 =	vimm.s32 $0x32107654;
	v4 =	vimm.s32 $0xDCFE98BA  }
0x3: {  	v5 =	vimm.s32 $0x54761032;
	v6 =	vimm.s32 $0xEFCDAB89;
	v7 =	vimm.s32 $0x67452301  }
0x4: {  	vm0 =	vmmov $0x3ff;
	vm1 =	vmmov $0x1;
	vm2 =	vmmov $0x3  }
0x5: {  	s4 =	rddreg [dreg:$0x0];
	s1 =	srdreg.scid;
	vm3 =	vmmov $0x7;
	vm4 =	vmmov $0xf;
	vm5 =	vmmov $0x1f  }
0x6: {  	s0 =	stileid.u32;
	s6 =	rddreg [dreg:$0x1];
	vm6 =	vmmov $0x3f;
	vm7 =	vmmov $0x7f;
	vm8 =	vmmov $0xff  }
0x7: {  	s2 =	simm.s32 $0x0;
	s10 =	simm.s32 $0x3400;
	s11 =	simm.s32 $0x9C00;
	vm9 =	vmmov $0x1ff;
	vm10 =	vmmov $0x7ff;
	vm11 =	vmmov $0xfff  }
0x8: {  	s12 =	simm.s32 $0x6800;
	s13 =	simm.s32 $0x9C78;
	s14 =	simm.s32 $0x1;
	v0 =	vunpack.c.l.s4.s8 v0;
	v1 =	vunpack.c.l.s4.s8 v1;
	v2 =	vunpack.c.l.s4.s8 v2  }
0x9: {  	s15 =	simm.s32 $0x3;
	s16 =	simm.s32 $0x2;
	s17 =	simm.s32 $0x4;
	v3 =	vunpack.c.l.s4.s8 v3;
	v4 =	vunpack.c.l.s4.s8 v4;
	v5 =	vunpack.c.l.s4.s8 v5  }
0xa: {  	s18 =	simm.s32 $0x9CF0;
	s3 =	sand.u32 $0x1, s1;
	v6 =	vunpack.c.l.s4.s8 v6;
	v7 =	vunpack.c.l.s4.s8 v7;
	s1 =	rddreg [dreg:$0x2];
	v2 =	vunpack.c.0.s8.s32 v2  }
0xb: {  	s19 =	simm.s32 $0x0;
	s5 =	sshll.u32 s0, $0x1;
	[smem:$0x7FF] =	sst s2;
	v3 =	vunpack.c.0.s8.s32 v3;
	v4 =	vunpack.c.0.s8.s32 v4;
	v5 =	vunpack.c.0.s8.s32 v5  }
0xc: {  	s5 =	sor.u32 s3, s5;
	_ =	strace $0x80000047;
	s8 =	ssub.s32 $0x2, s3;
	v1 =	vunpack.c.0.s8.s32 v1;
	v6 =	vunpack.c.0.s8.s32 v6;
	v7 =	vunpack.c.0.s8.s32 v7  }
0xd: {  	vm12 =	vmmov $0x1fff;
	s7 =	smul.u32 $0x680, s5;
	v0 =	vunpack.c.0.s8.s32 v0;
	s9 =	sshrl.u32 s8, $0x1;
	s31 =	sshll.u32 s5, $0x6;
	v2 =	vcombine.low v3, v2  }
0xe: {  	s3 =	sadd.s32 $0xF4F600, s4;
	s8 =	ssub.s32 s8, s9;
	s6 =	sadd.s32 s6, s31;
	v3 =	vcombine.low v5, v4;
	v4 =	vcombine.low v7, v6;
	v1 =	vand.u32 $0xF, v1  }
0xf: {  	vm13 =	vmmov $0x3fff;
	vm14 =	vmmov $0x7fff;
	s9 =	simm.s32 $0x68;
	s7 =	sadd.s32 s7, s4;
	s4 =	sadd.s32 $0xD200, s4;
	v0 =	vcombine.low v1, v0  }
0x10: {  	s5 =	sadd.s32 $0x200, s7;
	s7 =	smax.u32 s8, $0x1;
	s8 =	simm.s32 $0x5;
	v1 =	vand.u32 $0xF, v2;
	v2 =	vand.u32 $0xF, v3;
	v3 =	vand.u32 $0xF, v4  }
.LBB2_1:
0x11: {  	[tilespmem:s2], [sflag:$0x5] =	stream.linear.gather [hbm4b:s5+s2], $0x3400, $0x38;
	[tilespmem:$0x9EF0] =	vst v63  }
0x12: {  	_ =	swait.ge [sflag:s8], $0x3400  }
0x13: {  	[sflag:s8] =	ssyncset.done $0x0  }
0x14: {  	[sflag:s8] =	ssyncadd.s32 $0xFFFFCC00  }
0x15: {  	[tilespmem:s10], [sflag:$0x1] =	stream.indirect.gather [hbm4b:s4+s9], $0x80, s2, s9, $0xb8;
	[tilespmem:$0x9EF0] =	vst v63  }
0x16: {  	s20 =	simm.s32 $0x9CF0;
	s21 =	simm.s32 $0x0  }
0x17: {  	[tilespmem:s11], [sflag:$0x3] =	stream.indirect.gather [hbm4b:s3+s9], $0x1, s2, s9, $0xb8;
	[tilespmem:$0x9EF0] =	vst v63  }
.LBB2_2:
0x18: {  	s22 =	sshra.s32 s21, $0x2  }
0x19: {  	s23 =	sadd.s32 $0x68, s22  }
0x1a: {  	[tilespmem:s12], [sflag:$0x2] =	stream.indirect.gather [hbm4b:s4+s9], $0x80, s23, s9, $0xb8;
	[tilespmem:$0x9EF0] =	vst v63  }
0x1b: {  	_ = 	snop  }
0x1c: {  	[tilespmem:s13], [sflag:$0x4] =	stream.indirect.gather [hbm4b:s3+s9], $0x1, s23, s9, $0xb8;
	[tilespmem:$0x9EF0] =	vst v63  }
0x1d: {  	_ =	swait.ge [sflag:s14], $0x3400  }
0x1e: {  	[sflag:s14] =	ssyncset.done $0x0  }
0x1f: {  	[sflag:s14] =	ssyncadd.s32 $0xFFFFCC00  }
0x20: {  	_ =	swait.ge [sflag:s15], $0x68  }
0x21: {  	[sflag:s15] =	ssyncset.done $0x0  }
0x22: {  	[sflag:s15] =	ssyncadd.s32 $0xFFFFFF98  }
0x23: {  	v4 =	vld [tilespmem:$0x3400]  }
0x24: {  	v5 =	vld [tilespmem:$0x3480]  }
0x25: {  	v6 =	vld [tilespmem:$0x3500]  }
0x26: {  	v7 =	vld [tilespmem:$0x3580]  }
0x27: {  	v8 =	vld [tilespmem:$0x3600]  }
0x28: {  	v9 =	vld [tilespmem:$0x3680]  }
0x29: {  	v10 =	vld [tilespmem:$0x3700]  }
0x2a: {  	v12 =	vld [tilespmem:$0x3780]  }
0x2b: {  	v13 =	vld [tilespmem:$0x3800]  }
0x2c: {  	v31 =	vld [tilespmem:$0x3880]  }
0x2d: {  	v14 =	vld [tilespmem:$0x3900]  }
0x2e: {  	v33 =	vld [tilespmem:$0x3980]  }
0x2f: {  	v15 =	vld [tilespmem:$0x3A00]  }
0x30: {  	v35 =	vld [tilespmem:$0x3A80]  }
0x31: {  	v16 =	vld [tilespmem:$0x3B00]  }
0x32: {  	v37 =	vld [tilespmem:$0x3B80]  }
0x33: {  	v17 =	vld [tilespmem:$0x3C00]  }
0x34: {  	v39 =	vld [tilespmem:$0x3C80]  }
0x35: {  	v18 =	vld [tilespmem:$0x4100]  }
0x36: {  	v41 =	vld [tilespmem:$0x4180];
	v11 =	vmul.f32 v4, v4;
	v4 =	vadd.f32 v5, v4;
	v5 =	vmul.f32 v5, v5  }
0x37: {  	v19 =	vld [tilespmem:$0x3D00]  }
0x38: {  	v43 =	vld [tilespmem:$0x4200];
	v5 =	vadd.f32 v5, v11;
	v4 =	vadd.f32 v6, v4;
	v6 =	vmul.f32 v6, v6  }
0x39: {  	v20 =	vld [tilespmem:$0x3D80]  }
0x3a: {  	v45 =	vld [tilespmem:$0x4280];
	v32 =	vmul.f32 v7, v7;
	v5 =	vadd.f32 v6, v5  }
0x3b: {  	v21 =	vld [tilespmem:$0x3E00];
	v4 =	vadd.f32 v7, v4  }
0x3c: {  	v47 =	vld [tilespmem:$0x4300];
	v34 =	vmul.f32 v8, v8;
	v5 =	vadd.f32 v32, v5  }
0x3d: {  	v23 =	vld [tilespmem:$0x3E80];
	v36 =	vmul.f32 v9, v9;
	v4 =	vadd.f32 v8, v4  }
0x3e: {  	v49 =	vld [tilespmem:$0x4380];
	v38 =	vmul.f32 v10, v10;
	v40 =	vmul.f32 v12, v12;
	v5 =	vadd.f32 v34, v5  }
0x3f: {  	v50 =	vld [tilespmem:$0x3F00];
	v42 =	vmul.f32 v13, v13;
	v44 =	vmul.f32 v31, v31;
	v4 =	vadd.f32 v9, v4  }
0x40: {  	v53 =	vld [tilespmem:$0x4400];
	v22 =	vmul.f32 v18, v18;
	v18 =	vadd.f32 v41, v18;
	v5 =	vadd.f32 v36, v5  }
0x41: {  	v57 =	vld [tilespmem:$0x4480];
	v46 =	vmul.f32 v14, v14;
	v48 =	vmul.f32 v33, v33;
	v4 =	vadd.f32 v10, v4  }
0x42: {  	v58 =	vld [tilespmem:$0x4000];
	v52 =	vmul.f32 v15, v15;
	v55 =	vmul.f32 v47, v47;
	v5 =	vadd.f32 v38, v5  }
0x43: {  	v60 =	vld [tilespmem:$0x4500];
	v56 =	vmul.f32 v35, v35;
	v4 =	vadd.f32 v12, v4;
	v12 =	vmul.f32 v41, v41  }
0x44: {  	v24 =	vld [tilespmem:$0x4580];
	v59 =	vmul.f32 v16, v16;
	v18 =	vadd.f32 v43, v18;
	v5 =	vadd.f32 v40, v5  }
0x45: {  	v25 =	vld [tilespmem:$0x9C00];
	v4 =	vadd.f32 v13, v4;
	v12 =	vadd.f32 v12, v22;
	v13 =	vmul.f32 v43, v43  }
0x46: {  	v27 =	vld [tilespmem:$0x4600];
	v62 =	vmul.f32 v53, v53;
	v51 =	vadd.f32 v45, v18;
	v5 =	vadd.f32 v42, v5  }
0x47: {  	v28 =	vld [tilespmem:$0x9C10];
	v11 =	vmul.f32 v45, v45;
	v4 =	vadd.f32 v31, v4;
	v12 =	vadd.f32 v13, v12  }
0x48: {  	v63 =	vmul.f32 v37, v37;
	v18 =	vld [tilespmem:$0x3F80];
	v54 =	vadd.f32 v47, v51;
	v5 =	vadd.f32 v44, v5  }
0x49: {  	v26 =	vmul.f32 v17, v17;
	v45 =	vld [tilespmem:$0x4A00];
	v4 =	vadd.f32 v14, v4;
	v11 =	vadd.f32 v11, v12  }
0x4a: {  	v30 =	vmul.f32 v60, v60;
	v32 =	vld [tilespmem:$0x4680];
	v12 =	vadd.f32 v49, v54;
	v5 =	vadd.f32 v46, v5  }
0x4b: {  	v7 =	vmul.f32 v49, v49;
	v47 =	vld [tilespmem:$0x4A80];
	v4 =	vadd.f32 v33, v4;
	v11 =	vadd.f32 v55, v11  }
0x4c: {  	v8 =	vmul.f32 v57, v57;
	v51 =	vld [tilespmem:$0x4B80];
	v61 =	vadd.f32 v53, v12;
	v5 =	vadd.f32 v48, v5  }
0x4d: {  	v9 =	vmul.f32 v24, v24;
	v41 =	vld [tilespmem:$0x4900];
	v4 =	vadd.f32 v15, v4;
	v7 =	vadd.f32 v7, v11  }
0x4e: {  	v34 =	vmul.f32 v19, v19;
	v43 =	vld [tilespmem:$0x4980];
	v11 =	vadd.f32 v57, v61;
	v5 =	vadd.f32 v52, v5  }
0x4f: {  	v36 =	vmul.f32 v27, v27;
	v49 =	vld [tilespmem:$0x4B00];
	v4 =	vadd.f32 v35, v4;
	v7 =	vadd.f32 v62, v7  }
0x50: {  	v38 =	vmul.f32 v20, v20;
	v14 =	vld [tilespmem:$0x5600];
	v29 =	vadd.f32 v60, v11;
	v5 =	vadd.f32 v56, v5  }
0x51: {  	v40 =	vmul.f32 v32, v32;
	v33 =	vld [tilespmem:$0x4700];
	v4 =	vadd.f32 v16, v4;
	v7 =	vadd.f32 v8, v7  }
0x52: {  	v31 =	vmul.f32 v39, v39;
	v53 =	vld [tilespmem:$0x4C00];
	v8 =	vadd.f32 v24, v29;
	v5 =	vadd.f32 v59, v5  }
0x53: {  	v42 =	vmul.f32 v21, v21;
	v35 =	vld [tilespmem:$0x4780];
	v4 =	vadd.f32 v37, v4;
	v7 =	vadd.f32 v30, v7  }
0x54: {  	v54 =	vmul.f32 v18, v18;
	v55 =	vld [tilespmem:$0x4C80];
	v8 =	vadd.f32 v27, v8;
	v5 =	vadd.f32 v63, v5  }
0x55: {  	v46 =	vmul.f32 v23, v23;
	v12 =	vld [tilespmem:$0x5900];
	v4 =	vadd.f32 v17, v4;
	v7 =	vadd.f32 v9, v7  }
0x56: {  	v60 =	vmul.f32 v41, v41;
	v16 =	vld [tilespmem:$0x4080];
	v8 =	vadd.f32 v32, v8;
	v5 =	vadd.f32 v26, v5  }
0x57: {  	v44 =	vmul.f32 v33, v33;
	v37 =	vld [tilespmem:$0x4800];
	v4 =	vadd.f32 v39, v4;
	v7 =	vadd.f32 v36, v7  }
0x58: {  	v57 =	vld [tilespmem:$0x4D00];
	v48 =	vmul.f32 v35, v35;
	v8 =	vadd.f32 v33, v8;
	v5 =	vadd.f32 v31, v5  }
0x59: {  	v32 =	vmul.f32 v43, v43;
	v39 =	vld [tilespmem:$0x4880];
	v4 =	vadd.f32 v19, v4;
	v7 =	vadd.f32 v40, v7  }
0x5a: {  	v17 =	vnsel vm0, $0x0, v28;
	v33 =	vld [tilespmem:$0x4E00];
	v8 =	vadd.f32 v35, v8;
	v5 =	vadd.f32 v34, v5  }
0x5b: {  	v62 =	vmul.f32 v16, v16;
	v4 =	vadd.f32 v20, v4;
	v7 =	vadd.f32 v44, v7;
	v34 =	vld [tilespmem:$0x4E80]  }
0x5c: {  	v61 =	vld [tilespmem:$0x9C1A];
	v52 =	vmul.f32 v37, v37;
	v8 =	vadd.f32 v37, v8;
	v5 =	vadd.f32 v38, v5  }
0x5d: {  	v24 =	vld [tilespmem:$0x5300];
	v35 =	vmul.f32 v45, v45;
	v4 =	vadd.f32 v21, v4;
	v7 =	vadd.f32 v48, v7  }
0x5e: {  	v36 =	vld [tilespmem:$0x4F00];
	v40 =	vmul.f32 v49, v49;
	v8 =	vadd.f32 v39, v8;
	v5 =	vadd.f32 v42, v5  }
0x5f: {  	v59 =	vld [tilespmem:$0x4D80];
	v37 =	vmul.f32 v47, v47;
	v4 =	vadd.f32 v23, v4;
	v7 =	vadd.f32 v52, v7  }
0x60: {  	v29 =	vld [tilespmem:$0x5700];
	v56 =	vmul.f32 v39, v39;
	v8 =	vadd.f32 v41, v8;
	v6 =	vadd.f32 v34, v33  }
0x61: {  	v30 =	vld [tilespmem:$0x5780];
	v5 =	vadd.f32 v46, v5;
	v4 =	vadd.f32 v50, v4;
	v50 =	vmul.f32 v50, v50  }
0x62: {  	v63 =	vld [tilespmem:$0x9C2A];
	v26 =	vmul.f32 v33, v33;
	v7 =	vadd.f32 v56, v7;
	v8 =	vadd.f32 v43, v8  }
0x63: {  	v28 =	vld [tilespmem:$0x5480];
	v48 =	vmul.f32 v55, v55;
	v6 =	vadd.f32 v36, v6;
	v5 =	vadd.f32 v50, v5  }
0x64: {  	v44 =	vld [tilespmem:$0x5200];
	v52 =	vmul.f32 v59, v59;
	v4 =	vadd.f32 v18, v4;
	v7 =	vadd.f32 v60, v7  }
0x65: {  	v27 =	vmul.f32 v34, v34;
	v33 =	vld [tilespmem:$0x5C80];
	v8 =	vadd.f32 v45, v8;
	v5 =	vadd.f32 v54, v5  }
0x66: {  	v9 =	vld [tilespmem:$0x5A80];
	v4 =	vadd.f32 v58, v4;
	v58 =	vmul.f32 v58, v58;
	v7 =	vadd.f32 v32, v7  }
0x67: {  	v43 =	vmul.f32 v51, v51;
	v50 =	vadd.f32 v27, v26;
	v60 =	vld [tilespmem:$0x5B80];
	v8 =	vadd.f32 v47, v8  }
0x68: {  	v46 =	vmul.f32 v53, v53;
	v45 =	vld [tilespmem:$0x5280];
	v5 =	vadd.f32 v58, v5;
	v7 =	vadd.f32 v35, v7  }
0x69: {  	v19 =	vld [tilespmem:$0x5500];
	v32 =	vmul.f32 v44, v44;
	v4 =	vadd.f32 v16, v4;
	v8 =	vadd.f32 v49, v8  }
0x6a: {  	v31 =	vld [tilespmem:$0x5800];
	v15 =	vmul.f32 v33, v33;
	v49 =	vmul.f32 v57, v57;
	v7 =	vadd.f32 v37, v7  }
0x6b: {  	v58 =	vld [tilespmem:$0x5B00];
	v5 =	vadd.f32 v62, v5;
	v4 =	vmul.f32 v4, v4;
	v8 =	vadd.f32 v51, v8  }
0x6c: {  	v27 =	vld [tilespmem:$0x5580];
	v51 =	vmul.f32 v36, v36;
	v36 =	vmul.f32 v60, v60;
	v7 =	vadd.f32 v40, v7  }
0x6d: {  	v37 =	vmul.f32 v45, v45;
	v4 =	vsub.f32 v4, v5;
	v5 =	vld [tilespmem:$0x4F80];
	v8 =	vadd.f32 v53, v8  }
0x6e: {  	v38 =	vld [tilespmem:$0x5000];
	v10 =	vadd.f32 v51, v50;
	v40 =	vmul.f32 v24, v24;
	v7 =	vadd.f32 v43, v7  }
0x6f: {  	v62 =	vld [tilespmem:$0x5C00];
	v50 =	vmul.f32 v28, v28;
	v4 =	vmul.f32 $5.000000000e-01, v4;
	v8 =	vadd.f32 v55, v8  }
0x70: {  	v39 =	vld [tilespmem:$0x5080];
	v34 =	vmul.f32 v58, v58;
	v35 =	vadd.f32 v60, v58;
	v7 =	vadd.f32 v46, v7  }
0x71: {  	v41 =	vld [tilespmem:$0x5100];
	v58 =	vmul.f32 v27, v27;
	v4 =	vadd.f32 v4, v25;
	v8 =	vadd.f32 v57, v8  }
0x72: {  	v18 =	vld [tilespmem:$0x5400];
	v53 =	vmul.f32 v5, v5;
	v5 =	vadd.f32 v5, v6;
	v7 =	vadd.f32 v48, v7  }
0x73: {  	v42 =	vld [tilespmem:$0x5180];
	v55 =	vmul.f32 v38, v38;
	v4 =	vadd.f32 v4, v17;
	v8 =	vadd.f32 v59, v8  }
0x74: {  	v23 =	vld [tilespmem:$0x9C4E];
	v21 =	vmul.f32 v62, v62;
	v5 =	vadd.f32 v38, v5;
	v7 =	vadd.f32 v49, v7  }
0x75: {  	v16 =	vnsel vm0, $0x0, v63;
	v25 =	vld [tilespmem:$0x5380];
	v57 =	vmul.f32 v39, v39;
	v47 =	vperm.xlane v4, v0  }
0x76: {  	v26 =	vld [tilespmem:$0x5680];
	v8 =	vmul.f32 v8, v8;
	v5 =	vadd.f32 v39, v5;
	v7 =	vadd.f32 v52, v7  }
0x77: {  	v51 =	vld [tilespmem:$0x5F80];
	v46 =	vmul.f32 v18, v18;
	v54 =	vadd.f32 v53, v10;
	v4 =	vadd.f32 v4, v47  }
0x78: {  	v59 =	vmul.f32 v41, v41;
	v10 =	vld [tilespmem:$0x5880];
	v5 =	vadd.f32 v41, v5;
	v7 =	vsub.f32 v8, v7  }
0x79: {  	v38 =	vld [tilespmem:$0x5D00];
	v6 =	vadd.f32 v55, v54;
	v39 =	vadd.f32 v62, v35;
	v56 =	vperm.xlane v4, v1  }
0x7a: {  	v53 =	vld [tilespmem:$0x6000];
	v43 =	vmul.f32 v25, v25;
	v5 =	vadd.f32 v42, v5;
	v7 =	vmul.f32 $5.000000000e-01, v7  }
0x7b: {  	v49 =	vld [tilespmem:$0x5F00];
	v54 =	vmul.f32 v19, v19;
	v6 =	vadd.f32 v57, v6;
	v4 =	vadd.f32 v4, v56  }
0x7c: {  	v55 =	vld [tilespmem:$0x6080];
	v62 =	vmul.f32 v14, v14;
	v5 =	vadd.f32 v44, v5;
	v7 =	vadd.f32 v7, v61  }
0x7d: {  	v47 =	vld [tilespmem:$0x5E80];
	v8 =	vadd.f32 v59, v6;
	v61 =	vmul.f32 v42, v42;
	v42 =	vadd.f32 v33, v39  }
0x7e: {  	v41 =	vld [tilespmem:$0x5D80];
	v11 =	vperm.xlane v4, v2;
	v17 =	vadd.f32 v45, v5;
	v6 =	vadd.f32 v7, v16  }
0x7f: {  	v35 =	vmul.f32 v26, v26;
	v57 =	vld [tilespmem:$0x6100];
	v63 =	vadd.f32 v61, v8;
	v16 =	vadd.f32 v36, v34  }
0x80: {  	v20 =	vmul.f32 v38, v38;
	v59 =	vld [tilespmem:$0x6180];
	v4 =	vadd.f32 v4, v11;
	v17 =	vadd.f32 v24, v17  }
0x81: {  	v60 =	vmul.f32 v49, v49;
	v44 =	vld [tilespmem:$0x5E00];
	v7 =	vadd.f32 v32, v63;
	v16 =	vadd.f32 v21, v16  }
0x82: {  	v56 =	vmul.f32 v47, v47;
	v5 =	vld [tilespmem:$0x9C34];
	v45 =	vadd.f32 v38, v42;
	v17 =	vadd.f32 v25, v17  }
0x83: {  	v48 =	vmul.f32 v41, v41;
	v11 =	vld [tilespmem:$0x5980];
	v7 =	vadd.f32 v37, v7;
	v15 =	vadd.f32 v15, v16  }
0x84: {  	v33 =	vmul.f32 v51, v51;
	v8 =	vld [tilespmem:$0x5A00];
	v16 =	vadd.f32 v41, v45;
	v17 =	vadd.f32 v18, v17  }
0x85: {  	v39 =	vmul.f32 v29, v29;
	v38 =	vld [tilespmem:$0x6400];
	v13 =	vadd.f32 v40, v7;
	v15 =	vadd.f32 v20, v15  }
0x86: {  	v61 =	vld [tilespmem:$0x6200];
	v52 =	vmul.f32 v44, v44;
	v16 =	vadd.f32 v44, v16;
	v17 =	vadd.f32 v28, v17  }
0x87: {  	v34 =	vld [tilespmem:$0x6300];
	v37 =	vmul.f32 v53, v53;
	v13 =	vadd.f32 v43, v13;
	v15 =	vadd.f32 v48, v15  }
0x88: {  	v36 =	vld [tilespmem:$0x6380];
	v41 =	vmul.f32 v55, v55;
	v16 =	vadd.f32 v47, v16;
	v17 =	vadd.f32 v19, v17  }
0x89: {  	v42 =	vld [tilespmem:$0x6500];
	v45 =	vmul.f32 v57, v57;
	v13 =	vadd.f32 v46, v13;
	v15 =	vadd.f32 v52, v15  }
0x8a: {  	v63 =	vld [tilespmem:$0x6280];
	v18 =	vmul.f32 v38, v38;
	v16 =	vadd.f32 v49, v16;
	v17 =	vadd.f32 v27, v17  }
0x8b: {  	v7 =	vld [tilespmem:$0x9C44];
	v43 =	vmul.f32 v30, v30;
	v13 =	vadd.f32 v50, v13;
	v15 =	vadd.f32 v56, v15  }
0x8c: {  	v40 =	vld [tilespmem:$0x6480];
	v16 =	vadd.f32 v51, v16;
	v56 =	vperm.xlane v4, v3;
	v14 =	vadd.f32 v14, v17  }
0x8d: {  	v44 =	vld [tilespmem:$0x6580];
	v47 =	vmul.f32 v31, v31;
	v13 =	vadd.f32 v54, v13;
	v15 =	vadd.f32 v60, v15  }
0x8e: {  	v48 =	vld [tilespmem:$0x6680];
	v19 =	vmul.f32 v59, v59;
	v16 =	vadd.f32 v53, v16;
	v4 =	vadd.f32 v4, v56  }
0x8f: {  	v46 =	vld [tilespmem:$0x6600];
	v60 =	vperm.xlane v6, v0;
	v14 =	vadd.f32 v26, v14;
	v13 =	vadd.f32 v58, v13  }
0x90: {  	v49 =	vld [tilespmem:$0x6700];
	v52 =	vmul.f32 v61, v61;
	v15 =	vadd.f32 v33, v15;
	v16 =	vadd.f32 v55, v16  }
0x91: {  	s31 =	sadd.s32 $0xD0, s22;
	v27 =	vmul.f32 v40, v40;
	v51 =	vld [tilespmem:$0x6780];
	v6 =	vadd.f32 v6, v60;
	v14 =	vadd.f32 v29, v14  }
0x92: {  	v7 =	vnsel vm0, $0x0, v7;
	v17 =	vld [tilespmem:$0x9C5E];
	[tilespmem:s10], [sflag:$0x1] =	stream.indirect.gather [hbm4b:s4+s9], $0x80, s31, s9, $0xb8;
	v13 =	vadd.f32 v62, v13;
	v15 =	vadd.f32 v37, v15  }
0x93: {  	v50 =	vmul.f32 v10, v10;
	v16 =	vadd.f32 v57, v16;
	v14 =	vadd.f32 v30, v14  }
0x94: {  	v53 =	vmul.f32 v12, v12;
	[tilespmem:s11], [sflag:$0x3] =	stream.indirect.gather [hbm4b:s3+s9], $0x1, s31, s9, $0xb8;
	v13 =	vadd.f32 v35, v13;
	v15 =	vadd.f32 v41, v15;
	[tilespmem:$0x9EF0] =	vst v63  }
0x95: {  	_ =	swait.ge [sflag:s16], $0x3400;
	v16 =	vadd.f32 v59, v16;
	v35 =	vperm.xlane v6, v1;
	v14 =	vadd.f32 v31, v14  }
0x96: {  	v54 =	vmul.f32 v63, v63;
	[sflag:s16] =	ssyncset.done $0x0;
	v13 =	vadd.f32 v39, v13;
	v15 =	vadd.f32 v45, v15  }
0x97: {  	v33 =	vmul.f32 v42, v42;
	[sflag:s16] =	ssyncadd.s32 $0xFFFFCC00;
	v16 =	vadd.f32 v61, v16;
	v6 =	vadd.f32 v6, v35  }
0x98: {  	_ =	swait.ge [sflag:s17], $0x68;
	v59 =	vmul.f32 v34, v34;
	v10 =	vadd.f32 v10, v14;
	v13 =	vadd.f32 v43, v13  }
0x99: {  	[sflag:s17] =	ssyncset.done $0x0;
	v61 =	vmul.f32 v36, v36;
	v15 =	vadd.f32 v19, v15;
	v16 =	vadd.f32 v63, v16  }
0x9a: {  	[sflag:s17] =	ssyncadd.s32 $0xFFFFFF98;
	v45 =	vmul.f32 v49, v49;
	v10 =	vadd.f32 v12, v10;
	v13 =	vadd.f32 v47, v13  }
0x9b: {  	v41 =	vld [tilespmem:$0x6980];
	v43 =	vmul.f32 v48, v48;
	v15 =	vadd.f32 v52, v15;
	v58 =	vadd.f32 v34, v16  }
0x9c: {  	v32 =	vld [tilespmem:$0x6800];
	v10 =	vadd.f32 v11, v10;
	v11 =	vmul.f32 v11, v11;
	v13 =	vadd.f32 v50, v13  }
0x9d: {  	v34 =	vld [tilespmem:$0x6880];
	v57 =	vadd.f32 v54, v15;
	v15 =	vadd.f32 v36, v58;
	v58 =	vperm.xlane v6, v2  }
0x9e: {  	v10 =	vadd.f32 v8, v10;
	v8 =	vmul.f32 v8, v8;
	v55 =	vadd.f32 v53, v13  }
0x9f: {  	v39 =	vld [tilespmem:$0x6900];
	v14 =	vadd.f32 v59, v57;
	v63 =	vadd.f32 v38, v15;
	v38 =	vmul.f32 v44, v44  }
0xa0: {  	v13 =	vmul.f32 v41, v41;
	v6 =	vadd.f32 v6, v58;
	v10 =	vadd.f32 v9, v10  }
0xa1: {  	v9 =	vmul.f32 v9, v9;
	v11 =	vadd.f32 v11, v55;
	v62 =	vadd.f32 v61, v14  }
0xa2: {  	v24 =	vadd.f32 v40, v63;
	v31 =	vmul.f32 v10, v10;
	v10 =	vadd.f32 v34, v32  }
0xa3: {  	v47 =	vld [tilespmem:$0x6B00];
	v15 =	vmul.f32 v34, v34;
	v8 =	vadd.f32 v8, v11;
	v21 =	vadd.f32 v18, v62  }
0xa4: {  	v57 =	vld [tilespmem:$0x6D00];
	v12 =	vadd.f32 v42, v24;
	v42 =	vmul.f32 v32, v32;
	v10 =	vadd.f32 v39, v10  }
0xa5: {  	v54 =	vld [tilespmem:$0x6C80];
	v40 =	vmul.f32 v46, v46;
	v8 =	vadd.f32 v9, v8;
	v11 =	vadd.f32 v27, v21  }
0xa6: {  	v14 =	vmul.f32 v39, v39;
	v37 =	vadd.f32 v44, v12;
	v44 =	vld [tilespmem:$0x6A00];
	v15 =	vadd.f32 v15, v42  }
0xa7: {  	v34 =	vperm.xlane v6, v3;
	v21 =	vld [tilespmem:$0x9C88];
	v8 =	vsub.f32 v31, v8;
	v36 =	vadd.f32 v33, v11  }
0xa8: {  	v62 =	vmul.f32 v47, v47;
	v11 =	vadd.f32 v46, v37;
	v46 =	vld [tilespmem:$0x6A80];
	v14 =	vadd.f32 v14, v15  }
0xa9: {  	v39 =	vmul.f32 v57, v57;
	v10 =	vadd.f32 v41, v10;
	v31 =	vld [tilespmem:$0x7500];
	v9 =	vadd.f32 v38, v36  }
0xaa: {  	v33 =	vld [tilespmem:$0x7580];
	v8 =	vmul.f32 $5.000000000e-01, v8;
	v11 =	vadd.f32 v48, v11;
	v13 =	vadd.f32 v13, v14  }
0xab: {  	v63 =	vld [tilespmem:$0x6E00];
	v10 =	vadd.f32 v44, v10;
	v50 =	vmul.f32 v44, v44;
	v9 =	vadd.f32 v40, v9  }
0xac: {  	v48 =	vmul.f32 v51, v51;
	v36 =	vld [tilespmem:$0x6F80];
	v11 =	vadd.f32 v49, v11;
	v5 =	vadd.f32 v8, v5  }
0xad: {  	v37 =	vld [tilespmem:$0x7600];
	v21 =	vnsel vm0, $0x0, v21;
	v55 =	vadd.f32 v50, v13;
	v10 =	vadd.f32 v46, v10  }
0xae: {  	v49 =	vld [tilespmem:$0x6B80];
	v56 =	vmul.f32 v46, v46;
	v42 =	vmul.f32 v31, v31;
	v9 =	vadd.f32 v43, v9  }
0xaf: {  	v18 =	vmul.f32 v33, v33;
	v11 =	vadd.f32 v51, v11;
	v5 =	vadd.f32 v5, v7  }
0xb0: {  	v46 =	vmul.f32 v63, v63;
	v61 =	vadd.f32 v56, v55;
	v10 =	vadd.f32 v47, v10  }
0xb1: {  	v51 =	vld [tilespmem:$0x6C00];
	v18 =	vadd.f32 v18, v42;
	v56 =	vmul.f32 v36, v36;
	v53 =	vmul.f32 v11, v11  }
0xb2: {  	v40 =	vld [tilespmem:$0x7680];
	v9 =	vadd.f32 v45, v9;
	v27 =	vperm.xlane v5, v0;
	v11 =	vmul.f32 v54, v54  }
0xb3: {  	v28 =	vld [tilespmem:$0x6E80];
	v45 =	vmul.f32 v37, v37;
	v8 =	vadd.f32 v62, v61;
	v10 =	vadd.f32 v49, v10  }
0xb4: {  	v29 =	vmul.f32 v49, v49;
	v52 =	vadd.f32 v48, v9;
	v15 =	vadd.f32 v5, v27  }
0xb5: {  	v38 =	vld [tilespmem:$0x7000];
	v5 =	vnsel vm0, $0x0, v17;
	v17 =	vadd.f32 v33, v31;
	v18 =	vadd.f32 v45, v18  }
0xb6: {  	v43 =	vld [tilespmem:$0x7700];
	v8 =	vadd.f32 v29, v8;
	v10 =	vadd.f32 v51, v10;
	v32 =	vmul.f32 v51, v51  }
0xb7: {  	v60 =	vld [tilespmem:$0x6D80];
	v14 =	vmul.f32 v40, v40;
	v59 =	vsub.f32 v53, v52;
	v17 =	vadd.f32 v37, v17  }
0xb8: {  	v49 =	vmul.f32 v28, v28;
	v12 =	vadd.f32 v32, v8;
	v10 =	vadd.f32 v54, v10  }
0xb9: {  	v47 =	vld [tilespmem:$0x7780];
	v14 =	vadd.f32 v14, v18;
	v7 =	vmul.f32 $5.000000000e-01, v59;
	v17 =	vadd.f32 v40, v17  }
0xba: {  	v41 =	vld [tilespmem:$0x7080];
	v61 =	vmul.f32 v38, v38;
	v11 =	vadd.f32 v11, v12;
	v10 =	vadd.f32 v57, v10  }
0xbb: {  	v50 =	vld [tilespmem:$0x7800];
	v12 =	vmul.f32 v43, v43;
	v7 =	vadd.f32 v7, v23;
	v17 =	vadd.f32 v43, v17  }
0xbc: {  	v30 =	vld [tilespmem:$0x6F00];
	v35 =	vperm.xlane v15, v1;
	v11 =	vadd.f32 v39, v11;
	v10 =	vadd.f32 v60, v10  }
0xbd: {  	v44 =	vld [tilespmem:$0x7100];
	v9 =	vmul.f32 v60, v60;
	v12 =	vadd.f32 v12, v14;
	v7 =	vadd.f32 v7, v5  }
0xbe: {  	v53 =	vld [tilespmem:$0x7880];
	v13 =	vmul.f32 v47, v47;
	v5 =	vadd.f32 v6, v34;
	v6 =	vadd.f32 v15, v35  }
0xbf: {  	v58 =	vld [tilespmem:$0x7300];
	v27 =	vmul.f32 v41, v41;
	v55 =	vadd.f32 v47, v17;
	v9 =	vadd.f32 v9, v11  }
0xc0: {  	v57 =	vld [tilespmem:$0x7900];
	v60 =	vmul.f32 v50, v50;
	v10 =	vadd.f32 v63, v10;
	v12 =	vadd.f32 v13, v12  }
0xc1: {  	v42 =	vld [tilespmem:$0x7C00];
	v8 =	vperm.xlane v7, v0;
	v59 =	vadd.f32 v50, v55;
	v9 =	vadd.f32 v46, v9  }
0xc2: {  	v62 =	vld [tilespmem:$0x7980];
	v31 =	vmul.f32 v44, v44;
	v10 =	vadd.f32 v28, v10;
	v12 =	vadd.f32 v60, v12  }
0xc3: {  	v48 =	vld [tilespmem:$0x7180];
	v26 =	vmul.f32 v53, v53;
	v13 =	vadd.f32 v53, v59;
	v7 =	vadd.f32 v7, v8  }
0xc4: {  	v52 =	vmul.f32 v30, v30;
	v28 =	vld [tilespmem:$0x7A00];
	v9 =	vadd.f32 v49, v9;
	v10 =	vadd.f32 v30, v10  }
0xc5: {  	v32 =	vld [tilespmem:$0x7A80];
	v12 =	vadd.f32 v26, v12;
	v30 =	vmul.f32 v57, v57;
	v13 =	vadd.f32 v57, v13  }
0xc6: {  	v45 =	vmul.f32 v58, v58;
	v39 =	vld [tilespmem:$0x7B80];
	v9 =	vadd.f32 v52, v9;
	v10 =	vadd.f32 v36, v10  }
0xc7: {  	v33 =	vld [tilespmem:$0x7480];
	v34 =	vmul.f32 v62, v62;
	v12 =	vadd.f32 v30, v12;
	v13 =	vadd.f32 v62, v13  }
0xc8: {  	v35 =	vmul.f32 v48, v48;
	v36 =	vld [tilespmem:$0x7B00];
	v9 =	vadd.f32 v56, v9;
	v10 =	vadd.f32 v38, v10  }
0xc9: {  	v29 =	vld [tilespmem:$0x7400];
	v37 =	vmul.f32 v28, v28;
	v12 =	vadd.f32 v34, v12;
	v13 =	vadd.f32 v28, v13  }
0xca: {  	v40 =	vmul.f32 v32, v32;
	v63 =	vld [tilespmem:$0x7380];
	v9 =	vadd.f32 v61, v9;
	v10 =	vadd.f32 v41, v10  }
0xcb: {  	v51 =	vld [tilespmem:$0x7200];
	v47 =	vmul.f32 v39, v39;
	v12 =	vadd.f32 v37, v12;
	v13 =	vadd.f32 v32, v13  }
0xcc: {  	v54 =	vld [tilespmem:$0x7280];
	v32 =	vperm.xlane v6, v2;
	v9 =	vadd.f32 v27, v9;
	v10 =	vadd.f32 v44, v10  }
0xcd: {  	v23 =	vld [tilespmem:$0x9C78];
	v43 =	vmul.f32 v36, v36;
	v12 =	vadd.f32 v40, v12;
	v13 =	vadd.f32 v36, v13  }
0xce: {  	v53 =	vmul.f32 v29, v29;
	v44 =	vld [tilespmem:$0x7C80];
	v6 =	vadd.f32 v6, v32;
	v9 =	vadd.f32 v31, v9  }
0xcf: {  	v11 =	vld [tilespmem:$0x9CA2];
	v49 =	vmul.f32 v63, v63;
	v10 =	vadd.f32 v48, v10;
	v12 =	vadd.f32 v43, v12  }
0xd0: {  	v46 =	vld [tilespmem:$0x7D00];
	v38 =	vmul.f32 v51, v51;
	v13 =	vadd.f32 v39, v13;
	v9 =	vadd.f32 v35, v9  }
0xd1: {  	v48 =	vld [tilespmem:$0x7D80];
	v10 =	vadd.f32 v51, v10;
	v12 =	vadd.f32 v47, v12;
	v51 =	vmul.f32 v42, v42  }
0xd2: {  	v41 =	vmul.f32 v54, v54;
	v36 =	vld [tilespmem:$0x8200];
	v13 =	vadd.f32 v42, v13;
	v9 =	vadd.f32 v38, v9  }
0xd3: {  	v55 =	vmul.f32 v44, v44;
	v10 =	vadd.f32 v54, v10;
	v12 =	vadd.f32 v51, v12;
	v38 =	vld [tilespmem:$0x8280]  }
0xd4: {  	v57 =	vmul.f32 v33, v33;
	v52 =	vld [tilespmem:$0x7E80];
	v13 =	vadd.f32 v44, v13;
	v9 =	vadd.f32 v41, v9  }
0xd5: {  	v59 =	vmul.f32 v46, v46;
	v56 =	vld [tilespmem:$0x7F80];
	v10 =	vadd.f32 v58, v10;
	v12 =	vadd.f32 v55, v12  }
0xd6: {  	v40 =	vld [tilespmem:$0x8300];
	v30 =	vmul.f32 v48, v48;
	v13 =	vadd.f32 v46, v13;
	v9 =	vadd.f32 v45, v9  }
0xd7: {  	v50 =	vld [tilespmem:$0x7E00];
	v10 =	vadd.f32 v63, v10;
	v28 =	vadd.f32 v59, v12;
	v45 =	vmul.f32 v36, v36  }
0xd8: {  	v42 =	vld [tilespmem:$0x8380];
	v16 =	vadd.f32 v38, v36;
	v17 =	vmul.f32 v38, v38;
	v9 =	vadd.f32 v49, v9  }
0xd9: {  	v60 =	vld [tilespmem:$0x8080];
	v37 =	vmul.f32 v52, v52;
	v10 =	vadd.f32 v29, v10;
	v29 =	vadd.f32 v48, v13  }
0xda: {  	v15 =	vmul.f32 v56, v56;
	v31 =	vld [tilespmem:$0x8180];
	v34 =	vadd.f32 v30, v28;
	v17 =	vadd.f32 v17, v45  }
0xdb: {  	v43 =	vld [tilespmem:$0x8400];
	v49 =	vmul.f32 v40, v40;
	v16 =	vadd.f32 v40, v16;
	v9 =	vadd.f32 v53, v9  }
0xdc: {  	v54 =	vld [tilespmem:$0x7F00];
	v10 =	vadd.f32 v33, v10;
	v33 =	vperm.xlane v7, v1;
	v12 =	vadd.f32 v50, v29  }
0xdd: {  	v35 =	vmul.f32 v50, v50;
	v44 =	vld [tilespmem:$0x8480];
	v17 =	vadd.f32 v49, v17;
	v16 =	vadd.f32 v42, v16  }
0xde: {  	v58 =	vld [tilespmem:$0x8000];
	v53 =	vmul.f32 v42, v42;
	v61 =	vadd.f32 v57, v9;
	v7 =	vadd.f32 v7, v33  }
0xdf: {  	v46 =	vld [tilespmem:$0x8500];
	v62 =	vmul.f32 v10, v10;
	v9 =	vadd.f32 v35, v34;
	v12 =	vadd.f32 v52, v12  }
0xe0: {  	v51 =	vmul.f32 v60, v60;
	v63 =	vld [tilespmem:$0x8100];
	v17 =	vadd.f32 v53, v17;
	v16 =	vadd.f32 v43, v16  }
0xe1: {  	v20 =	vmul.f32 v54, v54;
	v36 =	vld [tilespmem:$0x9100];
	v8 =	vsub.f32 v62, v61;
	v9 =	vadd.f32 v37, v9  }
0xe2: {  	v14 =	vmul.f32 v31, v31;
	v48 =	vld [tilespmem:$0x8580];
	v41 =	vadd.f32 v54, v12;
	v16 =	vadd.f32 v44, v16  }
0xe3: {  	v57 =	vld [tilespmem:$0x8F80];
	v39 =	vperm.xlane v7, v2;
	v8 =	vmul.f32 $5.000000000e-01, v8;
	v9 =	vadd.f32 v20, v9  }
0xe4: {  	v47 =	vmul.f32 v58, v58;
	v13 =	vadd.f32 v56, v41;
	v56 =	vld [tilespmem:$0x8F00];
	v16 =	vadd.f32 v46, v16  }
0xe5: {  	v50 =	vld [tilespmem:$0x8600];
	v55 =	vmul.f32 v63, v63;
	v23 =	vadd.f32 v8, v23;
	v8 =	vadd.f32 v7, v39  }
0xe6: {  	v32 =	vld [tilespmem:$0x9080];
	v22 =	vmul.f32 v36, v36;
	v9 =	vadd.f32 v15, v9;
	v13 =	vadd.f32 v58, v13  }
0xe7: {  	v61 =	vld [tilespmem:$0x9000];
	v7 =	vmul.f32 v43, v43;
	v16 =	vadd.f32 v48, v16;
	v12 =	vadd.f32 v23, v21  }
0xe8: {  	v52 =	vld [tilespmem:$0x8680];
	v20 =	vmul.f32 v57, v57;
	v9 =	vadd.f32 v47, v9;
	v13 =	vadd.f32 v60, v13  }
0xe9: {  	v59 =	vld [tilespmem:$0x8780];
	v7 =	vadd.f32 v7, v17;
	v60 =	vmul.f32 v44, v44;
	v24 =	vadd.f32 v57, v56  }
0xea: {  	v40 =	vld [tilespmem:$0x8980];
	v34 =	vmul.f32 v56, v56;
	v16 =	vadd.f32 v50, v16;
	v9 =	vadd.f32 v51, v9  }
0xeb: {  	v35 =	vmul.f32 v48, v48;
	v54 =	vld [tilespmem:$0x8700];
	v13 =	vadd.f32 v63, v13;
	v7 =	vadd.f32 v60, v7  }
0xec: {  	v45 =	vld [tilespmem:$0x9280];
	v63 =	vmul.f32 v46, v46;
	v20 =	vadd.f32 v20, v34;
	v24 =	vadd.f32 v61, v24  }
0xed: {  	v42 =	vld [tilespmem:$0x9200];
	v18 =	vmul.f32 v61, v61;
	v16 =	vadd.f32 v52, v16;
	v9 =	vadd.f32 v55, v9  }
0xee: {  	v49 =	vld [tilespmem:$0x8B00];
	v38 =	vmul.f32 v50, v50;
	v58 =	vadd.f32 v31, v13;
	v7 =	vadd.f32 v63, v7  }
0xef: {  	v10 =	vld [tilespmem:$0x9C92];
	v13 =	vperm.xlane v12, v0;
	v18 =	vadd.f32 v18, v20;
	v24 =	vadd.f32 v32, v24  }
0xf0: {  	v39 =	vld [tilespmem:$0x9180];
	v21 =	vmul.f32 v32, v32;
	v16 =	vadd.f32 v54, v16;
	v7 =	vadd.f32 v35, v7  }
0xf1: {  	v62 =	vld [tilespmem:$0x8800];
	v41 =	vmul.f32 v52, v52;
	v14 =	vadd.f32 v14, v9;
	v12 =	vadd.f32 v12, v13  }
0xf2: {  	v33 =	vld [tilespmem:$0x8880];
	v15 =	vmul.f32 v58, v58;
	v18 =	vadd.f32 v21, v18;
	v7 =	vadd.f32 v38, v7  }
0xf3: {  	v37 =	vld [tilespmem:$0x8900];
	v19 =	vmul.f32 v42, v42;
	v24 =	vadd.f32 v36, v24;
	v16 =	vadd.f32 v59, v16  }
0xf4: {  	v43 =	vld [tilespmem:$0x8A00];
	v44 =	vmul.f32 v54, v54;
	v14 =	vsub.f32 v15, v14;
	v7 =	vadd.f32 v41, v7  }
0xf5: {  	v48 =	vld [tilespmem:$0x9300];
	v23 =	vmul.f32 v39, v39;
	v18 =	vadd.f32 v22, v18;
	v24 =	vadd.f32 v39, v24  }
0xf6: {  	v47 =	vmul.f32 v59, v59;
	v50 =	vld [tilespmem:$0x9380];
	v16 =	vadd.f32 v62, v16;
	v7 =	vadd.f32 v44, v7  }
0xf7: {  	v57 =	vld [tilespmem:$0x9480];
	v31 =	vmul.f32 $5.000000000e-01, v14;
	v18 =	vadd.f32 v23, v18;
	v24 =	vadd.f32 v42, v24  }
0xf8: {  	v46 =	vld [tilespmem:$0x8A80];
	v9 =	vmul.f32 v62, v62;
	v52 =	vadd.f32 v33, v16;
	v7 =	vadd.f32 v47, v7  }
0xf9: {  	v25 =	vmul.f32 v45, v45;
	v51 =	vld [tilespmem:$0x8B80];
	v10 =	vadd.f32 v31, v10;
	v24 =	vadd.f32 v45, v24  }
0xfa: {  	v53 =	vmul.f32 v33, v33;
	v54 =	vld [tilespmem:$0x9400];
	v18 =	vadd.f32 v19, v18;
	v7 =	vadd.f32 v9, v7  }
0xfb: {  	v56 =	vmul.f32 v37, v37;
	v60 =	vld [tilespmem:$0x9500];
	v24 =	vadd.f32 v48, v24;
	v9 =	vadd.f32 v37, v52  }
0xfc: {  	v61 =	vld [tilespmem:$0x8D00];
	v26 =	vmul.f32 v48, v48;
	v18 =	vadd.f32 v25, v18;
	v7 =	vadd.f32 v53, v7  }
0xfd: {  	v34 =	vld [tilespmem:$0x9600];
	v17 =	vmul.f32 v50, v50;
	v24 =	vadd.f32 v50, v24;
	v9 =	vadd.f32 v40, v9  }
0xfe: {  	v55 =	vld [tilespmem:$0x8C00];
	v59 =	vmul.f32 v40, v40;
	v18 =	vadd.f32 v26, v18;
	v7 =	vadd.f32 v56, v7  }
0xff: {  	v63 =	vld [tilespmem:$0x9580];
	v62 =	vmul.f32 v43, v43;
	v24 =	vadd.f32 v54, v24;
	v9 =	vadd.f32 v43, v9  }
0x100: {  	v32 =	vld [tilespmem:$0x8D80];
	v27 =	vmul.f32 v54, v54;
	v17 =	vadd.f32 v17, v18;
	v7 =	vadd.f32 v59, v7  }
0x101: {  	v58 =	vld [tilespmem:$0x8C80];
	v28 =	vmul.f32 v57, v57;
	v24 =	vadd.f32 v57, v24;
	v9 =	vadd.f32 v46, v9  }
0x102: {  	v35 =	vld [tilespmem:$0x8E00];
	v33 =	vmul.f32 v46, v46;
	v17 =	vadd.f32 v27, v17;
	v7 =	vadd.f32 v62, v7  }
0x103: {  	v20 =	vmul.f32 v60, v60;
	v38 =	vld [tilespmem:$0x8E80];
	v24 =	vadd.f32 v60, v24;
	v9 =	vadd.f32 v49, v9  }
0x104: {  	v36 =	vmul.f32 v49, v49;
	v37 =	vld [tilespmem:$0x9680];
	v17 =	vadd.f32 v28, v17;
	v7 =	vadd.f32 v33, v7  }
0x105: {  	v21 =	vmul.f32 v63, v63;
	v41 =	vld [tilespmem:$0x9CAC];
	v24 =	vadd.f32 v63, v24;
	v9 =	vadd.f32 v51, v9  }
0x106: {  	v39 =	vmul.f32 v51, v51;
	v40 =	vld [tilespmem:$0x9700];
	v17 =	vadd.f32 v20, v17;
	v7 =	vadd.f32 v36, v7  }
0x107: {  	v22 =	vmul.f32 v34, v34;
	v44 =	vld [tilespmem:$0x9CBC];
	v24 =	vadd.f32 v34, v24;
	v9 =	vadd.f32 v55, v9  }
0x108: {  	v42 =	vmul.f32 v55, v55;
	v43 =	vld [tilespmem:$0x9780];
	v17 =	vadd.f32 v21, v17;
	v7 =	vadd.f32 v39, v7  }
0x109: {  	v45 =	vmul.f32 v58, v58;
	v48 =	vld [tilespmem:$0x9880];
	v24 =	vadd.f32 v37, v24;
	v9 =	vadd.f32 v58, v9  }
0x10a: {  	v23 =	vmul.f32 v37, v37;
	v46 =	vld [tilespmem:$0x9800];
	v17 =	vadd.f32 v22, v17;
	v7 =	vadd.f32 v42, v7  }
0x10b: {  	v50 =	vld [tilespmem:$0x9900];
	v19 =	vmul.f32 v40, v40;
	v47 =	vadd.f32 v40, v24;
	v9 =	vadd.f32 v61, v9  }
0x10c: {  	v53 =	vld [tilespmem:$0x9980];
	v49 =	vmul.f32 v61, v61;
	v17 =	vadd.f32 v23, v17;
	v7 =	vadd.f32 v45, v7  }
0x10d: {  	v54 =	vmul.f32 v32, v32;
	v57 =	vld [tilespmem:$0x9A80];
	v51 =	vadd.f32 v43, v47;
	v9 =	vadd.f32 v32, v9  }
0x10e: {  	v59 =	vld [tilespmem:$0x9B00];
	v52 =	vmul.f32 v43, v43;
	v17 =	vadd.f32 v19, v17;
	v7 =	vadd.f32 v49, v7  }
0x10f: {  	v56 =	vmul.f32 v46, v46;
	v55 =	vld [tilespmem:$0x9A00];
	v19 =	vadd.f32 v46, v51;
	v9 =	vadd.f32 v35, v9  }
0x110: {  	v58 =	vmul.f32 v35, v35;
	v61 =	vld [tilespmem:$0x9B80];
	v17 =	vadd.f32 v52, v17;
	v7 =	vadd.f32 v54, v7  }
0x111: {  	s22 =	sadd.s32 $0x138, s22;
	v11 =	vnsel vm0, $0x0, v11;
	v19 =	vadd.f32 v48, v19;
	v62 =	vadd.f32 v38, v9;
	v9 =	vld [tilespmem:$0x9CD6]  }
0x112: {  	v60 =	vmul.f32 v48, v48;
	v17 =	vadd.f32 v56, v17;
	v16 =	vadd.f32 v58, v7;
	v7 =	vld [tilespmem:$0x9CC6];
	[tilespmem:s12], [sflag:$0x2] =	stream.indirect.gather [hbm4b:s4+s9], $0x80, s22, s9, $0xb8  }
0x113: {  	v5 =	vsel vm1, v4, v5;
	v10 =	vadd.f32 v10, v11;
	v19 =	vadd.f32 v50, v19  }
0x114: {  	v18 =	vmul.f32 v50, v50;
	v20 =	vmul.f32 v38, v38;
	v17 =	vadd.f32 v60, v17;
	[tilespmem:s13], [sflag:$0x4] =	stream.indirect.gather [hbm4b:s3+s9], $0x1, s22, s9, $0xb8;
	[tilespmem:$0x9EF0] =	vst v63  }
0x115: {  	v30 =	vmul.f32 v53, v53;
	v39 =	vmul.f32 v57, v57;
	v29 =	vadd.f32 v53, v19;
	_ =	swait.ge [sflag:s14], $0x3400  }
0x116: {  	v23 =	vmul.f32 v62, v62;
	v17 =	vadd.f32 v18, v17;
	v63 =	vadd.f32 v20, v16;
	[sflag:s14] =	ssyncset.done $0x0  }
0x117: {  	v42 =	vperm.xlane v12, v1;
	v43 =	vperm.xlane v10, v0;
	v34 =	vadd.f32 v55, v29;
	[sflag:s14] =	ssyncadd.s32 $0xFFFFCC00  }
0x118: {  	v35 =	vmul.f32 v55, v55;
	v33 =	vadd.f32 v30, v17;
	v32 =	vsub.f32 v23, v63;
	_ =	swait.ge [sflag:s15], $0x68  }
0x119: {  	v40 =	vnsel vm0, $0x0, v44;
	v12 =	vadd.f32 v12, v42;
	v38 =	vadd.f32 v57, v34;
	[sflag:s15] =	ssyncset.done $0x0  }
0x11a: {  	v49 =	vadd.f32 v10, v43;
	v37 =	vadd.f32 v35, v33;
	v36 =	vmul.f32 $5.000000000e-01, v32;
	[sflag:s15] =	ssyncadd.s32 $0xFFFFFF98  }
0x11b: {  	v48 =	vperm.xlane v6, v3;
	v54 =	vperm.xlane v12, v2;
	v15 =	vadd.f32 v59, v38;
	v47 =	vld [tilespmem:$0x3400]  }
0x11c: {  	v14 =	vadd.f32 v39, v37;
	v13 =	vadd.f32 v36, v41;
	v41 =	vmul.f32 v59, v59;
	v50 =	vld [tilespmem:$0x3480]  }
0x11d: {  	v6 =	vadd.f32 v6, v48;
	v53 =	vperm.xlane v8, v3;
	v45 =	vadd.f32 v61, v15;
	v52 =	vld [tilespmem:$0x4100]  }
0x11e: {  	v46 =	vmul.f32 v61, v61;
	v55 =	vld [tilespmem:$0x4180];
	v11 =	vadd.f32 v13, v40;
	v44 =	vadd.f32 v41, v14  }
0x11f: {  	v56 =	vperm.xlane v49, v1;
	v10 =	vadd.f32 v12, v54;
	v4 =	vadd.f32 v8, v53;
	v57 =	vld [tilespmem:$0x3500]  }
0x120: {  	v58 =	vld [tilespmem:$0x4200];
	v14 =	vmul.f32 v45, v45;
	v51 =	vperm.xlane v11, v0;
	v13 =	vadd.f32 v46, v44  }
0x121: {  	v5 =	vsel vm2, v5, v6;
	v8 =	vadd.f32 v49, v56;
	v9 =	vnsel vm0, $0x0, v9;
	v59 =	vld [tilespmem:$0x3580]  }
0x122: {  	v4 =	vsel vm3, v5, v4;
	v61 =	vld [tilespmem:$0x4280];
	v11 =	vadd.f32 v11, v51;
	v13 =	vsub.f32 v14, v13  }
0x123: {  	v62 =	vld [tilespmem:$0x3600];
	v60 =	vmul.f32 v47, v47;
	v16 =	vadd.f32 v50, v47;
	v18 =	vmul.f32 v50, v50  }
0x124: {  	v28 =	vld [tilespmem:$0x4300];
	v63 =	vmul.f32 v52, v52;
	v15 =	vadd.f32 v55, v52;
	v21 =	vmul.f32 v55, v55  }
0x125: {  	v29 =	vld [tilespmem:$0x3680];
	v14 =	vmul.f32 v57, v57;
	v19 =	vmul.f32 v58, v58;
	v18 =	vadd.f32 v18, v60  }
0x126: {  	v30 =	vld [tilespmem:$0x4380];
	v17 =	vmul.f32 v59, v59;
	v16 =	vadd.f32 v57, v16;
	v21 =	vadd.f32 v21, v63  }
0x127: {  	v31 =	vld [tilespmem:$0x3700];
	v13 =	vmul.f32 $5.000000000e-01, v13;
	v15 =	vadd.f32 v58, v15;
	v14 =	vadd.f32 v14, v18  }
0x128: {  	v34 =	vld [tilespmem:$0x4400];
	v12 =	vperm.xlane v11, v1;
	v16 =	vadd.f32 v59, v16;
	v19 =	vadd.f32 v19, v21  }
0x129: {  	v35 =	vld [tilespmem:$0x3780];
	v32 =	vmul.f32 v61, v61;
	v15 =	vadd.f32 v61, v15;
	v7 =	vadd.f32 v13, v7  }
0x12a: {  	v37 =	vld [tilespmem:$0x4480];
	v33 =	vmul.f32 v62, v62;
	v11 =	vadd.f32 v11, v12;
	v14 =	vadd.f32 v17, v14  }
0x12b: {  	v38 =	vld [tilespmem:$0x3800];
	v20 =	vmul.f32 v28, v28;
	v19 =	vadd.f32 v32, v19;
	v15 =	vadd.f32 v28, v15  }
0x12c: {  	v48 =	vld [tilespmem:$0x4600];
	v36 =	vmul.f32 v29, v29;
	v16 =	vadd.f32 v62, v16;
	v7 =	vadd.f32 v7, v9  }
0x12d: {  	v49 =	vld [tilespmem:$0x3980];
	v18 =	vmul.f32 v30, v30;
	v19 =	vadd.f32 v20, v19;
	v15 =	vadd.f32 v30, v15  }
0x12e: {  	v40 =	vld [tilespmem:$0x4500];
	v39 =	vmul.f32 v31, v31;
	v14 =	vadd.f32 v33, v14;
	v16 =	vadd.f32 v29, v16  }
0x12f: {  	v41 =	vld [tilespmem:$0x3880];
	v42 =	vmul.f32 v34, v34;
	v18 =	vadd.f32 v18, v19;
	v15 =	vadd.f32 v34, v15  }
0x130: {  	v44 =	vld [tilespmem:$0x4580];
	v43 =	vmul.f32 v35, v35;
	v14 =	vadd.f32 v36, v14;
	v16 =	vadd.f32 v31, v16  }
0x131: {  	v45 =	vld [tilespmem:$0x3900];
	v46 =	vmul.f32 v37, v37;
	v18 =	vadd.f32 v42, v18;
	v15 =	vadd.f32 v37, v15  }
0x132: {  	v53 =	vld [tilespmem:$0x3A00];
	v47 =	vmul.f32 v38, v38;
	v14 =	vadd.f32 v39, v14;
	v16 =	vadd.f32 v35, v16  }
0x133: {  	v56 =	vld [tilespmem:$0x4700];
	v50 =	vmul.f32 v40, v40;
	v18 =	vadd.f32 v46, v18;
	v15 =	vadd.f32 v40, v15  }
0x134: {  	v52 =	vld [tilespmem:$0x4680];
	v51 =	vmul.f32 v41, v41;
	v14 =	vadd.f32 v43, v14;
	v16 =	vadd.f32 v38, v16  }
0x135: {  	v26 =	vld [tilespmem:$0x5400];
	v54 =	vmul.f32 v44, v44;
	v18 =	vadd.f32 v50, v18;
	v15 =	vadd.f32 v44, v15  }
0x136: {  	v55 =	vmul.f32 v45, v45;
	v57 =	vld [tilespmem:$0x3A80];
	v14 =	vadd.f32 v47, v14;
	v16 =	vadd.f32 v41, v16  }
0x137: {  	v58 =	vmul.f32 v48, v48;
	v60 =	vld [tilespmem:$0x4780];
	v18 =	vadd.f32 v54, v18;
	v15 =	vadd.f32 v48, v15  }
0x138: {  	v63 =	vmul.f32 v53, v53;
	v61 =	vld [tilespmem:$0x3B00];
	v14 =	vadd.f32 v51, v14;
	v16 =	vadd.f32 v45, v16  }
0x139: {  	v62 =	vmul.f32 v52, v52;
	v28 =	vld [tilespmem:$0x4800];
	v18 =	vadd.f32 v58, v18;
	v15 =	vadd.f32 v52, v15  }
0x13a: {  	v59 =	vmul.f32 v49, v49;
	v32 =	vld [tilespmem:$0x4880];
	v14 =	vadd.f32 v55, v14;
	v16 =	vadd.f32 v49, v16  }
0x13b: {  	v29 =	vld [tilespmem:$0x3B80];
	v30 =	vmul.f32 v56, v56;
	v18 =	vadd.f32 v62, v18;
	v15 =	vadd.f32 v56, v15  }
0x13c: {  	v33 =	vld [tilespmem:$0x3C00];
	v31 =	vmul.f32 v57, v57;
	v14 =	vadd.f32 v59, v14;
	v16 =	vadd.f32 v53, v16  }
0x13d: {  	v20 =	vld [tilespmem:$0x5380];
	v34 =	vmul.f32 v60, v60;
	v18 =	vadd.f32 v30, v18;
	v15 =	vadd.f32 v60, v15  }
0x13e: {  	v36 =	vld [tilespmem:$0x4900];
	v35 =	vmul.f32 v61, v61;
	v14 =	vadd.f32 v63, v14;
	v16 =	vadd.f32 v57, v16  }
0x13f: {  	v37 =	vld [tilespmem:$0x3C80];
	v38 =	vmul.f32 v28, v28;
	v18 =	vadd.f32 v34, v18;
	v15 =	vadd.f32 v28, v15  }
0x140: {  	v42 =	vmul.f32 v32, v32;
	v40 =	vld [tilespmem:$0x4980];
	v14 =	vadd.f32 v31, v14;
	v16 =	vadd.f32 v61, v16  }
0x141: {  	v39 =	vmul.f32 v29, v29;
	v41 =	vld [tilespmem:$0x3D00];
	v18 =	vadd.f32 v38, v18;
	v15 =	vadd.f32 v32, v15  }
0x142: {  	v43 =	vmul.f32 v33, v33;
	v44 =	vld [tilespmem:$0x4A00];
	v14 =	vadd.f32 v35, v14;
	v16 =	vadd.f32 v29, v16  }
0x143: {  	v46 =	vmul.f32 v36, v36;
	v45 =	vld [tilespmem:$0x3D80];
	v18 =	vadd.f32 v42, v18;
	v15 =	vadd.f32 v36, v15  }
0x144: {  	v47 =	vmul.f32 v37, v37;
	v48 =	vld [tilespmem:$0x4A80];
	v14 =	vadd.f32 v39, v14;
	v16 =	vadd.f32 v33, v16  }
0x145: {  	v50 =	vmul.f32 v40, v40;
	v49 =	vld [tilespmem:$0x3E00];
	v18 =	vadd.f32 v46, v18;
	v15 =	vadd.f32 v40, v15  }
0x146: {  	v52 =	vld [tilespmem:$0x4B00];
	v51 =	vmul.f32 v41, v41;
	v14 =	vadd.f32 v43, v14;
	v16 =	vadd.f32 v37, v16  }
0x147: {  	v54 =	vmul.f32 v44, v44;
	v53 =	vld [tilespmem:$0x3E80];
	v18 =	vadd.f32 v50, v18;
	v15 =	vadd.f32 v44, v15  }
0x148: {  	v56 =	vld [tilespmem:$0x4B80];
	v55 =	vmul.f32 v45, v45;
	v14 =	vadd.f32 v47, v14;
	v16 =	vadd.f32 v41, v16  }
0x149: {  	v58 =	vmul.f32 v48, v48;
	v57 =	vld [tilespmem:$0x3F00];
	v18 =	vadd.f32 v54, v18;
	v15 =	vadd.f32 v48, v15  }
0x14a: {  	v60 =	vld [tilespmem:$0x4C00];
	v59 =	vmul.f32 v49, v49;
	v14 =	vadd.f32 v51, v14;
	v16 =	vadd.f32 v45, v16  }
0x14b: {  	v62 =	vmul.f32 v52, v52;
	v61 =	vld [tilespmem:$0x3F80];
	v18 =	vadd.f32 v58, v18;
	v15 =	vadd.f32 v52, v15  }
0x14c: {  	v28 =	vld [tilespmem:$0x4C80];
	v63 =	vmul.f32 v53, v53;
	v14 =	vadd.f32 v55, v14;
	v16 =	vadd.f32 v49, v16  }
0x14d: {  	v30 =	vmul.f32 v56, v56;
	v29 =	vld [tilespmem:$0x4000];
	v18 =	vadd.f32 v62, v18;
	v15 =	vadd.f32 v56, v15  }
0x14e: {  	v32 =	vld [tilespmem:$0x4D00];
	v31 =	vmul.f32 v57, v57;
	v14 =	vadd.f32 v59, v14;
	v16 =	vadd.f32 v53, v16  }
0x14f: {  	v34 =	vmul.f32 v60, v60;
	v33 =	vld [tilespmem:$0x4080];
	v18 =	vadd.f32 v30, v18;
	v15 =	vadd.f32 v60, v15  }
0x150: {  	v36 =	vld [tilespmem:$0x4D80];
	v35 =	vmul.f32 v61, v61;
	v14 =	vadd.f32 v63, v14;
	v16 =	vadd.f32 v57, v16  }
0x151: {  	v39 =	vld [tilespmem:$0x9C00];
	v37 =	vmul.f32 v28, v28;
	v18 =	vadd.f32 v34, v18;
	v15 =	vadd.f32 v28, v15  }
0x152: {  	v40 =	vld [tilespmem:$0x9C10];
	v38 =	vmul.f32 v29, v29;
	v14 =	vadd.f32 v31, v14;
	v16 =	vadd.f32 v61, v16  }
0x153: {  	v43 =	vld [tilespmem:$0x9C1A];
	v41 =	vmul.f32 v32, v32;
	v18 =	vadd.f32 v37, v18;
	v15 =	vadd.f32 v32, v15  }
0x154: {  	v47 =	vld [tilespmem:$0x4E00];
	v50 =	vperm.xlane v10, v3;
	v14 =	vadd.f32 v35, v14;
	v16 =	vadd.f32 v29, v16  }
0x155: {  	v44 =	vmul.f32 v36, v36;
	v45 =	vld [tilespmem:$0x9C2A];
	v18 =	vadd.f32 v41, v18;
	v15 =	vadd.f32 v36, v15  }
0x156: {  	v42 =	vmul.f32 v33, v33;
	v51 =	vld [tilespmem:$0x4F00];
	v54 =	vperm.xlane v11, v2;
	v14 =	vadd.f32 v38, v14  }
0x157: {  	v49 =	vld [tilespmem:$0x4E80];
	v16 =	vadd.f32 v33, v16;
	v48 =	vadd.f32 v44, v18;
	v15 =	vmul.f32 v15, v15  }
0x158: {  	v10 =	vadd.f32 v10, v50;
	v52 =	vperm.xlane v8, v2;
	v55 =	vperm.xlane v7, v0;
	v53 =	vld [tilespmem:$0x4F80]  }
0x159: {  	v56 =	vld [tilespmem:$0x5000];
	v46 =	vadd.f32 v42, v14;
	v16 =	vmul.f32 v16, v16;
	v15 =	vsub.f32 v15, v48  }
0x15a: {  	v8 =	vadd.f32 v8, v52;
	v59 =	vld [tilespmem:$0x5080];
	v7 =	vadd.f32 v7, v55;
	v21 =	vnsel vm0, $0x0, v45  }
0x15b: {  	v52 =	vld [tilespmem:$0x5580];
	v12 =	vmul.f32 v51, v51;
	v13 =	vsub.f32 v16, v46;
	v58 =	vmul.f32 $5.000000000e-01, v15  }
0x15c: {  	v55 =	vld [tilespmem:$0x5D00];
	v60 =	vadd.f32 v11, v54;
	v62 =	vperm.xlane v8, v3;
	v35 =	vperm.xlane v7, v1  }
0x15d: {  	v63 =	vld [tilespmem:$0x5180];
	v11 =	vsel vm4, v4, v10;
	v57 =	vmul.f32 $5.000000000e-01, v13;
	v13 =	vadd.f32 v58, v43  }
0x15e: {  	v32 =	vperm.xlane v60, v3;
	v33 =	vnsel vm0, $0x0, v40;
	v37 =	vadd.f32 v7, v35;
	v42 =	vld [tilespmem:$0x5B00]  }
0x15f: {  	v40 =	vmul.f32 v47, v47;
	v14 =	vadd.f32 v49, v47;
	v44 =	vld [tilespmem:$0x5B80];
	v13 =	vadd.f32 v13, v21  }
0x160: {  	v4 =	vld [tilespmem:$0x5500];
	v5 =	vadd.f32 v60, v32;
	v18 =	vmul.f32 v49, v49;
	v41 =	vperm.xlane v37, v2  }
0x161: {  	v61 =	vld [tilespmem:$0x5100];
	v14 =	vadd.f32 v51, v14;
	v9 =	vadd.f32 v57, v39;
	v39 =	vperm.xlane v13, v0  }
0x162: {  	v50 =	vmul.f32 v56, v56;
	v6 =	vadd.f32 v37, v41;
	v48 =	vld [tilespmem:$0x5C00];
	v43 =	vadd.f32 v18, v40  }
0x163: {  	v34 =	vld [tilespmem:$0x5200];
	v16 =	vmul.f32 v53, v53;
	v14 =	vadd.f32 v53, v14;
	v13 =	vadd.f32 v13, v39  }
0x164: {  	v36 =	vld [tilespmem:$0x5280];
	v53 =	vmul.f32 v42, v42;
	v18 =	vmul.f32 v44, v44;
	v12 =	vadd.f32 v12, v43  }
0x165: {  	v51 =	vld [tilespmem:$0x5C80];
	v49 =	vadd.f32 v56, v14;
	v22 =	vadd.f32 v9, v33;
	v46 =	vperm.xlane v13, v1  }
0x166: {  	v54 =	vmul.f32 v59, v59;
	v60 =	vld [tilespmem:$0x5680];
	v18 =	vadd.f32 v18, v53;
	v12 =	vadd.f32 v16, v12  }
0x167: {  	v47 =	vld [tilespmem:$0x5480];
	v57 =	vmul.f32 v48, v48;
	v10 =	vadd.f32 v13, v46;
	v13 =	vadd.f32 v59, v49  }
0x168: {  	v37 =	vld [tilespmem:$0x5800];
	v9 =	vadd.f32 v8, v62;
	v38 =	vperm.xlane v22, v0;
	v12 =	vadd.f32 v50, v12  }
0x169: {  	v56 =	vld [tilespmem:$0x5600];
	v58 =	vmul.f32 v61, v61;
	v18 =	vadd.f32 v57, v18;
	v13 =	vadd.f32 v61, v13  }
0x16a: {  	v8 =	vld [tilespmem:$0x5300];
	v16 =	vmul.f32 v51, v51;
	v7 =	vadd.f32 v22, v38;
	v12 =	vadd.f32 v54, v12  }
0x16b: {  	v15 =	vmul.f32 v55, v55;
	v62 =	vld [tilespmem:$0x5E00];
	v22 =	vadd.f32 v44, v42;
	v13 =	vadd.f32 v63, v13  }
0x16c: {  	v33 =	vld [tilespmem:$0x5E80];
	v16 =	vadd.f32 v16, v18;
	v12 =	vadd.f32 v58, v12;
	v61 =	vmul.f32 v63, v63  }
0x16d: {  	v32 =	vmul.f32 v34, v34;
	v22 =	vadd.f32 v48, v22;
	v59 =	vld [tilespmem:$0x5D80];
	v13 =	vadd.f32 v34, v13  }
0x16e: {  	v38 =	vld [tilespmem:$0x5F80];
	v45 =	vperm.xlane v7, v1;
	v15 =	vadd.f32 v15, v16;
	v12 =	vadd.f32 v61, v12  }
0x16f: {  	v39 =	vld [tilespmem:$0x5880];
	v22 =	vadd.f32 v51, v22;
	v13 =	vadd.f32 v36, v13  }
0x170: {  	v35 =	vmul.f32 v36, v36;
	v42 =	vld [tilespmem:$0x6000];
	v7 =	vadd.f32 v7, v45;
	v12 =	vadd.f32 v32, v12  }
0x171: {  	v44 =	vld [tilespmem:$0x6080];
	v22 =	vadd.f32 v55, v22;
	v13 =	vadd.f32 v8, v13  }
0x172: {  	v48 =	vld [tilespmem:$0x6180];
	v17 =	vmul.f32 v59, v59;
	v12 =	vadd.f32 v35, v12;
	v8 =	vmul.f32 v8, v8  }
0x173: {  	v41 =	vmul.f32 v20, v20;
	v22 =	vadd.f32 v59, v22;
	v36 =	vld [tilespmem:$0x5F00];
	v40 =	vadd.f32 v20, v13  }
0x174: {  	v19 =	vmul.f32 v62, v62;
	v54 =	vld [tilespmem:$0x6280];
	v15 =	vadd.f32 v17, v15;
	v8 =	vadd.f32 v8, v12  }
0x175: {  	v43 =	vmul.f32 v26, v26;
	v46 =	vld [tilespmem:$0x6100];
	v22 =	vadd.f32 v62, v22;
	v12 =	vadd.f32 v26, v40  }
0x176: {  	v24 =	vmul.f32 v33, v33;
	v49 =	vld [tilespmem:$0x5A80];
	v15 =	vadd.f32 v19, v15;
	v8 =	vadd.f32 v41, v8  }
0x177: {  	v45 =	vmul.f32 v47, v47;
	v63 =	vld [tilespmem:$0x5700];
	v22 =	vadd.f32 v33, v22;
	v12 =	vadd.f32 v47, v12  }
0x178: {  	v61 =	vld [tilespmem:$0x6400];
	v15 =	vadd.f32 v24, v15;
	v21 =	vmul.f32 v36, v36;
	v8 =	vadd.f32 v43, v8  }
0x179: {  	v14 =	vmul.f32 v38, v38;
	v59 =	vld [tilespmem:$0x6380];
	v22 =	vadd.f32 v36, v22;
	v12 =	vadd.f32 v4, v12  }
0x17a: {  	v34 =	vld [tilespmem:$0x5780];
	v15 =	vadd.f32 v21, v15;
	v8 =	vadd.f32 v45, v8;
	v4 =	vmul.f32 v4, v4  }
0x17b: {  	v51 =	vmul.f32 v52, v52;
	v32 =	vld [tilespmem:$0x6500];
	v22 =	vadd.f32 v38, v22;
	v50 =	vadd.f32 v52, v12  }
0x17c: {  	v24 =	vld [tilespmem:$0x5900];
	v20 =	vmul.f32 v42, v42;
	v14 =	vadd.f32 v14, v15;
	v4 =	vadd.f32 v4, v8  }
0x17d: {  	v53 =	vmul.f32 v56, v56;
	v36 =	vld [tilespmem:$0x6600];
	v22 =	vadd.f32 v42, v22;
	v8 =	vadd.f32 v56, v50  }
0x17e: {  	v26 =	vmul.f32 v44, v44;
	v40 =	vld [tilespmem:$0x6700];
	v14 =	vadd.f32 v20, v14;
	v4 =	vadd.f32 v51, v4  }
0x17f: {  	v55 =	vmul.f32 v60, v60;
	v22 =	vadd.f32 v44, v22;
	v52 =	vld [tilespmem:$0x6200];
	v8 =	vadd.f32 v60, v8  }
0x180: {  	v28 =	vmul.f32 v46, v46;
	v41 =	vld [tilespmem:$0x6780];
	v14 =	vadd.f32 v26, v14;
	v4 =	vadd.f32 v53, v4  }
0x181: {  	v13 =	vmul.f32 v48, v48;
	v21 =	vld [tilespmem:$0x5980];
	v22 =	vadd.f32 v46, v22;
	v8 =	vadd.f32 v63, v8  }
0x182: {  	v38 =	vld [tilespmem:$0x6680];
	v14 =	vadd.f32 v28, v14;
	v60 =	vmul.f32 v63, v63;
	v4 =	vadd.f32 v55, v4  }
0x183: {  	v31 =	vmul.f32 v34, v34;
	v47 =	vld [tilespmem:$0x5A00];
	v22 =	vadd.f32 v48, v22;
	v8 =	vadd.f32 v34, v8  }
0x184: {  	v56 =	vld [tilespmem:$0x6300];
	v13 =	vadd.f32 v13, v14;
	v58 =	vmul.f32 v52, v52;
	v4 =	vadd.f32 v60, v4  }
0x185: {  	v62 =	vmul.f32 v54, v54;
	v26 =	vld [tilespmem:$0x9C34];
	v57 =	vadd.f32 v52, v22;
	v8 =	vadd.f32 v37, v8  }
0x186: {  	v35 =	vmul.f32 v37, v37;
	v28 =	vld [tilespmem:$0x9C44];
	v13 =	vadd.f32 v58, v13;
	v4 =	vadd.f32 v31, v4  }
0x187: {  	p0 =	seq.s32 s21, $0xC980;
	v63 =	vld [tilespmem:$0x6480];
	v14 =	vadd.f32 v54, v57;
	v8 =	vadd.f32 v39, v8  }
0x188: {  	s22 =	sshra.s32 @!p0 s21, $0x2;
	v34 =	vld [tilespmem:$0x6580];
	v13 =	vadd.f32 v62, v13;
	v4 =	vadd.f32 v35, v4;
	v39 =	vmul.f32 v39, v39  }
0x189: {  	s24 =	simm.s32 @!p0 $0x3400;
	s23 =	simm.s32 @!p0 $0x68;
	s22 =	sadd.s32 @!p0 $0x1A0, s22;
	v33 =	vmul.f32 v56, v56;
	v14 =	vadd.f32 v56, v14;
	v42 =	vadd.f32 v24, v8;
	v8 =	vld [tilespmem:$0x9C4E]  }
0x18a: {  	v18 =	vmul.f32 v61, v61;
	v12 =	vadd.f32 v39, v4;
	v4 =	vld [tilespmem:$0x9C5E];
	[tilespmem:s24], [sflag:$0x1] =	stream.indirect.gather @!p0 [hbm4b:s4+s23], $0x80, s22, s23, $0xb8  }
0x18b: {  	v37 =	vmul.f32 v59, v59;
	v13 =	vadd.f32 v33, v13;
	v14 =	vadd.f32 v59, v14;
	s24 =	simm.s32 @!p0 $0x9C00  }
0x18c: {  	v9 =	vsel vm5, v11, v9;
	v16 =	vmul.f32 v32, v32;
	v52 =	vperm.xlane v7, v2;
	[tilespmem:s24], [sflag:$0x3] =	stream.indirect.gather @!p0 [hbm4b:s3+s23], $0x1, s22, s23, $0xb8;
	[tilespmem:$0x9EF0] =	vst v63  }
0x18d: {  	v15 =	vmul.f32 v47, v47;
	v13 =	vadd.f32 v37, v13;
	v14 =	vadd.f32 v61, v14;
	_ =	swait.ge [sflag:s16], $0x3400  }
0x18e: {  	v53 =	vperm.xlane v10, v2;
	v7 =	vadd.f32 v7, v52;
	v24 =	vmul.f32 v24, v24;
	[sflag:s16] =	ssyncset.done $0x0  }
0x18f: {  	v43 =	vmul.f32 v63, v63;
	v13 =	vadd.f32 v18, v13;
	v14 =	vadd.f32 v63, v14;
	[sflag:s16] =	ssyncadd.s32 $0xFFFFCC00  }
0x190: {  	v12 =	vadd.f32 v24, v12;
	v44 =	vadd.f32 v21, v42;
	v21 =	vmul.f32 v21, v21;
	_ =	swait.ge [sflag:s17], $0x68  }
0x191: {  	v50 =	vperm.xlane v6, v3;
	v56 =	vadd.f32 v10, v53;
	v13 =	vadd.f32 v43, v13;
	[sflag:s17] =	ssyncset.done $0x0  }
0x192: {  	v51 =	vmul.f32 v38, v38;
	v14 =	vadd.f32 v32, v14;
	v12 =	vadd.f32 v21, v12;
	[sflag:s17] =	ssyncadd.s32 $0xFFFFFF98  }
0x193: {  	v46 =	vmul.f32 v34, v34;
	v45 =	vadd.f32 v47, v44;
	v13 =	vadd.f32 v16, v13;
	v55 =	vld [tilespmem:$0x6800]  }
0x194: {  	v48 =	vmul.f32 v49, v49;
	v14 =	vadd.f32 v34, v14;
	v12 =	vadd.f32 v15, v12;
	v57 =	vld [tilespmem:$0x6880]  }
0x195: {  	v47 =	vadd.f32 v49, v45;
	v49 =	vmul.f32 v36, v36;
	v13 =	vadd.f32 v46, v13;
	v59 =	vld [tilespmem:$0x7500]  }
0x196: {  	v10 =	vadd.f32 v6, v50;
	v60 =	vperm.xlane v7, v3;
	v14 =	vadd.f32 v36, v14;
	v62 =	vld [tilespmem:$0x7580]  }
0x197: {  	v12 =	vadd.f32 v48, v12;
	v15 =	vmul.f32 v47, v47;
	v13 =	vadd.f32 v49, v13;
	v63 =	vld [tilespmem:$0x6900]  }
0x198: {  	v7 =	vadd.f32 v7, v60;
	v61 =	vperm.xlane v56, v3;
	v14 =	vadd.f32 v38, v14;
	v25 =	vld [tilespmem:$0x7600]  }
0x199: {  	v54 =	vmul.f32 v40, v40;
	v29 =	vld [tilespmem:$0x7680];
	v12 =	vsub.f32 v15, v12;
	v13 =	vadd.f32 v51, v13  }
0x19a: {  	v58 =	vmul.f32 v41, v41;
	v6 =	vadd.f32 v56, v61;
	v30 =	vld [tilespmem:$0x6A00];
	v14 =	vadd.f32 v40, v14  }
0x19b: {  	v24 =	vnsel vm0, $0x0, v28;
	v12 =	vmul.f32 $5.000000000e-01, v12;
	v13 =	vadd.f32 v54, v13  }
0x19c: {  	v32 =	vld [tilespmem:$0x7700];
	v14 =	vadd.f32 v41, v14;
	v27 =	vmul.f32 v55, v55;
	v28 =	vmul.f32 v57, v57  }
0x19d: {  	v33 =	vld [tilespmem:$0x6A80];
	v12 =	vadd.f32 v12, v26;
	v31 =	vmul.f32 v59, v59;
	v21 =	vmul.f32 v62, v62  }
0x19e: {  	v36 =	vld [tilespmem:$0x6B00];
	v16 =	vadd.f32 v57, v55;
	v15 =	vmul.f32 v63, v63;
	v18 =	vmul.f32 v25, v25  }
0x19f: {  	v26 =	vld [tilespmem:$0x6980];
	v20 =	vadd.f32 v62, v59;
	v19 =	vmul.f32 v29, v29;
	v38 =	vmul.f32 v30, v30  }
0x1a0: {  	v39 =	vld [tilespmem:$0x7800];
	v13 =	vadd.f32 v58, v13;
	v14 =	vmul.f32 v14, v14;
	v11 =	vadd.f32 v12, v24  }
0x1a1: {  	v42 =	vld [tilespmem:$0x7880];
	v17 =	vmul.f32 v32, v32;
	v21 =	vadd.f32 v21, v31;
	v20 =	vadd.f32 v25, v20  }
0x1a2: {  	v35 =	vld [tilespmem:$0x7780];
	v41 =	vmul.f32 v33, v33;
	v12 =	vsub.f32 v14, v13;
	v14 =	vadd.f32 v28, v27  }
0x1a3: {  	v43 =	vld [tilespmem:$0x6C00];
	v44 =	vmul.f32 v36, v36;
	v16 =	vadd.f32 v63, v16;
	v18 =	vadd.f32 v18, v21  }
0x1a4: {  	v46 =	vld [tilespmem:$0x6C80];
	v20 =	vadd.f32 v29, v20;
	v14 =	vadd.f32 v15, v14;
	v13 =	vmul.f32 v26, v26  }
0x1a5: {  	v49 =	vld [tilespmem:$0x6D00];
	v22 =	vmul.f32 v39, v39;
	v34 =	vadd.f32 v26, v16;
	v18 =	vadd.f32 v19, v18  }
0x1a6: {  	v52 =	vld [tilespmem:$0x6D80];
	v23 =	vmul.f32 v42, v42;
	v20 =	vadd.f32 v32, v20;
	v13 =	vadd.f32 v13, v14  }
0x1a7: {  	v40 =	vld [tilespmem:$0x6B80];
	v16 =	vmul.f32 v35, v35;
	v37 =	vadd.f32 v30, v34;
	v17 =	vadd.f32 v17, v18  }
0x1a8: {  	v45 =	vld [tilespmem:$0x7900];
	v50 =	vmul.f32 v43, v43;
	v20 =	vadd.f32 v35, v20;
	v13 =	vadd.f32 v38, v13  }
0x1a9: {  	v61 =	vld [tilespmem:$0x6F00];
	v53 =	vmul.f32 v46, v46;
	v14 =	vadd.f32 v33, v37;
	v16 =	vadd.f32 v16, v17  }
0x1aa: {  	v48 =	vld [tilespmem:$0x7980];
	v56 =	vmul.f32 v49, v49;
	v20 =	vadd.f32 v39, v20;
	v13 =	vadd.f32 v41, v13  }
0x1ab: {  	v55 =	vld [tilespmem:$0x6E00];
	v59 =	vmul.f32 v52, v52;
	v14 =	vadd.f32 v36, v14;
	v16 =	vadd.f32 v22, v16  }
0x1ac: {  	v51 =	vld [tilespmem:$0x7A00];
	v47 =	vmul.f32 v40, v40;
	v20 =	vadd.f32 v42, v20;
	v13 =	vadd.f32 v44, v13  }
0x1ad: {  	v21 =	vmul.f32 v45, v45;
	v14 =	vadd.f32 v40, v14;
	v16 =	vadd.f32 v23, v16  }
0x1ae: {  	v54 =	vld [tilespmem:$0x7A80];
	v28 =	vmul.f32 v61, v61;
	v20 =	vadd.f32 v45, v20;
	v13 =	vadd.f32 v47, v13  }
0x1af: {  	v58 =	vld [tilespmem:$0x6E80];
	v19 =	vmul.f32 v48, v48;
	v14 =	vadd.f32 v43, v14;
	v16 =	vadd.f32 v21, v16  }
0x1b0: {  	v57 =	vld [tilespmem:$0x7B00];
	v62 =	vmul.f32 v55, v55;
	v20 =	vadd.f32 v48, v20;
	v13 =	vadd.f32 v50, v13  }
0x1b1: {  	v24 =	vld [tilespmem:$0x6F80];
	v18 =	vmul.f32 v51, v51;
	v14 =	vadd.f32 v46, v14;
	v16 =	vadd.f32 v19, v16  }
0x1b2: {  	v60 =	vld [tilespmem:$0x7B80];
	v12 =	vmul.f32 $5.000000000e-01, v12;
	v20 =	vadd.f32 v51, v20;
	v13 =	vadd.f32 v53, v13  }
0x1b3: {  	v27 =	vld [tilespmem:$0x7000];
	v17 =	vmul.f32 v54, v54;
	v14 =	vadd.f32 v49, v14;
	v16 =	vadd.f32 v18, v16  }
0x1b4: {  	v63 =	vld [tilespmem:$0x7C00];
	v25 =	vmul.f32 v58, v58;
	v20 =	vadd.f32 v54, v20;
	v13 =	vadd.f32 v56, v13  }
0x1b5: {  	v30 =	vld [tilespmem:$0x7080];
	v22 =	vmul.f32 v57, v57;
	v14 =	vadd.f32 v52, v14;
	v16 =	vadd.f32 v17, v16  }
0x1b6: {  	v26 =	vld [tilespmem:$0x7C80];
	v31 =	vmul.f32 v24, v24;
	v20 =	vadd.f32 v57, v20;
	v13 =	vadd.f32 v59, v13  }
0x1b7: {  	v29 =	vld [tilespmem:$0x7D00];
	v23 =	vmul.f32 v60, v60;
	v14 =	vadd.f32 v55, v14;
	v16 =	vadd.f32 v22, v16  }
0x1b8: {  	v32 =	vld [tilespmem:$0x7D80];
	v34 =	vmul.f32 v27, v27;
	v20 =	vadd.f32 v60, v20;
	v13 =	vadd.f32 v62, v13  }
0x1b9: {  	v35 =	vld [tilespmem:$0x7E00];
	v21 =	vmul.f32 v63, v63;
	v14 =	vadd.f32 v58, v14;
	v16 =	vadd.f32 v23, v16  }
0x1ba: {  	v33 =	vld [tilespmem:$0x7100];
	v37 =	vmul.f32 v30, v30;
	v20 =	vadd.f32 v63, v20;
	v13 =	vadd.f32 v25, v13  }
0x1bb: {  	v39 =	vld [tilespmem:$0x7200];
	v19 =	vmul.f32 v26, v26;
	v14 =	vadd.f32 v61, v14;
	v16 =	vadd.f32 v21, v16  }
0x1bc: {  	v36 =	vld [tilespmem:$0x7180];
	v20 =	vadd.f32 v26, v20;
	v26 =	vperm.xlane v11, v0;
	v13 =	vadd.f32 v28, v13  }
0x1bd: {  	v42 =	vld [tilespmem:$0x7280];
	v18 =	vmul.f32 v29, v29;
	v14 =	vadd.f32 v24, v14;
	v16 =	vadd.f32 v19, v16  }
0x1be: {  	v63 =	vld [tilespmem:$0x8280];
	v20 =	vadd.f32 v29, v20;
	v29 =	vsel vm6, v9, v5;
	v5 =	vadd.f32 v11, v26  }
0x1bf: {  	v40 =	vmul.f32 v33, v33;
	v61 =	vld [tilespmem:$0x8200];
	v9 =	vadd.f32 v12, v8;
	v13 =	vadd.f32 v31, v13  }
0x1c0: {  	v38 =	vld [tilespmem:$0x7E80];
	v17 =	vmul.f32 v32, v32;
	v14 =	vadd.f32 v27, v14;
	v16 =	vadd.f32 v18, v16  }
0x1c1: {  	v45 =	vld [tilespmem:$0x7300];
	v43 =	vmul.f32 v36, v36;
	v20 =	vadd.f32 v32, v20;
	v13 =	vadd.f32 v34, v13  }
0x1c2: {  	v41 =	vld [tilespmem:$0x7F00];
	v46 =	vmul.f32 v39, v39;
	v14 =	vadd.f32 v30, v14;
	v16 =	vadd.f32 v17, v16  }
0x1c3: {  	v48 =	vld [tilespmem:$0x7380];
	v22 =	vmul.f32 v35, v35;
	v20 =	vadd.f32 v35, v20;
	v13 =	vadd.f32 v37, v13  }
0x1c4: {  	v44 =	vld [tilespmem:$0x7F80];
	v49 =	vmul.f32 v42, v42;
	v14 =	vadd.f32 v33, v14;
	v33 =	vadd.f32 v63, v61  }
0x1c5: {  	v53 =	vld [tilespmem:$0x8100];
	v23 =	vmul.f32 v38, v38;
	v16 =	vadd.f32 v22, v16;
	v20 =	vadd.f32 v38, v20  }
0x1c6: {  	v47 =	vld [tilespmem:$0x8000];
	v52 =	vmul.f32 v45, v45;
	v13 =	vadd.f32 v40, v13;
	v14 =	vadd.f32 v36, v14  }
0x1c7: {  	v51 =	vld [tilespmem:$0x7400];
	v21 =	vmul.f32 v41, v41;
	v16 =	vadd.f32 v23, v16;
	v20 =	vadd.f32 v41, v20  }
0x1c8: {  	v50 =	vld [tilespmem:$0x8080];
	v55 =	vmul.f32 v48, v48;
	v13 =	vadd.f32 v43, v13;
	v14 =	vadd.f32 v39, v14  }
0x1c9: {  	v54 =	vld [tilespmem:$0x7480];
	v19 =	vmul.f32 v44, v44;
	v16 =	vadd.f32 v21, v16;
	v20 =	vadd.f32 v44, v20  }
0x1ca: {  	v56 =	vld [tilespmem:$0x8180];
	v60 =	vmul.f32 v53, v53;
	v13 =	vadd.f32 v46, v13;
	v14 =	vadd.f32 v42, v14  }
0x1cb: {  	v18 =	vmul.f32 v47, v47;
	v16 =	vadd.f32 v19, v16;
	v20 =	vadd.f32 v47, v20  }
0x1cc: {  	v58 =	vmul.f32 v51, v51;
	v13 =	vadd.f32 v49, v13;
	v14 =	vadd.f32 v45, v14  }
0x1cd: {  	v17 =	vmul.f32 v50, v50;
	v16 =	vadd.f32 v18, v16;
	v57 =	vadd.f32 v50, v20  }
0x1ce: {  	v62 =	vmul.f32 v54, v54;
	v25 =	vld [tilespmem:$0x8F00];
	v13 =	vadd.f32 v52, v13;
	v14 =	vadd.f32 v48, v14  }
0x1cf: {  	v24 =	vmul.f32 v56, v56;
	v27 =	vld [tilespmem:$0x8F80];
	v16 =	vadd.f32 v17, v16;
	v59 =	vadd.f32 v53, v57  }
0x1d0: {  	v28 =	vld [tilespmem:$0x8300];
	v8 =	vsel vm7, v29, v10;
	v13 =	vadd.f32 v55, v13;
	v14 =	vadd.f32 v51, v14  }
0x1d1: {  	v32 =	vmul.f32 v61, v61;
	v16 =	vadd.f32 v60, v16;
	v17 =	vadd.f32 v56, v59  }
0x1d2: {  	v30 =	vld [tilespmem:$0x9000];
	v34 =	vmul.f32 v63, v63;
	v13 =	vadd.f32 v58, v13;
	v14 =	vadd.f32 v54, v14  }
0x1d3: {  	v31 =	vld [tilespmem:$0x8380];
	v37 =	vmul.f32 v25, v25;
	v16 =	vadd.f32 v24, v16;
	v17 =	vmul.f32 v17, v17  }
0x1d4: {  	v35 =	vld [tilespmem:$0x9080];
	v21 =	vadd.f32 v27, v25;
	v13 =	vadd.f32 v62, v13;
	v14 =	vmul.f32 v14, v14  }
0x1d5: {  	v15 =	vmul.f32 v27, v27;
	v36 =	vld [tilespmem:$0x8400];
	v10 =	vsub.f32 v17, v16;
	v16 =	vadd.f32 v28, v33  }
0x1d6: {  	v38 =	vmul.f32 v28, v28;
	v39 =	vld [tilespmem:$0x9100];
	v11 =	vsub.f32 v14, v13;
	v14 =	vadd.f32 v34, v32  }
0x1d7: {  	v40 =	vld [tilespmem:$0x8480];
	v15 =	vadd.f32 v15, v37;
	v12 =	vmul.f32 v30, v30;
	v21 =	vadd.f32 v30, v21  }
0x1d8: {  	v41 =	vld [tilespmem:$0x9180];
	v13 =	vmul.f32 v31, v31;
	v16 =	vadd.f32 v31, v16;
	v14 =	vadd.f32 v38, v14  }
0x1d9: {  	v12 =	vadd.f32 v12, v15;
	v42 =	vld [tilespmem:$0x8500];
	v19 =	vmul.f32 v35, v35;
	v21 =	vadd.f32 v35, v21  }
0x1da: {  	v44 =	vmul.f32 v36, v36;
	v45 =	vld [tilespmem:$0x9200];
	v43 =	vadd.f32 v36, v16;
	v13 =	vadd.f32 v13, v14  }
0x1db: {  	v46 =	vld [tilespmem:$0x8580];
	v12 =	vadd.f32 v19, v12;
	v18 =	vmul.f32 v39, v39;
	v21 =	vadd.f32 v39, v21  }
0x1dc: {  	v47 =	vmul.f32 v40, v40;
	v48 =	vld [tilespmem:$0x9280];
	v14 =	vadd.f32 v40, v43;
	v13 =	vadd.f32 v44, v13  }
0x1dd: {  	v49 =	vld [tilespmem:$0x8600];
	v12 =	vadd.f32 v18, v12;
	v21 =	vadd.f32 v41, v21;
	v17 =	vmul.f32 v41, v41  }
0x1de: {  	v50 =	vld [tilespmem:$0x9300];
	v15 =	vmul.f32 v42, v42;
	v14 =	vadd.f32 v42, v14;
	v13 =	vadd.f32 v47, v13  }
0x1df: {  	v51 =	vld [tilespmem:$0x8680];
	v20 =	vmul.f32 v45, v45;
	v21 =	vadd.f32 v45, v21;
	v12 =	vadd.f32 v17, v12  }
0x1e0: {  	v52 =	vmul.f32 v46, v46;
	v53 =	vld [tilespmem:$0x9380];
	v14 =	vadd.f32 v46, v14;
	v13 =	vadd.f32 v15, v13  }
0x1e1: {  	v54 =	vld [tilespmem:$0x8700];
	v22 =	vmul.f32 v48, v48;
	v21 =	vadd.f32 v48, v21;
	v12 =	vadd.f32 v20, v12  }
0x1e2: {  	v55 =	vmul.f32 v49, v49;
	v56 =	vld [tilespmem:$0x9400];
	v14 =	vadd.f32 v49, v14;
	v13 =	vadd.f32 v52, v13  }
0x1e3: {  	v57 =	vld [tilespmem:$0x8780];
	v21 =	vadd.f32 v50, v21;
	v16 =	vmul.f32 v50, v50;
	v12 =	vadd.f32 v22, v12  }
0x1e4: {  	v59 =	vld [tilespmem:$0x9480];
	v58 =	vmul.f32 v51, v51;
	v14 =	vadd.f32 v51, v14;
	v13 =	vadd.f32 v55, v13  }
0x1e5: {  	v60 =	vld [tilespmem:$0x8800];
	v19 =	vmul.f32 v53, v53;
	v21 =	vadd.f32 v53, v21;
	v12 =	vadd.f32 v16, v12  }
0x1e6: {  	v62 =	vld [tilespmem:$0x9500];
	v61 =	vmul.f32 v54, v54;
	v14 =	vadd.f32 v54, v14;
	v13 =	vadd.f32 v58, v13  }
0x1e7: {  	v63 =	vld [tilespmem:$0x8880];
	v18 =	vmul.f32 v56, v56;
	v21 =	vadd.f32 v56, v21;
	v12 =	vadd.f32 v19, v12  }
0x1e8: {  	v25 =	vld [tilespmem:$0x9580];
	v24 =	vmul.f32 v57, v57;
	v14 =	vadd.f32 v57, v14;
	v13 =	vadd.f32 v61, v13  }
0x1e9: {  	v26 =	vld [tilespmem:$0x8900];
	v17 =	vmul.f32 v59, v59;
	v21 =	vadd.f32 v59, v21;
	v12 =	vadd.f32 v18, v12  }
0x1ea: {  	v28 =	vld [tilespmem:$0x9600];
	v27 =	vmul.f32 v60, v60;
	v14 =	vadd.f32 v60, v14;
	v13 =	vadd.f32 v24, v13  }
0x1eb: {  	v29 =	vld [tilespmem:$0x8980];
	v20 =	vmul.f32 v62, v62;
	v21 =	vadd.f32 v62, v21;
	v12 =	vadd.f32 v17, v12  }
0x1ec: {  	v30 =	vmul.f32 v63, v63;
	v31 =	vld [tilespmem:$0x9680];
	v14 =	vadd.f32 v63, v14;
	v13 =	vadd.f32 v27, v13  }
0x1ed: {  	v32 =	vld [tilespmem:$0x8A00];
	v22 =	vmul.f32 v25, v25;
	v21 =	vadd.f32 v25, v21;
	v12 =	vadd.f32 v20, v12  }
0x1ee: {  	v33 =	vmul.f32 v26, v26;
	v34 =	vld [tilespmem:$0x9700];
	v14 =	vadd.f32 v26, v14;
	v13 =	vadd.f32 v30, v13  }
0x1ef: {  	v35 =	vld [tilespmem:$0x8A80];
	v16 =	vmul.f32 v28, v28;
	v21 =	vadd.f32 v28, v21;
	v12 =	vadd.f32 v22, v12  }
0x1f0: {  	v37 =	vld [tilespmem:$0x9780];
	v36 =	vmul.f32 v29, v29;
	v14 =	vadd.f32 v29, v14;
	v13 =	vadd.f32 v33, v13  }
0x1f1: {  	v38 =	vld [tilespmem:$0x8B00];
	v19 =	vmul.f32 v31, v31;
	v21 =	vadd.f32 v31, v21;
	v12 =	vadd.f32 v16, v12  }
0x1f2: {  	v39 =	vmul.f32 v32, v32;
	v40 =	vld [tilespmem:$0x9800];
	v14 =	vadd.f32 v32, v14;
	v13 =	vadd.f32 v36, v13  }
0x1f3: {  	v41 =	vld [tilespmem:$0x8B80];
	v18 =	vmul.f32 v34, v34;
	v21 =	vadd.f32 v34, v21;
	v12 =	vadd.f32 v19, v12  }
0x1f4: {  	v43 =	vld [tilespmem:$0x9880];
	v42 =	vmul.f32 v35, v35;
	v14 =	vadd.f32 v35, v14;
	v13 =	vadd.f32 v39, v13  }
0x1f5: {  	v44 =	vld [tilespmem:$0x8C00];
	v17 =	vmul.f32 v37, v37;
	v21 =	vadd.f32 v37, v21;
	v12 =	vadd.f32 v18, v12  }
0x1f6: {  	v45 =	vmul.f32 v38, v38;
	v46 =	vld [tilespmem:$0x9900];
	v14 =	vadd.f32 v38, v14;
	v13 =	vadd.f32 v42, v13  }
0x1f7: {  	v47 =	vld [tilespmem:$0x8C80];
	v20 =	vmul.f32 v40, v40;
	v21 =	vadd.f32 v40, v21;
	v12 =	vadd.f32 v17, v12  }
0x1f8: {  	v48 =	vmul.f32 v41, v41;
	v49 =	vld [tilespmem:$0x9980];
	v14 =	vadd.f32 v41, v14;
	v13 =	vadd.f32 v45, v13  }
0x1f9: {  	v50 =	vld [tilespmem:$0x8D00];
	v22 =	vmul.f32 v43, v43;
	v21 =	vadd.f32 v43, v21;
	v12 =	vadd.f32 v20, v12  }
0x1fa: {  	v52 =	vld [tilespmem:$0x9A00];
	v51 =	vmul.f32 v44, v44;
	v14 =	vadd.f32 v44, v14;
	v13 =	vadd.f32 v48, v13  }
0x1fb: {  	v53 =	vld [tilespmem:$0x8D80];
	v16 =	vmul.f32 v46, v46;
	v21 =	vadd.f32 v46, v21;
	v12 =	vadd.f32 v22, v12  }
0x1fc: {  	v55 =	vld [tilespmem:$0x9A80];
	v54 =	vmul.f32 v47, v47;
	v14 =	vadd.f32 v47, v14;
	v13 =	vadd.f32 v51, v13  }
0x1fd: {  	v56 =	vld [tilespmem:$0x8E00];
	v19 =	vmul.f32 v49, v49;
	v21 =	vadd.f32 v49, v21;
	v12 =	vadd.f32 v16, v12  }
0x1fe: {  	v58 =	vld [tilespmem:$0x9B00];
	v57 =	vmul.f32 v50, v50;
	v14 =	vadd.f32 v50, v14;
	v13 =	vadd.f32 v54, v13  }
0x1ff: {  	v59 =	vld [tilespmem:$0x8E80];
	v18 =	vmul.f32 v52, v52;
	v21 =	vadd.f32 v52, v21;
	v12 =	vadd.f32 v19, v12  }
0x200: {  	v61 =	vld [tilespmem:$0x9B80];
	v60 =	vmul.f32 v53, v53;
	v14 =	vadd.f32 v53, v14;
	v13 =	vadd.f32 v57, v13  }
0x201: {  	v17 =	vmul.f32 v55, v55;
	v62 =	vadd.f32 v55, v21;
	v12 =	vadd.f32 v18, v12  }
0x202: {  	v25 =	vld [tilespmem:$0x9C92];
	v16 =	vmul.f32 v56, v56;
	v14 =	vadd.f32 v56, v14;
	v13 =	vadd.f32 v60, v13  }
0x203: {  	v28 =	vld [tilespmem:$0x9CAC];
	v20 =	vmul.f32 v58, v58;
	v18 =	vadd.f32 v58, v62;
	v12 =	vadd.f32 v17, v12  }
0x204: {  	v24 =	vld [tilespmem:$0x9C88];
	v19 =	vmul.f32 v59, v59;
	v14 =	vadd.f32 v59, v14;
	v13 =	vadd.f32 v16, v13  }
0x205: {  	v63 =	vld [tilespmem:$0x9C78];
	v27 =	vmul.f32 v61, v61;
	v18 =	vadd.f32 v61, v18;
	v12 =	vadd.f32 v20, v12  }
0x206: {  	v4 =	vnsel vm0, $0x0, v4;
	v26 =	vld [tilespmem:$0x9CA2];
	v14 =	vmul.f32 v14, v14;
	v13 =	vadd.f32 v19, v13  }
0x207: {  	v4 =	vadd.f32 v9, v4;
	v29 =	vld [tilespmem:$0x9CBC];
	v18 =	vmul.f32 v18, v18;
	v12 =	vadd.f32 v27, v12  }
0x208: {  	v7 =	vsel vm8, v8, v7;
	v11 =	vmul.f32 $5.000000000e-01, v11;
	v32 =	vld [tilespmem:$0x9CC6];
	v31 =	vsub.f32 v14, v13  }
0x209: {  	v6 =	vsel vm9, v7, v6;
	v30 =	vmul.f32 $5.000000000e-01, v10;
	v35 =	vld [tilespmem:$0x9CD6];
	v34 =	vsub.f32 v18, v12  }
0x20a: {  	v40 =	vperm.xlane v4, v0;
	v33 =	vadd.f32 v11, v63;
	v10 =	vmul.f32 $5.000000000e-01, v31  }
0x20b: {  	v9 =	vadd.f32 v30, v25;
	v36 =	vnsel vm0, $0x0, v24;
	v11 =	vmul.f32 $5.000000000e-01, v34  }
0x20c: {  	v37 =	vnsel vm0, $0x0, v26;
	v8 =	vadd.f32 v33, v36;
	v39 =	vadd.f32 v10, v28  }
0x20d: {  	v38 =	vadd.f32 v9, v37;
	v41 =	vnsel vm0, $0x0, v29;
	v11 =	vadd.f32 v11, v32  }
0x20e: {  	v42 =	vperm.xlane v8, v0;
	v12 =	vnsel vm0, $0x0, v35;
	v9 =	vadd.f32 v39, v41  }
0x20f: {  	v4 =	vadd.f32 v4, v40;
	v43 =	vperm.xlane v38, v0;
	v11 =	vadd.f32 v11, v12  }
0x210: {  	v8 =	vadd.f32 v8, v42;
	v44 =	vperm.xlane v5, v1;
	v45 =	vperm.xlane v9, v0  }
0x211: {  	v46 =	vperm.xlane v4, v1;
	v7 =	vadd.f32 v38, v43;
	v47 =	vperm.xlane v11, v0  }
0x212: {  	v48 =	vperm.xlane v8, v1;
	v5 =	vadd.f32 v5, v44;
	v9 =	vadd.f32 v9, v45  }
0x213: {  	v4 =	vadd.f32 v4, v46;
	v49 =	vperm.xlane v7, v1;
	v10 =	vadd.f32 v11, v47  }
0x214: {  	v8 =	vadd.f32 v8, v48;
	v50 =	vperm.xlane v5, v2;
	v51 =	vperm.xlane v9, v1  }
0x215: {  	v7 =	vadd.f32 v7, v49;
	v14 =	vperm.xlane v4, v2;
	v52 =	vperm.xlane v10, v1  }
0x216: {  	v5 =	vadd.f32 v5, v50;
	v53 =	vperm.xlane v8, v2;
	v9 =	vadd.f32 v9, v51  }
0x217: {  	v54 =	vperm.xlane v7, v2;
	v4 =	vadd.f32 v4, v14;
	v10 =	vadd.f32 v10, v52  }
0x218: {  	v55 =	vperm.xlane v5, v3;
	v8 =	vadd.f32 v8, v53;
	v56 =	vperm.xlane v9, v2  }
0x219: {  	v7 =	vadd.f32 v7, v54;
	v14 =	vperm.xlane v4, v3;
	v57 =	vperm.xlane v10, v2  }
0x21a: {  	v5 =	vadd.f32 v5, v55;
	v58 =	vperm.xlane v8, v3;
	v9 =	vadd.f32 v9, v56  }
0x21b: {  	v59 =	vperm.xlane v7, v3;
	v4 =	vadd.f32 v4, v14;
	v10 =	vadd.f32 v10, v57  }
0x21c: {  	s21 =	sadd.s32 $0x680, s21;
	v5 =	vsel vm0, v6, v5;
	v60 =	vadd.f32 v8, v58;
	v61 =	vperm.xlane v9, v3  }
0x21d: {  	p0 =	sne.s32 s21, $0xD000;
	v4 =	vsel vm10, v5, v4;
	v5 =	vadd.f32 v7, v59;
	v62 =	vperm.xlane v10, v3  }
.Ltmp0:
0x21e: {  	v4 =	vsel vm11, v4, v60;
	v63 =	vadd.f32 v9, v61;
	(pc) =	sbr.rel @p0 .LBB2_2-.Ltmp0, $4  }
0x21f: {  	v4 =	vsel vm12, v4, v5;
	v5 =	vadd.f32 v10, v62  }
0x220: {  	v4 =	vsel vm13, v4, v63  }
0x221: {  	v4 =	vsel vm14, v4, v5  }
0x222: {  	[tilespmem:s20+$0x0] =	vst v4;
	s20 =	sadd.s32 $0x10, s20  }
0x223: {  	s19 =	sadd.s32 $0x1, s19  }
0x224: {  	p0 =	sne.s32 s19, s7  }
.Ltmp1:
0x225: {  	_ = 	snop;
	(pc) =	sbr.rel @p0 .LBB2_1-.Ltmp1, $4  }
0x226: {  	[hbm4b:s6+s2] =	stream.linear.scatter [tilespmem:s18], [sflag:$0x5], $0x200, $0x38;
	[tilespmem:$0x9EF0] =	vst v63  }
0x227: {  	_ =	swait.ge [sflag:s8], $0x200  }
0x228: {  	[sflag:s8] =	ssyncset.done $0x0  }
0x229: {  	[sflag:s8] =	ssyncadd.s32 $0xFFFFFE00  }
0x22a: {  	_ =	sfence.sel $0x180000  }
0x22b: {  	[bflag:$0x0] =	sbarrier.arrive $0xFFFF  }
0x22c: {  	p0 =	sne.s32 s0, $0x0;
	_ =	strace $0x90000047  }
0x22d: {  	s0 =	sadd.s32 @!p0 $0x100000, s1;
	[bflag:$0x2] =	sbarrier.arrive $0xFFFF  }
0x22e: {  	[sflag:s0] =	ssyncadd.tile.s32 @!p0 $0x1;
	_ =	shalt  }
.Lfunc_end2:
_tile_overlayer_lowered:
.L_overlay_start_2:
0x22f: {  	(tag) =	ssettag $0x2  }
0x230: {  	s0 =	rddreg [dreg:$0x0];
	s2 =	stileid.u32  }
0x231: {  	s1 =	rddreg [dreg:$0x1];
	p0 =	sne.s32 s2, $0x0  }
0x232: {  	s3 =	rddreg [dreg:$0x2];
	[bflag:$0x3] =	sbarrier.arrive $0xFFFF;
	s2 =	simm.s32 @!p0 $0x1C05  }
0x233: {  	[timem:s3], [sflag:s2] =	dma.local @!p0 [hbm:s0], s1  }
0x234: {  	s0 =	simm.s32 @!p0 $0x5  }
0x235: {  	_ =	swait.ge @!p0 [sflag:s0], s1  }
0x236: {  	s1 =	ssub.s32 @!p0 $0x0, s1;
	[sflag:s0] =	ssyncset.done @!p0 $0x0  }
0x237: {  	[sflag:s0] =	ssyncadd.s32 @!p0 s1  }
0x238: {  	[bflag:$0x3] =	sbarrier.arrive $0xFFFF  }
0x239: {  	_ =	shalt  }

</sc_bundles>
